<compile_context>
chip_gen: v7x
topology: tpu7x:2x2x1
jax: 0.10.2.dev20260603
libtpu: 0.0.44.dev20260713+nightly
codegen_flags: <defaults>
</compile_context>

<pallas_src>
import jax
import jax.numpy as jnp
from jax import lax
from jax.experimental import pallas as pl
from jax.experimental.pallas import tpu as pltpu
from jax.experimental.pallas import tpu_sc as plsc

_MATCH_THRESHOLD = 0.3
_N = 8192
_M = 8192
_C = 64
_HW = 64
_NTILES = 32
_PPT = (_N + _M) // _NTILES
_PG = 16
_NG = _PPT // _PG


def _floor_f32(x):
    t = x.astype(jnp.int32)
    tf = t.astype(jnp.float32)
    adj = (tf > x).astype(jnp.int32)
    i = t - adj
    return i, i.astype(jnp.float32)


def _cubic_w(t):
    a = -0.75
    t1 = t + 1.0
    t3 = 1.0 - t
    t4 = 2.0 - t
    w0 = a * (t1 * t1 * t1) - 5.0 * a * (t1 * t1) + 8.0 * a * t1 - 4.0 * a
    w1 = (a + 2.0) * (t * t * t) - (a + 3.0) * (t * t) + 1.0
    w2 = (a + 2.0) * (t3 * t3 * t3) - (a + 3.0) * (t3 * t3) + 1.0
    w3 = a * (t4 * t4 * t4) - 5.0 * a * (t4 * t4) + 8.0 * a * t4 - 4.0 * a
    return (w0, w1, w2, w3)


def _sc_sample_body(table_hbm, kx_hbm, ky_hbm, out_hbm,
                    kxv, kyv, ibufs, rows, wbufs, outt, sems):
    wid = lax.axis_index("s") * 2 + lax.axis_index("c")
    base = wid * _PPT
    toff = jnp.where(base >= _N, _HW * _HW, 0).astype(jnp.int32)

    pltpu.sync_copy(kx_hbm.at[pl.ds(base, _PPT)], kxv)
    pltpu.sync_copy(ky_hbm.at[pl.ds(base, _PPT)], kyv)

    iota = lax.iota(jnp.int32, 16)

    def compute_iw(g, b):
        p0 = g * _PG
        kx = kxv[pl.ds(p0, _PG)]
        ky = kyv[pl.ds(p0, _PG)]
        kpx = kx / 8.0
        kpy = ky / 8.0
        gx = 2.0 * (kpx / (_HW - 1.0)) - 1.0
        gy = 2.0 * (kpy / (_HW - 1.0)) - 1.0
        ix = ((gx + 1.0) * _HW - 1.0) / 2.0
        iy = ((gy + 1.0) * _HW - 1.0) / 2.0
        ix0i, ix0f = _floor_f32(ix)
        iy0i, iy0f = _floor_f32(iy)
        tx = ix - ix0f
        ty = iy - iy0f
        wx = _cubic_w(tx)
        wy = _cubic_w(ty)

        xxc = []
        wxm = []
        for i in range(4):
            xx = ix0i + (i - 1)
            vx = ((xx >= 0) & (xx < _HW)).astype(jnp.float32)
            xxc.append(jnp.minimum(jnp.maximum(xx, 0), _HW - 1))
            wxm.append(wx[i] * vx)

        for j in range(4):
            yy = iy0i + (j - 1)
            vy = ((yy >= 0) & (yy < _HW)).astype(jnp.float32)
            yyc = jnp.minimum(jnp.maximum(yy, 0), _HW - 1)
            rowbase = toff + yyc * _HW
            wyj = wy[j] * vy
            for i in range(4):
                t = j * 4 + i
                half = 2 * b + (0 if t < 8 else 1)
                ibufs[half, pl.ds((t % 8) * 16, 16)] = rowbase + xxc[i]
                plsc.store_scatter(wbufs,
                                   [jnp.full((16,), b, jnp.int32),
                                    iota * 16 + t],
                                   wyj * wxm[i])

    def start_dma(b):
        pltpu.async_copy(table_hbm.at[ibufs.at[2 * b]],
                         rows.at[2 * b], sems[2 * b])
        pltpu.async_copy(table_hbm.at[ibufs.at[2 * b + 1]],
                         rows.at[2 * b + 1], sems[2 * b + 1])

    def wait_dma(b):
        pltpu.make_async_copy(table_hbm.at[ibufs.at[2 * b]],
                              rows.at[2 * b], sems[2 * b]).wait()
        pltpu.make_async_copy(table_hbm.at[ibufs.at[2 * b + 1]],
                              rows.at[2 * b + 1], sems[2 * b + 1]).wait()

    def accum(g, b):
        p0 = g * _PG
        r0 = rows.at[2 * b]
        r1 = rows.at[2 * b + 1]

        def point_body(p, cc):
            accs = [jnp.zeros((16,), jnp.float32) for _ in range(4)]
            wv = wbufs[b, pl.ds(p * 16, 16)]
            for t in range(16):
                rv = r0 if t < 8 else r1
                ri = (t % 8) * 16 + p
                w = wv[t]
                for q in range(4):
                    v = rv[ri, pl.ds(q * 16, 16)]
                    accs[q] = accs[q] + w * v
            for q in range(4):
                outt[p0 + p, pl.ds(q * 16, 16)] = accs[q]
            return cc

        lax.fori_loop(0, _PG, point_body, 0)

    compute_iw(0, 0)
    start_dma(0)

    def pair_body(k, carry):
        g = 2 * k
        compute_iw(g + 1, 1)
        start_dma(1)
        wait_dma(0)
        accum(g, 0)

        @pl.when(k < _NG // 2 - 1)
        def _():
            compute_iw(g + 2, 0)
            start_dma(0)

        wait_dma(1)
        accum(g + 1, 1)
        return carry

    lax.fori_loop(0, _NG // 2, pair_body, 0)
    pltpu.sync_copy(outt, out_hbm.at[wid])


def _sc_sample(table, kx, ky):
    mesh = plsc.VectorSubcoreMesh(core_axis_name="c", subcore_axis_name="s")
    f = pl.kernel(
        _sc_sample_body,
        out_type=jax.ShapeDtypeStruct((_NTILES, _PPT, _C), jnp.float32),
        mesh=mesh,
        compiler_params=pltpu.CompilerParams(needs_layout_passes=False,
                                             use_tc_tiling_on_sc=False),
        scratch_types=[
            pltpu.VMEM((_PPT,), jnp.float32),
            pltpu.VMEM((_PPT,), jnp.float32),
            pltpu.VMEM((4, 128), jnp.int32),
            pltpu.VMEM((4, 128, _C), jnp.float32),
            pltpu.VMEM((2, 256), jnp.float32),
            pltpu.VMEM((_PPT, _C), jnp.float32),
            [pltpu.SemaphoreType.DMA] * 4,
        ],
    )
    return f(table, kx, ky)


_TR = 2048
_TCOL = 2048


def _tc_body(fst_ref, ftt_ref, max1_ref, idx1_ref, idx2_ref,
             rmax, ridx, cmax, cidx, fsnt, ftnt):
    c = pl.program_id(0)
    r = pl.program_id(1)
    nc = pl.num_programs(0)
    nr = pl.num_programs(1)

    rsl2 = pl.ds(r * _TR, _TR)
    csl2 = pl.ds(c * _TCOL, _TCOL)

    @pl.when(c == 0)
    def _():
        fs = fst_ref[rsl2, :].T
        ns = jnp.sqrt(jnp.sum(fs * fs, axis=0, keepdims=True))
        fsnt[:, rsl2] = fs / jnp.maximum(ns, 1e-12)

    @pl.when(r == 0)
    def _():
        ft = ftt_ref[csl2, :].T
        nt = jnp.sqrt(jnp.sum(ft * ft, axis=0, keepdims=True))
        ftnt[:, csl2] = ft / jnp.maximum(nt, 1e-12)

    s = lax.dot_general(fsnt[:, rsl2], ftnt[:, csl2], (((0,), (0,)), ((), ())),
                        preferred_element_type=jnp.float32)

    m = jnp.max(s, axis=1)
    a = jnp.argmax(s, axis=1).astype(jnp.int32) + c * _TCOL

    cm = jnp.max(s, axis=0)
    ci = jnp.argmax(s, axis=0).astype(jnp.int32) + r * _TR

    rsl = pl.ds(r * _TR, _TR)

    @pl.when(c == 0)
    def _():
        rmax[rsl] = m
        ridx[rsl] = a

    @pl.when(c != 0)
    def _():
        pm = rmax[rsl]
        better = m > pm
        ridx[rsl] = jnp.where(better, a, ridx[rsl])
        rmax[rsl] = jnp.where(better, m, pm)

    @pl.when(r == 0)
    def _():
        cmax[...] = cm
        cidx[...] = ci

    @pl.when(r != 0)
    def _():
        pcm = cmax[...]
        cbetter = cm > pcm
        cidx[...] = jnp.where(cbetter, ci, cidx[...])
        cmax[...] = jnp.where(cbetter, cm, pcm)

    @pl.when(r == nr - 1)
    def _():
        idx2_ref[...] = cidx[...]

    @pl.when(c == nc - 1)
    def _():
        max1_ref[...] = rmax[rsl]
        idx1_ref[...] = ridx[rsl]


def _tc_simargmax(fst, ftt):
    ncol = _M // _TCOL
    nrow = _N // _TR
    return pl.pallas_call(
        _tc_body,
        grid=(ncol, nrow),
        in_specs=[
            pl.BlockSpec((_N, _C), lambda c, r: (0, 0)),
            pl.BlockSpec((_M, _C), lambda c, r: (0, 0)),
        ],
        out_specs=[
            pl.BlockSpec((_TR,), lambda c, r: (r,)),
            pl.BlockSpec((_TR,), lambda c, r: (r,)),
            pl.BlockSpec((_TCOL,), lambda c, r: (c,)),
        ],
        out_shape=[
            jax.ShapeDtypeStruct((_N,), jnp.float32),
            jax.ShapeDtypeStruct((_N,), jnp.int32),
            jax.ShapeDtypeStruct((_M,), jnp.int32),
        ],
        scratch_shapes=[
            pltpu.VMEM((_N,), jnp.float32),
            pltpu.VMEM((_N,), jnp.int32),
            pltpu.VMEM((_TCOL,), jnp.float32),
            pltpu.VMEM((_TCOL,), jnp.int32),
            pltpu.VMEM((_C, _N), jnp.float32),
            pltpu.VMEM((_C, _M), jnp.float32),
        ],
    )(fst, ftt)


_CPT = _N // _NTILES


def _sc_mutual_body(max1_hbm, idx1_hbm, idx2_hbm, scores_hbm, valid_hbm,
                    idx2v, i1v, m1v, sv, vv):
    wid = lax.axis_index("s") * 2 + lax.axis_index("c")
    base = wid * _CPT
    pltpu.sync_copy(idx2_hbm, idx2v)
    pltpu.sync_copy(idx1_hbm.at[pl.ds(base, _CPT)], i1v)
    pltpu.sync_copy(max1_hbm.at[pl.ds(base, _CPT)], m1v)
    iota = lax.iota(jnp.int32, 16)

    def body(g, carry):
        p0 = g * 16
        j = i1v[pl.ds(p0, 16)]
        back = plsc.load_gather(idx2v, [j])
        me = base + p0 + iota
        m1 = m1v[pl.ds(p0, 16)]
        ok = (back == me) & (m1 > _MATCH_THRESHOLD)
        sv[pl.ds(p0, 16)] = jnp.where(ok, m1, 0.0)
        vv[pl.ds(p0, 16)] = ok.astype(jnp.int32)
        return carry

    lax.fori_loop(0, _CPT // 16, body, 0)
    pltpu.sync_copy(sv, scores_hbm.at[pl.ds(base, _CPT)])
    pltpu.sync_copy(vv, valid_hbm.at[pl.ds(base, _CPT)])


def _sc_mutual(max1, idx1, idx2):
    mesh = plsc.VectorSubcoreMesh(core_axis_name="c", subcore_axis_name="s")
    f = pl.kernel(
        _sc_mutual_body,
        out_type=(jax.ShapeDtypeStruct((_N,), jnp.float32),
                  jax.ShapeDtypeStruct((_N,), jnp.int32)),
        mesh=mesh,
        compiler_params=pltpu.CompilerParams(needs_layout_passes=False),
        scratch_types=[
            pltpu.VMEM((_M,), jnp.int32),
            pltpu.VMEM((_CPT,), jnp.int32),
            pltpu.VMEM((_CPT,), jnp.float32),
            pltpu.VMEM((_CPT,), jnp.float32),
            pltpu.VMEM((_CPT,), jnp.int32),
        ],
    )
    return f(max1, idx1, idx2)


@jax.jit
def kernel(src_desc, src_kpts, tgt_desc, tgt_kpts):
    ts = jnp.transpose(src_desc[0], (1, 2, 0)).reshape(_HW * _HW, _C)
    tt = jnp.transpose(tgt_desc[0], (1, 2, 0)).reshape(_HW * _HW, _C)
    table = jnp.concatenate([ts, tt], axis=0)
    kx = jnp.concatenate([src_kpts[:, 0], tgt_kpts[:, 0]])
    ky = jnp.concatenate([src_kpts[:, 1], tgt_kpts[:, 1]])

    feats = _sc_sample(table, kx, ky).reshape(_N + _M, _C)
    fs = feats[:_N]
    ft = feats[_N:]

    max1, idx1, idx2 = _tc_simargmax(fs, ft)
    scores, valid = _sc_mutual(max1, idx1, idx2)
    return (scores, idx1, valid.astype(bool))

# --- scband reference (transcript-rebuilt; emitter-appended) ---
"""Pipeline reference for scband-dbamodule-64561948394042 (READ-ONLY COPY).

The authoritative reference and input builder live on the scoring server;
editing this copy changes nothing except your own understanding.
"""

import jax, jax.numpy as jnp
import numpy as np

MATCH_THRESHOLD = 0.3

def _cubic_weights(t):
    # PyTorch grid_sample bicubic uses cubic convolution with a = -0.75
    a = -0.75
    t1 = t + 1.0
    t2 = t
    t3 = 1.0 - t
    t4 = 2.0 - t
    w0 = a * t1**3 - 5.0 * a * t1**2 + 8.0 * a * t1 - 4.0 * a
    w1 = (a + 2.0) * t2**3 - (a + 3.0) * t2**2 + 1.0
    w2 = (a + 2.0) * t3**3 - (a + 3.0) * t3**2 + 1.0
    w3 = a * t4**3 - 5.0 * a * t4**2 + 8.0 * a * t4 - 4.0 * a
    return (w0, w1, w2, w3)

def _grid_sample_bicubic(img, gx, gy):
    # img: [C, H, W]; gx, gy: [N] normalized coords in [-1, 1]
    # align_corners=False, padding_mode='zeros' (grid_sample defaults)
    C, H, W = img.shape
    ix = ((gx + 1.0) * W - 1.0) / 2.0
    iy = ((gy + 1.0) * H - 1.0) / 2.0
    ix0 = jnp.floor(ix)
    iy0 = jnp.floor(iy)
    tx = ix - ix0
    ty = iy - iy0
    wx = _cubic_weights(tx)
    wy = _cubic_weights(ty)
    out = jnp.zeros((gx.shape[0], C), dtype=img.dtype)
    ix0i = ix0.astype(jnp.int32)
    iy0i = iy0.astype(jnp.int32)
    for j in range(4):
        yy = iy0i + (j - 1)
        vy = (yy >= 0) & (yy < H)
        yyc = jnp.clip(yy, 0, H - 1)
        for i in range(4):
            xx = ix0i + (i - 1)
            vx = (xx >= 0) & (xx < W)
            xxc = jnp.clip(xx, 0, W - 1)
            vals = img[:, yyc, xxc].T  # gather -> [N, C]
            w = (wy[j] * wx[i] * vy.astype(img.dtype) * vx.astype(img.dtype))[:, None]
            out = out + vals * w
    return out

def _sample_descriptors(desc, kpts):
    # desc: [1, C, Hf, Wf]; kpts: [N, 2] in full-resolution pixel coords
    _, C, Hf, Wf = desc.shape
    kp = kpts / 8.0
    gx = 2.0 * (kp[:, 0] / (Wf - 1)) - 1.0
    gy = 2.0 * (kp[:, 1] / (Hf - 1)) - 1.0
    feats = _grid_sample_bicubic(desc[0], gx, gy)
    n = jnp.linalg.norm(feats, axis=-1, keepdims=True)
    return feats / jnp.maximum(n, 1e-12)  # F.normalize(dim=-1)

def setup_inputs(seed: int = 0) -> dict:
    key = jax.random.key(seed)
    k1, k2, k3, k4 = jax.random.split(key, 4)
    N = 8192
    M = 8192
    src_desc = jax.random.normal(k1, (1, 64, 64, 64), dtype=jnp.float32)
    tgt_desc = jax.random.normal(k2, (1, 64, 64, 64), dtype=jnp.float32)
    # keypoints uniform over the 512x512 source image
    src_kpts = jax.random.uniform(k3, (N, 2), dtype=jnp.float32) * 511.0
    tgt_kpts = jax.random.uniform(k4, (M, 2), dtype=jnp.float32) * 511.0
    return {"src_desc": src_desc, "src_kpts": src_kpts, "tgt_desc": tgt_desc, "tgt_kpts": tgt_kpts}

def reference(src_desc, src_kpts, tgt_desc, tgt_kpts):
    feats_src = _sample_descriptors(src_desc, src_kpts)
    feats_tgt = _sample_descriptors(tgt_desc, tgt_kpts)
    similarity = feats_src @ feats_tgt.T
    max1 = jnp.max(similarity, axis=1)
    idx1 = jnp.argmax(similarity, axis=1)
    idx2 = jnp.argmax(similarity, axis=0)
    n_src = feats_src.shape[0]
    indices = jnp.arange(n_src)
    mutual_mask = idx2[idx1] == indices
    score_mask = max1 > MATCH_THRESHOLD
    valid_mask = mutual_mask & score_mask
    # fixed-shape encoding of the match set: per-src matched score (0 if invalid),
    # the matched tgt index, and the validity mask
    scores = jnp.where(valid_mask, max1, 0.0)
    return (scores, idx1, valid_mask)

if __name__ == "__main__":
    import jax
    _d = setup_inputs()
    print(jax.jit(kernel)(*tuple(_d.values())))

</pallas_src>

<mosaic_0001>
#map = affine_map<(d0, d1) -> (0)>
module attributes {stable_mosaic.version = 14 : i64} {
  func.func @_sc_mutual_body(%arg0: i32, %arg1: i32, %arg2: memref<8192xf32, #tpu.memory_space<hbm>>, %arg3: memref<8192xi32, #tpu.memory_space<hbm>>, %arg4: memref<8192xi32, #tpu.memory_space<hbm>>, %arg5: memref<8192xf32, #tpu.memory_space<hbm>>, %arg6: memref<8192xi32, #tpu.memory_space<hbm>>, %arg7: memref<8192xi32, #tpu.memory_space<vmem>>, %arg8: memref<256xi32, #tpu.memory_space<vmem>>, %arg9: memref<256xf32, #tpu.memory_space<vmem>>, %arg10: memref<256xf32, #tpu.memory_space<vmem>>, %arg11: memref<256xi32, #tpu.memory_space<vmem>>) attributes {dimension_semantics = [#tpu.dimension_semantics<core_parallel>, #tpu.dimension_semantics<subcore_parallel>], iteration_bounds = array<i64: 2, 16>, scalar_prefetch = 0 : i64, scratch_operands = 5 : i64, tpu.core_type = #tpu.core_type<sc_vector_subcore>, window_params = [{transform_indices = #map}, {transform_indices = #map}, {transform_indices = #map}, {transform_indices = #map}, {transform_indices = #map}]} {
    %mul3A = arith.constant 2 : i32
    %mul3A_0 = arith.muli %arg1, %mul3A : i32
    %add3A = arith.addi %mul3A_0, %arg0 : i32
    %mul3A_1 = arith.constant 256 : i32
    %mul3A_2 = arith.muli %add3A, %mul3A_1 : i32
    "tpu.region"() ({
      %run_scoped3A = tpu.sem_alloc : memref<!tpu.dma_semaphore, #tpu.memory_space<semaphore_mem>>
      tpu.enqueue_dma source(%arg4 : memref<8192xi32, #tpu.memory_space<hbm>>) target(%arg7 : memref<8192xi32, #tpu.memory_space<vmem>>) target_semaphore(%run_scoped3A : memref<!tpu.dma_semaphore, #tpu.memory_space<semaphore_mem>>)
      tpu.wait_dma2 semaphore(%run_scoped3A : memref<!tpu.dma_semaphore, #tpu.memory_space<semaphore_mem>>) src(%arg4 : memref<8192xi32, #tpu.memory_space<hbm>>) dst(%arg7 : memref<8192xi32, #tpu.memory_space<vmem>>)
      tpu.yield
    }) : () -> ()
    "tpu.region"() ({
      %run_scoped3A = tpu.sem_alloc : memref<!tpu.dma_semaphore, #tpu.memory_space<semaphore_mem>>
      %dma_start3A = tpu.memref_slice %arg3[%mul3A_2] : memref<8192xi32, #tpu.memory_space<hbm>> -> memref<256xi32, #tpu.memory_space<hbm>>
      %dma_start3A_8 = tpu.memref_slice %arg3[%mul3A_2] : memref<8192xi32, #tpu.memory_space<hbm>> -> memref<256xi32, #tpu.memory_space<hbm>>
      tpu.enqueue_dma source(%dma_start3A_8 : memref<256xi32, #tpu.memory_space<hbm>>) target(%arg8 : memref<256xi32, #tpu.memory_space<vmem>>) target_semaphore(%run_scoped3A : memref<!tpu.dma_semaphore, #tpu.memory_space<semaphore_mem>>)
      %dma_wait3A = tpu.memref_slice %arg3[%mul3A_2] : memref<8192xi32, #tpu.memory_space<hbm>> -> memref<256xi32, #tpu.memory_space<hbm>>
      %dma_wait3A_9 = tpu.memref_slice %arg3[%mul3A_2] : memref<8192xi32, #tpu.memory_space<hbm>> -> memref<256xi32, #tpu.memory_space<hbm>>
      tpu.wait_dma2 semaphore(%run_scoped3A : memref<!tpu.dma_semaphore, #tpu.memory_space<semaphore_mem>>) src(%dma_wait3A_9 : memref<256xi32, #tpu.memory_space<hbm>>) dst(%arg8 : memref<256xi32, #tpu.memory_space<vmem>>)
      tpu.yield
    }) : () -> ()
    "tpu.region"() ({
      %run_scoped3A = tpu.sem_alloc : memref<!tpu.dma_semaphore, #tpu.memory_space<semaphore_mem>>
      %dma_start3A = tpu.memref_slice %arg2[%mul3A_2] : memref<8192xf32, #tpu.memory_space<hbm>> -> memref<256xf32, #tpu.memory_space<hbm>>
      %dma_start3A_8 = tpu.memref_slice %arg2[%mul3A_2] : memref<8192xf32, #tpu.memory_space<hbm>> -> memref<256xf32, #tpu.memory_space<hbm>>
      tpu.enqueue_dma source(%dma_start3A_8 : memref<256xf32, #tpu.memory_space<hbm>>) target(%arg9 : memref<256xf32, #tpu.memory_space<vmem>>) target_semaphore(%run_scoped3A : memref<!tpu.dma_semaphore, #tpu.memory_space<semaphore_mem>>)
      %dma_wait3A = tpu.memref_slice %arg2[%mul3A_2] : memref<8192xf32, #tpu.memory_space<hbm>> -> memref<256xf32, #tpu.memory_space<hbm>>
      %dma_wait3A_9 = tpu.memref_slice %arg2[%mul3A_2] : memref<8192xf32, #tpu.memory_space<hbm>> -> memref<256xf32, #tpu.memory_space<hbm>>
      tpu.wait_dma2 semaphore(%run_scoped3A : memref<!tpu.dma_semaphore, #tpu.memory_space<semaphore_mem>>) src(%dma_wait3A_9 : memref<256xf32, #tpu.memory_space<hbm>>) dst(%arg9 : memref<256xf32, #tpu.memory_space<vmem>>)
      tpu.yield
    }) : () -> ()
    %iota3A = tpu.iota {dimensions = array<i32: 0>} : vector<16xi32>
    %scan3A = arith.constant 0 : i32
    %scan3A_3 = arith.constant 0 : i32
    %scan3A_4 = arith.constant 16 : i32
    %scan3A_5 = arith.addi %scan3A_3, %scan3A_4 : i32
    %scan3A_6 = arith.constant 1 : i32
    scf.for %scan3A_8 = %scan3A_3 to %scan3A_5 step %scan3A_6  : i32 {
      %mul3A_9 = arith.constant 16 : i32
      %mul3A_10 = arith.muli %scan3A_8, %mul3A_9 : i32
      %get3A = arith.index_cast %mul3A_10 : i32 to index
      %get3A_11 = tpu.vector_load %arg8[%get3A] {strides = array<i32>} : memref<256xi32, #tpu.memory_space<vmem>>, vector<16xi32>,
      %gather3A = tpu.vector_load_idx %arg7[%get3A_11] : memref<8192xi32, #tpu.memory_space<vmem>>[vector<16xi32>], vector<16xi32>,
      %add3A_12 = arith.addi %mul3A_2, %mul3A_10 : i32
      %add3A_13 = vector.broadcast %add3A_12 : i32 to vector<16xi32>
      %add3A_14 = arith.addi %add3A_13, %iota3A : vector<16xi32>
      %get3A_15 = arith.index_cast %mul3A_10 : i32 to index
      %get3A_16 = tpu.vector_load %arg9[%get3A_15] {strides = array<i32>} : memref<256xf32, #tpu.memory_space<vmem>>, vector<16xf32>,
      %eq3A = arith.cmpi eq, %gather3A, %add3A_14 : vector<16xi32>
      %gt3A = arith.constant 3.000000e-01 : f32
      %gt3A_17 = vector.broadcast %gt3A : f32 to vector<16xf32>
      %gt3A_18 = arith.cmpf ogt, %get3A_16, %gt3A_17 : vector<16xf32>
      %and3A = arith.andi %eq3A, %gt3A_18 : vector<16xi1>
      %jit3A = arith.constant 0.000000e+00 : f32
      %broadcast_in_dim3A = vector.broadcast %jit3A : f32 to vector<16xf32>
      %select_n3A = arith.select %and3A, %get3A_16, %broadcast_in_dim3A : vector<16xi1>, vector<16xf32>
      %swap3A = arith.index_cast %mul3A_10 : i32 to index
      %swap3A_19 = tpu.vector_load %arg10[%swap3A] {strides = array<i32>} : memref<256xf32, #tpu.memory_space<vmem>>, vector<16xf32>,
      tpu.vector_store %arg10[%swap3A], %select_n3A {strides = array<i32>} : memref<256xf32, #tpu.memory_space<vmem>>, vector<16xf32>,
      %convert_element_type3A = arith.extui %and3A : vector<16xi1> to vector<16xi32>
      %swap3A_20 = arith.index_cast %mul3A_10 : i32 to index
      %swap3A_21 = tpu.vector_load %arg11[%swap3A_20] {strides = array<i32>} : memref<256xi32, #tpu.memory_space<vmem>>, vector<16xi32>,
      tpu.vector_store %arg11[%swap3A_20], %convert_element_type3A {strides = array<i32>} : memref<256xi32, #tpu.memory_space<vmem>>, vector<16xi32>,
    }
    %scan3A_7 = arith.constant 16 : i32
    "tpu.region"() ({
      %run_scoped3A = tpu.sem_alloc : memref<!tpu.dma_semaphore, #tpu.memory_space<semaphore_mem>>
      %dma_start3A = tpu.memref_slice %arg5[%mul3A_2] : memref<8192xf32, #tpu.memory_space<hbm>> -> memref<256xf32, #tpu.memory_space<hbm>>
      %dma_start3A_8 = tpu.memref_slice %arg5[%mul3A_2] : memref<8192xf32, #tpu.memory_space<hbm>> -> memref<256xf32, #tpu.memory_space<hbm>>
      tpu.enqueue_dma source(%arg10 : memref<256xf32, #tpu.memory_space<vmem>>) target(%dma_start3A_8 : memref<256xf32, #tpu.memory_space<hbm>>) target_semaphore(%run_scoped3A : memref<!tpu.dma_semaphore, #tpu.memory_space<semaphore_mem>>)
      %dma_wait3A = tpu.memref_slice %arg5[%mul3A_2] : memref<8192xf32, #tpu.memory_space<hbm>> -> memref<256xf32, #tpu.memory_space<hbm>>
      %dma_wait3A_9 = tpu.memref_slice %arg5[%mul3A_2] : memref<8192xf32, #tpu.memory_space<hbm>> -> memref<256xf32, #tpu.memory_space<hbm>>
      tpu.wait_dma2 semaphore(%run_scoped3A : memref<!tpu.dma_semaphore, #tpu.memory_space<semaphore_mem>>) src(%arg10 : memref<256xf32, #tpu.memory_space<vmem>>) dst(%dma_wait3A_9 : memref<256xf32, #tpu.memory_space<hbm>>)
      tpu.yield
    }) : () -> ()
    "tpu.region"() ({
      %run_scoped3A = tpu.sem_alloc : memref<!tpu.dma_semaphore, #tpu.memory_space<semaphore_mem>>
      %dma_start3A = tpu.memref_slice %arg6[%mul3A_2] : memref<8192xi32, #tpu.memory_space<hbm>> -> memref<256xi32, #tpu.memory_space<hbm>>
      %dma_start3A_8 = tpu.memref_slice %arg6[%mul3A_2] : memref<8192xi32, #tpu.memory_space<hbm>> -> memref<256xi32, #tpu.memory_space<hbm>>
      tpu.enqueue_dma source(%arg11 : memref<256xi32, #tpu.memory_space<vmem>>) target(%dma_start3A_8 : memref<256xi32, #tpu.memory_space<hbm>>) target_semaphore(%run_scoped3A : memref<!tpu.dma_semaphore, #tpu.memory_space<semaphore_mem>>)
      %dma_wait3A = tpu.memref_slice %arg6[%mul3A_2] : memref<8192xi32, #tpu.memory_space<hbm>> -> memref<256xi32, #tpu.memory_space<hbm>>
      %dma_wait3A_9 = tpu.memref_slice %arg6[%mul3A_2] : memref<8192xi32, #tpu.memory_space<hbm>> -> memref<256xi32, #tpu.memory_space<hbm>>
      tpu.wait_dma2 semaphore(%run_scoped3A : memref<!tpu.dma_semaphore, #tpu.memory_space<semaphore_mem>>) src(%arg11 : memref<256xi32, #tpu.memory_space<vmem>>) dst(%dma_wait3A_9 : memref<256xi32, #tpu.memory_space<hbm>>)
      tpu.yield
    }) : () -> ()
    return
  }
}

#map = affine_map<(d0, d1) -> (0, 0)>
#map1 = affine_map<(d0, d1) -> (0)>
#map2 = affine_map<(d0, d1) -> (0, 0, 0)>
module attributes {stable_mosaic.version = 14 : i64} {
  func.func @_sc_sample_body(%arg0: i32, %arg1: i32, %arg2: memref<8192x64xf32, #tpu.memory_space<hbm>>, %arg3: memref<16384xf32, #tpu.memory_space<hbm>>, %arg4: memref<16384xf32, #tpu.memory_space<hbm>>, %arg5: memref<32x512x64xf32, #tpu.memory_space<hbm>>, %arg6: memref<512xf32, #tpu.memory_space<vmem>>, %arg7: memref<512xf32, #tpu.memory_space<vmem>>, %arg8: memref<4x128xi32, #tpu.memory_space<vmem>>, %arg9: memref<4x128x64xf32, #tpu.memory_space<vmem>>, %arg10: memref<2x256xf32, #tpu.memory_space<vmem>>, %arg11: memref<512x64xf32, #tpu.memory_space<vmem>>, %arg12: memref<!tpu.dma_semaphore, #tpu.memory_space<semaphore_mem>>, %arg13: memref<!tpu.dma_semaphore, #tpu.memory_space<semaphore_mem>>, %arg14: memref<!tpu.dma_semaphore, #tpu.memory_space<semaphore_mem>>, %arg15: memref<!tpu.dma_semaphore, #tpu.memory_space<semaphore_mem>>) attributes {dimension_semantics = [#tpu.dimension_semantics<core_parallel>, #tpu.dimension_semantics<subcore_parallel>], iteration_bounds = array<i64: 2, 16>, scalar_prefetch = 0 : i64, scratch_operands = 10 : i64, tpu.core_type = #tpu.core_type<sc_vector_subcore>, window_params = [{transform_indices = #map}, {transform_indices = #map1}, {transform_indices = #map1}, {transform_indices = #map2}]} {
    %mul3A = arith.constant 2 : i32
    %mul3A_0 = arith.muli %arg1, %mul3A : i32
    %add3A = arith.addi %mul3A_0, %arg0 : i32
    %mul3A_1 = arith.constant 512 : i32
    %mul3A_2 = arith.muli %add3A, %mul3A_1 : i32
    %ge3A = arith.constant 8192 : i32
    %ge3A_3 = arith.cmpi sge, %mul3A_2, %ge3A : i32
    %jit3A = arith.constant 4096 : i32
    %jit3A_4 = arith.constant 0 : i32
    %select_n3A = arith.select %ge3A_3, %jit3A, %jit3A_4 : i32
    "tpu.region"() ({
      %run_scoped3A = tpu.sem_alloc : memref<!tpu.dma_semaphore, #tpu.memory_space<semaphore_mem>>
      %dma_start3A_622 = tpu.memref_slice %arg3[%mul3A_2] : memref<16384xf32, #tpu.memory_space<hbm>> -> memref<512xf32, #tpu.memory_space<hbm>>
      %dma_start3A_623 = tpu.memref_slice %arg3[%mul3A_2] : memref<16384xf32, #tpu.memory_space<hbm>> -> memref<512xf32, #tpu.memory_space<hbm>>
      tpu.enqueue_dma source(%dma_start3A_623 : memref<512xf32, #tpu.memory_space<hbm>>) target(%arg6 : memref<512xf32, #tpu.memory_space<vmem>>) target_semaphore(%run_scoped3A : memref<!tpu.dma_semaphore, #tpu.memory_space<semaphore_mem>>)
      %dma_wait3A = tpu.memref_slice %arg3[%mul3A_2] : memref<16384xf32, #tpu.memory_space<hbm>> -> memref<512xf32, #tpu.memory_space<hbm>>
      %dma_wait3A_624 = tpu.memref_slice %arg3[%mul3A_2] : memref<16384xf32, #tpu.memory_space<hbm>> -> memref<512xf32, #tpu.memory_space<hbm>>
      tpu.wait_dma2 semaphore(%run_scoped3A : memref<!tpu.dma_semaphore, #tpu.memory_space<semaphore_mem>>) src(%dma_wait3A_624 : memref<512xf32, #tpu.memory_space<hbm>>) dst(%arg6 : memref<512xf32, #tpu.memory_space<vmem>>)
      tpu.yield
    }) : () -> ()
    "tpu.region"() ({
      %run_scoped3A = tpu.sem_alloc : memref<!tpu.dma_semaphore, #tpu.memory_space<semaphore_mem>>
      %dma_start3A_622 = tpu.memref_slice %arg4[%mul3A_2] : memref<16384xf32, #tpu.memory_space<hbm>> -> memref<512xf32, #tpu.memory_space<hbm>>
      %dma_start3A_623 = tpu.memref_slice %arg4[%mul3A_2] : memref<16384xf32, #tpu.memory_space<hbm>> -> memref<512xf32, #tpu.memory_space<hbm>>
      tpu.enqueue_dma source(%dma_start3A_623 : memref<512xf32, #tpu.memory_space<hbm>>) target(%arg7 : memref<512xf32, #tpu.memory_space<vmem>>) target_semaphore(%run_scoped3A : memref<!tpu.dma_semaphore, #tpu.memory_space<semaphore_mem>>)
      %dma_wait3A = tpu.memref_slice %arg4[%mul3A_2] : memref<16384xf32, #tpu.memory_space<hbm>> -> memref<512xf32, #tpu.memory_space<hbm>>
      %dma_wait3A_624 = tpu.memref_slice %arg4[%mul3A_2] : memref<16384xf32, #tpu.memory_space<hbm>> -> memref<512xf32, #tpu.memory_space<hbm>>
      tpu.wait_dma2 semaphore(%run_scoped3A : memref<!tpu.dma_semaphore, #tpu.memory_space<semaphore_mem>>) src(%dma_wait3A_624 : memref<512xf32, #tpu.memory_space<hbm>>) dst(%arg7 : memref<512xf32, #tpu.memory_space<vmem>>)
      tpu.yield
    }) : () -> ()
    %iota3A = tpu.iota {dimensions = array<i32: 0>} : vector<16xi32>
    %get3A = arith.constant 0 : index
    %get3A_5 = tpu.vector_load %arg6[%get3A] {strides = array<i32>} : memref<512xf32, #tpu.memory_space<vmem>>, vector<16xf32>,
    %get3A_6 = arith.constant 0 : index
    %get3A_7 = tpu.vector_load %arg7[%get3A_6] {strides = array<i32>} : memref<512xf32, #tpu.memory_space<vmem>>, vector<16xf32>,
    %div3A = arith.constant 8.000000e+00 : f32
    %div3A_8 = vector.broadcast %div3A : f32 to vector<16xf32>
    %div3A_9 = arith.divf %get3A_5, %div3A_8 : vector<16xf32>
    %div3A_10 = arith.constant 8.000000e+00 : f32
    %div3A_11 = vector.broadcast %div3A_10 : f32 to vector<16xf32>
    %div3A_12 = arith.divf %get3A_7, %div3A_11 : vector<16xf32>
    %div3A_13 = arith.constant 6.300000e+01 : f32
    %div3A_14 = vector.broadcast %div3A_13 : f32 to vector<16xf32>
    %div3A_15 = arith.divf %div3A_9, %div3A_14 : vector<16xf32>
    %mul3A_16 = arith.constant 2.000000e+00 : f32
    %mul3A_17 = vector.broadcast %mul3A_16 : f32 to vector<16xf32>
    %mul3A_18 = arith.mulf %mul3A_17, %div3A_15 : vector<16xf32>
    %sub3A = arith.constant 1.000000e+00 : f32
    %sub3A_19 = vector.broadcast %sub3A : f32 to vector<16xf32>
    %sub3A_20 = arith.subf %mul3A_18, %sub3A_19 : vector<16xf32>
    %div3A_21 = arith.constant 6.300000e+01 : f32
    %div3A_22 = vector.broadcast %div3A_21 : f32 to vector<16xf32>
    %div3A_23 = arith.divf %div3A_12, %div3A_22 : vector<16xf32>
    %mul3A_24 = arith.constant 2.000000e+00 : f32
    %mul3A_25 = vector.broadcast %mul3A_24 : f32 to vector<16xf32>
    %mul3A_26 = arith.mulf %mul3A_25, %div3A_23 : vector<16xf32>
    %sub3A_27 = arith.constant 1.000000e+00 : f32
    %sub3A_28 = vector.broadcast %sub3A_27 : f32 to vector<16xf32>
    %sub3A_29 = arith.subf %mul3A_26, %sub3A_28 : vector<16xf32>
    %add3A_30 = arith.constant 1.000000e+00 : f32
    %add3A_31 = vector.broadcast %add3A_30 : f32 to vector<16xf32>
    %add3A_32 = arith.addf %sub3A_20, %add3A_31 : vector<16xf32>
    %mul3A_33 = arith.constant 6.400000e+01 : f32
    %mul3A_34 = vector.broadcast %mul3A_33 : f32 to vector<16xf32>
    %mul3A_35 = arith.mulf %add3A_32, %mul3A_34 : vector<16xf32>
    %sub3A_36 = arith.constant 1.000000e+00 : f32
    %sub3A_37 = vector.broadcast %sub3A_36 : f32 to vector<16xf32>
    %sub3A_38 = arith.subf %mul3A_35, %sub3A_37 : vector<16xf32>
    %div3A_39 = arith.constant 2.000000e+00 : f32
    %div3A_40 = vector.broadcast %div3A_39 : f32 to vector<16xf32>
    %div3A_41 = arith.divf %sub3A_38, %div3A_40 : vector<16xf32>
    %add3A_42 = arith.constant 1.000000e+00 : f32
    %add3A_43 = vector.broadcast %add3A_42 : f32 to vector<16xf32>
    %add3A_44 = arith.addf %sub3A_29, %add3A_43 : vector<16xf32>
    %mul3A_45 = arith.constant 6.400000e+01 : f32
    %mul3A_46 = vector.broadcast %mul3A_45 : f32 to vector<16xf32>
    %mul3A_47 = arith.mulf %add3A_44, %mul3A_46 : vector<16xf32>
    %sub3A_48 = arith.constant 1.000000e+00 : f32
    %sub3A_49 = vector.broadcast %sub3A_48 : f32 to vector<16xf32>
    %sub3A_50 = arith.subf %mul3A_47, %sub3A_49 : vector<16xf32>
    %div3A_51 = arith.constant 2.000000e+00 : f32
    %div3A_52 = vector.broadcast %div3A_51 : f32 to vector<16xf32>
    %div3A_53 = arith.divf %sub3A_50, %div3A_52 : vector<16xf32>
    %convert_element_type3A = arith.fptosi %div3A_41 : vector<16xf32> to vector<16xi32>
    %convert_element_type3A_54 = arith.sitofp %convert_element_type3A : vector<16xi32> to vector<16xf32>
    %gt3A = arith.cmpf ogt, %convert_element_type3A_54, %div3A_41 : vector<16xf32>
    %convert_element_type3A_55 = arith.extui %gt3A : vector<16xi1> to vector<16xi32>
    %sub3A_56 = arith.subi %convert_element_type3A, %convert_element_type3A_55 : vector<16xi32>
    %convert_element_type3A_57 = arith.sitofp %sub3A_56 : vector<16xi32> to vector<16xf32>
    %convert_element_type3A_58 = arith.fptosi %div3A_53 : vector<16xf32> to vector<16xi32>
    %convert_element_type3A_59 = arith.sitofp %convert_element_type3A_58 : vector<16xi32> to vector<16xf32>
    %gt3A_60 = arith.cmpf ogt, %convert_element_type3A_59, %div3A_53 : vector<16xf32>
    %convert_element_type3A_61 = arith.extui %gt3A_60 : vector<16xi1> to vector<16xi32>
    %sub3A_62 = arith.subi %convert_element_type3A_58, %convert_element_type3A_61 : vector<16xi32>
    %convert_element_type3A_63 = arith.sitofp %sub3A_62 : vector<16xi32> to vector<16xf32>
    %sub3A_64 = arith.subf %div3A_41, %convert_element_type3A_57 : vector<16xf32>
    %sub3A_65 = arith.subf %div3A_53, %convert_element_type3A_63 : vector<16xf32>
    %add3A_66 = arith.constant 1.000000e+00 : f32
    %add3A_67 = vector.broadcast %add3A_66 : f32 to vector<16xf32>
    %add3A_68 = arith.addf %sub3A_64, %add3A_67 : vector<16xf32>
    %sub3A_69 = arith.constant 1.000000e+00 : f32
    %sub3A_70 = vector.broadcast %sub3A_69 : f32 to vector<16xf32>
    %sub3A_71 = arith.subf %sub3A_70, %sub3A_64 : vector<16xf32>
    %sub3A_72 = arith.constant 2.000000e+00 : f32
    %sub3A_73 = vector.broadcast %sub3A_72 : f32 to vector<16xf32>
    %sub3A_74 = arith.subf %sub3A_73, %sub3A_64 : vector<16xf32>
    %mul3A_75 = arith.mulf %add3A_68, %add3A_68 : vector<16xf32>
    %mul3A_76 = arith.mulf %mul3A_75, %add3A_68 : vector<16xf32>
    %mul3A_77 = arith.constant -7.500000e-01 : f32
    %mul3A_78 = vector.broadcast %mul3A_77 : f32 to vector<16xf32>
    %mul3A_79 = arith.mulf %mul3A_78, %mul3A_76 : vector<16xf32>
    %mul3A_80 = arith.mulf %add3A_68, %add3A_68 : vector<16xf32>
    %mul3A_81 = arith.constant -3.750000e+00 : f32
    %mul3A_82 = vector.broadcast %mul3A_81 : f32 to vector<16xf32>
    %mul3A_83 = arith.mulf %mul3A_82, %mul3A_80 : vector<16xf32>
    %sub3A_84 = arith.subf %mul3A_79, %mul3A_83 : vector<16xf32>
    %mul3A_85 = arith.constant -6.000000e+00 : f32
    %mul3A_86 = vector.broadcast %mul3A_85 : f32 to vector<16xf32>
    %mul3A_87 = arith.mulf %mul3A_86, %add3A_68 : vector<16xf32>
    %add3A_88 = arith.addf %sub3A_84, %mul3A_87 : vector<16xf32>
    %sub3A_89 = arith.constant -3.000000e+00 : f32
    %sub3A_90 = vector.broadcast %sub3A_89 : f32 to vector<16xf32>
    %sub3A_91 = arith.subf %add3A_88, %sub3A_90 : vector<16xf32>
    %mul3A_92 = arith.mulf %sub3A_64, %sub3A_64 : vector<16xf32>
    %mul3A_93 = arith.mulf %mul3A_92, %sub3A_64 : vector<16xf32>
    %mul3A_94 = arith.constant 1.250000e+00 : f32
    %mul3A_95 = vector.broadcast %mul3A_94 : f32 to vector<16xf32>
    %mul3A_96 = arith.mulf %mul3A_95, %mul3A_93 : vector<16xf32>
    %mul3A_97 = arith.mulf %sub3A_64, %sub3A_64 : vector<16xf32>
    %mul3A_98 = arith.constant 2.250000e+00 : f32
    %mul3A_99 = vector.broadcast %mul3A_98 : f32 to vector<16xf32>
    %mul3A_100 = arith.mulf %mul3A_99, %mul3A_97 : vector<16xf32>
    %sub3A_101 = arith.subf %mul3A_96, %mul3A_100 : vector<16xf32>
    %add3A_102 = arith.constant 1.000000e+00 : f32
    %add3A_103 = vector.broadcast %add3A_102 : f32 to vector<16xf32>
    %add3A_104 = arith.addf %sub3A_101, %add3A_103 : vector<16xf32>
    %mul3A_105 = arith.mulf %sub3A_71, %sub3A_71 : vector<16xf32>
    %mul3A_106 = arith.mulf %mul3A_105, %sub3A_71 : vector<16xf32>
    %mul3A_107 = arith.constant 1.250000e+00 : f32
    %mul3A_108 = vector.broadcast %mul3A_107 : f32 to vector<16xf32>
    %mul3A_109 = arith.mulf %mul3A_108, %mul3A_106 : vector<16xf32>
    %mul3A_110 = arith.mulf %sub3A_71, %sub3A_71 : vector<16xf32>
    %mul3A_111 = arith.constant 2.250000e+00 : f32
    %mul3A_112 = vector.broadcast %mul3A_111 : f32 to vector<16xf32>
    %mul3A_113 = arith.mulf %mul3A_112, %mul3A_110 : vector<16xf32>
    %sub3A_114 = arith.subf %mul3A_109, %mul3A_113 : vector<16xf32>
    %add3A_115 = arith.constant 1.000000e+00 : f32
    %add3A_116 = vector.broadcast %add3A_115 : f32 to vector<16xf32>
    %add3A_117 = arith.addf %sub3A_114, %add3A_116 : vector<16xf32>
    %mul3A_118 = arith.mulf %sub3A_74, %sub3A_74 : vector<16xf32>
    %mul3A_119 = arith.mulf %mul3A_118, %sub3A_74 : vector<16xf32>
    %mul3A_120 = arith.constant -7.500000e-01 : f32
    %mul3A_121 = vector.broadcast %mul3A_120 : f32 to vector<16xf32>
    %mul3A_122 = arith.mulf %mul3A_121, %mul3A_119 : vector<16xf32>
    %mul3A_123 = arith.mulf %sub3A_74, %sub3A_74 : vector<16xf32>
    %mul3A_124 = arith.constant -3.750000e+00 : f32
    %mul3A_125 = vector.broadcast %mul3A_124 : f32 to vector<16xf32>
    %mul3A_126 = arith.mulf %mul3A_125, %mul3A_123 : vector<16xf32>
    %sub3A_127 = arith.subf %mul3A_122, %mul3A_126 : vector<16xf32>
    %mul3A_128 = arith.constant -6.000000e+00 : f32
    %mul3A_129 = vector.broadcast %mul3A_128 : f32 to vector<16xf32>
    %mul3A_130 = arith.mulf %mul3A_129, %sub3A_74 : vector<16xf32>
    %add3A_131 = arith.addf %sub3A_127, %mul3A_130 : vector<16xf32>
    %sub3A_132 = arith.constant -3.000000e+00 : f32
    %sub3A_133 = vector.broadcast %sub3A_132 : f32 to vector<16xf32>
    %sub3A_134 = arith.subf %add3A_131, %sub3A_133 : vector<16xf32>
    %add3A_135 = arith.constant 1.000000e+00 : f32
    %add3A_136 = vector.broadcast %add3A_135 : f32 to vector<16xf32>
    %add3A_137 = arith.addf %sub3A_65, %add3A_136 : vector<16xf32>
    %sub3A_138 = arith.constant 1.000000e+00 : f32
    %sub3A_139 = vector.broadcast %sub3A_138 : f32 to vector<16xf32>
    %sub3A_140 = arith.subf %sub3A_139, %sub3A_65 : vector<16xf32>
    %sub3A_141 = arith.constant 2.000000e+00 : f32
    %sub3A_142 = vector.broadcast %sub3A_141 : f32 to vector<16xf32>
    %sub3A_143 = arith.subf %sub3A_142, %sub3A_65 : vector<16xf32>
    %mul3A_144 = arith.mulf %add3A_137, %add3A_137 : vector<16xf32>
    %mul3A_145 = arith.mulf %mul3A_144, %add3A_137 : vector<16xf32>
    %mul3A_146 = arith.constant -7.500000e-01 : f32
    %mul3A_147 = vector.broadcast %mul3A_146 : f32 to vector<16xf32>
    %mul3A_148 = arith.mulf %mul3A_147, %mul3A_145 : vector<16xf32>
    %mul3A_149 = arith.mulf %add3A_137, %add3A_137 : vector<16xf32>
    %mul3A_150 = arith.constant -3.750000e+00 : f32
    %mul3A_151 = vector.broadcast %mul3A_150 : f32 to vector<16xf32>
    %mul3A_152 = arith.mulf %mul3A_151, %mul3A_149 : vector<16xf32>
    %sub3A_153 = arith.subf %mul3A_148, %mul3A_152 : vector<16xf32>
    %mul3A_154 = arith.constant -6.000000e+00 : f32
    %mul3A_155 = vector.broadcast %mul3A_154 : f32 to vector<16xf32>
    %mul3A_156 = arith.mulf %mul3A_155, %add3A_137 : vector<16xf32>
    %add3A_157 = arith.addf %sub3A_153, %mul3A_156 : vector<16xf32>
    %sub3A_158 = arith.constant -3.000000e+00 : f32
    %sub3A_159 = vector.broadcast %sub3A_158 : f32 to vector<16xf32>
    %sub3A_160 = arith.subf %add3A_157, %sub3A_159 : vector<16xf32>
    %mul3A_161 = arith.mulf %sub3A_65, %sub3A_65 : vector<16xf32>
    %mul3A_162 = arith.mulf %mul3A_161, %sub3A_65 : vector<16xf32>
    %mul3A_163 = arith.constant 1.250000e+00 : f32
    %mul3A_164 = vector.broadcast %mul3A_163 : f32 to vector<16xf32>
    %mul3A_165 = arith.mulf %mul3A_164, %mul3A_162 : vector<16xf32>
    %mul3A_166 = arith.mulf %sub3A_65, %sub3A_65 : vector<16xf32>
    %mul3A_167 = arith.constant 2.250000e+00 : f32
    %mul3A_168 = vector.broadcast %mul3A_167 : f32 to vector<16xf32>
    %mul3A_169 = arith.mulf %mul3A_168, %mul3A_166 : vector<16xf32>
    %sub3A_170 = arith.subf %mul3A_165, %mul3A_169 : vector<16xf32>
    %add3A_171 = arith.constant 1.000000e+00 : f32
    %add3A_172 = vector.broadcast %add3A_171 : f32 to vector<16xf32>
    %add3A_173 = arith.addf %sub3A_170, %add3A_172 : vector<16xf32>
    %mul3A_174 = arith.mulf %sub3A_140, %sub3A_140 : vector<16xf32>
    %mul3A_175 = arith.mulf %mul3A_174, %sub3A_140 : vector<16xf32>
    %mul3A_176 = arith.constant 1.250000e+00 : f32
    %mul3A_177 = vector.broadcast %mul3A_176 : f32 to vector<16xf32>
    %mul3A_178 = arith.mulf %mul3A_177, %mul3A_175 : vector<16xf32>
    %mul3A_179 = arith.mulf %sub3A_140, %sub3A_140 : vector<16xf32>
    %mul3A_180 = arith.constant 2.250000e+00 : f32
    %mul3A_181 = vector.broadcast %mul3A_180 : f32 to vector<16xf32>
    %mul3A_182 = arith.mulf %mul3A_181, %mul3A_179 : vector<16xf32>
    %sub3A_183 = arith.subf %mul3A_178, %mul3A_182 : vector<16xf32>
    %add3A_184 = arith.constant 1.000000e+00 : f32
    %add3A_185 = vector.broadcast %add3A_184 : f32 to vector<16xf32>
    %add3A_186 = arith.addf %sub3A_183, %add3A_185 : vector<16xf32>
    %mul3A_187 = arith.mulf %sub3A_143, %sub3A_143 : vector<16xf32>
    %mul3A_188 = arith.mulf %mul3A_187, %sub3A_143 : vector<16xf32>
    %mul3A_189 = arith.constant -7.500000e-01 : f32
    %mul3A_190 = vector.broadcast %mul3A_189 : f32 to vector<16xf32>
    %mul3A_191 = arith.mulf %mul3A_190, %mul3A_188 : vector<16xf32>
    %mul3A_192 = arith.mulf %sub3A_143, %sub3A_143 : vector<16xf32>
    %mul3A_193 = arith.constant -3.750000e+00 : f32
    %mul3A_194 = vector.broadcast %mul3A_193 : f32 to vector<16xf32>
    %mul3A_195 = arith.mulf %mul3A_194, %mul3A_192 : vector<16xf32>
    %sub3A_196 = arith.subf %mul3A_191, %mul3A_195 : vector<16xf32>
    %mul3A_197 = arith.constant -6.000000e+00 : f32
    %mul3A_198 = vector.broadcast %mul3A_197 : f32 to vector<16xf32>
    %mul3A_199 = arith.mulf %mul3A_198, %sub3A_143 : vector<16xf32>
    %add3A_200 = arith.addf %sub3A_196, %mul3A_199 : vector<16xf32>
    %sub3A_201 = arith.constant -3.000000e+00 : f32
    %sub3A_202 = vector.broadcast %sub3A_201 : f32 to vector<16xf32>
    %sub3A_203 = arith.subf %add3A_200, %sub3A_202 : vector<16xf32>
    %add3A_204 = arith.constant -1 : i32
    %add3A_205 = vector.broadcast %add3A_204 : i32 to vector<16xi32>
    %add3A_206 = arith.addi %sub3A_56, %add3A_205 : vector<16xi32>
    %ge3A_207 = arith.constant 0 : i32
    %ge3A_208 = vector.broadcast %ge3A_207 : i32 to vector<16xi32>
    %ge3A_209 = arith.cmpi sge, %add3A_206, %ge3A_208 : vector<16xi32>
    %lt3A = arith.constant 64 : i32
    %lt3A_210 = vector.broadcast %lt3A : i32 to vector<16xi32>
    %lt3A_211 = arith.cmpi slt, %add3A_206, %lt3A_210 : vector<16xi32>
    %and3A = arith.andi %ge3A_209, %lt3A_211 : vector<16xi1>
    %convert_element_type3A_212 = arith.extui %and3A : vector<16xi1> to vector<16xi32>
    %convert_element_type3A_213 = arith.sitofp %convert_element_type3A_212 : vector<16xi32> to vector<16xf32>
    %max3A = arith.constant 0 : i32
    %max3A_214 = vector.broadcast %max3A : i32 to vector<16xi32>
    %max3A_215 = arith.maxsi %add3A_206, %max3A_214 : vector<16xi32>
    %min3A = arith.constant 63 : i32
    %min3A_216 = vector.broadcast %min3A : i32 to vector<16xi32>
    %min3A_217 = arith.minsi %max3A_215, %min3A_216 : vector<16xi32>
    %mul3A_218 = arith.mulf %sub3A_91, %convert_element_type3A_213 : vector<16xf32>
    %add3A_219 = arith.constant 0 : i32
    %add3A_220 = vector.broadcast %add3A_219 : i32 to vector<16xi32>
    %add3A_221 = arith.addi %sub3A_56, %add3A_220 : vector<16xi32>
    %ge3A_222 = arith.constant 0 : i32
    %ge3A_223 = vector.broadcast %ge3A_222 : i32 to vector<16xi32>
    %ge3A_224 = arith.cmpi sge, %add3A_221, %ge3A_223 : vector<16xi32>
    %lt3A_225 = arith.constant 64 : i32
    %lt3A_226 = vector.broadcast %lt3A_225 : i32 to vector<16xi32>
    %lt3A_227 = arith.cmpi slt, %add3A_221, %lt3A_226 : vector<16xi32>
    %and3A_228 = arith.andi %ge3A_224, %lt3A_227 : vector<16xi1>
    %convert_element_type3A_229 = arith.extui %and3A_228 : vector<16xi1> to vector<16xi32>
    %convert_element_type3A_230 = arith.sitofp %convert_element_type3A_229 : vector<16xi32> to vector<16xf32>
    %max3A_231 = arith.constant 0 : i32
    %max3A_232 = vector.broadcast %max3A_231 : i32 to vector<16xi32>
    %max3A_233 = arith.maxsi %add3A_221, %max3A_232 : vector<16xi32>
    %min3A_234 = arith.constant 63 : i32
    %min3A_235 = vector.broadcast %min3A_234 : i32 to vector<16xi32>
    %min3A_236 = arith.minsi %max3A_233, %min3A_235 : vector<16xi32>
    %mul3A_237 = arith.mulf %add3A_104, %convert_element_type3A_230 : vector<16xf32>
    %add3A_238 = arith.constant 1 : i32
    %add3A_239 = vector.broadcast %add3A_238 : i32 to vector<16xi32>
    %add3A_240 = arith.addi %sub3A_56, %add3A_239 : vector<16xi32>
    %ge3A_241 = arith.constant 0 : i32
    %ge3A_242 = vector.broadcast %ge3A_241 : i32 to vector<16xi32>
    %ge3A_243 = arith.cmpi sge, %add3A_240, %ge3A_242 : vector<16xi32>
    %lt3A_244 = arith.constant 64 : i32
    %lt3A_245 = vector.broadcast %lt3A_244 : i32 to vector<16xi32>
    %lt3A_246 = arith.cmpi slt, %add3A_240, %lt3A_245 : vector<16xi32>
    %and3A_247 = arith.andi %ge3A_243, %lt3A_246 : vector<16xi1>
    %convert_element_type3A_248 = arith.extui %and3A_247 : vector<16xi1> to vector<16xi32>
    %convert_element_type3A_249 = arith.sitofp %convert_element_type3A_248 : vector<16xi32> to vector<16xf32>
    %max3A_250 = arith.constant 0 : i32
    %max3A_251 = vector.broadcast %max3A_250 : i32 to vector<16xi32>
    %max3A_252 = arith.maxsi %add3A_240, %max3A_251 : vector<16xi32>
    %min3A_253 = arith.constant 63 : i32
    %min3A_254 = vector.broadcast %min3A_253 : i32 to vector<16xi32>
    %min3A_255 = arith.minsi %max3A_252, %min3A_254 : vector<16xi32>
    %mul3A_256 = arith.mulf %add3A_117, %convert_element_type3A_249 : vector<16xf32>
    %add3A_257 = arith.constant 2 : i32
    %add3A_258 = vector.broadcast %add3A_257 : i32 to vector<16xi32>
    %add3A_259 = arith.addi %sub3A_56, %add3A_258 : vector<16xi32>
    %ge3A_260 = arith.constant 0 : i32
    %ge3A_261 = vector.broadcast %ge3A_260 : i32 to vector<16xi32>
    %ge3A_262 = arith.cmpi sge, %add3A_259, %ge3A_261 : vector<16xi32>
    %lt3A_263 = arith.constant 64 : i32
    %lt3A_264 = vector.broadcast %lt3A_263 : i32 to vector<16xi32>
    %lt3A_265 = arith.cmpi slt, %add3A_259, %lt3A_264 : vector<16xi32>
    %and3A_266 = arith.andi %ge3A_262, %lt3A_265 : vector<16xi1>
    %convert_element_type3A_267 = arith.extui %and3A_266 : vector<16xi1> to vector<16xi32>
    %convert_element_type3A_268 = arith.sitofp %convert_element_type3A_267 : vector<16xi32> to vector<16xf32>
    %max3A_269 = arith.constant 0 : i32
    %max3A_270 = vector.broadcast %max3A_269 : i32 to vector<16xi32>
    %max3A_271 = arith.maxsi %add3A_259, %max3A_270 : vector<16xi32>
    %min3A_272 = arith.constant 63 : i32
    %min3A_273 = vector.broadcast %min3A_272 : i32 to vector<16xi32>
    %min3A_274 = arith.minsi %max3A_271, %min3A_273 : vector<16xi32>
    %mul3A_275 = arith.mulf %sub3A_134, %convert_element_type3A_268 : vector<16xf32>
    %add3A_276 = arith.constant -1 : i32
    %add3A_277 = vector.broadcast %add3A_276 : i32 to vector<16xi32>
    %add3A_278 = arith.addi %sub3A_62, %add3A_277 : vector<16xi32>
    %ge3A_279 = arith.constant 0 : i32
    %ge3A_280 = vector.broadcast %ge3A_279 : i32 to vector<16xi32>
    %ge3A_281 = arith.cmpi sge, %add3A_278, %ge3A_280 : vector<16xi32>
    %lt3A_282 = arith.constant 64 : i32
    %lt3A_283 = vector.broadcast %lt3A_282 : i32 to vector<16xi32>
    %lt3A_284 = arith.cmpi slt, %add3A_278, %lt3A_283 : vector<16xi32>
    %and3A_285 = arith.andi %ge3A_281, %lt3A_284 : vector<16xi1>
    %convert_element_type3A_286 = arith.extui %and3A_285 : vector<16xi1> to vector<16xi32>
    %convert_element_type3A_287 = arith.sitofp %convert_element_type3A_286 : vector<16xi32> to vector<16xf32>
    %max3A_288 = arith.constant 0 : i32
    %max3A_289 = vector.broadcast %max3A_288 : i32 to vector<16xi32>
    %max3A_290 = arith.maxsi %add3A_278, %max3A_289 : vector<16xi32>
    %min3A_291 = arith.constant 63 : i32
    %min3A_292 = vector.broadcast %min3A_291 : i32 to vector<16xi32>
    %min3A_293 = arith.minsi %max3A_290, %min3A_292 : vector<16xi32>
    %mul3A_294 = arith.constant 64 : i32
    %mul3A_295 = vector.broadcast %mul3A_294 : i32 to vector<16xi32>
    %mul3A_296 = arith.muli %min3A_293, %mul3A_295 : vector<16xi32>
    %add3A_297 = vector.broadcast %select_n3A : i32 to vector<16xi32>
    %add3A_298 = arith.addi %add3A_297, %mul3A_296 : vector<16xi32>
    %mul3A_299 = arith.mulf %sub3A_160, %convert_element_type3A_287 : vector<16xf32>
    %add3A_300 = arith.addi %add3A_298, %min3A_217 : vector<16xi32>
    %swap3A = arith.constant 0 : i32
    %swap3A_301 = arith.index_cast %swap3A : i32 to index
    %swap3A_302 = arith.constant 0 : index
    %swap3A_303 = tpu.vector_load %arg8[%swap3A_301, %swap3A_302] {strides = array<i32>} : memref<4x128xi32, #tpu.memory_space<vmem>>, vector<16xi32>,
    tpu.vector_store %arg8[%swap3A_301, %swap3A_302], %add3A_300 {strides = array<i32>} : memref<4x128xi32, #tpu.memory_space<vmem>>, vector<16xi32>,
    %broadcast_in_dim3A = arith.constant 0 : i32
    %broadcast_in_dim3A_304 = vector.broadcast %broadcast_in_dim3A : i32 to vector<16xi32>
    %mul3A_305 = arith.constant 16 : i32
    %mul3A_306 = vector.broadcast %mul3A_305 : i32 to vector<16xi32>
    %mul3A_307 = arith.muli %iota3A, %mul3A_306 : vector<16xi32>
    %add3A_308 = arith.constant 0 : i32
    %add3A_309 = vector.broadcast %add3A_308 : i32 to vector<16xi32>
    %add3A_310 = arith.addi %mul3A_307, %add3A_309 : vector<16xi32>
    %mul3A_311 = arith.mulf %mul3A_299, %mul3A_218 : vector<16xf32>
    tpu.vector_store_idx %arg10[%broadcast_in_dim3A_304, %add3A_310], %mul3A_311 : memref<2x256xf32, #tpu.memory_space<vmem>>[vector<16xi32>, vector<16xi32>], vector<16xf32>,
    %add3A_312 = arith.addi %add3A_298, %min3A_236 : vector<16xi32>
    %swap3A_313 = arith.constant 0 : i32
    %swap3A_314 = arith.index_cast %swap3A_313 : i32 to index
    %swap3A_315 = arith.constant 16 : index
    %swap3A_316 = tpu.vector_load %arg8[%swap3A_314, %swap3A_315] {strides = array<i32>} : memref<4x128xi32, #tpu.memory_space<vmem>>, vector<16xi32>,
    tpu.vector_store %arg8[%swap3A_314, %swap3A_315], %add3A_312 {strides = array<i32>} : memref<4x128xi32, #tpu.memory_space<vmem>>, vector<16xi32>,
    %broadcast_in_dim3A_317 = arith.constant 0 : i32
    %broadcast_in_dim3A_318 = vector.broadcast %broadcast_in_dim3A_317 : i32 to vector<16xi32>
    %mul3A_319 = arith.constant 16 : i32
    %mul3A_320 = vector.broadcast %mul3A_319 : i32 to vector<16xi32>
    %mul3A_321 = arith.muli %iota3A, %mul3A_320 : vector<16xi32>
    %add3A_322 = arith.constant 1 : i32
    %add3A_323 = vector.broadcast %add3A_322 : i32 to vector<16xi32>
    %add3A_324 = arith.addi %mul3A_321, %add3A_323 : vector<16xi32>
    %mul3A_325 = arith.mulf %mul3A_299, %mul3A_237 : vector<16xf32>
    tpu.vector_store_idx %arg10[%broadcast_in_dim3A_318, %add3A_324], %mul3A_325 : memref<2x256xf32, #tpu.memory_space<vmem>>[vector<16xi32>, vector<16xi32>], vector<16xf32>,
    %add3A_326 = arith.addi %add3A_298, %min3A_255 : vector<16xi32>
    %swap3A_327 = arith.constant 0 : i32
    %swap3A_328 = arith.index_cast %swap3A_327 : i32 to index
    %swap3A_329 = arith.constant 32 : index
    %swap3A_330 = tpu.vector_load %arg8[%swap3A_328, %swap3A_329] {strides = array<i32>} : memref<4x128xi32, #tpu.memory_space<vmem>>, vector<16xi32>,
    tpu.vector_store %arg8[%swap3A_328, %swap3A_329], %add3A_326 {strides = array<i32>} : memref<4x128xi32, #tpu.memory_space<vmem>>, vector<16xi32>,
    %broadcast_in_dim3A_331 = arith.constant 0 : i32
    %broadcast_in_dim3A_332 = vector.broadcast %broadcast_in_dim3A_331 : i32 to vector<16xi32>
    %mul3A_333 = arith.constant 16 : i32
    %mul3A_334 = vector.broadcast %mul3A_333 : i32 to vector<16xi32>
    %mul3A_335 = arith.muli %iota3A, %mul3A_334 : vector<16xi32>
    %add3A_336 = arith.constant 2 : i32
    %add3A_337 = vector.broadcast %add3A_336 : i32 to vector<16xi32>
    %add3A_338 = arith.addi %mul3A_335, %add3A_337 : vector<16xi32>
    %mul3A_339 = arith.mulf %mul3A_299, %mul3A_256 : vector<16xf32>
    tpu.vector_store_idx %arg10[%broadcast_in_dim3A_332, %add3A_338], %mul3A_339 : memref<2x256xf32, #tpu.memory_space<vmem>>[vector<16xi32>, vector<16xi32>], vector<16xf32>,
    %add3A_340 = arith.addi %add3A_298, %min3A_274 : vector<16xi32>
    %swap3A_341 = arith.constant 0 : i32
    %swap3A_342 = arith.index_cast %swap3A_341 : i32 to index
    %swap3A_343 = arith.constant 48 : index
    %swap3A_344 = tpu.vector_load %arg8[%swap3A_342, %swap3A_343] {strides = array<i32>} : memref<4x128xi32, #tpu.memory_space<vmem>>, vector<16xi32>,
    tpu.vector_store %arg8[%swap3A_342, %swap3A_343], %add3A_340 {strides = array<i32>} : memref<4x128xi32, #tpu.memory_space<vmem>>, vector<16xi32>,
    %broadcast_in_dim3A_345 = arith.constant 0 : i32
    %broadcast_in_dim3A_346 = vector.broadcast %broadcast_in_dim3A_345 : i32 to vector<16xi32>
    %mul3A_347 = arith.constant 16 : i32
    %mul3A_348 = vector.broadcast %mul3A_347 : i32 to vector<16xi32>
    %mul3A_349 = arith.muli %iota3A, %mul3A_348 : vector<16xi32>
    %add3A_350 = arith.constant 3 : i32
    %add3A_351 = vector.broadcast %add3A_350 : i32 to vector<16xi32>
    %add3A_352 = arith.addi %mul3A_349, %add3A_351 : vector<16xi32>
    %mul3A_353 = arith.mulf %mul3A_299, %mul3A_275 : vector<16xf32>
    tpu.vector_store_idx %arg10[%broadcast_in_dim3A_346, %add3A_352], %mul3A_353 : memref<2x256xf32, #tpu.memory_space<vmem>>[vector<16xi32>, vector<16xi32>], vector<16xf32>,
    %add3A_354 = arith.constant 0 : i32
    %add3A_355 = vector.broadcast %add3A_354 : i32 to vector<16xi32>
    %add3A_356 = arith.addi %sub3A_62, %add3A_355 : vector<16xi32>
    %ge3A_357 = arith.constant 0 : i32
    %ge3A_358 = vector.broadcast %ge3A_357 : i32 to vector<16xi32>
    %ge3A_359 = arith.cmpi sge, %add3A_356, %ge3A_358 : vector<16xi32>
    %lt3A_360 = arith.constant 64 : i32
    %lt3A_361 = vector.broadcast %lt3A_360 : i32 to vector<16xi32>
    %lt3A_362 = arith.cmpi slt, %add3A_356, %lt3A_361 : vector<16xi32>
    %and3A_363 = arith.andi %ge3A_359, %lt3A_362 : vector<16xi1>
    %convert_element_type3A_364 = arith.extui %and3A_363 : vector<16xi1> to vector<16xi32>
    %convert_element_type3A_365 = arith.sitofp %convert_element_type3A_364 : vector<16xi32> to vector<16xf32>
    %max3A_366 = arith.constant 0 : i32
    %max3A_367 = vector.broadcast %max3A_366 : i32 to vector<16xi32>
    %max3A_368 = arith.maxsi %add3A_356, %max3A_367 : vector<16xi32>
    %min3A_369 = arith.constant 63 : i32
    %min3A_370 = vector.broadcast %min3A_369 : i32 to vector<16xi32>
    %min3A_371 = arith.minsi %max3A_368, %min3A_370 : vector<16xi32>
    %mul3A_372 = arith.constant 64 : i32
    %mul3A_373 = vector.broadcast %mul3A_372 : i32 to vector<16xi32>
    %mul3A_374 = arith.muli %min3A_371, %mul3A_373 : vector<16xi32>
    %add3A_375 = vector.broadcast %select_n3A : i32 to vector<16xi32>
    %add3A_376 = arith.addi %add3A_375, %mul3A_374 : vector<16xi32>
    %mul3A_377 = arith.mulf %add3A_173, %convert_element_type3A_365 : vector<16xf32>
    %add3A_378 = arith.addi %add3A_376, %min3A_217 : vector<16xi32>
    %swap3A_379 = arith.constant 0 : i32
    %swap3A_380 = arith.index_cast %swap3A_379 : i32 to index
    %swap3A_381 = arith.constant 64 : index
    %swap3A_382 = tpu.vector_load %arg8[%swap3A_380, %swap3A_381] {strides = array<i32>} : memref<4x128xi32, #tpu.memory_space<vmem>>, vector<16xi32>,
    tpu.vector_store %arg8[%swap3A_380, %swap3A_381], %add3A_378 {strides = array<i32>} : memref<4x128xi32, #tpu.memory_space<vmem>>, vector<16xi32>,
    %broadcast_in_dim3A_383 = arith.constant 0 : i32
    %broadcast_in_dim3A_384 = vector.broadcast %broadcast_in_dim3A_383 : i32 to vector<16xi32>
    %mul3A_385 = arith.constant 16 : i32
    %mul3A_386 = vector.broadcast %mul3A_385 : i32 to vector<16xi32>
    %mul3A_387 = arith.muli %iota3A, %mul3A_386 : vector<16xi32>
    %add3A_388 = arith.constant 4 : i32
    %add3A_389 = vector.broadcast %add3A_388 : i32 to vector<16xi32>
    %add3A_390 = arith.addi %mul3A_387, %add3A_389 : vector<16xi32>
    %mul3A_391 = arith.mulf %mul3A_377, %mul3A_218 : vector<16xf32>
    tpu.vector_store_idx %arg10[%broadcast_in_dim3A_384, %add3A_390], %mul3A_391 : memref<2x256xf32, #tpu.memory_space<vmem>>[vector<16xi32>, vector<16xi32>], vector<16xf32>,
    %add3A_392 = arith.addi %add3A_376, %min3A_236 : vector<16xi32>
    %swap3A_393 = arith.constant 0 : i32
    %swap3A_394 = arith.index_cast %swap3A_393 : i32 to index
    %swap3A_395 = arith.constant 80 : index
    %swap3A_396 = tpu.vector_load %arg8[%swap3A_394, %swap3A_395] {strides = array<i32>} : memref<4x128xi32, #tpu.memory_space<vmem>>, vector<16xi32>,
    tpu.vector_store %arg8[%swap3A_394, %swap3A_395], %add3A_392 {strides = array<i32>} : memref<4x128xi32, #tpu.memory_space<vmem>>, vector<16xi32>,
    %broadcast_in_dim3A_397 = arith.constant 0 : i32
    %broadcast_in_dim3A_398 = vector.broadcast %broadcast_in_dim3A_397 : i32 to vector<16xi32>
    %mul3A_399 = arith.constant 16 : i32
    %mul3A_400 = vector.broadcast %mul3A_399 : i32 to vector<16xi32>
    %mul3A_401 = arith.muli %iota3A, %mul3A_400 : vector<16xi32>
    %add3A_402 = arith.constant 5 : i32
    %add3A_403 = vector.broadcast %add3A_402 : i32 to vector<16xi32>
    %add3A_404 = arith.addi %mul3A_401, %add3A_403 : vector<16xi32>
    %mul3A_405 = arith.mulf %mul3A_377, %mul3A_237 : vector<16xf32>
    tpu.vector_store_idx %arg10[%broadcast_in_dim3A_398, %add3A_404], %mul3A_405 : memref<2x256xf32, #tpu.memory_space<vmem>>[vector<16xi32>, vector<16xi32>], vector<16xf32>,
    %add3A_406 = arith.addi %add3A_376, %min3A_255 : vector<16xi32>
    %swap3A_407 = arith.constant 0 : i32
    %swap3A_408 = arith.index_cast %swap3A_407 : i32 to index
    %swap3A_409 = arith.constant 96 : index
    %swap3A_410 = tpu.vector_load %arg8[%swap3A_408, %swap3A_409] {strides = array<i32>} : memref<4x128xi32, #tpu.memory_space<vmem>>, vector<16xi32>,
    tpu.vector_store %arg8[%swap3A_408, %swap3A_409], %add3A_406 {strides = array<i32>} : memref<4x128xi32, #tpu.memory_space<vmem>>, vector<16xi32>,
    %broadcast_in_dim3A_411 = arith.constant 0 : i32
    %broadcast_in_dim3A_412 = vector.broadcast %broadcast_in_dim3A_411 : i32 to vector<16xi32>
    %mul3A_413 = arith.constant 16 : i32
    %mul3A_414 = vector.broadcast %mul3A_413 : i32 to vector<16xi32>
    %mul3A_415 = arith.muli %iota3A, %mul3A_414 : vector<16xi32>
    %add3A_416 = arith.constant 6 : i32
    %add3A_417 = vector.broadcast %add3A_416 : i32 to vector<16xi32>
    %add3A_418 = arith.addi %mul3A_415, %add3A_417 : vector<16xi32>
    %mul3A_419 = arith.mulf %mul3A_377, %mul3A_256 : vector<16xf32>
    tpu.vector_store_idx %arg10[%broadcast_in_dim3A_412, %add3A_418], %mul3A_419 : memref<2x256xf32, #tpu.memory_space<vmem>>[vector<16xi32>, vector<16xi32>], vector<16xf32>,
    %add3A_420 = arith.addi %add3A_376, %min3A_274 : vector<16xi32>
    %swap3A_421 = arith.constant 0 : i32
    %swap3A_422 = arith.index_cast %swap3A_421 : i32 to index
    %swap3A_423 = arith.constant 112 : index
    %swap3A_424 = tpu.vector_load %arg8[%swap3A_422, %swap3A_423] {strides = array<i32>} : memref<4x128xi32, #tpu.memory_space<vmem>>, vector<16xi32>,
    tpu.vector_store %arg8[%swap3A_422, %swap3A_423], %add3A_420 {strides = array<i32>} : memref<4x128xi32, #tpu.memory_space<vmem>>, vector<16xi32>,
    %broadcast_in_dim3A_425 = arith.constant 0 : i32
    %broadcast_in_dim3A_426 = vector.broadcast %broadcast_in_dim3A_425 : i32 to vector<16xi32>
    %mul3A_427 = arith.constant 16 : i32
    %mul3A_428 = vector.broadcast %mul3A_427 : i32 to vector<16xi32>
    %mul3A_429 = arith.muli %iota3A, %mul3A_428 : vector<16xi32>
    %add3A_430 = arith.constant 7 : i32
    %add3A_431 = vector.broadcast %add3A_430 : i32 to vector<16xi32>
    %add3A_432 = arith.addi %mul3A_429, %add3A_431 : vector<16xi32>
    %mul3A_433 = arith.mulf %mul3A_377, %mul3A_275 : vector<16xf32>
    tpu.vector_store_idx %arg10[%broadcast_in_dim3A_426, %add3A_432], %mul3A_433 : memref<2x256xf32, #tpu.memory_space<vmem>>[vector<16xi32>, vector<16xi32>], vector<16xf32>,
    %add3A_434 = arith.constant 1 : i32
    %add3A_435 = vector.broadcast %add3A_434 : i32 to vector<16xi32>
    %add3A_436 = arith.addi %sub3A_62, %add3A_435 : vector<16xi32>
    %ge3A_437 = arith.constant 0 : i32
    %ge3A_438 = vector.broadcast %ge3A_437 : i32 to vector<16xi32>
    %ge3A_439 = arith.cmpi sge, %add3A_436, %ge3A_438 : vector<16xi32>
    %lt3A_440 = arith.constant 64 : i32
    %lt3A_441 = vector.broadcast %lt3A_440 : i32 to vector<16xi32>
    %lt3A_442 = arith.cmpi slt, %add3A_436, %lt3A_441 : vector<16xi32>
    %and3A_443 = arith.andi %ge3A_439, %lt3A_442 : vector<16xi1>
    %convert_element_type3A_444 = arith.extui %and3A_443 : vector<16xi1> to vector<16xi32>
    %convert_element_type3A_445 = arith.sitofp %convert_element_type3A_444 : vector<16xi32> to vector<16xf32>
    %max3A_446 = arith.constant 0 : i32
    %max3A_447 = vector.broadcast %max3A_446 : i32 to vector<16xi32>
    %max3A_448 = arith.maxsi %add3A_436, %max3A_447 : vector<16xi32>
    %min3A_449 = arith.constant 63 : i32
    %min3A_450 = vector.broadcast %min3A_449 : i32 to vector<16xi32>
    %min3A_451 = arith.minsi %max3A_448, %min3A_450 : vector<16xi32>
    %mul3A_452 = arith.constant 64 : i32
    %mul3A_453 = vector.broadcast %mul3A_452 : i32 to vector<16xi32>
    %mul3A_454 = arith.muli %min3A_451, %mul3A_453 : vector<16xi32>
    %add3A_455 = vector.broadcast %select_n3A : i32 to vector<16xi32>
    %add3A_456 = arith.addi %add3A_455, %mul3A_454 : vector<16xi32>
    %mul3A_457 = arith.mulf %add3A_186, %convert_element_type3A_445 : vector<16xf32>
    %add3A_458 = arith.addi %add3A_456, %min3A_217 : vector<16xi32>
    %swap3A_459 = arith.constant 1 : i32
    %swap3A_460 = arith.index_cast %swap3A_459 : i32 to index
    %swap3A_461 = arith.constant 0 : index
    %swap3A_462 = tpu.vector_load %arg8[%swap3A_460, %swap3A_461] {strides = array<i32>} : memref<4x128xi32, #tpu.memory_space<vmem>>, vector<16xi32>,
    tpu.vector_store %arg8[%swap3A_460, %swap3A_461], %add3A_458 {strides = array<i32>} : memref<4x128xi32, #tpu.memory_space<vmem>>, vector<16xi32>,
    %broadcast_in_dim3A_463 = arith.constant 0 : i32
    %broadcast_in_dim3A_464 = vector.broadcast %broadcast_in_dim3A_463 : i32 to vector<16xi32>
    %mul3A_465 = arith.constant 16 : i32
    %mul3A_466 = vector.broadcast %mul3A_465 : i32 to vector<16xi32>
    %mul3A_467 = arith.muli %iota3A, %mul3A_466 : vector<16xi32>
    %add3A_468 = arith.constant 8 : i32
    %add3A_469 = vector.broadcast %add3A_468 : i32 to vector<16xi32>
    %add3A_470 = arith.addi %mul3A_467, %add3A_469 : vector<16xi32>
    %mul3A_471 = arith.mulf %mul3A_457, %mul3A_218 : vector<16xf32>
    tpu.vector_store_idx %arg10[%broadcast_in_dim3A_464, %add3A_470], %mul3A_471 : memref<2x256xf32, #tpu.memory_space<vmem>>[vector<16xi32>, vector<16xi32>], vector<16xf32>,
    %add3A_472 = arith.addi %add3A_456, %min3A_236 : vector<16xi32>
    %swap3A_473 = arith.constant 1 : i32
    %swap3A_474 = arith.index_cast %swap3A_473 : i32 to index
    %swap3A_475 = arith.constant 16 : index
    %swap3A_476 = tpu.vector_load %arg8[%swap3A_474, %swap3A_475] {strides = array<i32>} : memref<4x128xi32, #tpu.memory_space<vmem>>, vector<16xi32>,
    tpu.vector_store %arg8[%swap3A_474, %swap3A_475], %add3A_472 {strides = array<i32>} : memref<4x128xi32, #tpu.memory_space<vmem>>, vector<16xi32>,
    %broadcast_in_dim3A_477 = arith.constant 0 : i32
    %broadcast_in_dim3A_478 = vector.broadcast %broadcast_in_dim3A_477 : i32 to vector<16xi32>
    %mul3A_479 = arith.constant 16 : i32
    %mul3A_480 = vector.broadcast %mul3A_479 : i32 to vector<16xi32>
    %mul3A_481 = arith.muli %iota3A, %mul3A_480 : vector<16xi32>
    %add3A_482 = arith.constant 9 : i32
    %add3A_483 = vector.broadcast %add3A_482 : i32 to vector<16xi32>
    %add3A_484 = arith.addi %mul3A_481, %add3A_483 : vector<16xi32>
    %mul3A_485 = arith.mulf %mul3A_457, %mul3A_237 : vector<16xf32>
    tpu.vector_store_idx %arg10[%broadcast_in_dim3A_478, %add3A_484], %mul3A_485 : memref<2x256xf32, #tpu.memory_space<vmem>>[vector<16xi32>, vector<16xi32>], vector<16xf32>,
    %add3A_486 = arith.addi %add3A_456, %min3A_255 : vector<16xi32>
    %swap3A_487 = arith.constant 1 : i32
    %swap3A_488 = arith.index_cast %swap3A_487 : i32 to index
    %swap3A_489 = arith.constant 32 : index
    %swap3A_490 = tpu.vector_load %arg8[%swap3A_488, %swap3A_489] {strides = array<i32>} : memref<4x128xi32, #tpu.memory_space<vmem>>, vector<16xi32>,
    tpu.vector_store %arg8[%swap3A_488, %swap3A_489], %add3A_486 {strides = array<i32>} : memref<4x128xi32, #tpu.memory_space<vmem>>, vector<16xi32>,
    %broadcast_in_dim3A_491 = arith.constant 0 : i32
    %broadcast_in_dim3A_492 = vector.broadcast %broadcast_in_dim3A_491 : i32 to vector<16xi32>
    %mul3A_493 = arith.constant 16 : i32
    %mul3A_494 = vector.broadcast %mul3A_493 : i32 to vector<16xi32>
    %mul3A_495 = arith.muli %iota3A, %mul3A_494 : vector<16xi32>
    %add3A_496 = arith.constant 10 : i32
    %add3A_497 = vector.broadcast %add3A_496 : i32 to vector<16xi32>
    %add3A_498 = arith.addi %mul3A_495, %add3A_497 : vector<16xi32>
    %mul3A_499 = arith.mulf %mul3A_457, %mul3A_256 : vector<16xf32>
    tpu.vector_store_idx %arg10[%broadcast_in_dim3A_492, %add3A_498], %mul3A_499 : memref<2x256xf32, #tpu.memory_space<vmem>>[vector<16xi32>, vector<16xi32>], vector<16xf32>,
    %add3A_500 = arith.addi %add3A_456, %min3A_274 : vector<16xi32>
    %swap3A_501 = arith.constant 1 : i32
    %swap3A_502 = arith.index_cast %swap3A_501 : i32 to index
    %swap3A_503 = arith.constant 48 : index
    %swap3A_504 = tpu.vector_load %arg8[%swap3A_502, %swap3A_503] {strides = array<i32>} : memref<4x128xi32, #tpu.memory_space<vmem>>, vector<16xi32>,
    tpu.vector_store %arg8[%swap3A_502, %swap3A_503], %add3A_500 {strides = array<i32>} : memref<4x128xi32, #tpu.memory_space<vmem>>, vector<16xi32>,
    %broadcast_in_dim3A_505 = arith.constant 0 : i32
    %broadcast_in_dim3A_506 = vector.broadcast %broadcast_in_dim3A_505 : i32 to vector<16xi32>
    %mul3A_507 = arith.constant 16 : i32
    %mul3A_508 = vector.broadcast %mul3A_507 : i32 to vector<16xi32>
    %mul3A_509 = arith.muli %iota3A, %mul3A_508 : vector<16xi32>
    %add3A_510 = arith.constant 11 : i32
    %add3A_511 = vector.broadcast %add3A_510 : i32 to vector<16xi32>
    %add3A_512 = arith.addi %mul3A_509, %add3A_511 : vector<16xi32>
    %mul3A_513 = arith.mulf %mul3A_457, %mul3A_275 : vector<16xf32>
    tpu.vector_store_idx %arg10[%broadcast_in_dim3A_506, %add3A_512], %mul3A_513 : memref<2x256xf32, #tpu.memory_space<vmem>>[vector<16xi32>, vector<16xi32>], vector<16xf32>,
    %add3A_514 = arith.constant 2 : i32
    %add3A_515 = vector.broadcast %add3A_514 : i32 to vector<16xi32>
    %add3A_516 = arith.addi %sub3A_62, %add3A_515 : vector<16xi32>
    %ge3A_517 = arith.constant 0 : i32
    %ge3A_518 = vector.broadcast %ge3A_517 : i32 to vector<16xi32>
    %ge3A_519 = arith.cmpi sge, %add3A_516, %ge3A_518 : vector<16xi32>
    %lt3A_520 = arith.constant 64 : i32
    %lt3A_521 = vector.broadcast %lt3A_520 : i32 to vector<16xi32>
    %lt3A_522 = arith.cmpi slt, %add3A_516, %lt3A_521 : vector<16xi32>
    %and3A_523 = arith.andi %ge3A_519, %lt3A_522 : vector<16xi1>
    %convert_element_type3A_524 = arith.extui %and3A_523 : vector<16xi1> to vector<16xi32>
    %convert_element_type3A_525 = arith.sitofp %convert_element_type3A_524 : vector<16xi32> to vector<16xf32>
    %max3A_526 = arith.constant 0 : i32
    %max3A_527 = vector.broadcast %max3A_526 : i32 to vector<16xi32>
    %max3A_528 = arith.maxsi %add3A_516, %max3A_527 : vector<16xi32>
    %min3A_529 = arith.constant 63 : i32
    %min3A_530 = vector.broadcast %min3A_529 : i32 to vector<16xi32>
    %min3A_531 = arith.minsi %max3A_528, %min3A_530 : vector<16xi32>
    %mul3A_532 = arith.constant 64 : i32
    %mul3A_533 = vector.broadcast %mul3A_532 : i32 to vector<16xi32>
    %mul3A_534 = arith.muli %min3A_531, %mul3A_533 : vector<16xi32>
    %add3A_535 = vector.broadcast %select_n3A : i32 to vector<16xi32>
    %add3A_536 = arith.addi %add3A_535, %mul3A_534 : vector<16xi32>
    %mul3A_537 = arith.mulf %sub3A_203, %convert_element_type3A_525 : vector<16xf32>
    %add3A_538 = arith.addi %add3A_536, %min3A_217 : vector<16xi32>
    %swap3A_539 = arith.constant 1 : i32
    %swap3A_540 = arith.index_cast %swap3A_539 : i32 to index
    %swap3A_541 = arith.constant 64 : index
    %swap3A_542 = tpu.vector_load %arg8[%swap3A_540, %swap3A_541] {strides = array<i32>} : memref<4x128xi32, #tpu.memory_space<vmem>>, vector<16xi32>,
    tpu.vector_store %arg8[%swap3A_540, %swap3A_541], %add3A_538 {strides = array<i32>} : memref<4x128xi32, #tpu.memory_space<vmem>>, vector<16xi32>,
    %broadcast_in_dim3A_543 = arith.constant 0 : i32
    %broadcast_in_dim3A_544 = vector.broadcast %broadcast_in_dim3A_543 : i32 to vector<16xi32>
    %mul3A_545 = arith.constant 16 : i32
    %mul3A_546 = vector.broadcast %mul3A_545 : i32 to vector<16xi32>
    %mul3A_547 = arith.muli %iota3A, %mul3A_546 : vector<16xi32>
    %add3A_548 = arith.constant 12 : i32
    %add3A_549 = vector.broadcast %add3A_548 : i32 to vector<16xi32>
    %add3A_550 = arith.addi %mul3A_547, %add3A_549 : vector<16xi32>
    %mul3A_551 = arith.mulf %mul3A_537, %mul3A_218 : vector<16xf32>
    tpu.vector_store_idx %arg10[%broadcast_in_dim3A_544, %add3A_550], %mul3A_551 : memref<2x256xf32, #tpu.memory_space<vmem>>[vector<16xi32>, vector<16xi32>], vector<16xf32>,
    %add3A_552 = arith.addi %add3A_536, %min3A_236 : vector<16xi32>
    %swap3A_553 = arith.constant 1 : i32
    %swap3A_554 = arith.index_cast %swap3A_553 : i32 to index
    %swap3A_555 = arith.constant 80 : index
    %swap3A_556 = tpu.vector_load %arg8[%swap3A_554, %swap3A_555] {strides = array<i32>} : memref<4x128xi32, #tpu.memory_space<vmem>>, vector<16xi32>,
    tpu.vector_store %arg8[%swap3A_554, %swap3A_555], %add3A_552 {strides = array<i32>} : memref<4x128xi32, #tpu.memory_space<vmem>>, vector<16xi32>,
    %broadcast_in_dim3A_557 = arith.constant 0 : i32
    %broadcast_in_dim3A_558 = vector.broadcast %broadcast_in_dim3A_557 : i32 to vector<16xi32>
    %mul3A_559 = arith.constant 16 : i32
    %mul3A_560 = vector.broadcast %mul3A_559 : i32 to vector<16xi32>
    %mul3A_561 = arith.muli %iota3A, %mul3A_560 : vector<16xi32>
    %add3A_562 = arith.constant 13 : i32
    %add3A_563 = vector.broadcast %add3A_562 : i32 to vector<16xi32>
    %add3A_564 = arith.addi %mul3A_561, %add3A_563 : vector<16xi32>
    %mul3A_565 = arith.mulf %mul3A_537, %mul3A_237 : vector<16xf32>
    tpu.vector_store_idx %arg10[%broadcast_in_dim3A_558, %add3A_564], %mul3A_565 : memref<2x256xf32, #tpu.memory_space<vmem>>[vector<16xi32>, vector<16xi32>], vector<16xf32>,
    %add3A_566 = arith.addi %add3A_536, %min3A_255 : vector<16xi32>
    %swap3A_567 = arith.constant 1 : i32
    %swap3A_568 = arith.index_cast %swap3A_567 : i32 to index
    %swap3A_569 = arith.constant 96 : index
    %swap3A_570 = tpu.vector_load %arg8[%swap3A_568, %swap3A_569] {strides = array<i32>} : memref<4x128xi32, #tpu.memory_space<vmem>>, vector<16xi32>,
    tpu.vector_store %arg8[%swap3A_568, %swap3A_569], %add3A_566 {strides = array<i32>} : memref<4x128xi32, #tpu.memory_space<vmem>>, vector<16xi32>,
    %broadcast_in_dim3A_571 = arith.constant 0 : i32
    %broadcast_in_dim3A_572 = vector.broadcast %broadcast_in_dim3A_571 : i32 to vector<16xi32>
    %mul3A_573 = arith.constant 16 : i32
    %mul3A_574 = vector.broadcast %mul3A_573 : i32 to vector<16xi32>
    %mul3A_575 = arith.muli %iota3A, %mul3A_574 : vector<16xi32>
    %add3A_576 = arith.constant 14 : i32
    %add3A_577 = vector.broadcast %add3A_576 : i32 to vector<16xi32>
    %add3A_578 = arith.addi %mul3A_575, %add3A_577 : vector<16xi32>
    %mul3A_579 = arith.mulf %mul3A_537, %mul3A_256 : vector<16xf32>
    tpu.vector_store_idx %arg10[%broadcast_in_dim3A_572, %add3A_578], %mul3A_579 : memref<2x256xf32, #tpu.memory_space<vmem>>[vector<16xi32>, vector<16xi32>], vector<16xf32>,
    %add3A_580 = arith.addi %add3A_536, %min3A_274 : vector<16xi32>
    %swap3A_581 = arith.constant 1 : i32
    %swap3A_582 = arith.index_cast %swap3A_581 : i32 to index
    %swap3A_583 = arith.constant 112 : index
    %swap3A_584 = tpu.vector_load %arg8[%swap3A_582, %swap3A_583] {strides = array<i32>} : memref<4x128xi32, #tpu.memory_space<vmem>>, vector<16xi32>,
    tpu.vector_store %arg8[%swap3A_582, %swap3A_583], %add3A_580 {strides = array<i32>} : memref<4x128xi32, #tpu.memory_space<vmem>>, vector<16xi32>,
    %broadcast_in_dim3A_585 = arith.constant 0 : i32
    %broadcast_in_dim3A_586 = vector.broadcast %broadcast_in_dim3A_585 : i32 to vector<16xi32>
    %mul3A_587 = arith.constant 16 : i32
    %mul3A_588 = vector.broadcast %mul3A_587 : i32 to vector<16xi32>
    %mul3A_589 = arith.muli %iota3A, %mul3A_588 : vector<16xi32>
    %add3A_590 = arith.constant 15 : i32
    %add3A_591 = vector.broadcast %add3A_590 : i32 to vector<16xi32>
    %add3A_592 = arith.addi %mul3A_589, %add3A_591 : vector<16xi32>
    %mul3A_593 = arith.mulf %mul3A_537, %mul3A_275 : vector<16xf32>
    tpu.vector_store_idx %arg10[%broadcast_in_dim3A_586, %add3A_592], %mul3A_593 : memref<2x256xf32, #tpu.memory_space<vmem>>[vector<16xi32>, vector<16xi32>], vector<16xf32>,
    %dma_start3A = arith.constant 0 : i32
    %dma_start3A_594 = arith.constant 0 : i32
    %dma_start3A_595 = arith.constant 0 : i32
    %dma_start3A_596 = arith.constant 0 : i32
    %dma_start3A_597 = tpu.memref_slice %arg9[%dma_start3A_594, %dma_start3A_595, %dma_start3A_596] : memref<4x128x64xf32, #tpu.memory_space<vmem>> -> memref<1x128x64xf32, #tpu.memory_space<vmem>>
    %dma_start3A_598 = tpu.memref_squeeze %dma_start3A_597 : memref<1x128x64xf32, #tpu.memory_space<vmem>> -> memref<128x64xf32, #tpu.memory_space<vmem>>
    %dma_start3A_599 = arith.constant 0 : i32
    %dma_start3A_600 = tpu.memref_slice %arg8[%dma_start3A, %dma_start3A_599] : memref<4x128xi32, #tpu.memory_space<vmem>> -> memref<1x128xi32, #tpu.memory_space<vmem>>
    %dma_start3A_601 = tpu.memref_squeeze %dma_start3A_600 : memref<1x128xi32, #tpu.memory_space<vmem>> -> memref<128xi32, #tpu.memory_space<vmem>>
    %dma_start3A_602 = arith.constant 0 : i32
    %dma_start3A_603 = arith.constant 0 : i32
    %dma_start3A_604 = tpu.memref_slice %arg2[%dma_start3A_602, %dma_start3A_603] : memref<8192x64xf32, #tpu.memory_space<hbm>> -> memref<8192x64xf32, #tpu.memory_space<hbm>>
    tpu.enqueue_indirect_dma source(%dma_start3A_604 : memref<8192x64xf32, #tpu.memory_space<hbm>>) target(%dma_start3A_598 : memref<128x64xf32, #tpu.memory_space<vmem>>) offsets(%dma_start3A_601 : memref<128xi32, #tpu.memory_space<vmem>>) semaphore(%arg12 : memref<!tpu.dma_semaphore, #tpu.memory_space<semaphore_mem>>)
    %dma_start3A_605 = arith.constant 1 : i32
    %dma_start3A_606 = arith.constant 1 : i32
    %dma_start3A_607 = arith.constant 0 : i32
    %dma_start3A_608 = arith.constant 0 : i32
    %dma_start3A_609 = tpu.memref_slice %arg9[%dma_start3A_606, %dma_start3A_607, %dma_start3A_608] : memref<4x128x64xf32, #tpu.memory_space<vmem>> -> memref<1x128x64xf32, #tpu.memory_space<vmem>>
    %dma_start3A_610 = tpu.memref_squeeze %dma_start3A_609 : memref<1x128x64xf32, #tpu.memory_space<vmem>> -> memref<128x64xf32, #tpu.memory_space<vmem>>
    %dma_start3A_611 = arith.constant 0 : i32
    %dma_start3A_612 = tpu.memref_slice %arg8[%dma_start3A_605, %dma_start3A_611] : memref<4x128xi32, #tpu.memory_space<vmem>> -> memref<1x128xi32, #tpu.memory_space<vmem>>
    %dma_start3A_613 = tpu.memref_squeeze %dma_start3A_612 : memref<1x128xi32, #tpu.memory_space<vmem>> -> memref<128xi32, #tpu.memory_space<vmem>>
    %dma_start3A_614 = arith.constant 0 : i32
    %dma_start3A_615 = arith.constant 0 : i32
    %dma_start3A_616 = tpu.memref_slice %arg2[%dma_start3A_614, %dma_start3A_615] : memref<8192x64xf32, #tpu.memory_space<hbm>> -> memref<8192x64xf32, #tpu.memory_space<hbm>>
    tpu.enqueue_indirect_dma source(%dma_start3A_616 : memref<8192x64xf32, #tpu.memory_space<hbm>>) target(%dma_start3A_610 : memref<128x64xf32, #tpu.memory_space<vmem>>) offsets(%dma_start3A_613 : memref<128xi32, #tpu.memory_space<vmem>>) semaphore(%arg13 : memref<!tpu.dma_semaphore, #tpu.memory_space<semaphore_mem>>)
    %scan3A = arith.constant 0 : i32
    %scan3A_617 = arith.constant 0 : i32
    %scan3A_618 = arith.constant 16 : i32
    %scan3A_619 = arith.addi %scan3A_617, %scan3A_618 : i32
    %scan3A_620 = arith.constant 1 : i32
    scf.for %scan3A_622 = %scan3A_617 to %scan3A_619 step %scan3A_620  : i32 {
      %mul3A_623 = arith.constant 2 : i32
      %mul3A_624 = arith.muli %mul3A_623, %scan3A_622 : i32
      %add3A_625 = arith.constant 1 : i32
      %add3A_626 = arith.addi %mul3A_624, %add3A_625 : i32
      %mul3A_627 = arith.constant 16 : i32
      %mul3A_628 = arith.muli %add3A_626, %mul3A_627 : i32
      %get3A_629 = arith.index_cast %mul3A_628 : i32 to index
      %get3A_630 = tpu.vector_load %arg6[%get3A_629] {strides = array<i32>} : memref<512xf32, #tpu.memory_space<vmem>>, vector<16xf32>,
      %get3A_631 = arith.index_cast %mul3A_628 : i32 to index
      %get3A_632 = tpu.vector_load %arg7[%get3A_631] {strides = array<i32>} : memref<512xf32, #tpu.memory_space<vmem>>, vector<16xf32>,
      %div3A_633 = arith.constant 8.000000e+00 : f32
      %div3A_634 = vector.broadcast %div3A_633 : f32 to vector<16xf32>
      %div3A_635 = arith.divf %get3A_630, %div3A_634 : vector<16xf32>
      %div3A_636 = arith.constant 8.000000e+00 : f32
      %div3A_637 = vector.broadcast %div3A_636 : f32 to vector<16xf32>
      %div3A_638 = arith.divf %get3A_632, %div3A_637 : vector<16xf32>
      %div3A_639 = arith.constant 6.300000e+01 : f32
      %div3A_640 = vector.broadcast %div3A_639 : f32 to vector<16xf32>
      %div3A_641 = arith.divf %div3A_635, %div3A_640 : vector<16xf32>
      %mul3A_642 = arith.constant 2.000000e+00 : f32
      %mul3A_643 = vector.broadcast %mul3A_642 : f32 to vector<16xf32>
      %mul3A_644 = arith.mulf %mul3A_643, %div3A_641 : vector<16xf32>
      %sub3A_645 = arith.constant 1.000000e+00 : f32
      %sub3A_646 = vector.broadcast %sub3A_645 : f32 to vector<16xf32>
      %sub3A_647 = arith.subf %mul3A_644, %sub3A_646 : vector<16xf32>
      %div3A_648 = arith.constant 6.300000e+01 : f32
      %div3A_649 = vector.broadcast %div3A_648 : f32 to vector<16xf32>
      %div3A_650 = arith.divf %div3A_638, %div3A_649 : vector<16xf32>
      %mul3A_651 = arith.constant 2.000000e+00 : f32
      %mul3A_652 = vector.broadcast %mul3A_651 : f32 to vector<16xf32>
      %mul3A_653 = arith.mulf %mul3A_652, %div3A_650 : vector<16xf32>
      %sub3A_654 = arith.constant 1.000000e+00 : f32
      %sub3A_655 = vector.broadcast %sub3A_654 : f32 to vector<16xf32>
      %sub3A_656 = arith.subf %mul3A_653, %sub3A_655 : vector<16xf32>
      %add3A_657 = arith.constant 1.000000e+00 : f32
      %add3A_658 = vector.broadcast %add3A_657 : f32 to vector<16xf32>
      %add3A_659 = arith.addf %sub3A_647, %add3A_658 : vector<16xf32>
      %mul3A_660 = arith.constant 6.400000e+01 : f32
      %mul3A_661 = vector.broadcast %mul3A_660 : f32 to vector<16xf32>
      %mul3A_662 = arith.mulf %add3A_659, %mul3A_661 : vector<16xf32>
      %sub3A_663 = arith.constant 1.000000e+00 : f32
      %sub3A_664 = vector.broadcast %sub3A_663 : f32 to vector<16xf32>
      %sub3A_665 = arith.subf %mul3A_662, %sub3A_664 : vector<16xf32>
      %div3A_666 = arith.constant 2.000000e+00 : f32
      %div3A_667 = vector.broadcast %div3A_666 : f32 to vector<16xf32>
      %div3A_668 = arith.divf %sub3A_665, %div3A_667 : vector<16xf32>
      %add3A_669 = arith.constant 1.000000e+00 : f32
      %add3A_670 = vector.broadcast %add3A_669 : f32 to vector<16xf32>
      %add3A_671 = arith.addf %sub3A_656, %add3A_670 : vector<16xf32>
      %mul3A_672 = arith.constant 6.400000e+01 : f32
      %mul3A_673 = vector.broadcast %mul3A_672 : f32 to vector<16xf32>
      %mul3A_674 = arith.mulf %add3A_671, %mul3A_673 : vector<16xf32>
      %sub3A_675 = arith.constant 1.000000e+00 : f32
      %sub3A_676 = vector.broadcast %sub3A_675 : f32 to vector<16xf32>
      %sub3A_677 = arith.subf %mul3A_674, %sub3A_676 : vector<16xf32>
      %div3A_678 = arith.constant 2.000000e+00 : f32
      %div3A_679 = vector.broadcast %div3A_678 : f32 to vector<16xf32>
      %div3A_680 = arith.divf %sub3A_677, %div3A_679 : vector<16xf32>
      %convert_element_type3A_681 = arith.fptosi %div3A_668 : vector<16xf32> to vector<16xi32>
      %convert_element_type3A_682 = arith.sitofp %convert_element_type3A_681 : vector<16xi32> to vector<16xf32>
      %gt3A_683 = arith.cmpf ogt, %convert_element_type3A_682, %div3A_668 : vector<16xf32>
      %convert_element_type3A_684 = arith.extui %gt3A_683 : vector<16xi1> to vector<16xi32>
      %sub3A_685 = arith.subi %convert_element_type3A_681, %convert_element_type3A_684 : vector<16xi32>
      %convert_element_type3A_686 = arith.sitofp %sub3A_685 : vector<16xi32> to vector<16xf32>
      %convert_element_type3A_687 = arith.fptosi %div3A_680 : vector<16xf32> to vector<16xi32>
      %convert_element_type3A_688 = arith.sitofp %convert_element_type3A_687 : vector<16xi32> to vector<16xf32>
      %gt3A_689 = arith.cmpf ogt, %convert_element_type3A_688, %div3A_680 : vector<16xf32>
      %convert_element_type3A_690 = arith.extui %gt3A_689 : vector<16xi1> to vector<16xi32>
      %sub3A_691 = arith.subi %convert_element_type3A_687, %convert_element_type3A_690 : vector<16xi32>
      %convert_element_type3A_692 = arith.sitofp %sub3A_691 : vector<16xi32> to vector<16xf32>
      %sub3A_693 = arith.subf %div3A_668, %convert_element_type3A_686 : vector<16xf32>
      %sub3A_694 = arith.subf %div3A_680, %convert_element_type3A_692 : vector<16xf32>
      %add3A_695 = arith.constant 1.000000e+00 : f32
      %add3A_696 = vector.broadcast %add3A_695 : f32 to vector<16xf32>
      %add3A_697 = arith.addf %sub3A_693, %add3A_696 : vector<16xf32>
      %sub3A_698 = arith.constant 1.000000e+00 : f32
      %sub3A_699 = vector.broadcast %sub3A_698 : f32 to vector<16xf32>
      %sub3A_700 = arith.subf %sub3A_699, %sub3A_693 : vector<16xf32>
      %sub3A_701 = arith.constant 2.000000e+00 : f32
      %sub3A_702 = vector.broadcast %sub3A_701 : f32 to vector<16xf32>
      %sub3A_703 = arith.subf %sub3A_702, %sub3A_693 : vector<16xf32>
      %mul3A_704 = arith.mulf %add3A_697, %add3A_697 : vector<16xf32>
      %mul3A_705 = arith.mulf %mul3A_704, %add3A_697 : vector<16xf32>
      %mul3A_706 = arith.constant -7.500000e-01 : f32
      %mul3A_707 = vector.broadcast %mul3A_706 : f32 to vector<16xf32>
      %mul3A_708 = arith.mulf %mul3A_707, %mul3A_705 : vector<16xf32>
      %mul3A_709 = arith.mulf %add3A_697, %add3A_697 : vector<16xf32>
      %mul3A_710 = arith.constant -3.750000e+00 : f32
      %mul3A_711 = vector.broadcast %mul3A_710 : f32 to vector<16xf32>
      %mul3A_712 = arith.mulf %mul3A_711, %mul3A_709 : vector<16xf32>
      %sub3A_713 = arith.subf %mul3A_708, %mul3A_712 : vector<16xf32>
      %mul3A_714 = arith.constant -6.000000e+00 : f32
      %mul3A_715 = vector.broadcast %mul3A_714 : f32 to vector<16xf32>
      %mul3A_716 = arith.mulf %mul3A_715, %add3A_697 : vector<16xf32>
      %add3A_717 = arith.addf %sub3A_713, %mul3A_716 : vector<16xf32>
      %sub3A_718 = arith.constant -3.000000e+00 : f32
      %sub3A_719 = vector.broadcast %sub3A_718 : f32 to vector<16xf32>
      %sub3A_720 = arith.subf %add3A_717, %sub3A_719 : vector<16xf32>
      %mul3A_721 = arith.mulf %sub3A_693, %sub3A_693 : vector<16xf32>
      %mul3A_722 = arith.mulf %mul3A_721, %sub3A_693 : vector<16xf32>
      %mul3A_723 = arith.constant 1.250000e+00 : f32
      %mul3A_724 = vector.broadcast %mul3A_723 : f32 to vector<16xf32>
      %mul3A_725 = arith.mulf %mul3A_724, %mul3A_722 : vector<16xf32>
      %mul3A_726 = arith.mulf %sub3A_693, %sub3A_693 : vector<16xf32>
      %mul3A_727 = arith.constant 2.250000e+00 : f32
      %mul3A_728 = vector.broadcast %mul3A_727 : f32 to vector<16xf32>
      %mul3A_729 = arith.mulf %mul3A_728, %mul3A_726 : vector<16xf32>
      %sub3A_730 = arith.subf %mul3A_725, %mul3A_729 : vector<16xf32>
      %add3A_731 = arith.constant 1.000000e+00 : f32
      %add3A_732 = vector.broadcast %add3A_731 : f32 to vector<16xf32>
      %add3A_733 = arith.addf %sub3A_730, %add3A_732 : vector<16xf32>
      %mul3A_734 = arith.mulf %sub3A_700, %sub3A_700 : vector<16xf32>
      %mul3A_735 = arith.mulf %mul3A_734, %sub3A_700 : vector<16xf32>
      %mul3A_736 = arith.constant 1.250000e+00 : f32
      %mul3A_737 = vector.broadcast %mul3A_736 : f32 to vector<16xf32>
      %mul3A_738 = arith.mulf %mul3A_737, %mul3A_735 : vector<16xf32>
      %mul3A_739 = arith.mulf %sub3A_700, %sub3A_700 : vector<16xf32>
      %mul3A_740 = arith.constant 2.250000e+00 : f32
      %mul3A_741 = vector.broadcast %mul3A_740 : f32 to vector<16xf32>
      %mul3A_742 = arith.mulf %mul3A_741, %mul3A_739 : vector<16xf32>
      %sub3A_743 = arith.subf %mul3A_738, %mul3A_742 : vector<16xf32>
      %add3A_744 = arith.constant 1.000000e+00 : f32
      %add3A_745 = vector.broadcast %add3A_744 : f32 to vector<16xf32>
      %add3A_746 = arith.addf %sub3A_743, %add3A_745 : vector<16xf32>
      %mul3A_747 = arith.mulf %sub3A_703, %sub3A_703 : vector<16xf32>
      %mul3A_748 = arith.mulf %mul3A_747, %sub3A_703 : vector<16xf32>
      %mul3A_749 = arith.constant -7.500000e-01 : f32
      %mul3A_750 = vector.broadcast %mul3A_749 : f32 to vector<16xf32>
      %mul3A_751 = arith.mulf %mul3A_750, %mul3A_748 : vector<16xf32>
      %mul3A_752 = arith.mulf %sub3A_703, %sub3A_703 : vector<16xf32>
      %mul3A_753 = arith.constant -3.750000e+00 : f32
      %mul3A_754 = vector.broadcast %mul3A_753 : f32 to vector<16xf32>
      %mul3A_755 = arith.mulf %mul3A_754, %mul3A_752 : vector<16xf32>
      %sub3A_756 = arith.subf %mul3A_751, %mul3A_755 : vector<16xf32>
      %mul3A_757 = arith.constant -6.000000e+00 : f32
      %mul3A_758 = vector.broadcast %mul3A_757 : f32 to vector<16xf32>
      %mul3A_759 = arith.mulf %mul3A_758, %sub3A_703 : vector<16xf32>
      %add3A_760 = arith.addf %sub3A_756, %mul3A_759 : vector<16xf32>
      %sub3A_761 = arith.constant -3.000000e+00 : f32
      %sub3A_762 = vector.broadcast %sub3A_761 : f32 to vector<16xf32>
      %sub3A_763 = arith.subf %add3A_760, %sub3A_762 : vector<16xf32>
      %add3A_764 = arith.constant 1.000000e+00 : f32
      %add3A_765 = vector.broadcast %add3A_764 : f32 to vector<16xf32>
      %add3A_766 = arith.addf %sub3A_694, %add3A_765 : vector<16xf32>
      %sub3A_767 = arith.constant 1.000000e+00 : f32
      %sub3A_768 = vector.broadcast %sub3A_767 : f32 to vector<16xf32>
      %sub3A_769 = arith.subf %sub3A_768, %sub3A_694 : vector<16xf32>
      %sub3A_770 = arith.constant 2.000000e+00 : f32
      %sub3A_771 = vector.broadcast %sub3A_770 : f32 to vector<16xf32>
      %sub3A_772 = arith.subf %sub3A_771, %sub3A_694 : vector<16xf32>
      %mul3A_773 = arith.mulf %add3A_766, %add3A_766 : vector<16xf32>
      %mul3A_774 = arith.mulf %mul3A_773, %add3A_766 : vector<16xf32>
      %mul3A_775 = arith.constant -7.500000e-01 : f32
      %mul3A_776 = vector.broadcast %mul3A_775 : f32 to vector<16xf32>
      %mul3A_777 = arith.mulf %mul3A_776, %mul3A_774 : vector<16xf32>
      %mul3A_778 = arith.mulf %add3A_766, %add3A_766 : vector<16xf32>
      %mul3A_779 = arith.constant -3.750000e+00 : f32
      %mul3A_780 = vector.broadcast %mul3A_779 : f32 to vector<16xf32>
      %mul3A_781 = arith.mulf %mul3A_780, %mul3A_778 : vector<16xf32>
      %sub3A_782 = arith.subf %mul3A_777, %mul3A_781 : vector<16xf32>
      %mul3A_783 = arith.constant -6.000000e+00 : f32
      %mul3A_784 = vector.broadcast %mul3A_783 : f32 to vector<16xf32>
      %mul3A_785 = arith.mulf %mul3A_784, %add3A_766 : vector<16xf32>
      %add3A_786 = arith.addf %sub3A_782, %mul3A_785 : vector<16xf32>
      %sub3A_787 = arith.constant -3.000000e+00 : f32
      %sub3A_788 = vector.broadcast %sub3A_787 : f32 to vector<16xf32>
      %sub3A_789 = arith.subf %add3A_786, %sub3A_788 : vector<16xf32>
      %mul3A_790 = arith.mulf %sub3A_694, %sub3A_694 : vector<16xf32>
      %mul3A_791 = arith.mulf %mul3A_790, %sub3A_694 : vector<16xf32>
      %mul3A_792 = arith.constant 1.250000e+00 : f32
      %mul3A_793 = vector.broadcast %mul3A_792 : f32 to vector<16xf32>
      %mul3A_794 = arith.mulf %mul3A_793, %mul3A_791 : vector<16xf32>
      %mul3A_795 = arith.mulf %sub3A_694, %sub3A_694 : vector<16xf32>
      %mul3A_796 = arith.constant 2.250000e+00 : f32
      %mul3A_797 = vector.broadcast %mul3A_796 : f32 to vector<16xf32>
      %mul3A_798 = arith.mulf %mul3A_797, %mul3A_795 : vector<16xf32>
      %sub3A_799 = arith.subf %mul3A_794, %mul3A_798 : vector<16xf32>
      %add3A_800 = arith.constant 1.000000e+00 : f32
      %add3A_801 = vector.broadcast %add3A_800 : f32 to vector<16xf32>
      %add3A_802 = arith.addf %sub3A_799, %add3A_801 : vector<16xf32>
      %mul3A_803 = arith.mulf %sub3A_769, %sub3A_769 : vector<16xf32>
      %mul3A_804 = arith.mulf %mul3A_803, %sub3A_769 : vector<16xf32>
      %mul3A_805 = arith.constant 1.250000e+00 : f32
      %mul3A_806 = vector.broadcast %mul3A_805 : f32 to vector<16xf32>
      %mul3A_807 = arith.mulf %mul3A_806, %mul3A_804 : vector<16xf32>
      %mul3A_808 = arith.mulf %sub3A_769, %sub3A_769 : vector<16xf32>
      %mul3A_809 = arith.constant 2.250000e+00 : f32
      %mul3A_810 = vector.broadcast %mul3A_809 : f32 to vector<16xf32>
      %mul3A_811 = arith.mulf %mul3A_810, %mul3A_808 : vector<16xf32>
      %sub3A_812 = arith.subf %mul3A_807, %mul3A_811 : vector<16xf32>
      %add3A_813 = arith.constant 1.000000e+00 : f32
      %add3A_814 = vector.broadcast %add3A_813 : f32 to vector<16xf32>
      %add3A_815 = arith.addf %sub3A_812, %add3A_814 : vector<16xf32>
      %mul3A_816 = arith.mulf %sub3A_772, %sub3A_772 : vector<16xf32>
      %mul3A_817 = arith.mulf %mul3A_816, %sub3A_772 : vector<16xf32>
      %mul3A_818 = arith.constant -7.500000e-01 : f32
      %mul3A_819 = vector.broadcast %mul3A_818 : f32 to vector<16xf32>
      %mul3A_820 = arith.mulf %mul3A_819, %mul3A_817 : vector<16xf32>
      %mul3A_821 = arith.mulf %sub3A_772, %sub3A_772 : vector<16xf32>
      %mul3A_822 = arith.constant -3.750000e+00 : f32
      %mul3A_823 = vector.broadcast %mul3A_822 : f32 to vector<16xf32>
      %mul3A_824 = arith.mulf %mul3A_823, %mul3A_821 : vector<16xf32>
      %sub3A_825 = arith.subf %mul3A_820, %mul3A_824 : vector<16xf32>
      %mul3A_826 = arith.constant -6.000000e+00 : f32
      %mul3A_827 = vector.broadcast %mul3A_826 : f32 to vector<16xf32>
      %mul3A_828 = arith.mulf %mul3A_827, %sub3A_772 : vector<16xf32>
      %add3A_829 = arith.addf %sub3A_825, %mul3A_828 : vector<16xf32>
      %sub3A_830 = arith.constant -3.000000e+00 : f32
      %sub3A_831 = vector.broadcast %sub3A_830 : f32 to vector<16xf32>
      %sub3A_832 = arith.subf %add3A_829, %sub3A_831 : vector<16xf32>
      %add3A_833 = arith.constant -1 : i32
      %add3A_834 = vector.broadcast %add3A_833 : i32 to vector<16xi32>
      %add3A_835 = arith.addi %sub3A_685, %add3A_834 : vector<16xi32>
      %ge3A_836 = arith.constant 0 : i32
      %ge3A_837 = vector.broadcast %ge3A_836 : i32 to vector<16xi32>
      %ge3A_838 = arith.cmpi sge, %add3A_835, %ge3A_837 : vector<16xi32>
      %lt3A_839 = arith.constant 64 : i32
      %lt3A_840 = vector.broadcast %lt3A_839 : i32 to vector<16xi32>
      %lt3A_841 = arith.cmpi slt, %add3A_835, %lt3A_840 : vector<16xi32>
      %and3A_842 = arith.andi %ge3A_838, %lt3A_841 : vector<16xi1>
      %convert_element_type3A_843 = arith.extui %and3A_842 : vector<16xi1> to vector<16xi32>
      %convert_element_type3A_844 = arith.sitofp %convert_element_type3A_843 : vector<16xi32> to vector<16xf32>
      %max3A_845 = arith.constant 0 : i32
      %max3A_846 = vector.broadcast %max3A_845 : i32 to vector<16xi32>
      %max3A_847 = arith.maxsi %add3A_835, %max3A_846 : vector<16xi32>
      %min3A_848 = arith.constant 63 : i32
      %min3A_849 = vector.broadcast %min3A_848 : i32 to vector<16xi32>
      %min3A_850 = arith.minsi %max3A_847, %min3A_849 : vector<16xi32>
      %mul3A_851 = arith.mulf %sub3A_720, %convert_element_type3A_844 : vector<16xf32>
      %add3A_852 = arith.constant 0 : i32
      %add3A_853 = vector.broadcast %add3A_852 : i32 to vector<16xi32>
      %add3A_854 = arith.addi %sub3A_685, %add3A_853 : vector<16xi32>
      %ge3A_855 = arith.constant 0 : i32
      %ge3A_856 = vector.broadcast %ge3A_855 : i32 to vector<16xi32>
      %ge3A_857 = arith.cmpi sge, %add3A_854, %ge3A_856 : vector<16xi32>
      %lt3A_858 = arith.constant 64 : i32
      %lt3A_859 = vector.broadcast %lt3A_858 : i32 to vector<16xi32>
      %lt3A_860 = arith.cmpi slt, %add3A_854, %lt3A_859 : vector<16xi32>
      %and3A_861 = arith.andi %ge3A_857, %lt3A_860 : vector<16xi1>
      %convert_element_type3A_862 = arith.extui %and3A_861 : vector<16xi1> to vector<16xi32>
      %convert_element_type3A_863 = arith.sitofp %convert_element_type3A_862 : vector<16xi32> to vector<16xf32>
      %max3A_864 = arith.constant 0 : i32
      %max3A_865 = vector.broadcast %max3A_864 : i32 to vector<16xi32>
      %max3A_866 = arith.maxsi %add3A_854, %max3A_865 : vector<16xi32>
      %min3A_867 = arith.constant 63 : i32
      %min3A_868 = vector.broadcast %min3A_867 : i32 to vector<16xi32>
      %min3A_869 = arith.minsi %max3A_866, %min3A_868 : vector<16xi32>
      %mul3A_870 = arith.mulf %add3A_733, %convert_element_type3A_863 : vector<16xf32>
      %add3A_871 = arith.constant 1 : i32
      %add3A_872 = vector.broadcast %add3A_871 : i32 to vector<16xi32>
      %add3A_873 = arith.addi %sub3A_685, %add3A_872 : vector<16xi32>
      %ge3A_874 = arith.constant 0 : i32
      %ge3A_875 = vector.broadcast %ge3A_874 : i32 to vector<16xi32>
      %ge3A_876 = arith.cmpi sge, %add3A_873, %ge3A_875 : vector<16xi32>
      %lt3A_877 = arith.constant 64 : i32
      %lt3A_878 = vector.broadcast %lt3A_877 : i32 to vector<16xi32>
      %lt3A_879 = arith.cmpi slt, %add3A_873, %lt3A_878 : vector<16xi32>
      %and3A_880 = arith.andi %ge3A_876, %lt3A_879 : vector<16xi1>
      %convert_element_type3A_881 = arith.extui %and3A_880 : vector<16xi1> to vector<16xi32>
      %convert_element_type3A_882 = arith.sitofp %convert_element_type3A_881 : vector<16xi32> to vector<16xf32>
      %max3A_883 = arith.constant 0 : i32
      %max3A_884 = vector.broadcast %max3A_883 : i32 to vector<16xi32>
      %max3A_885 = arith.maxsi %add3A_873, %max3A_884 : vector<16xi32>
      %min3A_886 = arith.constant 63 : i32
      %min3A_887 = vector.broadcast %min3A_886 : i32 to vector<16xi32>
      %min3A_888 = arith.minsi %max3A_885, %min3A_887 : vector<16xi32>
      %mul3A_889 = arith.mulf %add3A_746, %convert_element_type3A_882 : vector<16xf32>
      %add3A_890 = arith.constant 2 : i32
      %add3A_891 = vector.broadcast %add3A_890 : i32 to vector<16xi32>
      %add3A_892 = arith.addi %sub3A_685, %add3A_891 : vector<16xi32>
      %ge3A_893 = arith.constant 0 : i32
      %ge3A_894 = vector.broadcast %ge3A_893 : i32 to vector<16xi32>
      %ge3A_895 = arith.cmpi sge, %add3A_892, %ge3A_894 : vector<16xi32>
      %lt3A_896 = arith.constant 64 : i32
      %lt3A_897 = vector.broadcast %lt3A_896 : i32 to vector<16xi32>
      %lt3A_898 = arith.cmpi slt, %add3A_892, %lt3A_897 : vector<16xi32>
      %and3A_899 = arith.andi %ge3A_895, %lt3A_898 : vector<16xi1>
      %convert_element_type3A_900 = arith.extui %and3A_899 : vector<16xi1> to vector<16xi32>
      %convert_element_type3A_901 = arith.sitofp %convert_element_type3A_900 : vector<16xi32> to vector<16xf32>
      %max3A_902 = arith.constant 0 : i32
      %max3A_903 = vector.broadcast %max3A_902 : i32 to vector<16xi32>
      %max3A_904 = arith.maxsi %add3A_892, %max3A_903 : vector<16xi32>
      %min3A_905 = arith.constant 63 : i32
      %min3A_906 = vector.broadcast %min3A_905 : i32 to vector<16xi32>
      %min3A_907 = arith.minsi %max3A_904, %min3A_906 : vector<16xi32>
      %mul3A_908 = arith.mulf %sub3A_763, %convert_element_type3A_901 : vector<16xf32>
      %add3A_909 = arith.constant -1 : i32
      %add3A_910 = vector.broadcast %add3A_909 : i32 to vector<16xi32>
      %add3A_911 = arith.addi %sub3A_691, %add3A_910 : vector<16xi32>
      %ge3A_912 = arith.constant 0 : i32
      %ge3A_913 = vector.broadcast %ge3A_912 : i32 to vector<16xi32>
      %ge3A_914 = arith.cmpi sge, %add3A_911, %ge3A_913 : vector<16xi32>
      %lt3A_915 = arith.constant 64 : i32
      %lt3A_916 = vector.broadcast %lt3A_915 : i32 to vector<16xi32>
      %lt3A_917 = arith.cmpi slt, %add3A_911, %lt3A_916 : vector<16xi32>
      %and3A_918 = arith.andi %ge3A_914, %lt3A_917 : vector<16xi1>
      %convert_element_type3A_919 = arith.extui %and3A_918 : vector<16xi1> to vector<16xi32>
      %convert_element_type3A_920 = arith.sitofp %convert_element_type3A_919 : vector<16xi32> to vector<16xf32>
      %max3A_921 = arith.constant 0 : i32
      %max3A_922 = vector.broadcast %max3A_921 : i32 to vector<16xi32>
      %max3A_923 = arith.maxsi %add3A_911, %max3A_922 : vector<16xi32>
      %min3A_924 = arith.constant 63 : i32
      %min3A_925 = vector.broadcast %min3A_924 : i32 to vector<16xi32>
      %min3A_926 = arith.minsi %max3A_923, %min3A_925 : vector<16xi32>
      %mul3A_927 = arith.constant 64 : i32
      %mul3A_928 = vector.broadcast %mul3A_927 : i32 to vector<16xi32>
      %mul3A_929 = arith.muli %min3A_926, %mul3A_928 : vector<16xi32>
      %add3A_930 = vector.broadcast %select_n3A : i32 to vector<16xi32>
      %add3A_931 = arith.addi %add3A_930, %mul3A_929 : vector<16xi32>
      %mul3A_932 = arith.mulf %sub3A_789, %convert_element_type3A_920 : vector<16xf32>
      %add3A_933 = arith.addi %add3A_931, %min3A_850 : vector<16xi32>
      %swap3A_934 = arith.constant 2 : i32
      %swap3A_935 = arith.index_cast %swap3A_934 : i32 to index
      %swap3A_936 = arith.constant 0 : index
      %swap3A_937 = tpu.vector_load %arg8[%swap3A_935, %swap3A_936] {strides = array<i32>} : memref<4x128xi32, #tpu.memory_space<vmem>>, vector<16xi32>,
      tpu.vector_store %arg8[%swap3A_935, %swap3A_936], %add3A_933 {strides = array<i32>} : memref<4x128xi32, #tpu.memory_space<vmem>>, vector<16xi32>,
      %broadcast_in_dim3A_938 = arith.constant 1 : i32
      %broadcast_in_dim3A_939 = vector.broadcast %broadcast_in_dim3A_938 : i32 to vector<16xi32>
      %mul3A_940 = arith.constant 16 : i32
      %mul3A_941 = vector.broadcast %mul3A_940 : i32 to vector<16xi32>
      %mul3A_942 = arith.muli %iota3A, %mul3A_941 : vector<16xi32>
      %add3A_943 = arith.constant 0 : i32
      %add3A_944 = vector.broadcast %add3A_943 : i32 to vector<16xi32>
      %add3A_945 = arith.addi %mul3A_942, %add3A_944 : vector<16xi32>
      %mul3A_946 = arith.mulf %mul3A_932, %mul3A_851 : vector<16xf32>
      tpu.vector_store_idx %arg10[%broadcast_in_dim3A_939, %add3A_945], %mul3A_946 : memref<2x256xf32, #tpu.memory_space<vmem>>[vector<16xi32>, vector<16xi32>], vector<16xf32>,
      %add3A_947 = arith.addi %add3A_931, %min3A_869 : vector<16xi32>
      %swap3A_948 = arith.constant 2 : i32
      %swap3A_949 = arith.index_cast %swap3A_948 : i32 to index
      %swap3A_950 = arith.constant 16 : index
      %swap3A_951 = tpu.vector_load %arg8[%swap3A_949, %swap3A_950] {strides = array<i32>} : memref<4x128xi32, #tpu.memory_space<vmem>>, vector<16xi32>,
      tpu.vector_store %arg8[%swap3A_949, %swap3A_950], %add3A_947 {strides = array<i32>} : memref<4x128xi32, #tpu.memory_space<vmem>>, vector<16xi32>,
      %broadcast_in_dim3A_952 = arith.constant 1 : i32
      %broadcast_in_dim3A_953 = vector.broadcast %broadcast_in_dim3A_952 : i32 to vector<16xi32>
      %mul3A_954 = arith.constant 16 : i32
      %mul3A_955 = vector.broadcast %mul3A_954 : i32 to vector<16xi32>
      %mul3A_956 = arith.muli %iota3A, %mul3A_955 : vector<16xi32>
      %add3A_957 = arith.constant 1 : i32
      %add3A_958 = vector.broadcast %add3A_957 : i32 to vector<16xi32>
      %add3A_959 = arith.addi %mul3A_956, %add3A_958 : vector<16xi32>
      %mul3A_960 = arith.mulf %mul3A_932, %mul3A_870 : vector<16xf32>
      tpu.vector_store_idx %arg10[%broadcast_in_dim3A_953, %add3A_959], %mul3A_960 : memref<2x256xf32, #tpu.memory_space<vmem>>[vector<16xi32>, vector<16xi32>], vector<16xf32>,
      %add3A_961 = arith.addi %add3A_931, %min3A_888 : vector<16xi32>
      %swap3A_962 = arith.constant 2 : i32
      %swap3A_963 = arith.index_cast %swap3A_962 : i32 to index
      %swap3A_964 = arith.constant 32 : index
      %swap3A_965 = tpu.vector_load %arg8[%swap3A_963, %swap3A_964] {strides = array<i32>} : memref<4x128xi32, #tpu.memory_space<vmem>>, vector<16xi32>,
      tpu.vector_store %arg8[%swap3A_963, %swap3A_964], %add3A_961 {strides = array<i32>} : memref<4x128xi32, #tpu.memory_space<vmem>>, vector<16xi32>,
      %broadcast_in_dim3A_966 = arith.constant 1 : i32
      %broadcast_in_dim3A_967 = vector.broadcast %broadcast_in_dim3A_966 : i32 to vector<16xi32>
      %mul3A_968 = arith.constant 16 : i32
      %mul3A_969 = vector.broadcast %mul3A_968 : i32 to vector<16xi32>
      %mul3A_970 = arith.muli %iota3A, %mul3A_969 : vector<16xi32>
      %add3A_971 = arith.constant 2 : i32
      %add3A_972 = vector.broadcast %add3A_971 : i32 to vector<16xi32>
      %add3A_973 = arith.addi %mul3A_970, %add3A_972 : vector<16xi32>
      %mul3A_974 = arith.mulf %mul3A_932, %mul3A_889 : vector<16xf32>
      tpu.vector_store_idx %arg10[%broadcast_in_dim3A_967, %add3A_973], %mul3A_974 : memref<2x256xf32, #tpu.memory_space<vmem>>[vector<16xi32>, vector<16xi32>], vector<16xf32>,
      %add3A_975 = arith.addi %add3A_931, %min3A_907 : vector<16xi32>
      %swap3A_976 = arith.constant 2 : i32
      %swap3A_977 = arith.index_cast %swap3A_976 : i32 to index
      %swap3A_978 = arith.constant 48 : index
      %swap3A_979 = tpu.vector_load %arg8[%swap3A_977, %swap3A_978] {strides = array<i32>} : memref<4x128xi32, #tpu.memory_space<vmem>>, vector<16xi32>,
      tpu.vector_store %arg8[%swap3A_977, %swap3A_978], %add3A_975 {strides = array<i32>} : memref<4x128xi32, #tpu.memory_space<vmem>>, vector<16xi32>,
      %broadcast_in_dim3A_980 = arith.constant 1 : i32
      %broadcast_in_dim3A_981 = vector.broadcast %broadcast_in_dim3A_980 : i32 to vector<16xi32>
      %mul3A_982 = arith.constant 16 : i32
      %mul3A_983 = vector.broadcast %mul3A_982 : i32 to vector<16xi32>
      %mul3A_984 = arith.muli %iota3A, %mul3A_983 : vector<16xi32>
      %add3A_985 = arith.constant 3 : i32
      %add3A_986 = vector.broadcast %add3A_985 : i32 to vector<16xi32>
      %add3A_987 = arith.addi %mul3A_984, %add3A_986 : vector<16xi32>
      %mul3A_988 = arith.mulf %mul3A_932, %mul3A_908 : vector<16xf32>
      tpu.vector_store_idx %arg10[%broadcast_in_dim3A_981, %add3A_987], %mul3A_988 : memref<2x256xf32, #tpu.memory_space<vmem>>[vector<16xi32>, vector<16xi32>], vector<16xf32>,
      %add3A_989 = arith.constant 0 : i32
      %add3A_990 = vector.broadcast %add3A_989 : i32 to vector<16xi32>
      %add3A_991 = arith.addi %sub3A_691, %add3A_990 : vector<16xi32>
      %ge3A_992 = arith.constant 0 : i32
      %ge3A_993 = vector.broadcast %ge3A_992 : i32 to vector<16xi32>
      %ge3A_994 = arith.cmpi sge, %add3A_991, %ge3A_993 : vector<16xi32>
      %lt3A_995 = arith.constant 64 : i32
      %lt3A_996 = vector.broadcast %lt3A_995 : i32 to vector<16xi32>
      %lt3A_997 = arith.cmpi slt, %add3A_991, %lt3A_996 : vector<16xi32>
      %and3A_998 = arith.andi %ge3A_994, %lt3A_997 : vector<16xi1>
      %convert_element_type3A_999 = arith.extui %and3A_998 : vector<16xi1> to vector<16xi32>
      %convert_element_type3A_1000 = arith.sitofp %convert_element_type3A_999 : vector<16xi32> to vector<16xf32>
      %max3A_1001 = arith.constant 0 : i32
      %max3A_1002 = vector.broadcast %max3A_1001 : i32 to vector<16xi32>
      %max3A_1003 = arith.maxsi %add3A_991, %max3A_1002 : vector<16xi32>
      %min3A_1004 = arith.constant 63 : i32
      %min3A_1005 = vector.broadcast %min3A_1004 : i32 to vector<16xi32>
      %min3A_1006 = arith.minsi %max3A_1003, %min3A_1005 : vector<16xi32>
      %mul3A_1007 = arith.constant 64 : i32
      %mul3A_1008 = vector.broadcast %mul3A_1007 : i32 to vector<16xi32>
      %mul3A_1009 = arith.muli %min3A_1006, %mul3A_1008 : vector<16xi32>
      %add3A_1010 = vector.broadcast %select_n3A : i32 to vector<16xi32>
      %add3A_1011 = arith.addi %add3A_1010, %mul3A_1009 : vector<16xi32>
      %mul3A_1012 = arith.mulf %add3A_802, %convert_element_type3A_1000 : vector<16xf32>
      %add3A_1013 = arith.addi %add3A_1011, %min3A_850 : vector<16xi32>
      %swap3A_1014 = arith.constant 2 : i32
      %swap3A_1015 = arith.index_cast %swap3A_1014 : i32 to index
      %swap3A_1016 = arith.constant 64 : index
      %swap3A_1017 = tpu.vector_load %arg8[%swap3A_1015, %swap3A_1016] {strides = array<i32>} : memref<4x128xi32, #tpu.memory_space<vmem>>, vector<16xi32>,
      tpu.vector_store %arg8[%swap3A_1015, %swap3A_1016], %add3A_1013 {strides = array<i32>} : memref<4x128xi32, #tpu.memory_space<vmem>>, vector<16xi32>,
      %broadcast_in_dim3A_1018 = arith.constant 1 : i32
      %broadcast_in_dim3A_1019 = vector.broadcast %broadcast_in_dim3A_1018 : i32 to vector<16xi32>
      %mul3A_1020 = arith.constant 16 : i32
      %mul3A_1021 = vector.broadcast %mul3A_1020 : i32 to vector<16xi32>
      %mul3A_1022 = arith.muli %iota3A, %mul3A_1021 : vector<16xi32>
      %add3A_1023 = arith.constant 4 : i32
      %add3A_1024 = vector.broadcast %add3A_1023 : i32 to vector<16xi32>
      %add3A_1025 = arith.addi %mul3A_1022, %add3A_1024 : vector<16xi32>
      %mul3A_1026 = arith.mulf %mul3A_1012, %mul3A_851 : vector<16xf32>
      tpu.vector_store_idx %arg10[%broadcast_in_dim3A_1019, %add3A_1025], %mul3A_1026 : memref<2x256xf32, #tpu.memory_space<vmem>>[vector<16xi32>, vector<16xi32>], vector<16xf32>,
      %add3A_1027 = arith.addi %add3A_1011, %min3A_869 : vector<16xi32>
      %swap3A_1028 = arith.constant 2 : i32
      %swap3A_1029 = arith.index_cast %swap3A_1028 : i32 to index
      %swap3A_1030 = arith.constant 80 : index
      %swap3A_1031 = tpu.vector_load %arg8[%swap3A_1029, %swap3A_1030] {strides = array<i32>} : memref<4x128xi32, #tpu.memory_space<vmem>>, vector<16xi32>,
      tpu.vector_store %arg8[%swap3A_1029, %swap3A_1030], %add3A_1027 {strides = array<i32>} : memref<4x128xi32, #tpu.memory_space<vmem>>, vector<16xi32>,
      %broadcast_in_dim3A_1032 = arith.constant 1 : i32
      %broadcast_in_dim3A_1033 = vector.broadcast %broadcast_in_dim3A_1032 : i32 to vector<16xi32>
      %mul3A_1034 = arith.constant 16 : i32
      %mul3A_1035 = vector.broadcast %mul3A_1034 : i32 to vector<16xi32>
      %mul3A_1036 = arith.muli %iota3A, %mul3A_1035 : vector<16xi32>
      %add3A_1037 = arith.constant 5 : i32
      %add3A_1038 = vector.broadcast %add3A_1037 : i32 to vector<16xi32>
      %add3A_1039 = arith.addi %mul3A_1036, %add3A_1038 : vector<16xi32>
      %mul3A_1040 = arith.mulf %mul3A_1012, %mul3A_870 : vector<16xf32>
      tpu.vector_store_idx %arg10[%broadcast_in_dim3A_1033, %add3A_1039], %mul3A_1040 : memref<2x256xf32, #tpu.memory_space<vmem>>[vector<16xi32>, vector<16xi32>], vector<16xf32>,
      %add3A_1041 = arith.addi %add3A_1011, %min3A_888 : vector<16xi32>
      %swap3A_1042 = arith.constant 2 : i32
      %swap3A_1043 = arith.index_cast %swap3A_1042 : i32 to index
      %swap3A_1044 = arith.constant 96 : index
      %swap3A_1045 = tpu.vector_load %arg8[%swap3A_1043, %swap3A_1044] {strides = array<i32>} : memref<4x128xi32, #tpu.memory_space<vmem>>, vector<16xi32>,
      tpu.vector_store %arg8[%swap3A_1043, %swap3A_1044], %add3A_1041 {strides = array<i32>} : memref<4x128xi32, #tpu.memory_space<vmem>>, vector<16xi32>,
      %broadcast_in_dim3A_1046 = arith.constant 1 : i32
      %broadcast_in_dim3A_1047 = vector.broadcast %broadcast_in_dim3A_1046 : i32 to vector<16xi32>
      %mul3A_1048 = arith.constant 16 : i32
      %mul3A_1049 = vector.broadcast %mul3A_1048 : i32 to vector<16xi32>
      %mul3A_1050 = arith.muli %iota3A, %mul3A_1049 : vector<16xi32>
      %add3A_1051 = arith.constant 6 : i32
      %add3A_1052 = vector.broadcast %add3A_1051 : i32 to vector<16xi32>
      %add3A_1053 = arith.addi %mul3A_1050, %add3A_1052 : vector<16xi32>
      %mul3A_1054 = arith.mulf %mul3A_1012, %mul3A_889 : vector<16xf32>
      tpu.vector_store_idx %arg10[%broadcast_in_dim3A_1047, %add3A_1053], %mul3A_1054 : memref<2x256xf32, #tpu.memory_space<vmem>>[vector<16xi32>, vector<16xi32>], vector<16xf32>,
      %add3A_1055 = arith.addi %add3A_1011, %min3A_907 : vector<16xi32>
      %swap3A_1056 = arith.constant 2 : i32
      %swap3A_1057 = arith.index_cast %swap3A_1056 : i32 to index
      %swap3A_1058 = arith.constant 112 : index
      %swap3A_1059 = tpu.vector_load %arg8[%swap3A_1057, %swap3A_1058] {strides = array<i32>} : memref<4x128xi32, #tpu.memory_space<vmem>>, vector<16xi32>,
      tpu.vector_store %arg8[%swap3A_1057, %swap3A_1058], %add3A_1055 {strides = array<i32>} : memref<4x128xi32, #tpu.memory_space<vmem>>, vector<16xi32>,
      %broadcast_in_dim3A_1060 = arith.constant 1 : i32
      %broadcast_in_dim3A_1061 = vector.broadcast %broadcast_in_dim3A_1060 : i32 to vector<16xi32>
      %mul3A_1062 = arith.constant 16 : i32
      %mul3A_1063 = vector.broadcast %mul3A_1062 : i32 to vector<16xi32>
      %mul3A_1064 = arith.muli %iota3A, %mul3A_1063 : vector<16xi32>
      %add3A_1065 = arith.constant 7 : i32
      %add3A_1066 = vector.broadcast %add3A_1065 : i32 to vector<16xi32>
      %add3A_1067 = arith.addi %mul3A_1064, %add3A_1066 : vector<16xi32>
      %mul3A_1068 = arith.mulf %mul3A_1012, %mul3A_908 : vector<16xf32>
      tpu.vector_store_idx %arg10[%broadcast_in_dim3A_1061, %add3A_1067], %mul3A_1068 : memref<2x256xf32, #tpu.memory_space<vmem>>[vector<16xi32>, vector<16xi32>], vector<16xf32>,
      %add3A_1069 = arith.constant 1 : i32
      %add3A_1070 = vector.broadcast %add3A_1069 : i32 to vector<16xi32>
      %add3A_1071 = arith.addi %sub3A_691, %add3A_1070 : vector<16xi32>
      %ge3A_1072 = arith.constant 0 : i32
      %ge3A_1073 = vector.broadcast %ge3A_1072 : i32 to vector<16xi32>
      %ge3A_1074 = arith.cmpi sge, %add3A_1071, %ge3A_1073 : vector<16xi32>
      %lt3A_1075 = arith.constant 64 : i32
      %lt3A_1076 = vector.broadcast %lt3A_1075 : i32 to vector<16xi32>
      %lt3A_1077 = arith.cmpi slt, %add3A_1071, %lt3A_1076 : vector<16xi32>
      %and3A_1078 = arith.andi %ge3A_1074, %lt3A_1077 : vector<16xi1>
      %convert_element_type3A_1079 = arith.extui %and3A_1078 : vector<16xi1> to vector<16xi32>
      %convert_element_type3A_1080 = arith.sitofp %convert_element_type3A_1079 : vector<16xi32> to vector<16xf32>
      %max3A_1081 = arith.constant 0 : i32
      %max3A_1082 = vector.broadcast %max3A_1081 : i32 to vector<16xi32>
      %max3A_1083 = arith.maxsi %add3A_1071, %max3A_1082 : vector<16xi32>
      %min3A_1084 = arith.constant 63 : i32
      %min3A_1085 = vector.broadcast %min3A_1084 : i32 to vector<16xi32>
      %min3A_1086 = arith.minsi %max3A_1083, %min3A_1085 : vector<16xi32>
      %mul3A_1087 = arith.constant 64 : i32
      %mul3A_1088 = vector.broadcast %mul3A_1087 : i32 to vector<16xi32>
      %mul3A_1089 = arith.muli %min3A_1086, %mul3A_1088 : vector<16xi32>
      %add3A_1090 = vector.broadcast %select_n3A : i32 to vector<16xi32>
      %add3A_1091 = arith.addi %add3A_1090, %mul3A_1089 : vector<16xi32>
      %mul3A_1092 = arith.mulf %add3A_815, %convert_element_type3A_1080 : vector<16xf32>
      %add3A_1093 = arith.addi %add3A_1091, %min3A_850 : vector<16xi32>
      %swap3A_1094 = arith.constant 3 : i32
      %swap3A_1095 = arith.index_cast %swap3A_1094 : i32 to index
      %swap3A_1096 = arith.constant 0 : index
      %swap3A_1097 = tpu.vector_load %arg8[%swap3A_1095, %swap3A_1096] {strides = array<i32>} : memref<4x128xi32, #tpu.memory_space<vmem>>, vector<16xi32>,
      tpu.vector_store %arg8[%swap3A_1095, %swap3A_1096], %add3A_1093 {strides = array<i32>} : memref<4x128xi32, #tpu.memory_space<vmem>>, vector<16xi32>,
      %broadcast_in_dim3A_1098 = arith.constant 1 : i32
      %broadcast_in_dim3A_1099 = vector.broadcast %broadcast_in_dim3A_1098 : i32 to vector<16xi32>
      %mul3A_1100 = arith.constant 16 : i32
      %mul3A_1101 = vector.broadcast %mul3A_1100 : i32 to vector<16xi32>
      %mul3A_1102 = arith.muli %iota3A, %mul3A_1101 : vector<16xi32>
      %add3A_1103 = arith.constant 8 : i32
      %add3A_1104 = vector.broadcast %add3A_1103 : i32 to vector<16xi32>
      %add3A_1105 = arith.addi %mul3A_1102, %add3A_1104 : vector<16xi32>
      %mul3A_1106 = arith.mulf %mul3A_1092, %mul3A_851 : vector<16xf32>
      tpu.vector_store_idx %arg10[%broadcast_in_dim3A_1099, %add3A_1105], %mul3A_1106 : memref<2x256xf32, #tpu.memory_space<vmem>>[vector<16xi32>, vector<16xi32>], vector<16xf32>,
      %add3A_1107 = arith.addi %add3A_1091, %min3A_869 : vector<16xi32>
      %swap3A_1108 = arith.constant 3 : i32
      %swap3A_1109 = arith.index_cast %swap3A_1108 : i32 to index
      %swap3A_1110 = arith.constant 16 : index
      %swap3A_1111 = tpu.vector_load %arg8[%swap3A_1109, %swap3A_1110] {strides = array<i32>} : memref<4x128xi32, #tpu.memory_space<vmem>>, vector<16xi32>,
      tpu.vector_store %arg8[%swap3A_1109, %swap3A_1110], %add3A_1107 {strides = array<i32>} : memref<4x128xi32, #tpu.memory_space<vmem>>, vector<16xi32>,
      %broadcast_in_dim3A_1112 = arith.constant 1 : i32
      %broadcast_in_dim3A_1113 = vector.broadcast %broadcast_in_dim3A_1112 : i32 to vector<16xi32>
      %mul3A_1114 = arith.constant 16 : i32
      %mul3A_1115 = vector.broadcast %mul3A_1114 : i32 to vector<16xi32>
      %mul3A_1116 = arith.muli %iota3A, %mul3A_1115 : vector<16xi32>
      %add3A_1117 = arith.constant 9 : i32
      %add3A_1118 = vector.broadcast %add3A_1117 : i32 to vector<16xi32>
      %add3A_1119 = arith.addi %mul3A_1116, %add3A_1118 : vector<16xi32>
      %mul3A_1120 = arith.mulf %mul3A_1092, %mul3A_870 : vector<16xf32>
      tpu.vector_store_idx %arg10[%broadcast_in_dim3A_1113, %add3A_1119], %mul3A_1120 : memref<2x256xf32, #tpu.memory_space<vmem>>[vector<16xi32>, vector<16xi32>], vector<16xf32>,
      %add3A_1121 = arith.addi %add3A_1091, %min3A_888 : vector<16xi32>
      %swap3A_1122 = arith.constant 3 : i32
      %swap3A_1123 = arith.index_cast %swap3A_1122 : i32 to index
      %swap3A_1124 = arith.constant 32 : index
      %swap3A_1125 = tpu.vector_load %arg8[%swap3A_1123, %swap3A_1124] {strides = array<i32>} : memref<4x128xi32, #tpu.memory_space<vmem>>, vector<16xi32>,
      tpu.vector_store %arg8[%swap3A_1123, %swap3A_1124], %add3A_1121 {strides = array<i32>} : memref<4x128xi32, #tpu.memory_space<vmem>>, vector<16xi32>,
      %broadcast_in_dim3A_1126 = arith.constant 1 : i32
      %broadcast_in_dim3A_1127 = vector.broadcast %broadcast_in_dim3A_1126 : i32 to vector<16xi32>
      %mul3A_1128 = arith.constant 16 : i32
      %mul3A_1129 = vector.broadcast %mul3A_1128 : i32 to vector<16xi32>
      %mul3A_1130 = arith.muli %iota3A, %mul3A_1129 : vector<16xi32>
      %add3A_1131 = arith.constant 10 : i32
      %add3A_1132 = vector.broadcast %add3A_1131 : i32 to vector<16xi32>
      %add3A_1133 = arith.addi %mul3A_1130, %add3A_1132 : vector<16xi32>
      %mul3A_1134 = arith.mulf %mul3A_1092, %mul3A_889 : vector<16xf32>
      tpu.vector_store_idx %arg10[%broadcast_in_dim3A_1127, %add3A_1133], %mul3A_1134 : memref<2x256xf32, #tpu.memory_space<vmem>>[vector<16xi32>, vector<16xi32>], vector<16xf32>,
      %add3A_1135 = arith.addi %add3A_1091, %min3A_907 : vector<16xi32>
      %swap3A_1136 = arith.constant 3 : i32
      %swap3A_1137 = arith.index_cast %swap3A_1136 : i32 to index
      %swap3A_1138 = arith.constant 48 : index
      %swap3A_1139 = tpu.vector_load %arg8[%swap3A_1137, %swap3A_1138] {strides = array<i32>} : memref<4x128xi32, #tpu.memory_space<vmem>>, vector<16xi32>,
      tpu.vector_store %arg8[%swap3A_1137, %swap3A_1138], %add3A_1135 {strides = array<i32>} : memref<4x128xi32, #tpu.memory_space<vmem>>, vector<16xi32>,
      %broadcast_in_dim3A_1140 = arith.constant 1 : i32
      %broadcast_in_dim3A_1141 = vector.broadcast %broadcast_in_dim3A_1140 : i32 to vector<16xi32>
      %mul3A_1142 = arith.constant 16 : i32
      %mul3A_1143 = vector.broadcast %mul3A_1142 : i32 to vector<16xi32>
      %mul3A_1144 = arith.muli %iota3A, %mul3A_1143 : vector<16xi32>
      %add3A_1145 = arith.constant 11 : i32
      %add3A_1146 = vector.broadcast %add3A_1145 : i32 to vector<16xi32>
      %add3A_1147 = arith.addi %mul3A_1144, %add3A_1146 : vector<16xi32>
      %mul3A_1148 = arith.mulf %mul3A_1092, %mul3A_908 : vector<16xf32>
      tpu.vector_store_idx %arg10[%broadcast_in_dim3A_1141, %add3A_1147], %mul3A_1148 : memref<2x256xf32, #tpu.memory_space<vmem>>[vector<16xi32>, vector<16xi32>], vector<16xf32>,
      %add3A_1149 = arith.constant 2 : i32
      %add3A_1150 = vector.broadcast %add3A_1149 : i32 to vector<16xi32>
      %add3A_1151 = arith.addi %sub3A_691, %add3A_1150 : vector<16xi32>
      %ge3A_1152 = arith.constant 0 : i32
      %ge3A_1153 = vector.broadcast %ge3A_1152 : i32 to vector<16xi32>
      %ge3A_1154 = arith.cmpi sge, %add3A_1151, %ge3A_1153 : vector<16xi32>
      %lt3A_1155 = arith.constant 64 : i32
      %lt3A_1156 = vector.broadcast %lt3A_1155 : i32 to vector<16xi32>
      %lt3A_1157 = arith.cmpi slt, %add3A_1151, %lt3A_1156 : vector<16xi32>
      %and3A_1158 = arith.andi %ge3A_1154, %lt3A_1157 : vector<16xi1>
      %convert_element_type3A_1159 = arith.extui %and3A_1158 : vector<16xi1> to vector<16xi32>
      %convert_element_type3A_1160 = arith.sitofp %convert_element_type3A_1159 : vector<16xi32> to vector<16xf32>
      %max3A_1161 = arith.constant 0 : i32
      %max3A_1162 = vector.broadcast %max3A_1161 : i32 to vector<16xi32>
      %max3A_1163 = arith.maxsi %add3A_1151, %max3A_1162 : vector<16xi32>
      %min3A_1164 = arith.constant 63 : i32
      %min3A_1165 = vector.broadcast %min3A_1164 : i32 to vector<16xi32>
      %min3A_1166 = arith.minsi %max3A_1163, %min3A_1165 : vector<16xi32>
      %mul3A_1167 = arith.constant 64 : i32
      %mul3A_1168 = vector.broadcast %mul3A_1167 : i32 to vector<16xi32>
      %mul3A_1169 = arith.muli %min3A_1166, %mul3A_1168 : vector<16xi32>
      %add3A_1170 = vector.broadcast %select_n3A : i32 to vector<16xi32>
      %add3A_1171 = arith.addi %add3A_1170, %mul3A_1169 : vector<16xi32>
      %mul3A_1172 = arith.mulf %sub3A_832, %convert_element_type3A_1160 : vector<16xf32>
      %add3A_1173 = arith.addi %add3A_1171, %min3A_850 : vector<16xi32>
      %swap3A_1174 = arith.constant 3 : i32
      %swap3A_1175 = arith.index_cast %swap3A_1174 : i32 to index
      %swap3A_1176 = arith.constant 64 : index
      %swap3A_1177 = tpu.vector_load %arg8[%swap3A_1175, %swap3A_1176] {strides = array<i32>} : memref<4x128xi32, #tpu.memory_space<vmem>>, vector<16xi32>,
      tpu.vector_store %arg8[%swap3A_1175, %swap3A_1176], %add3A_1173 {strides = array<i32>} : memref<4x128xi32, #tpu.memory_space<vmem>>, vector<16xi32>,
      %broadcast_in_dim3A_1178 = arith.constant 1 : i32
      %broadcast_in_dim3A_1179 = vector.broadcast %broadcast_in_dim3A_1178 : i32 to vector<16xi32>
      %mul3A_1180 = arith.constant 16 : i32
      %mul3A_1181 = vector.broadcast %mul3A_1180 : i32 to vector<16xi32>
      %mul3A_1182 = arith.muli %iota3A, %mul3A_1181 : vector<16xi32>
      %add3A_1183 = arith.constant 12 : i32
      %add3A_1184 = vector.broadcast %add3A_1183 : i32 to vector<16xi32>
      %add3A_1185 = arith.addi %mul3A_1182, %add3A_1184 : vector<16xi32>
      %mul3A_1186 = arith.mulf %mul3A_1172, %mul3A_851 : vector<16xf32>
      tpu.vector_store_idx %arg10[%broadcast_in_dim3A_1179, %add3A_1185], %mul3A_1186 : memref<2x256xf32, #tpu.memory_space<vmem>>[vector<16xi32>, vector<16xi32>], vector<16xf32>,
      %add3A_1187 = arith.addi %add3A_1171, %min3A_869 : vector<16xi32>
      %swap3A_1188 = arith.constant 3 : i32
      %swap3A_1189 = arith.index_cast %swap3A_1188 : i32 to index
      %swap3A_1190 = arith.constant 80 : index
      %swap3A_1191 = tpu.vector_load %arg8[%swap3A_1189, %swap3A_1190] {strides = array<i32>} : memref<4x128xi32, #tpu.memory_space<vmem>>, vector<16xi32>,
      tpu.vector_store %arg8[%swap3A_1189, %swap3A_1190], %add3A_1187 {strides = array<i32>} : memref<4x128xi32, #tpu.memory_space<vmem>>, vector<16xi32>,
      %broadcast_in_dim3A_1192 = arith.constant 1 : i32
      %broadcast_in_dim3A_1193 = vector.broadcast %broadcast_in_dim3A_1192 : i32 to vector<16xi32>
      %mul3A_1194 = arith.constant 16 : i32
      %mul3A_1195 = vector.broadcast %mul3A_1194 : i32 to vector<16xi32>
      %mul3A_1196 = arith.muli %iota3A, %mul3A_1195 : vector<16xi32>
      %add3A_1197 = arith.constant 13 : i32
      %add3A_1198 = vector.broadcast %add3A_1197 : i32 to vector<16xi32>
      %add3A_1199 = arith.addi %mul3A_1196, %add3A_1198 : vector<16xi32>
      %mul3A_1200 = arith.mulf %mul3A_1172, %mul3A_870 : vector<16xf32>
      tpu.vector_store_idx %arg10[%broadcast_in_dim3A_1193, %add3A_1199], %mul3A_1200 : memref<2x256xf32, #tpu.memory_space<vmem>>[vector<16xi32>, vector<16xi32>], vector<16xf32>,
      %add3A_1201 = arith.addi %add3A_1171, %min3A_888 : vector<16xi32>
      %swap3A_1202 = arith.constant 3 : i32
      %swap3A_1203 = arith.index_cast %swap3A_1202 : i32 to index
      %swap3A_1204 = arith.constant 96 : index
      %swap3A_1205 = tpu.vector_load %arg8[%swap3A_1203, %swap3A_1204] {strides = array<i32>} : memref<4x128xi32, #tpu.memory_space<vmem>>, vector<16xi32>,
      tpu.vector_store %arg8[%swap3A_1203, %swap3A_1204], %add3A_1201 {strides = array<i32>} : memref<4x128xi32, #tpu.memory_space<vmem>>, vector<16xi32>,
      %broadcast_in_dim3A_1206 = arith.constant 1 : i32
      %broadcast_in_dim3A_1207 = vector.broadcast %broadcast_in_dim3A_1206 : i32 to vector<16xi32>
      %mul3A_1208 = arith.constant 16 : i32
      %mul3A_1209 = vector.broadcast %mul3A_1208 : i32 to vector<16xi32>
      %mul3A_1210 = arith.muli %iota3A, %mul3A_1209 : vector<16xi32>
      %add3A_1211 = arith.constant 14 : i32
      %add3A_1212 = vector.broadcast %add3A_1211 : i32 to vector<16xi32>
      %add3A_1213 = arith.addi %mul3A_1210, %add3A_1212 : vector<16xi32>
      %mul3A_1214 = arith.mulf %mul3A_1172, %mul3A_889 : vector<16xf32>
      tpu.vector_store_idx %arg10[%broadcast_in_dim3A_1207, %add3A_1213], %mul3A_1214 : memref<2x256xf32, #tpu.memory_space<vmem>>[vector<16xi32>, vector<16xi32>], vector<16xf32>,
      %add3A_1215 = arith.addi %add3A_1171, %min3A_907 : vector<16xi32>
      %swap3A_1216 = arith.constant 3 : i32
      %swap3A_1217 = arith.index_cast %swap3A_1216 : i32 to index
      %swap3A_1218 = arith.constant 112 : index
      %swap3A_1219 = tpu.vector_load %arg8[%swap3A_1217, %swap3A_1218] {strides = array<i32>} : memref<4x128xi32, #tpu.memory_space<vmem>>, vector<16xi32>,
      tpu.vector_store %arg8[%swap3A_1217, %swap3A_1218], %add3A_1215 {strides = array<i32>} : memref<4x128xi32, #tpu.memory_space<vmem>>, vector<16xi32>,
      %broadcast_in_dim3A_1220 = arith.constant 1 : i32
      %broadcast_in_dim3A_1221 = vector.broadcast %broadcast_in_dim3A_1220 : i32 to vector<16xi32>
      %mul3A_1222 = arith.constant 16 : i32
      %mul3A_1223 = vector.broadcast %mul3A_1222 : i32 to vector<16xi32>
      %mul3A_1224 = arith.muli %iota3A, %mul3A_1223 : vector<16xi32>
      %add3A_1225 = arith.constant 15 : i32
      %add3A_1226 = vector.broadcast %add3A_1225 : i32 to vector<16xi32>
      %add3A_1227 = arith.addi %mul3A_1224, %add3A_1226 : vector<16xi32>
      %mul3A_1228 = arith.mulf %mul3A_1172, %mul3A_908 : vector<16xf32>
      tpu.vector_store_idx %arg10[%broadcast_in_dim3A_1221, %add3A_1227], %mul3A_1228 : memref<2x256xf32, #tpu.memory_space<vmem>>[vector<16xi32>, vector<16xi32>], vector<16xf32>,
      %dma_start3A_1229 = arith.constant 2 : i32
      %dma_start3A_1230 = arith.constant 2 : i32
      %dma_start3A_1231 = arith.constant 0 : i32
      %dma_start3A_1232 = arith.constant 0 : i32
      %dma_start3A_1233 = tpu.memref_slice %arg9[%dma_start3A_1230, %dma_start3A_1231, %dma_start3A_1232] : memref<4x128x64xf32, #tpu.memory_space<vmem>> -> memref<1x128x64xf32, #tpu.memory_space<vmem>>
      %dma_start3A_1234 = tpu.memref_squeeze %dma_start3A_1233 : memref<1x128x64xf32, #tpu.memory_space<vmem>> -> memref<128x64xf32, #tpu.memory_space<vmem>>
      %dma_start3A_1235 = arith.constant 0 : i32
      %dma_start3A_1236 = tpu.memref_slice %arg8[%dma_start3A_1229, %dma_start3A_1235] : memref<4x128xi32, #tpu.memory_space<vmem>> -> memref<1x128xi32, #tpu.memory_space<vmem>>
      %dma_start3A_1237 = tpu.memref_squeeze %dma_start3A_1236 : memref<1x128xi32, #tpu.memory_space<vmem>> -> memref<128xi32, #tpu.memory_space<vmem>>
      %dma_start3A_1238 = arith.constant 0 : i32
      %dma_start3A_1239 = arith.constant 0 : i32
      %dma_start3A_1240 = tpu.memref_slice %arg2[%dma_start3A_1238, %dma_start3A_1239] : memref<8192x64xf32, #tpu.memory_space<hbm>> -> memref<8192x64xf32, #tpu.memory_space<hbm>>
      tpu.enqueue_indirect_dma source(%dma_start3A_1240 : memref<8192x64xf32, #tpu.memory_space<hbm>>) target(%dma_start3A_1234 : memref<128x64xf32, #tpu.memory_space<vmem>>) offsets(%dma_start3A_1237 : memref<128xi32, #tpu.memory_space<vmem>>) semaphore(%arg14 : memref<!tpu.dma_semaphore, #tpu.memory_space<semaphore_mem>>)
      %dma_start3A_1241 = arith.constant 3 : i32
      %dma_start3A_1242 = arith.constant 3 : i32
      %dma_start3A_1243 = arith.constant 0 : i32
      %dma_start3A_1244 = arith.constant 0 : i32
      %dma_start3A_1245 = tpu.memref_slice %arg9[%dma_start3A_1242, %dma_start3A_1243, %dma_start3A_1244] : memref<4x128x64xf32, #tpu.memory_space<vmem>> -> memref<1x128x64xf32, #tpu.memory_space<vmem>>
      %dma_start3A_1246 = tpu.memref_squeeze %dma_start3A_1245 : memref<1x128x64xf32, #tpu.memory_space<vmem>> -> memref<128x64xf32, #tpu.memory_space<vmem>>
      %dma_start3A_1247 = arith.constant 0 : i32
      %dma_start3A_1248 = tpu.memref_slice %arg8[%dma_start3A_1241, %dma_start3A_1247] : memref<4x128xi32, #tpu.memory_space<vmem>> -> memref<1x128xi32, #tpu.memory_space<vmem>>
      %dma_start3A_1249 = tpu.memref_squeeze %dma_start3A_1248 : memref<1x128xi32, #tpu.memory_space<vmem>> -> memref<128xi32, #tpu.memory_space<vmem>>
      %dma_start3A_1250 = arith.constant 0 : i32
      %dma_start3A_1251 = arith.constant 0 : i32
      %dma_start3A_1252 = tpu.memref_slice %arg2[%dma_start3A_1250, %dma_start3A_1251] : memref<8192x64xf32, #tpu.memory_space<hbm>> -> memref<8192x64xf32, #tpu.memory_space<hbm>>
      tpu.enqueue_indirect_dma source(%dma_start3A_1252 : memref<8192x64xf32, #tpu.memory_space<hbm>>) target(%dma_start3A_1246 : memref<128x64xf32, #tpu.memory_space<vmem>>) offsets(%dma_start3A_1249 : memref<128xi32, #tpu.memory_space<vmem>>) semaphore(%arg15 : memref<!tpu.dma_semaphore, #tpu.memory_space<semaphore_mem>>)
      %dma_wait3A = arith.constant 0 : i32
      %dma_wait3A_1253 = arith.constant 0 : i32
      %dma_wait3A_1254 = arith.constant 0 : i32
      %dma_wait3A_1255 = arith.constant 0 : i32
      %dma_wait3A_1256 = tpu.memref_slice %arg9[%dma_wait3A_1253, %dma_wait3A_1254, %dma_wait3A_1255] : memref<4x128x64xf32, #tpu.memory_space<vmem>> -> memref<1x128x64xf32, #tpu.memory_space<vmem>>
      %dma_wait3A_1257 = tpu.memref_squeeze %dma_wait3A_1256 : memref<1x128x64xf32, #tpu.memory_space<vmem>> -> memref<128x64xf32, #tpu.memory_space<vmem>>
      %dma_wait3A_1258 = arith.constant 0 : i32
      %dma_wait3A_1259 = tpu.memref_slice %arg8[%dma_wait3A, %dma_wait3A_1258] : memref<4x128xi32, #tpu.memory_space<vmem>> -> memref<1x128xi32, #tpu.memory_space<vmem>>
      %dma_wait3A_1260 = tpu.memref_squeeze %dma_wait3A_1259 : memref<1x128xi32, #tpu.memory_space<vmem>> -> memref<128xi32, #tpu.memory_space<vmem>>
      %dma_wait3A_1261 = arith.constant 0 : i32
      %dma_wait3A_1262 = arith.constant 0 : i32
      %dma_wait3A_1263 = tpu.memref_slice %arg2[%dma_wait3A_1261, %dma_wait3A_1262] : memref<8192x64xf32, #tpu.memory_space<hbm>> -> memref<8192x64xf32, #tpu.memory_space<hbm>>
      tpu.wait_indirect_dma semaphore(%arg12 : memref<!tpu.dma_semaphore, #tpu.memory_space<semaphore_mem>>) src(%dma_wait3A_1263 : memref<8192x64xf32, #tpu.memory_space<hbm>>) dst(%dma_wait3A_1257 : memref<128x64xf32, #tpu.memory_space<vmem>>)
      %dma_wait3A_1264 = arith.constant 1 : i32
      %dma_wait3A_1265 = arith.constant 1 : i32
      %dma_wait3A_1266 = arith.constant 0 : i32
      %dma_wait3A_1267 = arith.constant 0 : i32
      %dma_wait3A_1268 = tpu.memref_slice %arg9[%dma_wait3A_1265, %dma_wait3A_1266, %dma_wait3A_1267] : memref<4x128x64xf32, #tpu.memory_space<vmem>> -> memref<1x128x64xf32, #tpu.memory_space<vmem>>
      %dma_wait3A_1269 = tpu.memref_squeeze %dma_wait3A_1268 : memref<1x128x64xf32, #tpu.memory_space<vmem>> -> memref<128x64xf32, #tpu.memory_space<vmem>>
      %dma_wait3A_1270 = arith.constant 0 : i32
      %dma_wait3A_1271 = tpu.memref_slice %arg8[%dma_wait3A_1264, %dma_wait3A_1270] : memref<4x128xi32, #tpu.memory_space<vmem>> -> memref<1x128xi32, #tpu.memory_space<vmem>>
      %dma_wait3A_1272 = tpu.memref_squeeze %dma_wait3A_1271 : memref<1x128xi32, #tpu.memory_space<vmem>> -> memref<128xi32, #tpu.memory_space<vmem>>
      %dma_wait3A_1273 = arith.constant 0 : i32
      %dma_wait3A_1274 = arith.constant 0 : i32
      %dma_wait3A_1275 = tpu.memref_slice %arg2[%dma_wait3A_1273, %dma_wait3A_1274] : memref<8192x64xf32, #tpu.memory_space<hbm>> -> memref<8192x64xf32, #tpu.memory_space<hbm>>
      tpu.wait_indirect_dma semaphore(%arg13 : memref<!tpu.dma_semaphore, #tpu.memory_space<semaphore_mem>>) src(%dma_wait3A_1275 : memref<8192x64xf32, #tpu.memory_space<hbm>>) dst(%dma_wait3A_1269 : memref<128x64xf32, #tpu.memory_space<vmem>>)
      %mul3A_1276 = arith.constant 16 : i32
      %mul3A_1277 = arith.muli %mul3A_624, %mul3A_1276 : i32
      %scan3A_1278 = arith.constant 0 : i32
      %scan3A_1279 = arith.constant 0 : i32
      %scan3A_1280 = arith.constant 1 : i32
      %scan3A_1281 = arith.constant 0 : i32
      %scan3A_1282 = arith.constant 16 : i32
      %scan3A_1283 = arith.addi %scan3A_1281, %scan3A_1282 : i32
      %scan3A_1284 = arith.constant 1 : i32
      scf.for %scan3A_1326 = %scan3A_1281 to %scan3A_1283 step %scan3A_1284  : i32 {
        %broadcast_in_dim3A_1327 = arith.constant 0.000000e+00 : f32
        %broadcast_in_dim3A_1328 = vector.broadcast %broadcast_in_dim3A_1327 : f32 to vector<16xf32>
        %broadcast_in_dim3A_1329 = arith.constant 0.000000e+00 : f32
        %broadcast_in_dim3A_1330 = vector.broadcast %broadcast_in_dim3A_1329 : f32 to vector<16xf32>
        %broadcast_in_dim3A_1331 = arith.constant 0.000000e+00 : f32
        %broadcast_in_dim3A_1332 = vector.broadcast %broadcast_in_dim3A_1331 : f32 to vector<16xf32>
        %broadcast_in_dim3A_1333 = arith.constant 0.000000e+00 : f32
        %broadcast_in_dim3A_1334 = vector.broadcast %broadcast_in_dim3A_1333 : f32 to vector<16xf32>
        %mul3A_1335 = arith.constant 16 : i32
        %mul3A_1336 = arith.muli %scan3A_1326, %mul3A_1335 : i32
        %get3A_1337 = arith.constant 0 : i32
        %get3A_1338 = arith.index_cast %get3A_1337 : i32 to index
        %get3A_1339 = arith.index_cast %mul3A_1336 : i32 to index
        %get3A_1340 = tpu.vector_load %arg10[%get3A_1338, %get3A_1339] {strides = array<i32>} : memref<2x256xf32, #tpu.memory_space<vmem>>, vector<16xf32>,
        %add3A_1341 = arith.constant 0 : i32
        %add3A_1342 = arith.addi %add3A_1341, %scan3A_1326 : i32
        %slice3A = vector.extract_strided_slice %get3A_1340 {offsets = [0], sizes = [1], strides = [1]} : vector<16xf32> to vector<1xf32>
        %squeeze3A = vector.extract %slice3A[0] : f32 from vector<1xf32>
        %get3A_1343 = arith.constant 0 : i32
        %get3A_1344 = arith.constant 0 : i32
        %get3A_1345 = tpu.memref_slice %arg9[%scan3A_1279, %get3A_1343, %get3A_1344] : memref<4x128x64xf32, #tpu.memory_space<vmem>> -> memref<1x128x64xf32, #tpu.memory_space<vmem>>
        %get3A_1346 = tpu.memref_squeeze %get3A_1345 : memref<1x128x64xf32, #tpu.memory_space<vmem>> -> memref<128x64xf32, #tpu.memory_space<vmem>>
        %get3A_1347 = arith.index_cast %add3A_1342 : i32 to index
        %get3A_1348 = arith.constant 0 : index
        %get3A_1349 = tpu.vector_load %get3A_1346[%get3A_1347, %get3A_1348] {strides = array<i32>} : memref<128x64xf32, #tpu.memory_space<vmem>>, vector<16xf32>,
        %mul3A_1350 = vector.broadcast %squeeze3A : f32 to vector<16xf32>
        %mul3A_1351 = arith.mulf %mul3A_1350, %get3A_1349 : vector<16xf32>
        %add3A_1352 = arith.addf %broadcast_in_dim3A_1328, %mul3A_1351 : vector<16xf32>
        %get3A_1353 = arith.constant 0 : i32
        %get3A_1354 = arith.constant 0 : i32
        %get3A_1355 = tpu.memref_slice %arg9[%scan3A_1279, %get3A_1353, %get3A_1354] : memref<4x128x64xf32, #tpu.memory_space<vmem>> -> memref<1x128x64xf32, #tpu.memory_space<vmem>>
        %get3A_1356 = tpu.memref_squeeze %get3A_1355 : memref<1x128x64xf32, #tpu.memory_space<vmem>> -> memref<128x64xf32, #tpu.memory_space<vmem>>
        %get3A_1357 = arith.index_cast %add3A_1342 : i32 to index
        %get3A_1358 = arith.constant 16 : index
        %get3A_1359 = tpu.vector_load %get3A_1356[%get3A_1357, %get3A_1358] {strides = array<i32>} : memref<128x64xf32, #tpu.memory_space<vmem>>, vector<16xf32>,
        %mul3A_1360 = vector.broadcast %squeeze3A : f32 to vector<16xf32>
        %mul3A_1361 = arith.mulf %mul3A_1360, %get3A_1359 : vector<16xf32>
        %add3A_1362 = arith.addf %broadcast_in_dim3A_1330, %mul3A_1361 : vector<16xf32>
        %get3A_1363 = arith.constant 0 : i32
        %get3A_1364 = arith.constant 0 : i32
        %get3A_1365 = tpu.memref_slice %arg9[%scan3A_1279, %get3A_1363, %get3A_1364] : memref<4x128x64xf32, #tpu.memory_space<vmem>> -> memref<1x128x64xf32, #tpu.memory_space<vmem>>
        %get3A_1366 = tpu.memref_squeeze %get3A_1365 : memref<1x128x64xf32, #tpu.memory_space<vmem>> -> memref<128x64xf32, #tpu.memory_space<vmem>>
        %get3A_1367 = arith.index_cast %add3A_1342 : i32 to index
        %get3A_1368 = arith.constant 32 : index
        %get3A_1369 = tpu.vector_load %get3A_1366[%get3A_1367, %get3A_1368] {strides = array<i32>} : memref<128x64xf32, #tpu.memory_space<vmem>>, vector<16xf32>,
        %mul3A_1370 = vector.broadcast %squeeze3A : f32 to vector<16xf32>
        %mul3A_1371 = arith.mulf %mul3A_1370, %get3A_1369 : vector<16xf32>
        %add3A_1372 = arith.addf %broadcast_in_dim3A_1332, %mul3A_1371 : vector<16xf32>
        %get3A_1373 = arith.constant 0 : i32
        %get3A_1374 = arith.constant 0 : i32
        %get3A_1375 = tpu.memref_slice %arg9[%scan3A_1279, %get3A_1373, %get3A_1374] : memref<4x128x64xf32, #tpu.memory_space<vmem>> -> memref<1x128x64xf32, #tpu.memory_space<vmem>>
        %get3A_1376 = tpu.memref_squeeze %get3A_1375 : memref<1x128x64xf32, #tpu.memory_space<vmem>> -> memref<128x64xf32, #tpu.memory_space<vmem>>
        %get3A_1377 = arith.index_cast %add3A_1342 : i32 to index
        %get3A_1378 = arith.constant 48 : index
        %get3A_1379 = tpu.vector_load %get3A_1376[%get3A_1377, %get3A_1378] {strides = array<i32>} : memref<128x64xf32, #tpu.memory_space<vmem>>, vector<16xf32>,
        %mul3A_1380 = vector.broadcast %squeeze3A : f32 to vector<16xf32>
        %mul3A_1381 = arith.mulf %mul3A_1380, %get3A_1379 : vector<16xf32>
        %add3A_1382 = arith.addf %broadcast_in_dim3A_1334, %mul3A_1381 : vector<16xf32>
        %add3A_1383 = arith.constant 16 : i32
        %add3A_1384 = arith.addi %add3A_1383, %scan3A_1326 : i32
        %slice3A_1385 = vector.extract_strided_slice %get3A_1340 {offsets = [1], sizes = [1], strides = [1]} : vector<16xf32> to vector<1xf32>
        %squeeze3A_1386 = vector.extract %slice3A_1385[0] : f32 from vector<1xf32>
        %get3A_1387 = arith.constant 0 : i32
        %get3A_1388 = arith.constant 0 : i32
        %get3A_1389 = tpu.memref_slice %arg9[%scan3A_1279, %get3A_1387, %get3A_1388] : memref<4x128x64xf32, #tpu.memory_space<vmem>> -> memref<1x128x64xf32, #tpu.memory_space<vmem>>
        %get3A_1390 = tpu.memref_squeeze %get3A_1389 : memref<1x128x64xf32, #tpu.memory_space<vmem>> -> memref<128x64xf32, #tpu.memory_space<vmem>>
        %get3A_1391 = arith.index_cast %add3A_1384 : i32 to index
        %get3A_1392 = arith.constant 0 : index
        %get3A_1393 = tpu.vector_load %get3A_1390[%get3A_1391, %get3A_1392] {strides = array<i32>} : memref<128x64xf32, #tpu.memory_space<vmem>>, vector<16xf32>,
        %mul3A_1394 = vector.broadcast %squeeze3A_1386 : f32 to vector<16xf32>
        %mul3A_1395 = arith.mulf %mul3A_1394, %get3A_1393 : vector<16xf32>
        %add3A_1396 = arith.addf %add3A_1352, %mul3A_1395 : vector<16xf32>
        %get3A_1397 = arith.constant 0 : i32
        %get3A_1398 = arith.constant 0 : i32
        %get3A_1399 = tpu.memref_slice %arg9[%scan3A_1279, %get3A_1397, %get3A_1398] : memref<4x128x64xf32, #tpu.memory_space<vmem>> -> memref<1x128x64xf32, #tpu.memory_space<vmem>>
        %get3A_1400 = tpu.memref_squeeze %get3A_1399 : memref<1x128x64xf32, #tpu.memory_space<vmem>> -> memref<128x64xf32, #tpu.memory_space<vmem>>
        %get3A_1401 = arith.index_cast %add3A_1384 : i32 to index
        %get3A_1402 = arith.constant 16 : index
        %get3A_1403 = tpu.vector_load %get3A_1400[%get3A_1401, %get3A_1402] {strides = array<i32>} : memref<128x64xf32, #tpu.memory_space<vmem>>, vector<16xf32>,
        %mul3A_1404 = vector.broadcast %squeeze3A_1386 : f32 to vector<16xf32>
        %mul3A_1405 = arith.mulf %mul3A_1404, %get3A_1403 : vector<16xf32>
        %add3A_1406 = arith.addf %add3A_1362, %mul3A_1405 : vector<16xf32>
        %get3A_1407 = arith.constant 0 : i32
        %get3A_1408 = arith.constant 0 : i32
        %get3A_1409 = tpu.memref_slice %arg9[%scan3A_1279, %get3A_1407, %get3A_1408] : memref<4x128x64xf32, #tpu.memory_space<vmem>> -> memref<1x128x64xf32, #tpu.memory_space<vmem>>
        %get3A_1410 = tpu.memref_squeeze %get3A_1409 : memref<1x128x64xf32, #tpu.memory_space<vmem>> -> memref<128x64xf32, #tpu.memory_space<vmem>>
        %get3A_1411 = arith.index_cast %add3A_1384 : i32 to index
        %get3A_1412 = arith.constant 32 : index
        %get3A_1413 = tpu.vector_load %get3A_1410[%get3A_1411, %get3A_1412] {strides = array<i32>} : memref<128x64xf32, #tpu.memory_space<vmem>>, vector<16xf32>,
        %mul3A_1414 = vector.broadcast %squeeze3A_1386 : f32 to vector<16xf32>
        %mul3A_1415 = arith.mulf %mul3A_1414, %get3A_1413 : vector<16xf32>
        %add3A_1416 = arith.addf %add3A_1372, %mul3A_1415 : vector<16xf32>
        %get3A_1417 = arith.constant 0 : i32
        %get3A_1418 = arith.constant 0 : i32
        %get3A_1419 = tpu.memref_slice %arg9[%scan3A_1279, %get3A_1417, %get3A_1418] : memref<4x128x64xf32, #tpu.memory_space<vmem>> -> memref<1x128x64xf32, #tpu.memory_space<vmem>>
        %get3A_1420 = tpu.memref_squeeze %get3A_1419 : memref<1x128x64xf32, #tpu.memory_space<vmem>> -> memref<128x64xf32, #tpu.memory_space<vmem>>
        %get3A_1421 = arith.index_cast %add3A_1384 : i32 to index
        %get3A_1422 = arith.constant 48 : index
        %get3A_1423 = tpu.vector_load %get3A_1420[%get3A_1421, %get3A_1422] {strides = array<i32>} : memref<128x64xf32, #tpu.memory_space<vmem>>, vector<16xf32>,
        %mul3A_1424 = vector.broadcast %squeeze3A_1386 : f32 to vector<16xf32>
        %mul3A_1425 = arith.mulf %mul3A_1424, %get3A_1423 : vector<16xf32>
        %add3A_1426 = arith.addf %add3A_1382, %mul3A_1425 : vector<16xf32>
        %add3A_1427 = arith.constant 32 : i32
        %add3A_1428 = arith.addi %add3A_1427, %scan3A_1326 : i32
        %slice3A_1429 = vector.extract_strided_slice %get3A_1340 {offsets = [2], sizes = [1], strides = [1]} : vector<16xf32> to vector<1xf32>
        %squeeze3A_1430 = vector.extract %slice3A_1429[0] : f32 from vector<1xf32>
        %get3A_1431 = arith.constant 0 : i32
        %get3A_1432 = arith.constant 0 : i32
        %get3A_1433 = tpu.memref_slice %arg9[%scan3A_1279, %get3A_1431, %get3A_1432] : memref<4x128x64xf32, #tpu.memory_space<vmem>> -> memref<1x128x64xf32, #tpu.memory_space<vmem>>
        %get3A_1434 = tpu.memref_squeeze %get3A_1433 : memref<1x128x64xf32, #tpu.memory_space<vmem>> -> memref<128x64xf32, #tpu.memory_space<vmem>>
        %get3A_1435 = arith.index_cast %add3A_1428 : i32 to index
        %get3A_1436 = arith.constant 0 : index
        %get3A_1437 = tpu.vector_load %get3A_1434[%get3A_1435, %get3A_1436] {strides = array<i32>} : memref<128x64xf32, #tpu.memory_space<vmem>>, vector<16xf32>,
        %mul3A_1438 = vector.broadcast %squeeze3A_1430 : f32 to vector<16xf32>
        %mul3A_1439 = arith.mulf %mul3A_1438, %get3A_1437 : vector<16xf32>
        %add3A_1440 = arith.addf %add3A_1396, %mul3A_1439 : vector<16xf32>
        %get3A_1441 = arith.constant 0 : i32
        %get3A_1442 = arith.constant 0 : i32
        %get3A_1443 = tpu.memref_slice %arg9[%scan3A_1279, %get3A_1441, %get3A_1442] : memref<4x128x64xf32, #tpu.memory_space<vmem>> -> memref<1x128x64xf32, #tpu.memory_space<vmem>>
        %get3A_1444 = tpu.memref_squeeze %get3A_1443 : memref<1x128x64xf32, #tpu.memory_space<vmem>> -> memref<128x64xf32, #tpu.memory_space<vmem>>
        %get3A_1445 = arith.index_cast %add3A_1428 : i32 to index
        %get3A_1446 = arith.constant 16 : index
        %get3A_1447 = tpu.vector_load %get3A_1444[%get3A_1445, %get3A_1446] {strides = array<i32>} : memref<128x64xf32, #tpu.memory_space<vmem>>, vector<16xf32>,
        %mul3A_1448 = vector.broadcast %squeeze3A_1430 : f32 to vector<16xf32>
        %mul3A_1449 = arith.mulf %mul3A_1448, %get3A_1447 : vector<16xf32>
        %add3A_1450 = arith.addf %add3A_1406, %mul3A_1449 : vector<16xf32>
        %get3A_1451 = arith.constant 0 : i32
        %get3A_1452 = arith.constant 0 : i32
        %get3A_1453 = tpu.memref_slice %arg9[%scan3A_1279, %get3A_1451, %get3A_1452] : memref<4x128x64xf32, #tpu.memory_space<vmem>> -> memref<1x128x64xf32, #tpu.memory_space<vmem>>
        %get3A_1454 = tpu.memref_squeeze %get3A_1453 : memref<1x128x64xf32, #tpu.memory_space<vmem>> -> memref<128x64xf32, #tpu.memory_space<vmem>>
        %get3A_1455 = arith.index_cast %add3A_1428 : i32 to index
        %get3A_1456 = arith.constant 32 : index
        %get3A_1457 = tpu.vector_load %get3A_1454[%get3A_1455, %get3A_1456] {strides = array<i32>} : memref<128x64xf32, #tpu.memory_space<vmem>>, vector<16xf32>,
        %mul3A_1458 = vector.broadcast %squeeze3A_1430 : f32 to vector<16xf32>
        %mul3A_1459 = arith.mulf %mul3A_1458, %get3A_1457 : vector<16xf32>
        %add3A_1460 = arith.addf %add3A_1416, %mul3A_1459 : vector<16xf32>
        %get3A_1461 = arith.constant 0 : i32
        %get3A_1462 = arith.constant 0 : i32
        %get3A_1463 = tpu.memref_slice %arg9[%scan3A_1279, %get3A_1461, %get3A_1462] : memref<4x128x64xf32, #tpu.memory_space<vmem>> -> memref<1x128x64xf32, #tpu.memory_space<vmem>>
        %get3A_1464 = tpu.memref_squeeze %get3A_1463 : memref<1x128x64xf32, #tpu.memory_space<vmem>> -> memref<128x64xf32, #tpu.memory_space<vmem>>
        %get3A_1465 = arith.index_cast %add3A_1428 : i32 to index
        %get3A_1466 = arith.constant 48 : index
        %get3A_1467 = tpu.vector_load %get3A_1464[%get3A_1465, %get3A_1466] {strides = array<i32>} : memref<128x64xf32, #tpu.memory_space<vmem>>, vector<16xf32>,
        %mul3A_1468 = vector.broadcast %squeeze3A_1430 : f32 to vector<16xf32>
        %mul3A_1469 = arith.mulf %mul3A_1468, %get3A_1467 : vector<16xf32>
        %add3A_1470 = arith.addf %add3A_1426, %mul3A_1469 : vector<16xf32>
        %add3A_1471 = arith.constant 48 : i32
        %add3A_1472 = arith.addi %add3A_1471, %scan3A_1326 : i32
        %slice3A_1473 = vector.extract_strided_slice %get3A_1340 {offsets = [3], sizes = [1], strides = [1]} : vector<16xf32> to vector<1xf32>
        %squeeze3A_1474 = vector.extract %slice3A_1473[0] : f32 from vector<1xf32>
        %get3A_1475 = arith.constant 0 : i32
        %get3A_1476 = arith.constant 0 : i32
        %get3A_1477 = tpu.memref_slice %arg9[%scan3A_1279, %get3A_1475, %get3A_1476] : memref<4x128x64xf32, #tpu.memory_space<vmem>> -> memref<1x128x64xf32, #tpu.memory_space<vmem>>
        %get3A_1478 = tpu.memref_squeeze %get3A_1477 : memref<1x128x64xf32, #tpu.memory_space<vmem>> -> memref<128x64xf32, #tpu.memory_space<vmem>>
        %get3A_1479 = arith.index_cast %add3A_1472 : i32 to index
        %get3A_1480 = arith.constant 0 : index
        %get3A_1481 = tpu.vector_load %get3A_1478[%get3A_1479, %get3A_1480] {strides = array<i32>} : memref<128x64xf32, #tpu.memory_space<vmem>>, vector<16xf32>,
        %mul3A_1482 = vector.broadcast %squeeze3A_1474 : f32 to vector<16xf32>
        %mul3A_1483 = arith.mulf %mul3A_1482, %get3A_1481 : vector<16xf32>
        %add3A_1484 = arith.addf %add3A_1440, %mul3A_1483 : vector<16xf32>
        %get3A_1485 = arith.constant 0 : i32
        %get3A_1486 = arith.constant 0 : i32
        %get3A_1487 = tpu.memref_slice %arg9[%scan3A_1279, %get3A_1485, %get3A_1486] : memref<4x128x64xf32, #tpu.memory_space<vmem>> -> memref<1x128x64xf32, #tpu.memory_space<vmem>>
        %get3A_1488 = tpu.memref_squeeze %get3A_1487 : memref<1x128x64xf32, #tpu.memory_space<vmem>> -> memref<128x64xf32, #tpu.memory_space<vmem>>
        %get3A_1489 = arith.index_cast %add3A_1472 : i32 to index
        %get3A_1490 = arith.constant 16 : index
        %get3A_1491 = tpu.vector_load %get3A_1488[%get3A_1489, %get3A_1490] {strides = array<i32>} : memref<128x64xf32, #tpu.memory_space<vmem>>, vector<16xf32>,
        %mul3A_1492 = vector.broadcast %squeeze3A_1474 : f32 to vector<16xf32>
        %mul3A_1493 = arith.mulf %mul3A_1492, %get3A_1491 : vector<16xf32>
        %add3A_1494 = arith.addf %add3A_1450, %mul3A_1493 : vector<16xf32>
        %get3A_1495 = arith.constant 0 : i32
        %get3A_1496 = arith.constant 0 : i32
        %get3A_1497 = tpu.memref_slice %arg9[%scan3A_1279, %get3A_1495, %get3A_1496] : memref<4x128x64xf32, #tpu.memory_space<vmem>> -> memref<1x128x64xf32, #tpu.memory_space<vmem>>
        %get3A_1498 = tpu.memref_squeeze %get3A_1497 : memref<1x128x64xf32, #tpu.memory_space<vmem>> -> memref<128x64xf32, #tpu.memory_space<vmem>>
        %get3A_1499 = arith.index_cast %add3A_1472 : i32 to index
        %get3A_1500 = arith.constant 32 : index
        %get3A_1501 = tpu.vector_load %get3A_1498[%get3A_1499, %get3A_1500] {strides = array<i32>} : memref<128x64xf32, #tpu.memory_space<vmem>>, vector<16xf32>,
        %mul3A_1502 = vector.broadcast %squeeze3A_1474 : f32 to vector<16xf32>
        %mul3A_1503 = arith.mulf %mul3A_1502, %get3A_1501 : vector<16xf32>
        %add3A_1504 = arith.addf %add3A_1460, %mul3A_1503 : vector<16xf32>
        %get3A_1505 = arith.constant 0 : i32
        %get3A_1506 = arith.constant 0 : i32
        %get3A_1507 = tpu.memref_slice %arg9[%scan3A_1279, %get3A_1505, %get3A_1506] : memref<4x128x64xf32, #tpu.memory_space<vmem>> -> memref<1x128x64xf32, #tpu.memory_space<vmem>>
        %get3A_1508 = tpu.memref_squeeze %get3A_1507 : memref<1x128x64xf32, #tpu.memory_space<vmem>> -> memref<128x64xf32, #tpu.memory_space<vmem>>
        %get3A_1509 = arith.index_cast %add3A_1472 : i32 to index
        %get3A_1510 = arith.constant 48 : index
        %get3A_1511 = tpu.vector_load %get3A_1508[%get3A_1509, %get3A_1510] {strides = array<i32>} : memref<128x64xf32, #tpu.memory_space<vmem>>, vector<16xf32>,
        %mul3A_1512 = vector.broadcast %squeeze3A_1474 : f32 to vector<16xf32>
        %mul3A_1513 = arith.mulf %mul3A_1512, %get3A_1511 : vector<16xf32>
        %add3A_1514 = arith.addf %add3A_1470, %mul3A_1513 : vector<16xf32>
        %add3A_1515 = arith.constant 64 : i32
        %add3A_1516 = arith.addi %add3A_1515, %scan3A_1326 : i32
        %slice3A_1517 = vector.extract_strided_slice %get3A_1340 {offsets = [4], sizes = [1], strides = [1]} : vector<16xf32> to vector<1xf32>
        %squeeze3A_1518 = vector.extract %slice3A_1517[0] : f32 from vector<1xf32>
        %get3A_1519 = arith.constant 0 : i32
        %get3A_1520 = arith.constant 0 : i32
        %get3A_1521 = tpu.memref_slice %arg9[%scan3A_1279, %get3A_1519, %get3A_1520] : memref<4x128x64xf32, #tpu.memory_space<vmem>> -> memref<1x128x64xf32, #tpu.memory_space<vmem>>
        %get3A_1522 = tpu.memref_squeeze %get3A_1521 : memref<1x128x64xf32, #tpu.memory_space<vmem>> -> memref<128x64xf32, #tpu.memory_space<vmem>>
        %get3A_1523 = arith.index_cast %add3A_1516 : i32 to index
        %get3A_1524 = arith.constant 0 : index
        %get3A_1525 = tpu.vector_load %get3A_1522[%get3A_1523, %get3A_1524] {strides = array<i32>} : memref<128x64xf32, #tpu.memory_space<vmem>>, vector<16xf32>,
        %mul3A_1526 = vector.broadcast %squeeze3A_1518 : f32 to vector<16xf32>
        %mul3A_1527 = arith.mulf %mul3A_1526, %get3A_1525 : vector<16xf32>
        %add3A_1528 = arith.addf %add3A_1484, %mul3A_1527 : vector<16xf32>
        %get3A_1529 = arith.constant 0 : i32
        %get3A_1530 = arith.constant 0 : i32
        %get3A_1531 = tpu.memref_slice %arg9[%scan3A_1279, %get3A_1529, %get3A_1530] : memref<4x128x64xf32, #tpu.memory_space<vmem>> -> memref<1x128x64xf32, #tpu.memory_space<vmem>>
        %get3A_1532 = tpu.memref_squeeze %get3A_1531 : memref<1x128x64xf32, #tpu.memory_space<vmem>> -> memref<128x64xf32, #tpu.memory_space<vmem>>
        %get3A_1533 = arith.index_cast %add3A_1516 : i32 to index
        %get3A_1534 = arith.constant 16 : index
        %get3A_1535 = tpu.vector_load %get3A_1532[%get3A_1533, %get3A_1534] {strides = array<i32>} : memref<128x64xf32, #tpu.memory_space<vmem>>, vector<16xf32>,
        %mul3A_1536 = vector.broadcast %squeeze3A_1518 : f32 to vector<16xf32>
        %mul3A_1537 = arith.mulf %mul3A_1536, %get3A_1535 : vector<16xf32>
        %add3A_1538 = arith.addf %add3A_1494, %mul3A_1537 : vector<16xf32>
        %get3A_1539 = arith.constant 0 : i32
        %get3A_1540 = arith.constant 0 : i32
        %get3A_1541 = tpu.memref_slice %arg9[%scan3A_1279, %get3A_1539, %get3A_1540] : memref<4x128x64xf32, #tpu.memory_space<vmem>> -> memref<1x128x64xf32, #tpu.memory_space<vmem>>
        %get3A_1542 = tpu.memref_squeeze %get3A_1541 : memref<1x128x64xf32, #tpu.memory_space<vmem>> -> memref<128x64xf32, #tpu.memory_space<vmem>>
        %get3A_1543 = arith.index_cast %add3A_1516 : i32 to index
        %get3A_1544 = arith.constant 32 : index
        %get3A_1545 = tpu.vector_load %get3A_1542[%get3A_1543, %get3A_1544] {strides = array<i32>} : memref<128x64xf32, #tpu.memory_space<vmem>>, vector<16xf32>,
        %mul3A_1546 = vector.broadcast %squeeze3A_1518 : f32 to vector<16xf32>
        %mul3A_1547 = arith.mulf %mul3A_1546, %get3A_1545 : vector<16xf32>
        %add3A_1548 = arith.addf %add3A_1504, %mul3A_1547 : vector<16xf32>
        %get3A_1549 = arith.constant 0 : i32
        %get3A_1550 = arith.constant 0 : i32
        %get3A_1551 = tpu.memref_slice %arg9[%scan3A_1279, %get3A_1549, %get3A_1550] : memref<4x128x64xf32, #tpu.memory_space<vmem>> -> memref<1x128x64xf32, #tpu.memory_space<vmem>>
        %get3A_1552 = tpu.memref_squeeze %get3A_1551 : memref<1x128x64xf32, #tpu.memory_space<vmem>> -> memref<128x64xf32, #tpu.memory_space<vmem>>
        %get3A_1553 = arith.index_cast %add3A_1516 : i32 to index
        %get3A_1554 = arith.constant 48 : index
        %get3A_1555 = tpu.vector_load %get3A_1552[%get3A_1553, %get3A_1554] {strides = array<i32>} : memref<128x64xf32, #tpu.memory_space<vmem>>, vector<16xf32>,
        %mul3A_1556 = vector.broadcast %squeeze3A_1518 : f32 to vector<16xf32>
        %mul3A_1557 = arith.mulf %mul3A_1556, %get3A_1555 : vector<16xf32>
        %add3A_1558 = arith.addf %add3A_1514, %mul3A_1557 : vector<16xf32>
        %add3A_1559 = arith.constant 80 : i32
        %add3A_1560 = arith.addi %add3A_1559, %scan3A_1326 : i32
        %slice3A_1561 = vector.extract_strided_slice %get3A_1340 {offsets = [5], sizes = [1], strides = [1]} : vector<16xf32> to vector<1xf32>
        %squeeze3A_1562 = vector.extract %slice3A_1561[0] : f32 from vector<1xf32>
        %get3A_1563 = arith.constant 0 : i32
        %get3A_1564 = arith.constant 0 : i32
        %get3A_1565 = tpu.memref_slice %arg9[%scan3A_1279, %get3A_1563, %get3A_1564] : memref<4x128x64xf32, #tpu.memory_space<vmem>> -> memref<1x128x64xf32, #tpu.memory_space<vmem>>
        %get3A_1566 = tpu.memref_squeeze %get3A_1565 : memref<1x128x64xf32, #tpu.memory_space<vmem>> -> memref<128x64xf32, #tpu.memory_space<vmem>>
        %get3A_1567 = arith.index_cast %add3A_1560 : i32 to index
        %get3A_1568 = arith.constant 0 : index
        %get3A_1569 = tpu.vector_load %get3A_1566[%get3A_1567, %get3A_1568] {strides = array<i32>} : memref<128x64xf32, #tpu.memory_space<vmem>>, vector<16xf32>,
        %mul3A_1570 = vector.broadcast %squeeze3A_1562 : f32 to vector<16xf32>
        %mul3A_1571 = arith.mulf %mul3A_1570, %get3A_1569 : vector<16xf32>
        %add3A_1572 = arith.addf %add3A_1528, %mul3A_1571 : vector<16xf32>
        %get3A_1573 = arith.constant 0 : i32
        %get3A_1574 = arith.constant 0 : i32
        %get3A_1575 = tpu.memref_slice %arg9[%scan3A_1279, %get3A_1573, %get3A_1574] : memref<4x128x64xf32, #tpu.memory_space<vmem>> -> memref<1x128x64xf32, #tpu.memory_space<vmem>>
        %get3A_1576 = tpu.memref_squeeze %get3A_1575 : memref<1x128x64xf32, #tpu.memory_space<vmem>> -> memref<128x64xf32, #tpu.memory_space<vmem>>
        %get3A_1577 = arith.index_cast %add3A_1560 : i32 to index
        %get3A_1578 = arith.constant 16 : index
        %get3A_1579 = tpu.vector_load %get3A_1576[%get3A_1577, %get3A_1578] {strides = array<i32>} : memref<128x64xf32, #tpu.memory_space<vmem>>, vector<16xf32>,
        %mul3A_1580 = vector.broadcast %squeeze3A_1562 : f32 to vector<16xf32>
        %mul3A_1581 = arith.mulf %mul3A_1580, %get3A_1579 : vector<16xf32>
        %add3A_1582 = arith.addf %add3A_1538, %mul3A_1581 : vector<16xf32>
        %get3A_1583 = arith.constant 0 : i32
        %get3A_1584 = arith.constant 0 : i32
        %get3A_1585 = tpu.memref_slice %arg9[%scan3A_1279, %get3A_1583, %get3A_1584] : memref<4x128x64xf32, #tpu.memory_space<vmem>> -> memref<1x128x64xf32, #tpu.memory_space<vmem>>
        %get3A_1586 = tpu.memref_squeeze %get3A_1585 : memref<1x128x64xf32, #tpu.memory_space<vmem>> -> memref<128x64xf32, #tpu.memory_space<vmem>>
        %get3A_1587 = arith.index_cast %add3A_1560 : i32 to index
        %get3A_1588 = arith.constant 32 : index
        %get3A_1589 = tpu.vector_load %get3A_1586[%get3A_1587, %get3A_1588] {strides = array<i32>} : memref<128x64xf32, #tpu.memory_space<vmem>>, vector<16xf32>,
        %mul3A_1590 = vector.broadcast %squeeze3A_1562 : f32 to vector<16xf32>
        %mul3A_1591 = arith.mulf %mul3A_1590, %get3A_1589 : vector<16xf32>
        %add3A_1592 = arith.addf %add3A_1548, %mul3A_1591 : vector<16xf32>
        %get3A_1593 = arith.constant 0 : i32
        %get3A_1594 = arith.constant 0 : i32
        %get3A_1595 = tpu.memref_slice %arg9[%scan3A_1279, %get3A_1593, %get3A_1594] : memref<4x128x64xf32, #tpu.memory_space<vmem>> -> memref<1x128x64xf32, #tpu.memory_space<vmem>>
        %get3A_1596 = tpu.memref_squeeze %get3A_1595 : memref<1x128x64xf32, #tpu.memory_space<vmem>> -> memref<128x64xf32, #tpu.memory_space<vmem>>
        %get3A_1597 = arith.index_cast %add3A_1560 : i32 to index
        %get3A_1598 = arith.constant 48 : index
        %get3A_1599 = tpu.vector_load %get3A_1596[%get3A_1597, %get3A_1598] {strides = array<i32>} : memref<128x64xf32, #tpu.memory_space<vmem>>, vector<16xf32>,
        %mul3A_1600 = vector.broadcast %squeeze3A_1562 : f32 to vector<16xf32>
        %mul3A_1601 = arith.mulf %mul3A_1600, %get3A_1599 : vector<16xf32>
        %add3A_1602 = arith.addf %add3A_1558, %mul3A_1601 : vector<16xf32>
        %add3A_1603 = arith.constant 96 : i32
        %add3A_1604 = arith.addi %add3A_1603, %scan3A_1326 : i32
        %slice3A_1605 = vector.extract_strided_slice %get3A_1340 {offsets = [6], sizes = [1], strides = [1]} : vector<16xf32> to vector<1xf32>
        %squeeze3A_1606 = vector.extract %slice3A_1605[0] : f32 from vector<1xf32>
        %get3A_1607 = arith.constant 0 : i32
        %get3A_1608 = arith.constant 0 : i32
        %get3A_1609 = tpu.memref_slice %arg9[%scan3A_1279, %get3A_1607, %get3A_1608] : memref<4x128x64xf32, #tpu.memory_space<vmem>> -> memref<1x128x64xf32, #tpu.memory_space<vmem>>
        %get3A_1610 = tpu.memref_squeeze %get3A_1609 : memref<1x128x64xf32, #tpu.memory_space<vmem>> -> memref<128x64xf32, #tpu.memory_space<vmem>>
        %get3A_1611 = arith.index_cast %add3A_1604 : i32 to index
        %get3A_1612 = arith.constant 0 : index
        %get3A_1613 = tpu.vector_load %get3A_1610[%get3A_1611, %get3A_1612] {strides = array<i32>} : memref<128x64xf32, #tpu.memory_space<vmem>>, vector<16xf32>,
        %mul3A_1614 = vector.broadcast %squeeze3A_1606 : f32 to vector<16xf32>
        %mul3A_1615 = arith.mulf %mul3A_1614, %get3A_1613 : vector<16xf32>
        %add3A_1616 = arith.addf %add3A_1572, %mul3A_1615 : vector<16xf32>
        %get3A_1617 = arith.constant 0 : i32
        %get3A_1618 = arith.constant 0 : i32
        %get3A_1619 = tpu.memref_slice %arg9[%scan3A_1279, %get3A_1617, %get3A_1618] : memref<4x128x64xf32, #tpu.memory_space<vmem>> -> memref<1x128x64xf32, #tpu.memory_space<vmem>>
        %get3A_1620 = tpu.memref_squeeze %get3A_1619 : memref<1x128x64xf32, #tpu.memory_space<vmem>> -> memref<128x64xf32, #tpu.memory_space<vmem>>
        %get3A_1621 = arith.index_cast %add3A_1604 : i32 to index
        %get3A_1622 = arith.constant 16 : index
        %get3A_1623 = tpu.vector_load %get3A_1620[%get3A_1621, %get3A_1622] {strides = array<i32>} : memref<128x64xf32, #tpu.memory_space<vmem>>, vector<16xf32>,
        %mul3A_1624 = vector.broadcast %squeeze3A_1606 : f32 to vector<16xf32>
        %mul3A_1625 = arith.mulf %mul3A_1624, %get3A_1623 : vector<16xf32>
        %add3A_1626 = arith.addf %add3A_1582, %mul3A_1625 : vector<16xf32>
        %get3A_1627 = arith.constant 0 : i32
        %get3A_1628 = arith.constant 0 : i32
        %get3A_1629 = tpu.memref_slice %arg9[%scan3A_1279, %get3A_1627, %get3A_1628] : memref<4x128x64xf32, #tpu.memory_space<vmem>> -> memref<1x128x64xf32, #tpu.memory_space<vmem>>
        %get3A_1630 = tpu.memref_squeeze %get3A_1629 : memref<1x128x64xf32, #tpu.memory_space<vmem>> -> memref<128x64xf32, #tpu.memory_space<vmem>>
        %get3A_1631 = arith.index_cast %add3A_1604 : i32 to index
        %get3A_1632 = arith.constant 32 : index
        %get3A_1633 = tpu.vector_load %get3A_1630[%get3A_1631, %get3A_1632] {strides = array<i32>} : memref<128x64xf32, #tpu.memory_space<vmem>>, vector<16xf32>,
        %mul3A_1634 = vector.broadcast %squeeze3A_1606 : f32 to vector<16xf32>
        %mul3A_1635 = arith.mulf %mul3A_1634, %get3A_1633 : vector<16xf32>
        %add3A_1636 = arith.addf %add3A_1592, %mul3A_1635 : vector<16xf32>
        %get3A_1637 = arith.constant 0 : i32
        %get3A_1638 = arith.constant 0 : i32
        %get3A_1639 = tpu.memref_slice %arg9[%scan3A_1279, %get3A_1637, %get3A_1638] : memref<4x128x64xf32, #tpu.memory_space<vmem>> -> memref<1x128x64xf32, #tpu.memory_space<vmem>>
        %get3A_1640 = tpu.memref_squeeze %get3A_1639 : memref<1x128x64xf32, #tpu.memory_space<vmem>> -> memref<128x64xf32, #tpu.memory_space<vmem>>
        %get3A_1641 = arith.index_cast %add3A_1604 : i32 to index
        %get3A_1642 = arith.constant 48 : index
        %get3A_1643 = tpu.vector_load %get3A_1640[%get3A_1641, %get3A_1642] {strides = array<i32>} : memref<128x64xf32, #tpu.memory_space<vmem>>, vector<16xf32>,
        %mul3A_1644 = vector.broadcast %squeeze3A_1606 : f32 to vector<16xf32>
        %mul3A_1645 = arith.mulf %mul3A_1644, %get3A_1643 : vector<16xf32>
        %add3A_1646 = arith.addf %add3A_1602, %mul3A_1645 : vector<16xf32>
        %add3A_1647 = arith.constant 112 : i32
        %add3A_1648 = arith.addi %add3A_1647, %scan3A_1326 : i32
        %slice3A_1649 = vector.extract_strided_slice %get3A_1340 {offsets = [7], sizes = [1], strides = [1]} : vector<16xf32> to vector<1xf32>
        %squeeze3A_1650 = vector.extract %slice3A_1649[0] : f32 from vector<1xf32>
        %get3A_1651 = arith.constant 0 : i32
        %get3A_1652 = arith.constant 0 : i32
        %get3A_1653 = tpu.memref_slice %arg9[%scan3A_1279, %get3A_1651, %get3A_1652] : memref<4x128x64xf32, #tpu.memory_space<vmem>> -> memref<1x128x64xf32, #tpu.memory_space<vmem>>
        %get3A_1654 = tpu.memref_squeeze %get3A_1653 : memref<1x128x64xf32, #tpu.memory_space<vmem>> -> memref<128x64xf32, #tpu.memory_space<vmem>>
        %get3A_1655 = arith.index_cast %add3A_1648 : i32 to index
        %get3A_1656 = arith.constant 0 : index
        %get3A_1657 = tpu.vector_load %get3A_1654[%get3A_1655, %get3A_1656] {strides = array<i32>} : memref<128x64xf32, #tpu.memory_space<vmem>>, vector<16xf32>,
        %mul3A_1658 = vector.broadcast %squeeze3A_1650 : f32 to vector<16xf32>
        %mul3A_1659 = arith.mulf %mul3A_1658, %get3A_1657 : vector<16xf32>
        %add3A_1660 = arith.addf %add3A_1616, %mul3A_1659 : vector<16xf32>
        %get3A_1661 = arith.constant 0 : i32
        %get3A_1662 = arith.constant 0 : i32
        %get3A_1663 = tpu.memref_slice %arg9[%scan3A_1279, %get3A_1661, %get3A_1662] : memref<4x128x64xf32, #tpu.memory_space<vmem>> -> memref<1x128x64xf32, #tpu.memory_space<vmem>>
        %get3A_1664 = tpu.memref_squeeze %get3A_1663 : memref<1x128x64xf32, #tpu.memory_space<vmem>> -> memref<128x64xf32, #tpu.memory_space<vmem>>
        %get3A_1665 = arith.index_cast %add3A_1648 : i32 to index
        %get3A_1666 = arith.constant 16 : index
        %get3A_1667 = tpu.vector_load %get3A_1664[%get3A_1665, %get3A_1666] {strides = array<i32>} : memref<128x64xf32, #tpu.memory_space<vmem>>, vector<16xf32>,
        %mul3A_1668 = vector.broadcast %squeeze3A_1650 : f32 to vector<16xf32>
        %mul3A_1669 = arith.mulf %mul3A_1668, %get3A_1667 : vector<16xf32>
        %add3A_1670 = arith.addf %add3A_1626, %mul3A_1669 : vector<16xf32>
        %get3A_1671 = arith.constant 0 : i32
        %get3A_1672 = arith.constant 0 : i32
        %get3A_1673 = tpu.memref_slice %arg9[%scan3A_1279, %get3A_1671, %get3A_1672] : memref<4x128x64xf32, #tpu.memory_space<vmem>> -> memref<1x128x64xf32, #tpu.memory_space<vmem>>
        %get3A_1674 = tpu.memref_squeeze %get3A_1673 : memref<1x128x64xf32, #tpu.memory_space<vmem>> -> memref<128x64xf32, #tpu.memory_space<vmem>>
        %get3A_1675 = arith.index_cast %add3A_1648 : i32 to index
        %get3A_1676 = arith.constant 32 : index
        %get3A_1677 = tpu.vector_load %get3A_1674[%get3A_1675, %get3A_1676] {strides = array<i32>} : memref<128x64xf32, #tpu.memory_space<vmem>>, vector<16xf32>,
        %mul3A_1678 = vector.broadcast %squeeze3A_1650 : f32 to vector<16xf32>
        %mul3A_1679 = arith.mulf %mul3A_1678, %get3A_1677 : vector<16xf32>
        %add3A_1680 = arith.addf %add3A_1636, %mul3A_1679 : vector<16xf32>
        %get3A_1681 = arith.constant 0 : i32
        %get3A_1682 = arith.constant 0 : i32
        %get3A_1683 = tpu.memref_slice %arg9[%scan3A_1279, %get3A_1681, %get3A_1682] : memref<4x128x64xf32, #tpu.memory_space<vmem>> -> memref<1x128x64xf32, #tpu.memory_space<vmem>>
        %get3A_1684 = tpu.memref_squeeze %get3A_1683 : memref<1x128x64xf32, #tpu.memory_space<vmem>> -> memref<128x64xf32, #tpu.memory_space<vmem>>
        %get3A_1685 = arith.index_cast %add3A_1648 : i32 to index
        %get3A_1686 = arith.constant 48 : index
        %get3A_1687 = tpu.vector_load %get3A_1684[%get3A_1685, %get3A_1686] {strides = array<i32>} : memref<128x64xf32, #tpu.memory_space<vmem>>, vector<16xf32>,
        %mul3A_1688 = vector.broadcast %squeeze3A_1650 : f32 to vector<16xf32>
        %mul3A_1689 = arith.mulf %mul3A_1688, %get3A_1687 : vector<16xf32>
        %add3A_1690 = arith.addf %add3A_1646, %mul3A_1689 : vector<16xf32>
        %add3A_1691 = arith.constant 0 : i32
        %add3A_1692 = arith.addi %add3A_1691, %scan3A_1326 : i32
        %slice3A_1693 = vector.extract_strided_slice %get3A_1340 {offsets = [8], sizes = [1], strides = [1]} : vector<16xf32> to vector<1xf32>
        %squeeze3A_1694 = vector.extract %slice3A_1693[0] : f32 from vector<1xf32>
        %get3A_1695 = arith.constant 0 : i32
        %get3A_1696 = arith.constant 0 : i32
        %get3A_1697 = tpu.memref_slice %arg9[%scan3A_1280, %get3A_1695, %get3A_1696] : memref<4x128x64xf32, #tpu.memory_space<vmem>> -> memref<1x128x64xf32, #tpu.memory_space<vmem>>
        %get3A_1698 = tpu.memref_squeeze %get3A_1697 : memref<1x128x64xf32, #tpu.memory_space<vmem>> -> memref<128x64xf32, #tpu.memory_space<vmem>>
        %get3A_1699 = arith.index_cast %add3A_1692 : i32 to index
        %get3A_1700 = arith.constant 0 : index
        %get3A_1701 = tpu.vector_load %get3A_1698[%get3A_1699, %get3A_1700] {strides = array<i32>} : memref<128x64xf32, #tpu.memory_space<vmem>>, vector<16xf32>,
        %mul3A_1702 = vector.broadcast %squeeze3A_1694 : f32 to vector<16xf32>
        %mul3A_1703 = arith.mulf %mul3A_1702, %get3A_1701 : vector<16xf32>
        %add3A_1704 = arith.addf %add3A_1660, %mul3A_1703 : vector<16xf32>
        %get3A_1705 = arith.constant 0 : i32
        %get3A_1706 = arith.constant 0 : i32
        %get3A_1707 = tpu.memref_slice %arg9[%scan3A_1280, %get3A_1705, %get3A_1706] : memref<4x128x64xf32, #tpu.memory_space<vmem>> -> memref<1x128x64xf32, #tpu.memory_space<vmem>>
        %get3A_1708 = tpu.memref_squeeze %get3A_1707 : memref<1x128x64xf32, #tpu.memory_space<vmem>> -> memref<128x64xf32, #tpu.memory_space<vmem>>
        %get3A_1709 = arith.index_cast %add3A_1692 : i32 to index
        %get3A_1710 = arith.constant 16 : index
        %get3A_1711 = tpu.vector_load %get3A_1708[%get3A_1709, %get3A_1710] {strides = array<i32>} : memref<128x64xf32, #tpu.memory_space<vmem>>, vector<16xf32>,
        %mul3A_1712 = vector.broadcast %squeeze3A_1694 : f32 to vector<16xf32>
        %mul3A_1713 = arith.mulf %mul3A_1712, %get3A_1711 : vector<16xf32>
        %add3A_1714 = arith.addf %add3A_1670, %mul3A_1713 : vector<16xf32>
        %get3A_1715 = arith.constant 0 : i32
        %get3A_1716 = arith.constant 0 : i32
        %get3A_1717 = tpu.memref_slice %arg9[%scan3A_1280, %get3A_1715, %get3A_1716] : memref<4x128x64xf32, #tpu.memory_space<vmem>> -> memref<1x128x64xf32, #tpu.memory_space<vmem>>
        %get3A_1718 = tpu.memref_squeeze %get3A_1717 : memref<1x128x64xf32, #tpu.memory_space<vmem>> -> memref<128x64xf32, #tpu.memory_space<vmem>>
        %get3A_1719 = arith.index_cast %add3A_1692 : i32 to index
        %get3A_1720 = arith.constant 32 : index
        %get3A_1721 = tpu.vector_load %get3A_1718[%get3A_1719, %get3A_1720] {strides = array<i32>} : memref<128x64xf32, #tpu.memory_space<vmem>>, vector<16xf32>,
        %mul3A_1722 = vector.broadcast %squeeze3A_1694 : f32 to vector<16xf32>
        %mul3A_1723 = arith.mulf %mul3A_1722, %get3A_1721 : vector<16xf32>
        %add3A_1724 = arith.addf %add3A_1680, %mul3A_1723 : vector<16xf32>
        %get3A_1725 = arith.constant 0 : i32
        %get3A_1726 = arith.constant 0 : i32
        %get3A_1727 = tpu.memref_slice %arg9[%scan3A_1280, %get3A_1725, %get3A_1726] : memref<4x128x64xf32, #tpu.memory_space<vmem>> -> memref<1x128x64xf32, #tpu.memory_space<vmem>>
        %get3A_1728 = tpu.memref_squeeze %get3A_1727 : memref<1x128x64xf32, #tpu.memory_space<vmem>> -> memref<128x64xf32, #tpu.memory_space<vmem>>
        %get3A_1729 = arith.index_cast %add3A_1692 : i32 to index
        %get3A_1730 = arith.constant 48 : index
        %get3A_1731 = tpu.vector_load %get3A_1728[%get3A_1729, %get3A_1730] {strides = array<i32>} : memref<128x64xf32, #tpu.memory_space<vmem>>, vector<16xf32>,
        %mul3A_1732 = vector.broadcast %squeeze3A_1694 : f32 to vector<16xf32>
        %mul3A_1733 = arith.mulf %mul3A_1732, %get3A_1731 : vector<16xf32>
        %add3A_1734 = arith.addf %add3A_1690, %mul3A_1733 : vector<16xf32>
        %add3A_1735 = arith.constant 16 : i32
        %add3A_1736 = arith.addi %add3A_1735, %scan3A_1326 : i32
        %slice3A_1737 = vector.extract_strided_slice %get3A_1340 {offsets = [9], sizes = [1], strides = [1]} : vector<16xf32> to vector<1xf32>
        %squeeze3A_1738 = vector.extract %slice3A_1737[0] : f32 from vector<1xf32>
        %get3A_1739 = arith.constant 0 : i32
        %get3A_1740 = arith.constant 0 : i32
        %get3A_1741 = tpu.memref_slice %arg9[%scan3A_1280, %get3A_1739, %get3A_1740] : memref<4x128x64xf32, #tpu.memory_space<vmem>> -> memref<1x128x64xf32, #tpu.memory_space<vmem>>
        %get3A_1742 = tpu.memref_squeeze %get3A_1741 : memref<1x128x64xf32, #tpu.memory_space<vmem>> -> memref<128x64xf32, #tpu.memory_space<vmem>>
        %get3A_1743 = arith.index_cast %add3A_1736 : i32 to index
        %get3A_1744 = arith.constant 0 : index
        %get3A_1745 = tpu.vector_load %get3A_1742[%get3A_1743, %get3A_1744] {strides = array<i32>} : memref<128x64xf32, #tpu.memory_space<vmem>>, vector<16xf32>,
        %mul3A_1746 = vector.broadcast %squeeze3A_1738 : f32 to vector<16xf32>
        %mul3A_1747 = arith.mulf %mul3A_1746, %get3A_1745 : vector<16xf32>
        %add3A_1748 = arith.addf %add3A_1704, %mul3A_1747 : vector<16xf32>
        %get3A_1749 = arith.constant 0 : i32
        %get3A_1750 = arith.constant 0 : i32
        %get3A_1751 = tpu.memref_slice %arg9[%scan3A_1280, %get3A_1749, %get3A_1750] : memref<4x128x64xf32, #tpu.memory_space<vmem>> -> memref<1x128x64xf32, #tpu.memory_space<vmem>>
        %get3A_1752 = tpu.memref_squeeze %get3A_1751 : memref<1x128x64xf32, #tpu.memory_space<vmem>> -> memref<128x64xf32, #tpu.memory_space<vmem>>
        %get3A_1753 = arith.index_cast %add3A_1736 : i32 to index
        %get3A_1754 = arith.constant 16 : index
        %get3A_1755 = tpu.vector_load %get3A_1752[%get3A_1753, %get3A_1754] {strides = array<i32>} : memref<128x64xf32, #tpu.memory_space<vmem>>, vector<16xf32>,
        %mul3A_1756 = vector.broadcast %squeeze3A_1738 : f32 to vector<16xf32>
        %mul3A_1757 = arith.mulf %mul3A_1756, %get3A_1755 : vector<16xf32>
        %add3A_1758 = arith.addf %add3A_1714, %mul3A_1757 : vector<16xf32>
        %get3A_1759 = arith.constant 0 : i32
        %get3A_1760 = arith.constant 0 : i32
        %get3A_1761 = tpu.memref_slice %arg9[%scan3A_1280, %get3A_1759, %get3A_1760] : memref<4x128x64xf32, #tpu.memory_space<vmem>> -> memref<1x128x64xf32, #tpu.memory_space<vmem>>
        %get3A_1762 = tpu.memref_squeeze %get3A_1761 : memref<1x128x64xf32, #tpu.memory_space<vmem>> -> memref<128x64xf32, #tpu.memory_space<vmem>>
        %get3A_1763 = arith.index_cast %add3A_1736 : i32 to index
        %get3A_1764 = arith.constant 32 : index
        %get3A_1765 = tpu.vector_load %get3A_1762[%get3A_1763, %get3A_1764] {strides = array<i32>} : memref<128x64xf32, #tpu.memory_space<vmem>>, vector<16xf32>,
        %mul3A_1766 = vector.broadcast %squeeze3A_1738 : f32 to vector<16xf32>
        %mul3A_1767 = arith.mulf %mul3A_1766, %get3A_1765 : vector<16xf32>
        %add3A_1768 = arith.addf %add3A_1724, %mul3A_1767 : vector<16xf32>
        %get3A_1769 = arith.constant 0 : i32
        %get3A_1770 = arith.constant 0 : i32
        %get3A_1771 = tpu.memref_slice %arg9[%scan3A_1280, %get3A_1769, %get3A_1770] : memref<4x128x64xf32, #tpu.memory_space<vmem>> -> memref<1x128x64xf32, #tpu.memory_space<vmem>>
        %get3A_1772 = tpu.memref_squeeze %get3A_1771 : memref<1x128x64xf32, #tpu.memory_space<vmem>> -> memref<128x64xf32, #tpu.memory_space<vmem>>
        %get3A_1773 = arith.index_cast %add3A_1736 : i32 to index
        %get3A_1774 = arith.constant 48 : index
        %get3A_1775 = tpu.vector_load %get3A_1772[%get3A_1773, %get3A_1774] {strides = array<i32>} : memref<128x64xf32, #tpu.memory_space<vmem>>, vector<16xf32>,
        %mul3A_1776 = vector.broadcast %squeeze3A_1738 : f32 to vector<16xf32>
        %mul3A_1777 = arith.mulf %mul3A_1776, %get3A_1775 : vector<16xf32>
        %add3A_1778 = arith.addf %add3A_1734, %mul3A_1777 : vector<16xf32>
        %add3A_1779 = arith.constant 32 : i32
        %add3A_1780 = arith.addi %add3A_1779, %scan3A_1326 : i32
        %slice3A_1781 = vector.extract_strided_slice %get3A_1340 {offsets = [10], sizes = [1], strides = [1]} : vector<16xf32> to vector<1xf32>
        %squeeze3A_1782 = vector.extract %slice3A_1781[0] : f32 from vector<1xf32>
        %get3A_1783 = arith.constant 0 : i32
        %get3A_1784 = arith.constant 0 : i32
        %get3A_1785 = tpu.memref_slice %arg9[%scan3A_1280, %get3A_1783, %get3A_1784] : memref<4x128x64xf32, #tpu.memory_space<vmem>> -> memref<1x128x64xf32, #tpu.memory_space<vmem>>
        %get3A_1786 = tpu.memref_squeeze %get3A_1785 : memref<1x128x64xf32, #tpu.memory_space<vmem>> -> memref<128x64xf32, #tpu.memory_space<vmem>>
        %get3A_1787 = arith.index_cast %add3A_1780 : i32 to index
        %get3A_1788 = arith.constant 0 : index
        %get3A_1789 = tpu.vector_load %get3A_1786[%get3A_1787, %get3A_1788] {strides = array<i32>} : memref<128x64xf32, #tpu.memory_space<vmem>>, vector<16xf32>,
        %mul3A_1790 = vector.broadcast %squeeze3A_1782 : f32 to vector<16xf32>
        %mul3A_1791 = arith.mulf %mul3A_1790, %get3A_1789 : vector<16xf32>
        %add3A_1792 = arith.addf %add3A_1748, %mul3A_1791 : vector<16xf32>
        %get3A_1793 = arith.constant 0 : i32
        %get3A_1794 = arith.constant 0 : i32
        %get3A_1795 = tpu.memref_slice %arg9[%scan3A_1280, %get3A_1793, %get3A_1794] : memref<4x128x64xf32, #tpu.memory_space<vmem>> -> memref<1x128x64xf32, #tpu.memory_space<vmem>>
        %get3A_1796 = tpu.memref_squeeze %get3A_1795 : memref<1x128x64xf32, #tpu.memory_space<vmem>> -> memref<128x64xf32, #tpu.memory_space<vmem>>
        %get3A_1797 = arith.index_cast %add3A_1780 : i32 to index
        %get3A_1798 = arith.constant 16 : index
        %get3A_1799 = tpu.vector_load %get3A_1796[%get3A_1797, %get3A_1798] {strides = array<i32>} : memref<128x64xf32, #tpu.memory_space<vmem>>, vector<16xf32>,
        %mul3A_1800 = vector.broadcast %squeeze3A_1782 : f32 to vector<16xf32>
        %mul3A_1801 = arith.mulf %mul3A_1800, %get3A_1799 : vector<16xf32>
        %add3A_1802 = arith.addf %add3A_1758, %mul3A_1801 : vector<16xf32>
        %get3A_1803 = arith.constant 0 : i32
        %get3A_1804 = arith.constant 0 : i32
        %get3A_1805 = tpu.memref_slice %arg9[%scan3A_1280, %get3A_1803, %get3A_1804] : memref<4x128x64xf32, #tpu.memory_space<vmem>> -> memref<1x128x64xf32, #tpu.memory_space<vmem>>
        %get3A_1806 = tpu.memref_squeeze %get3A_1805 : memref<1x128x64xf32, #tpu.memory_space<vmem>> -> memref<128x64xf32, #tpu.memory_space<vmem>>
        %get3A_1807 = arith.index_cast %add3A_1780 : i32 to index
        %get3A_1808 = arith.constant 32 : index
        %get3A_1809 = tpu.vector_load %get3A_1806[%get3A_1807, %get3A_1808] {strides = array<i32>} : memref<128x64xf32, #tpu.memory_space<vmem>>, vector<16xf32>,
        %mul3A_1810 = vector.broadcast %squeeze3A_1782 : f32 to vector<16xf32>
        %mul3A_1811 = arith.mulf %mul3A_1810, %get3A_1809 : vector<16xf32>
        %add3A_1812 = arith.addf %add3A_1768, %mul3A_1811 : vector<16xf32>
        %get3A_1813 = arith.constant 0 : i32
        %get3A_1814 = arith.constant 0 : i32
        %get3A_1815 = tpu.memref_slice %arg9[%scan3A_1280, %get3A_1813, %get3A_1814] : memref<4x128x64xf32, #tpu.memory_space<vmem>> -> memref<1x128x64xf32, #tpu.memory_space<vmem>>
        %get3A_1816 = tpu.memref_squeeze %get3A_1815 : memref<1x128x64xf32, #tpu.memory_space<vmem>> -> memref<128x64xf32, #tpu.memory_space<vmem>>
        %get3A_1817 = arith.index_cast %add3A_1780 : i32 to index
        %get3A_1818 = arith.constant 48 : index
        %get3A_1819 = tpu.vector_load %get3A_1816[%get3A_1817, %get3A_1818] {strides = array<i32>} : memref<128x64xf32, #tpu.memory_space<vmem>>, vector<16xf32>,
        %mul3A_1820 = vector.broadcast %squeeze3A_1782 : f32 to vector<16xf32>
        %mul3A_1821 = arith.mulf %mul3A_1820, %get3A_1819 : vector<16xf32>
        %add3A_1822 = arith.addf %add3A_1778, %mul3A_1821 : vector<16xf32>
        %add3A_1823 = arith.constant 48 : i32
        %add3A_1824 = arith.addi %add3A_1823, %scan3A_1326 : i32
        %slice3A_1825 = vector.extract_strided_slice %get3A_1340 {offsets = [11], sizes = [1], strides = [1]} : vector<16xf32> to vector<1xf32>
        %squeeze3A_1826 = vector.extract %slice3A_1825[0] : f32 from vector<1xf32>
        %get3A_1827 = arith.constant 0 : i32
        %get3A_1828 = arith.constant 0 : i32
        %get3A_1829 = tpu.memref_slice %arg9[%scan3A_1280, %get3A_1827, %get3A_1828] : memref<4x128x64xf32, #tpu.memory_space<vmem>> -> memref<1x128x64xf32, #tpu.memory_space<vmem>>
        %get3A_1830 = tpu.memref_squeeze %get3A_1829 : memref<1x128x64xf32, #tpu.memory_space<vmem>> -> memref<128x64xf32, #tpu.memory_space<vmem>>
        %get3A_1831 = arith.index_cast %add3A_1824 : i32 to index
        %get3A_1832 = arith.constant 0 : index
        %get3A_1833 = tpu.vector_load %get3A_1830[%get3A_1831, %get3A_1832] {strides = array<i32>} : memref<128x64xf32, #tpu.memory_space<vmem>>, vector<16xf32>,
        %mul3A_1834 = vector.broadcast %squeeze3A_1826 : f32 to vector<16xf32>
        %mul3A_1835 = arith.mulf %mul3A_1834, %get3A_1833 : vector<16xf32>
        %add3A_1836 = arith.addf %add3A_1792, %mul3A_1835 : vector<16xf32>
        %get3A_1837 = arith.constant 0 : i32
        %get3A_1838 = arith.constant 0 : i32
        %get3A_1839 = tpu.memref_slice %arg9[%scan3A_1280, %get3A_1837, %get3A_1838] : memref<4x128x64xf32, #tpu.memory_space<vmem>> -> memref<1x128x64xf32, #tpu.memory_space<vmem>>
        %get3A_1840 = tpu.memref_squeeze %get3A_1839 : memref<1x128x64xf32, #tpu.memory_space<vmem>> -> memref<128x64xf32, #tpu.memory_space<vmem>>
        %get3A_1841 = arith.index_cast %add3A_1824 : i32 to index
        %get3A_1842 = arith.constant 16 : index
        %get3A_1843 = tpu.vector_load %get3A_1840[%get3A_1841, %get3A_1842] {strides = array<i32>} : memref<128x64xf32, #tpu.memory_space<vmem>>, vector<16xf32>,
        %mul3A_1844 = vector.broadcast %squeeze3A_1826 : f32 to vector<16xf32>
        %mul3A_1845 = arith.mulf %mul3A_1844, %get3A_1843 : vector<16xf32>
        %add3A_1846 = arith.addf %add3A_1802, %mul3A_1845 : vector<16xf32>
        %get3A_1847 = arith.constant 0 : i32
        %get3A_1848 = arith.constant 0 : i32
        %get3A_1849 = tpu.memref_slice %arg9[%scan3A_1280, %get3A_1847, %get3A_1848] : memref<4x128x64xf32, #tpu.memory_space<vmem>> -> memref<1x128x64xf32, #tpu.memory_space<vmem>>
        %get3A_1850 = tpu.memref_squeeze %get3A_1849 : memref<1x128x64xf32, #tpu.memory_space<vmem>> -> memref<128x64xf32, #tpu.memory_space<vmem>>
        %get3A_1851 = arith.index_cast %add3A_1824 : i32 to index
        %get3A_1852 = arith.constant 32 : index
        %get3A_1853 = tpu.vector_load %get3A_1850[%get3A_1851, %get3A_1852] {strides = array<i32>} : memref<128x64xf32, #tpu.memory_space<vmem>>, vector<16xf32>,
        %mul3A_1854 = vector.broadcast %squeeze3A_1826 : f32 to vector<16xf32>
        %mul3A_1855 = arith.mulf %mul3A_1854, %get3A_1853 : vector<16xf32>
        %add3A_1856 = arith.addf %add3A_1812, %mul3A_1855 : vector<16xf32>
        %get3A_1857 = arith.constant 0 : i32
        %get3A_1858 = arith.constant 0 : i32
        %get3A_1859 = tpu.memref_slice %arg9[%scan3A_1280, %get3A_1857, %get3A_1858] : memref<4x128x64xf32, #tpu.memory_space<vmem>> -> memref<1x128x64xf32, #tpu.memory_space<vmem>>
        %get3A_1860 = tpu.memref_squeeze %get3A_1859 : memref<1x128x64xf32, #tpu.memory_space<vmem>> -> memref<128x64xf32, #tpu.memory_space<vmem>>
        %get3A_1861 = arith.index_cast %add3A_1824 : i32 to index
        %get3A_1862 = arith.constant 48 : index
        %get3A_1863 = tpu.vector_load %get3A_1860[%get3A_1861, %get3A_1862] {strides = array<i32>} : memref<128x64xf32, #tpu.memory_space<vmem>>, vector<16xf32>,
        %mul3A_1864 = vector.broadcast %squeeze3A_1826 : f32 to vector<16xf32>
        %mul3A_1865 = arith.mulf %mul3A_1864, %get3A_1863 : vector<16xf32>
        %add3A_1866 = arith.addf %add3A_1822, %mul3A_1865 : vector<16xf32>
        %add3A_1867 = arith.constant 64 : i32
        %add3A_1868 = arith.addi %add3A_1867, %scan3A_1326 : i32
        %slice3A_1869 = vector.extract_strided_slice %get3A_1340 {offsets = [12], sizes = [1], strides = [1]} : vector<16xf32> to vector<1xf32>
        %squeeze3A_1870 = vector.extract %slice3A_1869[0] : f32 from vector<1xf32>
        %get3A_1871 = arith.constant 0 : i32
        %get3A_1872 = arith.constant 0 : i32
        %get3A_1873 = tpu.memref_slice %arg9[%scan3A_1280, %get3A_1871, %get3A_1872] : memref<4x128x64xf32, #tpu.memory_space<vmem>> -> memref<1x128x64xf32, #tpu.memory_space<vmem>>
        %get3A_1874 = tpu.memref_squeeze %get3A_1873 : memref<1x128x64xf32, #tpu.memory_space<vmem>> -> memref<128x64xf32, #tpu.memory_space<vmem>>
        %get3A_1875 = arith.index_cast %add3A_1868 : i32 to index
        %get3A_1876 = arith.constant 0 : index
        %get3A_1877 = tpu.vector_load %get3A_1874[%get3A_1875, %get3A_1876] {strides = array<i32>} : memref<128x64xf32, #tpu.memory_space<vmem>>, vector<16xf32>,
        %mul3A_1878 = vector.broadcast %squeeze3A_1870 : f32 to vector<16xf32>
        %mul3A_1879 = arith.mulf %mul3A_1878, %get3A_1877 : vector<16xf32>
        %add3A_1880 = arith.addf %add3A_1836, %mul3A_1879 : vector<16xf32>
        %get3A_1881 = arith.constant 0 : i32
        %get3A_1882 = arith.constant 0 : i32
        %get3A_1883 = tpu.memref_slice %arg9[%scan3A_1280, %get3A_1881, %get3A_1882] : memref<4x128x64xf32, #tpu.memory_space<vmem>> -> memref<1x128x64xf32, #tpu.memory_space<vmem>>
        %get3A_1884 = tpu.memref_squeeze %get3A_1883 : memref<1x128x64xf32, #tpu.memory_space<vmem>> -> memref<128x64xf32, #tpu.memory_space<vmem>>
        %get3A_1885 = arith.index_cast %add3A_1868 : i32 to index
        %get3A_1886 = arith.constant 16 : index
        %get3A_1887 = tpu.vector_load %get3A_1884[%get3A_1885, %get3A_1886] {strides = array<i32>} : memref<128x64xf32, #tpu.memory_space<vmem>>, vector<16xf32>,
        %mul3A_1888 = vector.broadcast %squeeze3A_1870 : f32 to vector<16xf32>
        %mul3A_1889 = arith.mulf %mul3A_1888, %get3A_1887 : vector<16xf32>
        %add3A_1890 = arith.addf %add3A_1846, %mul3A_1889 : vector<16xf32>
        %get3A_1891 = arith.constant 0 : i32
        %get3A_1892 = arith.constant 0 : i32
        %get3A_1893 = tpu.memref_slice %arg9[%scan3A_1280, %get3A_1891, %get3A_1892] : memref<4x128x64xf32, #tpu.memory_space<vmem>> -> memref<1x128x64xf32, #tpu.memory_space<vmem>>
        %get3A_1894 = tpu.memref_squeeze %get3A_1893 : memref<1x128x64xf32, #tpu.memory_space<vmem>> -> memref<128x64xf32, #tpu.memory_space<vmem>>
        %get3A_1895 = arith.index_cast %add3A_1868 : i32 to index
        %get3A_1896 = arith.constant 32 : index
        %get3A_1897 = tpu.vector_load %get3A_1894[%get3A_1895, %get3A_1896] {strides = array<i32>} : memref<128x64xf32, #tpu.memory_space<vmem>>, vector<16xf32>,
        %mul3A_1898 = vector.broadcast %squeeze3A_1870 : f32 to vector<16xf32>
        %mul3A_1899 = arith.mulf %mul3A_1898, %get3A_1897 : vector<16xf32>
        %add3A_1900 = arith.addf %add3A_1856, %mul3A_1899 : vector<16xf32>
        %get3A_1901 = arith.constant 0 : i32
        %get3A_1902 = arith.constant 0 : i32
        %get3A_1903 = tpu.memref_slice %arg9[%scan3A_1280, %get3A_1901, %get3A_1902] : memref<4x128x64xf32, #tpu.memory_space<vmem>> -> memref<1x128x64xf32, #tpu.memory_space<vmem>>
        %get3A_1904 = tpu.memref_squeeze %get3A_1903 : memref<1x128x64xf32, #tpu.memory_space<vmem>> -> memref<128x64xf32, #tpu.memory_space<vmem>>
        %get3A_1905 = arith.index_cast %add3A_1868 : i32 to index
        %get3A_1906 = arith.constant 48 : index
        %get3A_1907 = tpu.vector_load %get3A_1904[%get3A_1905, %get3A_1906] {strides = array<i32>} : memref<128x64xf32, #tpu.memory_space<vmem>>, vector<16xf32>,
        %mul3A_1908 = vector.broadcast %squeeze3A_1870 : f32 to vector<16xf32>
        %mul3A_1909 = arith.mulf %mul3A_1908, %get3A_1907 : vector<16xf32>
        %add3A_1910 = arith.addf %add3A_1866, %mul3A_1909 : vector<16xf32>
        %add3A_1911 = arith.constant 80 : i32
        %add3A_1912 = arith.addi %add3A_1911, %scan3A_1326 : i32
        %slice3A_1913 = vector.extract_strided_slice %get3A_1340 {offsets = [13], sizes = [1], strides = [1]} : vector<16xf32> to vector<1xf32>
        %squeeze3A_1914 = vector.extract %slice3A_1913[0] : f32 from vector<1xf32>
        %get3A_1915 = arith.constant 0 : i32
        %get3A_1916 = arith.constant 0 : i32
        %get3A_1917 = tpu.memref_slice %arg9[%scan3A_1280, %get3A_1915, %get3A_1916] : memref<4x128x64xf32, #tpu.memory_space<vmem>> -> memref<1x128x64xf32, #tpu.memory_space<vmem>>
        %get3A_1918 = tpu.memref_squeeze %get3A_1917 : memref<1x128x64xf32, #tpu.memory_space<vmem>> -> memref<128x64xf32, #tpu.memory_space<vmem>>
        %get3A_1919 = arith.index_cast %add3A_1912 : i32 to index
        %get3A_1920 = arith.constant 0 : index
        %get3A_1921 = tpu.vector_load %get3A_1918[%get3A_1919, %get3A_1920] {strides = array<i32>} : memref<128x64xf32, #tpu.memory_space<vmem>>, vector<16xf32>,
        %mul3A_1922 = vector.broadcast %squeeze3A_1914 : f32 to vector<16xf32>
        %mul3A_1923 = arith.mulf %mul3A_1922, %get3A_1921 : vector<16xf32>
        %add3A_1924 = arith.addf %add3A_1880, %mul3A_1923 : vector<16xf32>
        %get3A_1925 = arith.constant 0 : i32
        %get3A_1926 = arith.constant 0 : i32
        %get3A_1927 = tpu.memref_slice %arg9[%scan3A_1280, %get3A_1925, %get3A_1926] : memref<4x128x64xf32, #tpu.memory_space<vmem>> -> memref<1x128x64xf32, #tpu.memory_space<vmem>>
        %get3A_1928 = tpu.memref_squeeze %get3A_1927 : memref<1x128x64xf32, #tpu.memory_space<vmem>> -> memref<128x64xf32, #tpu.memory_space<vmem>>
        %get3A_1929 = arith.index_cast %add3A_1912 : i32 to index
        %get3A_1930 = arith.constant 16 : index
        %get3A_1931 = tpu.vector_load %get3A_1928[%get3A_1929, %get3A_1930] {strides = array<i32>} : memref<128x64xf32, #tpu.memory_space<vmem>>, vector<16xf32>,
        %mul3A_1932 = vector.broadcast %squeeze3A_1914 : f32 to vector<16xf32>
        %mul3A_1933 = arith.mulf %mul3A_1932, %get3A_1931 : vector<16xf32>
        %add3A_1934 = arith.addf %add3A_1890, %mul3A_1933 : vector<16xf32>
        %get3A_1935 = arith.constant 0 : i32
        %get3A_1936 = arith.constant 0 : i32
        %get3A_1937 = tpu.memref_slice %arg9[%scan3A_1280, %get3A_1935, %get3A_1936] : memref<4x128x64xf32, #tpu.memory_space<vmem>> -> memref<1x128x64xf32, #tpu.memory_space<vmem>>
        %get3A_1938 = tpu.memref_squeeze %get3A_1937 : memref<1x128x64xf32, #tpu.memory_space<vmem>> -> memref<128x64xf32, #tpu.memory_space<vmem>>
        %get3A_1939 = arith.index_cast %add3A_1912 : i32 to index
        %get3A_1940 = arith.constant 32 : index
        %get3A_1941 = tpu.vector_load %get3A_1938[%get3A_1939, %get3A_1940] {strides = array<i32>} : memref<128x64xf32, #tpu.memory_space<vmem>>, vector<16xf32>,
        %mul3A_1942 = vector.broadcast %squeeze3A_1914 : f32 to vector<16xf32>
        %mul3A_1943 = arith.mulf %mul3A_1942, %get3A_1941 : vector<16xf32>
        %add3A_1944 = arith.addf %add3A_1900, %mul3A_1943 : vector<16xf32>
        %get3A_1945 = arith.constant 0 : i32
        %get3A_1946 = arith.constant 0 : i32
        %get3A_1947 = tpu.memref_slice %arg9[%scan3A_1280, %get3A_1945, %get3A_1946] : memref<4x128x64xf32, #tpu.memory_space<vmem>> -> memref<1x128x64xf32, #tpu.memory_space<vmem>>
        %get3A_1948 = tpu.memref_squeeze %get3A_1947 : memref<1x128x64xf32, #tpu.memory_space<vmem>> -> memref<128x64xf32, #tpu.memory_space<vmem>>
        %get3A_1949 = arith.index_cast %add3A_1912 : i32 to index
        %get3A_1950 = arith.constant 48 : index
        %get3A_1951 = tpu.vector_load %get3A_1948[%get3A_1949, %get3A_1950] {strides = array<i32>} : memref<128x64xf32, #tpu.memory_space<vmem>>, vector<16xf32>,
        %mul3A_1952 = vector.broadcast %squeeze3A_1914 : f32 to vector<16xf32>
        %mul3A_1953 = arith.mulf %mul3A_1952, %get3A_1951 : vector<16xf32>
        %add3A_1954 = arith.addf %add3A_1910, %mul3A_1953 : vector<16xf32>
        %add3A_1955 = arith.constant 96 : i32
        %add3A_1956 = arith.addi %add3A_1955, %scan3A_1326 : i32
        %slice3A_1957 = vector.extract_strided_slice %get3A_1340 {offsets = [14], sizes = [1], strides = [1]} : vector<16xf32> to vector<1xf32>
        %squeeze3A_1958 = vector.extract %slice3A_1957[0] : f32 from vector<1xf32>
        %get3A_1959 = arith.constant 0 : i32
        %get3A_1960 = arith.constant 0 : i32
        %get3A_1961 = tpu.memref_slice %arg9[%scan3A_1280, %get3A_1959, %get3A_1960] : memref<4x128x64xf32, #tpu.memory_space<vmem>> -> memref<1x128x64xf32, #tpu.memory_space<vmem>>
        %get3A_1962 = tpu.memref_squeeze %get3A_1961 : memref<1x128x64xf32, #tpu.memory_space<vmem>> -> memref<128x64xf32, #tpu.memory_space<vmem>>
        %get3A_1963 = arith.index_cast %add3A_1956 : i32 to index
        %get3A_1964 = arith.constant 0 : index
        %get3A_1965 = tpu.vector_load %get3A_1962[%get3A_1963, %get3A_1964] {strides = array<i32>} : memref<128x64xf32, #tpu.memory_space<vmem>>, vector<16xf32>,
        %mul3A_1966 = vector.broadcast %squeeze3A_1958 : f32 to vector<16xf32>
        %mul3A_1967 = arith.mulf %mul3A_1966, %get3A_1965 : vector<16xf32>
        %add3A_1968 = arith.addf %add3A_1924, %mul3A_1967 : vector<16xf32>
        %get3A_1969 = arith.constant 0 : i32
        %get3A_1970 = arith.constant 0 : i32
        %get3A_1971 = tpu.memref_slice %arg9[%scan3A_1280, %get3A_1969, %get3A_1970] : memref<4x128x64xf32, #tpu.memory_space<vmem>> -> memref<1x128x64xf32, #tpu.memory_space<vmem>>
        %get3A_1972 = tpu.memref_squeeze %get3A_1971 : memref<1x128x64xf32, #tpu.memory_space<vmem>> -> memref<128x64xf32, #tpu.memory_space<vmem>>
        %get3A_1973 = arith.index_cast %add3A_1956 : i32 to index
        %get3A_1974 = arith.constant 16 : index
        %get3A_1975 = tpu.vector_load %get3A_1972[%get3A_1973, %get3A_1974] {strides = array<i32>} : memref<128x64xf32, #tpu.memory_space<vmem>>, vector<16xf32>,
        %mul3A_1976 = vector.broadcast %squeeze3A_1958 : f32 to vector<16xf32>
        %mul3A_1977 = arith.mulf %mul3A_1976, %get3A_1975 : vector<16xf32>
        %add3A_1978 = arith.addf %add3A_1934, %mul3A_1977 : vector<16xf32>
        %get3A_1979 = arith.constant 0 : i32
        %get3A_1980 = arith.constant 0 : i32
        %get3A_1981 = tpu.memref_slice %arg9[%scan3A_1280, %get3A_1979, %get3A_1980] : memref<4x128x64xf32, #tpu.memory_space<vmem>> -> memref<1x128x64xf32, #tpu.memory_space<vmem>>
        %get3A_1982 = tpu.memref_squeeze %get3A_1981 : memref<1x128x64xf32, #tpu.memory_space<vmem>> -> memref<128x64xf32, #tpu.memory_space<vmem>>
        %get3A_1983 = arith.index_cast %add3A_1956 : i32 to index
        %get3A_1984 = arith.constant 32 : index
        %get3A_1985 = tpu.vector_load %get3A_1982[%get3A_1983, %get3A_1984] {strides = array<i32>} : memref<128x64xf32, #tpu.memory_space<vmem>>, vector<16xf32>,
        %mul3A_1986 = vector.broadcast %squeeze3A_1958 : f32 to vector<16xf32>
        %mul3A_1987 = arith.mulf %mul3A_1986, %get3A_1985 : vector<16xf32>
        %add3A_1988 = arith.addf %add3A_1944, %mul3A_1987 : vector<16xf32>
        %get3A_1989 = arith.constant 0 : i32
        %get3A_1990 = arith.constant 0 : i32
        %get3A_1991 = tpu.memref_slice %arg9[%scan3A_1280, %get3A_1989, %get3A_1990] : memref<4x128x64xf32, #tpu.memory_space<vmem>> -> memref<1x128x64xf32, #tpu.memory_space<vmem>>
        %get3A_1992 = tpu.memref_squeeze %get3A_1991 : memref<1x128x64xf32, #tpu.memory_space<vmem>> -> memref<128x64xf32, #tpu.memory_space<vmem>>
        %get3A_1993 = arith.index_cast %add3A_1956 : i32 to index
        %get3A_1994 = arith.constant 48 : index
        %get3A_1995 = tpu.vector_load %get3A_1992[%get3A_1993, %get3A_1994] {strides = array<i32>} : memref<128x64xf32, #tpu.memory_space<vmem>>, vector<16xf32>,
        %mul3A_1996 = vector.broadcast %squeeze3A_1958 : f32 to vector<16xf32>
        %mul3A_1997 = arith.mulf %mul3A_1996, %get3A_1995 : vector<16xf32>
        %add3A_1998 = arith.addf %add3A_1954, %mul3A_1997 : vector<16xf32>
        %add3A_1999 = arith.constant 112 : i32
        %add3A_2000 = arith.addi %add3A_1999, %scan3A_1326 : i32
        %slice3A_2001 = vector.extract_strided_slice %get3A_1340 {offsets = [15], sizes = [1], strides = [1]} : vector<16xf32> to vector<1xf32>
        %squeeze3A_2002 = vector.extract %slice3A_2001[0] : f32 from vector<1xf32>
        %get3A_2003 = arith.constant 0 : i32
        %get3A_2004 = arith.constant 0 : i32
        %get3A_2005 = tpu.memref_slice %arg9[%scan3A_1280, %get3A_2003, %get3A_2004] : memref<4x128x64xf32, #tpu.memory_space<vmem>> -> memref<1x128x64xf32, #tpu.memory_space<vmem>>
        %get3A_2006 = tpu.memref_squeeze %get3A_2005 : memref<1x128x64xf32, #tpu.memory_space<vmem>> -> memref<128x64xf32, #tpu.memory_space<vmem>>
        %get3A_2007 = arith.index_cast %add3A_2000 : i32 to index
        %get3A_2008 = arith.constant 0 : index
        %get3A_2009 = tpu.vector_load %get3A_2006[%get3A_2007, %get3A_2008] {strides = array<i32>} : memref<128x64xf32, #tpu.memory_space<vmem>>, vector<16xf32>,
        %mul3A_2010 = vector.broadcast %squeeze3A_2002 : f32 to vector<16xf32>
        %mul3A_2011 = arith.mulf %mul3A_2010, %get3A_2009 : vector<16xf32>
        %add3A_2012 = arith.addf %add3A_1968, %mul3A_2011 : vector<16xf32>
        %get3A_2013 = arith.constant 0 : i32
        %get3A_2014 = arith.constant 0 : i32
        %get3A_2015 = tpu.memref_slice %arg9[%scan3A_1280, %get3A_2013, %get3A_2014] : memref<4x128x64xf32, #tpu.memory_space<vmem>> -> memref<1x128x64xf32, #tpu.memory_space<vmem>>
        %get3A_2016 = tpu.memref_squeeze %get3A_2015 : memref<1x128x64xf32, #tpu.memory_space<vmem>> -> memref<128x64xf32, #tpu.memory_space<vmem>>
        %get3A_2017 = arith.index_cast %add3A_2000 : i32 to index
        %get3A_2018 = arith.constant 16 : index
        %get3A_2019 = tpu.vector_load %get3A_2016[%get3A_2017, %get3A_2018] {strides = array<i32>} : memref<128x64xf32, #tpu.memory_space<vmem>>, vector<16xf32>,
        %mul3A_2020 = vector.broadcast %squeeze3A_2002 : f32 to vector<16xf32>
        %mul3A_2021 = arith.mulf %mul3A_2020, %get3A_2019 : vector<16xf32>
        %add3A_2022 = arith.addf %add3A_1978, %mul3A_2021 : vector<16xf32>
        %get3A_2023 = arith.constant 0 : i32
        %get3A_2024 = arith.constant 0 : i32
        %get3A_2025 = tpu.memref_slice %arg9[%scan3A_1280, %get3A_2023, %get3A_2024] : memref<4x128x64xf32, #tpu.memory_space<vmem>> -> memref<1x128x64xf32, #tpu.memory_space<vmem>>
        %get3A_2026 = tpu.memref_squeeze %get3A_2025 : memref<1x128x64xf32, #tpu.memory_space<vmem>> -> memref<128x64xf32, #tpu.memory_space<vmem>>
        %get3A_2027 = arith.index_cast %add3A_2000 : i32 to index
        %get3A_2028 = arith.constant 32 : index
        %get3A_2029 = tpu.vector_load %get3A_2026[%get3A_2027, %get3A_2028] {strides = array<i32>} : memref<128x64xf32, #tpu.memory_space<vmem>>, vector<16xf32>,
        %mul3A_2030 = vector.broadcast %squeeze3A_2002 : f32 to vector<16xf32>
        %mul3A_2031 = arith.mulf %mul3A_2030, %get3A_2029 : vector<16xf32>
        %add3A_2032 = arith.addf %add3A_1988, %mul3A_2031 : vector<16xf32>
        %get3A_2033 = arith.constant 0 : i32
        %get3A_2034 = arith.constant 0 : i32
        %get3A_2035 = tpu.memref_slice %arg9[%scan3A_1280, %get3A_2033, %get3A_2034] : memref<4x128x64xf32, #tpu.memory_space<vmem>> -> memref<1x128x64xf32, #tpu.memory_space<vmem>>
        %get3A_2036 = tpu.memref_squeeze %get3A_2035 : memref<1x128x64xf32, #tpu.memory_space<vmem>> -> memref<128x64xf32, #tpu.memory_space<vmem>>
        %get3A_2037 = arith.index_cast %add3A_2000 : i32 to index
        %get3A_2038 = arith.constant 48 : index
        %get3A_2039 = tpu.vector_load %get3A_2036[%get3A_2037, %get3A_2038] {strides = array<i32>} : memref<128x64xf32, #tpu.memory_space<vmem>>, vector<16xf32>,
        %mul3A_2040 = vector.broadcast %squeeze3A_2002 : f32 to vector<16xf32>
        %mul3A_2041 = arith.mulf %mul3A_2040, %get3A_2039 : vector<16xf32>
        %add3A_2042 = arith.addf %add3A_1998, %mul3A_2041 : vector<16xf32>
        %add3A_2043 = arith.addi %mul3A_1277, %scan3A_1326 : i32
        %swap3A_2044 = arith.index_cast %add3A_2043 : i32 to index
        %swap3A_2045 = arith.constant 0 : index
        %swap3A_2046 = tpu.vector_load %arg11[%swap3A_2044, %swap3A_2045] {strides = array<i32>} : memref<512x64xf32, #tpu.memory_space<vmem>>, vector<16xf32>,
        tpu.vector_store %arg11[%swap3A_2044, %swap3A_2045], %add3A_2012 {strides = array<i32>} : memref<512x64xf32, #tpu.memory_space<vmem>>, vector<16xf32>,
        %add3A_2047 = arith.addi %mul3A_1277, %scan3A_1326 : i32
        %swap3A_2048 = arith.index_cast %add3A_2047 : i32 to index
        %swap3A_2049 = arith.constant 16 : index
        %swap3A_2050 = tpu.vector_load %arg11[%swap3A_2048, %swap3A_2049] {strides = array<i32>} : memref<512x64xf32, #tpu.memory_space<vmem>>, vector<16xf32>,
        tpu.vector_store %arg11[%swap3A_2048, %swap3A_2049], %add3A_2022 {strides = array<i32>} : memref<512x64xf32, #tpu.memory_space<vmem>>, vector<16xf32>,
        %add3A_2051 = arith.addi %mul3A_1277, %scan3A_1326 : i32
        %swap3A_2052 = arith.index_cast %add3A_2051 : i32 to index
        %swap3A_2053 = arith.constant 32 : index
        %swap3A_2054 = tpu.vector_load %arg11[%swap3A_2052, %swap3A_2053] {strides = array<i32>} : memref<512x64xf32, #tpu.memory_space<vmem>>, vector<16xf32>,
        tpu.vector_store %arg11[%swap3A_2052, %swap3A_2053], %add3A_2032 {strides = array<i32>} : memref<512x64xf32, #tpu.memory_space<vmem>>, vector<16xf32>,
        %add3A_2055 = arith.addi %mul3A_1277, %scan3A_1326 : i32
        %swap3A_2056 = arith.index_cast %add3A_2055 : i32 to index
        %swap3A_2057 = arith.constant 48 : index
        %swap3A_2058 = tpu.vector_load %arg11[%swap3A_2056, %swap3A_2057] {strides = array<i32>} : memref<512x64xf32, #tpu.memory_space<vmem>>, vector<16xf32>,
        tpu.vector_store %arg11[%swap3A_2056, %swap3A_2057], %add3A_2042 {strides = array<i32>} : memref<512x64xf32, #tpu.memory_space<vmem>>, vector<16xf32>,
      }
      %scan3A_1285 = arith.constant 16 : i32
      %lt3A_1286 = arith.constant 15 : i32
      %lt3A_1287 = arith.cmpi slt, %scan3A_622, %lt3A_1286 : i32
      %convert_element_type3A_1288 = arith.extui %lt3A_1287 : i1 to i32
      %cond3A = arith.constant 0 : i32
      %cond3A_1289 = arith.cmpi ne, %convert_element_type3A_1288, %cond3A : i32
      scf.if %cond3A_1289 {
        %add3A_1326 = arith.constant 2 : i32
        %add3A_1327 = arith.addi %mul3A_624, %add3A_1326 : i32
        %mul3A_1328 = arith.constant 16 : i32
        %mul3A_1329 = arith.muli %add3A_1327, %mul3A_1328 : i32
        %get3A_1330 = arith.index_cast %mul3A_1329 : i32 to index
        %get3A_1331 = tpu.vector_load %arg6[%get3A_1330] {strides = array<i32>} : memref<512xf32, #tpu.memory_space<vmem>>, vector<16xf32>,
        %get3A_1332 = arith.index_cast %mul3A_1329 : i32 to index
        %get3A_1333 = tpu.vector_load %arg7[%get3A_1332] {strides = array<i32>} : memref<512xf32, #tpu.memory_space<vmem>>, vector<16xf32>,
        %div3A_1334 = arith.constant 8.000000e+00 : f32
        %div3A_1335 = vector.broadcast %div3A_1334 : f32 to vector<16xf32>
        %div3A_1336 = arith.divf %get3A_1331, %div3A_1335 : vector<16xf32>
        %div3A_1337 = arith.constant 8.000000e+00 : f32
        %div3A_1338 = vector.broadcast %div3A_1337 : f32 to vector<16xf32>
        %div3A_1339 = arith.divf %get3A_1333, %div3A_1338 : vector<16xf32>
        %div3A_1340 = arith.constant 6.300000e+01 : f32
        %div3A_1341 = vector.broadcast %div3A_1340 : f32 to vector<16xf32>
        %div3A_1342 = arith.divf %div3A_1336, %div3A_1341 : vector<16xf32>
        %mul3A_1343 = arith.constant 2.000000e+00 : f32
        %mul3A_1344 = vector.broadcast %mul3A_1343 : f32 to vector<16xf32>
        %mul3A_1345 = arith.mulf %mul3A_1344, %div3A_1342 : vector<16xf32>
        %sub3A_1346 = arith.constant 1.000000e+00 : f32
        %sub3A_1347 = vector.broadcast %sub3A_1346 : f32 to vector<16xf32>
        %sub3A_1348 = arith.subf %mul3A_1345, %sub3A_1347 : vector<16xf32>
        %div3A_1349 = arith.constant 6.300000e+01 : f32
        %div3A_1350 = vector.broadcast %div3A_1349 : f32 to vector<16xf32>
        %div3A_1351 = arith.divf %div3A_1339, %div3A_1350 : vector<16xf32>
        %mul3A_1352 = arith.constant 2.000000e+00 : f32
        %mul3A_1353 = vector.broadcast %mul3A_1352 : f32 to vector<16xf32>
        %mul3A_1354 = arith.mulf %mul3A_1353, %div3A_1351 : vector<16xf32>
        %sub3A_1355 = arith.constant 1.000000e+00 : f32
        %sub3A_1356 = vector.broadcast %sub3A_1355 : f32 to vector<16xf32>
        %sub3A_1357 = arith.subf %mul3A_1354, %sub3A_1356 : vector<16xf32>
        %add3A_1358 = arith.constant 1.000000e+00 : f32
        %add3A_1359 = vector.broadcast %add3A_1358 : f32 to vector<16xf32>
        %add3A_1360 = arith.addf %sub3A_1348, %add3A_1359 : vector<16xf32>
        %mul3A_1361 = arith.constant 6.400000e+01 : f32
        %mul3A_1362 = vector.broadcast %mul3A_1361 : f32 to vector<16xf32>
        %mul3A_1363 = arith.mulf %add3A_1360, %mul3A_1362 : vector<16xf32>
        %sub3A_1364 = arith.constant 1.000000e+00 : f32
        %sub3A_1365 = vector.broadcast %sub3A_1364 : f32 to vector<16xf32>
        %sub3A_1366 = arith.subf %mul3A_1363, %sub3A_1365 : vector<16xf32>
        %div3A_1367 = arith.constant 2.000000e+00 : f32
        %div3A_1368 = vector.broadcast %div3A_1367 : f32 to vector<16xf32>
        %div3A_1369 = arith.divf %sub3A_1366, %div3A_1368 : vector<16xf32>
        %add3A_1370 = arith.constant 1.000000e+00 : f32
        %add3A_1371 = vector.broadcast %add3A_1370 : f32 to vector<16xf32>
        %add3A_1372 = arith.addf %sub3A_1357, %add3A_1371 : vector<16xf32>
        %mul3A_1373 = arith.constant 6.400000e+01 : f32
        %mul3A_1374 = vector.broadcast %mul3A_1373 : f32 to vector<16xf32>
        %mul3A_1375 = arith.mulf %add3A_1372, %mul3A_1374 : vector<16xf32>
        %sub3A_1376 = arith.constant 1.000000e+00 : f32
        %sub3A_1377 = vector.broadcast %sub3A_1376 : f32 to vector<16xf32>
        %sub3A_1378 = arith.subf %mul3A_1375, %sub3A_1377 : vector<16xf32>
        %div3A_1379 = arith.constant 2.000000e+00 : f32
        %div3A_1380 = vector.broadcast %div3A_1379 : f32 to vector<16xf32>
        %div3A_1381 = arith.divf %sub3A_1378, %div3A_1380 : vector<16xf32>
        %convert_element_type3A_1382 = arith.fptosi %div3A_1369 : vector<16xf32> to vector<16xi32>
        %convert_element_type3A_1383 = arith.sitofp %convert_element_type3A_1382 : vector<16xi32> to vector<16xf32>
        %gt3A_1384 = arith.cmpf ogt, %convert_element_type3A_1383, %div3A_1369 : vector<16xf32>
        %convert_element_type3A_1385 = arith.extui %gt3A_1384 : vector<16xi1> to vector<16xi32>
        %sub3A_1386 = arith.subi %convert_element_type3A_1382, %convert_element_type3A_1385 : vector<16xi32>
        %convert_element_type3A_1387 = arith.sitofp %sub3A_1386 : vector<16xi32> to vector<16xf32>
        %convert_element_type3A_1388 = arith.fptosi %div3A_1381 : vector<16xf32> to vector<16xi32>
        %convert_element_type3A_1389 = arith.sitofp %convert_element_type3A_1388 : vector<16xi32> to vector<16xf32>
        %gt3A_1390 = arith.cmpf ogt, %convert_element_type3A_1389, %div3A_1381 : vector<16xf32>
        %convert_element_type3A_1391 = arith.extui %gt3A_1390 : vector<16xi1> to vector<16xi32>
        %sub3A_1392 = arith.subi %convert_element_type3A_1388, %convert_element_type3A_1391 : vector<16xi32>
        %convert_element_type3A_1393 = arith.sitofp %sub3A_1392 : vector<16xi32> to vector<16xf32>
        %sub3A_1394 = arith.subf %div3A_1369, %convert_element_type3A_1387 : vector<16xf32>
        %sub3A_1395 = arith.subf %div3A_1381, %convert_element_type3A_1393 : vector<16xf32>
        %add3A_1396 = arith.constant 1.000000e+00 : f32
        %add3A_1397 = vector.broadcast %add3A_1396 : f32 to vector<16xf32>
        %add3A_1398 = arith.addf %sub3A_1394, %add3A_1397 : vector<16xf32>
        %sub3A_1399 = arith.constant 1.000000e+00 : f32
        %sub3A_1400 = vector.broadcast %sub3A_1399 : f32 to vector<16xf32>
        %sub3A_1401 = arith.subf %sub3A_1400, %sub3A_1394 : vector<16xf32>
        %sub3A_1402 = arith.constant 2.000000e+00 : f32
        %sub3A_1403 = vector.broadcast %sub3A_1402 : f32 to vector<16xf32>
        %sub3A_1404 = arith.subf %sub3A_1403, %sub3A_1394 : vector<16xf32>
        %mul3A_1405 = arith.mulf %add3A_1398, %add3A_1398 : vector<16xf32>
        %mul3A_1406 = arith.mulf %mul3A_1405, %add3A_1398 : vector<16xf32>
        %mul3A_1407 = arith.constant -7.500000e-01 : f32
        %mul3A_1408 = vector.broadcast %mul3A_1407 : f32 to vector<16xf32>
        %mul3A_1409 = arith.mulf %mul3A_1408, %mul3A_1406 : vector<16xf32>
        %mul3A_1410 = arith.mulf %add3A_1398, %add3A_1398 : vector<16xf32>
        %mul3A_1411 = arith.constant -3.750000e+00 : f32
        %mul3A_1412 = vector.broadcast %mul3A_1411 : f32 to vector<16xf32>
        %mul3A_1413 = arith.mulf %mul3A_1412, %mul3A_1410 : vector<16xf32>
        %sub3A_1414 = arith.subf %mul3A_1409, %mul3A_1413 : vector<16xf32>
        %mul3A_1415 = arith.constant -6.000000e+00 : f32
        %mul3A_1416 = vector.broadcast %mul3A_1415 : f32 to vector<16xf32>
        %mul3A_1417 = arith.mulf %mul3A_1416, %add3A_1398 : vector<16xf32>
        %add3A_1418 = arith.addf %sub3A_1414, %mul3A_1417 : vector<16xf32>
        %sub3A_1419 = arith.constant -3.000000e+00 : f32
        %sub3A_1420 = vector.broadcast %sub3A_1419 : f32 to vector<16xf32>
        %sub3A_1421 = arith.subf %add3A_1418, %sub3A_1420 : vector<16xf32>
        %mul3A_1422 = arith.mulf %sub3A_1394, %sub3A_1394 : vector<16xf32>
        %mul3A_1423 = arith.mulf %mul3A_1422, %sub3A_1394 : vector<16xf32>
        %mul3A_1424 = arith.constant 1.250000e+00 : f32
        %mul3A_1425 = vector.broadcast %mul3A_1424 : f32 to vector<16xf32>
        %mul3A_1426 = arith.mulf %mul3A_1425, %mul3A_1423 : vector<16xf32>
        %mul3A_1427 = arith.mulf %sub3A_1394, %sub3A_1394 : vector<16xf32>
        %mul3A_1428 = arith.constant 2.250000e+00 : f32
        %mul3A_1429 = vector.broadcast %mul3A_1428 : f32 to vector<16xf32>
        %mul3A_1430 = arith.mulf %mul3A_1429, %mul3A_1427 : vector<16xf32>
        %sub3A_1431 = arith.subf %mul3A_1426, %mul3A_1430 : vector<16xf32>
        %add3A_1432 = arith.constant 1.000000e+00 : f32
        %add3A_1433 = vector.broadcast %add3A_1432 : f32 to vector<16xf32>
        %add3A_1434 = arith.addf %sub3A_1431, %add3A_1433 : vector<16xf32>
        %mul3A_1435 = arith.mulf %sub3A_1401, %sub3A_1401 : vector<16xf32>
        %mul3A_1436 = arith.mulf %mul3A_1435, %sub3A_1401 : vector<16xf32>
        %mul3A_1437 = arith.constant 1.250000e+00 : f32
        %mul3A_1438 = vector.broadcast %mul3A_1437 : f32 to vector<16xf32>
        %mul3A_1439 = arith.mulf %mul3A_1438, %mul3A_1436 : vector<16xf32>
        %mul3A_1440 = arith.mulf %sub3A_1401, %sub3A_1401 : vector<16xf32>
        %mul3A_1441 = arith.constant 2.250000e+00 : f32
        %mul3A_1442 = vector.broadcast %mul3A_1441 : f32 to vector<16xf32>
        %mul3A_1443 = arith.mulf %mul3A_1442, %mul3A_1440 : vector<16xf32>
        %sub3A_1444 = arith.subf %mul3A_1439, %mul3A_1443 : vector<16xf32>
        %add3A_1445 = arith.constant 1.000000e+00 : f32
        %add3A_1446 = vector.broadcast %add3A_1445 : f32 to vector<16xf32>
        %add3A_1447 = arith.addf %sub3A_1444, %add3A_1446 : vector<16xf32>
        %mul3A_1448 = arith.mulf %sub3A_1404, %sub3A_1404 : vector<16xf32>
        %mul3A_1449 = arith.mulf %mul3A_1448, %sub3A_1404 : vector<16xf32>
        %mul3A_1450 = arith.constant -7.500000e-01 : f32
        %mul3A_1451 = vector.broadcast %mul3A_1450 : f32 to vector<16xf32>
        %mul3A_1452 = arith.mulf %mul3A_1451, %mul3A_1449 : vector<16xf32>
        %mul3A_1453 = arith.mulf %sub3A_1404, %sub3A_1404 : vector<16xf32>
        %mul3A_1454 = arith.constant -3.750000e+00 : f32
        %mul3A_1455 = vector.broadcast %mul3A_1454 : f32 to vector<16xf32>
        %mul3A_1456 = arith.mulf %mul3A_1455, %mul3A_1453 : vector<16xf32>
        %sub3A_1457 = arith.subf %mul3A_1452, %mul3A_1456 : vector<16xf32>
        %mul3A_1458 = arith.constant -6.000000e+00 : f32
        %mul3A_1459 = vector.broadcast %mul3A_1458 : f32 to vector<16xf32>
        %mul3A_1460 = arith.mulf %mul3A_1459, %sub3A_1404 : vector<16xf32>
        %add3A_1461 = arith.addf %sub3A_1457, %mul3A_1460 : vector<16xf32>
        %sub3A_1462 = arith.constant -3.000000e+00 : f32
        %sub3A_1463 = vector.broadcast %sub3A_1462 : f32 to vector<16xf32>
        %sub3A_1464 = arith.subf %add3A_1461, %sub3A_1463 : vector<16xf32>
        %add3A_1465 = arith.constant 1.000000e+00 : f32
        %add3A_1466 = vector.broadcast %add3A_1465 : f32 to vector<16xf32>
        %add3A_1467 = arith.addf %sub3A_1395, %add3A_1466 : vector<16xf32>
        %sub3A_1468 = arith.constant 1.000000e+00 : f32
        %sub3A_1469 = vector.broadcast %sub3A_1468 : f32 to vector<16xf32>
        %sub3A_1470 = arith.subf %sub3A_1469, %sub3A_1395 : vector<16xf32>
        %sub3A_1471 = arith.constant 2.000000e+00 : f32
        %sub3A_1472 = vector.broadcast %sub3A_1471 : f32 to vector<16xf32>
        %sub3A_1473 = arith.subf %sub3A_1472, %sub3A_1395 : vector<16xf32>
        %mul3A_1474 = arith.mulf %add3A_1467, %add3A_1467 : vector<16xf32>
        %mul3A_1475 = arith.mulf %mul3A_1474, %add3A_1467 : vector<16xf32>
        %mul3A_1476 = arith.constant -7.500000e-01 : f32
        %mul3A_1477 = vector.broadcast %mul3A_1476 : f32 to vector<16xf32>
        %mul3A_1478 = arith.mulf %mul3A_1477, %mul3A_1475 : vector<16xf32>
        %mul3A_1479 = arith.mulf %add3A_1467, %add3A_1467 : vector<16xf32>
        %mul3A_1480 = arith.constant -3.750000e+00 : f32
        %mul3A_1481 = vector.broadcast %mul3A_1480 : f32 to vector<16xf32>
        %mul3A_1482 = arith.mulf %mul3A_1481, %mul3A_1479 : vector<16xf32>
        %sub3A_1483 = arith.subf %mul3A_1478, %mul3A_1482 : vector<16xf32>
        %mul3A_1484 = arith.constant -6.000000e+00 : f32
        %mul3A_1485 = vector.broadcast %mul3A_1484 : f32 to vector<16xf32>
        %mul3A_1486 = arith.mulf %mul3A_1485, %add3A_1467 : vector<16xf32>
        %add3A_1487 = arith.addf %sub3A_1483, %mul3A_1486 : vector<16xf32>
        %sub3A_1488 = arith.constant -3.000000e+00 : f32
        %sub3A_1489 = vector.broadcast %sub3A_1488 : f32 to vector<16xf32>
        %sub3A_1490 = arith.subf %add3A_1487, %sub3A_1489 : vector<16xf32>
        %mul3A_1491 = arith.mulf %sub3A_1395, %sub3A_1395 : vector<16xf32>
        %mul3A_1492 = arith.mulf %mul3A_1491, %sub3A_1395 : vector<16xf32>
        %mul3A_1493 = arith.constant 1.250000e+00 : f32
        %mul3A_1494 = vector.broadcast %mul3A_1493 : f32 to vector<16xf32>
        %mul3A_1495 = arith.mulf %mul3A_1494, %mul3A_1492 : vector<16xf32>
        %mul3A_1496 = arith.mulf %sub3A_1395, %sub3A_1395 : vector<16xf32>
        %mul3A_1497 = arith.constant 2.250000e+00 : f32
        %mul3A_1498 = vector.broadcast %mul3A_1497 : f32 to vector<16xf32>
        %mul3A_1499 = arith.mulf %mul3A_1498, %mul3A_1496 : vector<16xf32>
        %sub3A_1500 = arith.subf %mul3A_1495, %mul3A_1499 : vector<16xf32>
        %add3A_1501 = arith.constant 1.000000e+00 : f32
        %add3A_1502 = vector.broadcast %add3A_1501 : f32 to vector<16xf32>
        %add3A_1503 = arith.addf %sub3A_1500, %add3A_1502 : vector<16xf32>
        %mul3A_1504 = arith.mulf %sub3A_1470, %sub3A_1470 : vector<16xf32>
        %mul3A_1505 = arith.mulf %mul3A_1504, %sub3A_1470 : vector<16xf32>
        %mul3A_1506 = arith.constant 1.250000e+00 : f32
        %mul3A_1507 = vector.broadcast %mul3A_1506 : f32 to vector<16xf32>
        %mul3A_1508 = arith.mulf %mul3A_1507, %mul3A_1505 : vector<16xf32>
        %mul3A_1509 = arith.mulf %sub3A_1470, %sub3A_1470 : vector<16xf32>
        %mul3A_1510 = arith.constant 2.250000e+00 : f32
        %mul3A_1511 = vector.broadcast %mul3A_1510 : f32 to vector<16xf32>
        %mul3A_1512 = arith.mulf %mul3A_1511, %mul3A_1509 : vector<16xf32>
        %sub3A_1513 = arith.subf %mul3A_1508, %mul3A_1512 : vector<16xf32>
        %add3A_1514 = arith.constant 1.000000e+00 : f32
        %add3A_1515 = vector.broadcast %add3A_1514 : f32 to vector<16xf32>
        %add3A_1516 = arith.addf %sub3A_1513, %add3A_1515 : vector<16xf32>
        %mul3A_1517 = arith.mulf %sub3A_1473, %sub3A_1473 : vector<16xf32>
        %mul3A_1518 = arith.mulf %mul3A_1517, %sub3A_1473 : vector<16xf32>
        %mul3A_1519 = arith.constant -7.500000e-01 : f32
        %mul3A_1520 = vector.broadcast %mul3A_1519 : f32 to vector<16xf32>
        %mul3A_1521 = arith.mulf %mul3A_1520, %mul3A_1518 : vector<16xf32>
        %mul3A_1522 = arith.mulf %sub3A_1473, %sub3A_1473 : vector<16xf32>
        %mul3A_1523 = arith.constant -3.750000e+00 : f32
        %mul3A_1524 = vector.broadcast %mul3A_1523 : f32 to vector<16xf32>
        %mul3A_1525 = arith.mulf %mul3A_1524, %mul3A_1522 : vector<16xf32>
        %sub3A_1526 = arith.subf %mul3A_1521, %mul3A_1525 : vector<16xf32>
        %mul3A_1527 = arith.constant -6.000000e+00 : f32
        %mul3A_1528 = vector.broadcast %mul3A_1527 : f32 to vector<16xf32>
        %mul3A_1529 = arith.mulf %mul3A_1528, %sub3A_1473 : vector<16xf32>
        %add3A_1530 = arith.addf %sub3A_1526, %mul3A_1529 : vector<16xf32>
        %sub3A_1531 = arith.constant -3.000000e+00 : f32
        %sub3A_1532 = vector.broadcast %sub3A_1531 : f32 to vector<16xf32>
        %sub3A_1533 = arith.subf %add3A_1530, %sub3A_1532 : vector<16xf32>
        %add3A_1534 = arith.constant -1 : i32
        %add3A_1535 = vector.broadcast %add3A_1534 : i32 to vector<16xi32>
        %add3A_1536 = arith.addi %sub3A_1386, %add3A_1535 : vector<16xi32>
        %ge3A_1537 = arith.constant 0 : i32
        %ge3A_1538 = vector.broadcast %ge3A_1537 : i32 to vector<16xi32>
        %ge3A_1539 = arith.cmpi sge, %add3A_1536, %ge3A_1538 : vector<16xi32>
        %lt3A_1540 = arith.constant 64 : i32
        %lt3A_1541 = vector.broadcast %lt3A_1540 : i32 to vector<16xi32>
        %lt3A_1542 = arith.cmpi slt, %add3A_1536, %lt3A_1541 : vector<16xi32>
        %and3A_1543 = arith.andi %ge3A_1539, %lt3A_1542 : vector<16xi1>
        %convert_element_type3A_1544 = arith.extui %and3A_1543 : vector<16xi1> to vector<16xi32>
        %convert_element_type3A_1545 = arith.sitofp %convert_element_type3A_1544 : vector<16xi32> to vector<16xf32>
        %max3A_1546 = arith.constant 0 : i32
        %max3A_1547 = vector.broadcast %max3A_1546 : i32 to vector<16xi32>
        %max3A_1548 = arith.maxsi %add3A_1536, %max3A_1547 : vector<16xi32>
        %min3A_1549 = arith.constant 63 : i32
        %min3A_1550 = vector.broadcast %min3A_1549 : i32 to vector<16xi32>
        %min3A_1551 = arith.minsi %max3A_1548, %min3A_1550 : vector<16xi32>
        %mul3A_1552 = arith.mulf %sub3A_1421, %convert_element_type3A_1545 : vector<16xf32>
        %add3A_1553 = arith.constant 0 : i32
        %add3A_1554 = vector.broadcast %add3A_1553 : i32 to vector<16xi32>
        %add3A_1555 = arith.addi %sub3A_1386, %add3A_1554 : vector<16xi32>
        %ge3A_1556 = arith.constant 0 : i32
        %ge3A_1557 = vector.broadcast %ge3A_1556 : i32 to vector<16xi32>
        %ge3A_1558 = arith.cmpi sge, %add3A_1555, %ge3A_1557 : vector<16xi32>
        %lt3A_1559 = arith.constant 64 : i32
        %lt3A_1560 = vector.broadcast %lt3A_1559 : i32 to vector<16xi32>
        %lt3A_1561 = arith.cmpi slt, %add3A_1555, %lt3A_1560 : vector<16xi32>
        %and3A_1562 = arith.andi %ge3A_1558, %lt3A_1561 : vector<16xi1>
        %convert_element_type3A_1563 = arith.extui %and3A_1562 : vector<16xi1> to vector<16xi32>
        %convert_element_type3A_1564 = arith.sitofp %convert_element_type3A_1563 : vector<16xi32> to vector<16xf32>
        %max3A_1565 = arith.constant 0 : i32
        %max3A_1566 = vector.broadcast %max3A_1565 : i32 to vector<16xi32>
        %max3A_1567 = arith.maxsi %add3A_1555, %max3A_1566 : vector<16xi32>
        %min3A_1568 = arith.constant 63 : i32
        %min3A_1569 = vector.broadcast %min3A_1568 : i32 to vector<16xi32>
        %min3A_1570 = arith.minsi %max3A_1567, %min3A_1569 : vector<16xi32>
        %mul3A_1571 = arith.mulf %add3A_1434, %convert_element_type3A_1564 : vector<16xf32>
        %add3A_1572 = arith.constant 1 : i32
        %add3A_1573 = vector.broadcast %add3A_1572 : i32 to vector<16xi32>
        %add3A_1574 = arith.addi %sub3A_1386, %add3A_1573 : vector<16xi32>
        %ge3A_1575 = arith.constant 0 : i32
        %ge3A_1576 = vector.broadcast %ge3A_1575 : i32 to vector<16xi32>
        %ge3A_1577 = arith.cmpi sge, %add3A_1574, %ge3A_1576 : vector<16xi32>
        %lt3A_1578 = arith.constant 64 : i32
        %lt3A_1579 = vector.broadcast %lt3A_1578 : i32 to vector<16xi32>
        %lt3A_1580 = arith.cmpi slt, %add3A_1574, %lt3A_1579 : vector<16xi32>
        %and3A_1581 = arith.andi %ge3A_1577, %lt3A_1580 : vector<16xi1>
        %convert_element_type3A_1582 = arith.extui %and3A_1581 : vector<16xi1> to vector<16xi32>
        %convert_element_type3A_1583 = arith.sitofp %convert_element_type3A_1582 : vector<16xi32> to vector<16xf32>
        %max3A_1584 = arith.constant 0 : i32
        %max3A_1585 = vector.broadcast %max3A_1584 : i32 to vector<16xi32>
        %max3A_1586 = arith.maxsi %add3A_1574, %max3A_1585 : vector<16xi32>
        %min3A_1587 = arith.constant 63 : i32
        %min3A_1588 = vector.broadcast %min3A_1587 : i32 to vector<16xi32>
        %min3A_1589 = arith.minsi %max3A_1586, %min3A_1588 : vector<16xi32>
        %mul3A_1590 = arith.mulf %add3A_1447, %convert_element_type3A_1583 : vector<16xf32>
        %add3A_1591 = arith.constant 2 : i32
        %add3A_1592 = vector.broadcast %add3A_1591 : i32 to vector<16xi32>
        %add3A_1593 = arith.addi %sub3A_1386, %add3A_1592 : vector<16xi32>
        %ge3A_1594 = arith.constant 0 : i32
        %ge3A_1595 = vector.broadcast %ge3A_1594 : i32 to vector<16xi32>
        %ge3A_1596 = arith.cmpi sge, %add3A_1593, %ge3A_1595 : vector<16xi32>
        %lt3A_1597 = arith.constant 64 : i32
        %lt3A_1598 = vector.broadcast %lt3A_1597 : i32 to vector<16xi32>
        %lt3A_1599 = arith.cmpi slt, %add3A_1593, %lt3A_1598 : vector<16xi32>
        %and3A_1600 = arith.andi %ge3A_1596, %lt3A_1599 : vector<16xi1>
        %convert_element_type3A_1601 = arith.extui %and3A_1600 : vector<16xi1> to vector<16xi32>
        %convert_element_type3A_1602 = arith.sitofp %convert_element_type3A_1601 : vector<16xi32> to vector<16xf32>
        %max3A_1603 = arith.constant 0 : i32
        %max3A_1604 = vector.broadcast %max3A_1603 : i32 to vector<16xi32>
        %max3A_1605 = arith.maxsi %add3A_1593, %max3A_1604 : vector<16xi32>
        %min3A_1606 = arith.constant 63 : i32
        %min3A_1607 = vector.broadcast %min3A_1606 : i32 to vector<16xi32>
        %min3A_1608 = arith.minsi %max3A_1605, %min3A_1607 : vector<16xi32>
        %mul3A_1609 = arith.mulf %sub3A_1464, %convert_element_type3A_1602 : vector<16xf32>
        %add3A_1610 = arith.constant -1 : i32
        %add3A_1611 = vector.broadcast %add3A_1610 : i32 to vector<16xi32>
        %add3A_1612 = arith.addi %sub3A_1392, %add3A_1611 : vector<16xi32>
        %ge3A_1613 = arith.constant 0 : i32
        %ge3A_1614 = vector.broadcast %ge3A_1613 : i32 to vector<16xi32>
        %ge3A_1615 = arith.cmpi sge, %add3A_1612, %ge3A_1614 : vector<16xi32>
        %lt3A_1616 = arith.constant 64 : i32
        %lt3A_1617 = vector.broadcast %lt3A_1616 : i32 to vector<16xi32>
        %lt3A_1618 = arith.cmpi slt, %add3A_1612, %lt3A_1617 : vector<16xi32>
        %and3A_1619 = arith.andi %ge3A_1615, %lt3A_1618 : vector<16xi1>
        %convert_element_type3A_1620 = arith.extui %and3A_1619 : vector<16xi1> to vector<16xi32>
        %convert_element_type3A_1621 = arith.sitofp %convert_element_type3A_1620 : vector<16xi32> to vector<16xf32>
        %max3A_1622 = arith.constant 0 : i32
        %max3A_1623 = vector.broadcast %max3A_1622 : i32 to vector<16xi32>
        %max3A_1624 = arith.maxsi %add3A_1612, %max3A_1623 : vector<16xi32>
        %min3A_1625 = arith.constant 63 : i32
        %min3A_1626 = vector.broadcast %min3A_1625 : i32 to vector<16xi32>
        %min3A_1627 = arith.minsi %max3A_1624, %min3A_1626 : vector<16xi32>
        %mul3A_1628 = arith.constant 64 : i32
        %mul3A_1629 = vector.broadcast %mul3A_1628 : i32 to vector<16xi32>
        %mul3A_1630 = arith.muli %min3A_1627, %mul3A_1629 : vector<16xi32>
        %add3A_1631 = vector.broadcast %select_n3A : i32 to vector<16xi32>
        %add3A_1632 = arith.addi %add3A_1631, %mul3A_1630 : vector<16xi32>
        %mul3A_1633 = arith.mulf %sub3A_1490, %convert_element_type3A_1621 : vector<16xf32>
        %add3A_1634 = arith.addi %add3A_1632, %min3A_1551 : vector<16xi32>
        %swap3A_1635 = arith.constant 0 : i32
        %swap3A_1636 = arith.index_cast %swap3A_1635 : i32 to index
        %swap3A_1637 = arith.constant 0 : index
        %swap3A_1638 = tpu.vector_load %arg8[%swap3A_1636, %swap3A_1637] {strides = array<i32>} : memref<4x128xi32, #tpu.memory_space<vmem>>, vector<16xi32>,
        tpu.vector_store %arg8[%swap3A_1636, %swap3A_1637], %add3A_1634 {strides = array<i32>} : memref<4x128xi32, #tpu.memory_space<vmem>>, vector<16xi32>,
        %broadcast_in_dim3A_1639 = arith.constant 0 : i32
        %broadcast_in_dim3A_1640 = vector.broadcast %broadcast_in_dim3A_1639 : i32 to vector<16xi32>
        %mul3A_1641 = arith.constant 16 : i32
        %mul3A_1642 = vector.broadcast %mul3A_1641 : i32 to vector<16xi32>
        %mul3A_1643 = arith.muli %iota3A, %mul3A_1642 : vector<16xi32>
        %add3A_1644 = arith.constant 0 : i32
        %add3A_1645 = vector.broadcast %add3A_1644 : i32 to vector<16xi32>
        %add3A_1646 = arith.addi %mul3A_1643, %add3A_1645 : vector<16xi32>
        %mul3A_1647 = arith.mulf %mul3A_1633, %mul3A_1552 : vector<16xf32>
        tpu.vector_store_idx %arg10[%broadcast_in_dim3A_1640, %add3A_1646], %mul3A_1647 : memref<2x256xf32, #tpu.memory_space<vmem>>[vector<16xi32>, vector<16xi32>], vector<16xf32>,
        %add3A_1648 = arith.addi %add3A_1632, %min3A_1570 : vector<16xi32>
        %swap3A_1649 = arith.constant 0 : i32
        %swap3A_1650 = arith.index_cast %swap3A_1649 : i32 to index
        %swap3A_1651 = arith.constant 16 : index
        %swap3A_1652 = tpu.vector_load %arg8[%swap3A_1650, %swap3A_1651] {strides = array<i32>} : memref<4x128xi32, #tpu.memory_space<vmem>>, vector<16xi32>,
        tpu.vector_store %arg8[%swap3A_1650, %swap3A_1651], %add3A_1648 {strides = array<i32>} : memref<4x128xi32, #tpu.memory_space<vmem>>, vector<16xi32>,
        %broadcast_in_dim3A_1653 = arith.constant 0 : i32
        %broadcast_in_dim3A_1654 = vector.broadcast %broadcast_in_dim3A_1653 : i32 to vector<16xi32>
        %mul3A_1655 = arith.constant 16 : i32
        %mul3A_1656 = vector.broadcast %mul3A_1655 : i32 to vector<16xi32>
        %mul3A_1657 = arith.muli %iota3A, %mul3A_1656 : vector<16xi32>
        %add3A_1658 = arith.constant 1 : i32
        %add3A_1659 = vector.broadcast %add3A_1658 : i32 to vector<16xi32>
        %add3A_1660 = arith.addi %mul3A_1657, %add3A_1659 : vector<16xi32>
        %mul3A_1661 = arith.mulf %mul3A_1633, %mul3A_1571 : vector<16xf32>
        tpu.vector_store_idx %arg10[%broadcast_in_dim3A_1654, %add3A_1660], %mul3A_1661 : memref<2x256xf32, #tpu.memory_space<vmem>>[vector<16xi32>, vector<16xi32>], vector<16xf32>,
        %add3A_1662 = arith.addi %add3A_1632, %min3A_1589 : vector<16xi32>
        %swap3A_1663 = arith.constant 0 : i32
        %swap3A_1664 = arith.index_cast %swap3A_1663 : i32 to index
        %swap3A_1665 = arith.constant 32 : index
        %swap3A_1666 = tpu.vector_load %arg8[%swap3A_1664, %swap3A_1665] {strides = array<i32>} : memref<4x128xi32, #tpu.memory_space<vmem>>, vector<16xi32>,
        tpu.vector_store %arg8[%swap3A_1664, %swap3A_1665], %add3A_1662 {strides = array<i32>} : memref<4x128xi32, #tpu.memory_space<vmem>>, vector<16xi32>,
        %broadcast_in_dim3A_1667 = arith.constant 0 : i32
        %broadcast_in_dim3A_1668 = vector.broadcast %broadcast_in_dim3A_1667 : i32 to vector<16xi32>
        %mul3A_1669 = arith.constant 16 : i32
        %mul3A_1670 = vector.broadcast %mul3A_1669 : i32 to vector<16xi32>
        %mul3A_1671 = arith.muli %iota3A, %mul3A_1670 : vector<16xi32>
        %add3A_1672 = arith.constant 2 : i32
        %add3A_1673 = vector.broadcast %add3A_1672 : i32 to vector<16xi32>
        %add3A_1674 = arith.addi %mul3A_1671, %add3A_1673 : vector<16xi32>
        %mul3A_1675 = arith.mulf %mul3A_1633, %mul3A_1590 : vector<16xf32>
        tpu.vector_store_idx %arg10[%broadcast_in_dim3A_1668, %add3A_1674], %mul3A_1675 : memref<2x256xf32, #tpu.memory_space<vmem>>[vector<16xi32>, vector<16xi32>], vector<16xf32>,
        %add3A_1676 = arith.addi %add3A_1632, %min3A_1608 : vector<16xi32>
        %swap3A_1677 = arith.constant 0 : i32
        %swap3A_1678 = arith.index_cast %swap3A_1677 : i32 to index
        %swap3A_1679 = arith.constant 48 : index
        %swap3A_1680 = tpu.vector_load %arg8[%swap3A_1678, %swap3A_1679] {strides = array<i32>} : memref<4x128xi32, #tpu.memory_space<vmem>>, vector<16xi32>,
        tpu.vector_store %arg8[%swap3A_1678, %swap3A_1679], %add3A_1676 {strides = array<i32>} : memref<4x128xi32, #tpu.memory_space<vmem>>, vector<16xi32>,
        %broadcast_in_dim3A_1681 = arith.constant 0 : i32
        %broadcast_in_dim3A_1682 = vector.broadcast %broadcast_in_dim3A_1681 : i32 to vector<16xi32>
        %mul3A_1683 = arith.constant 16 : i32
        %mul3A_1684 = vector.broadcast %mul3A_1683 : i32 to vector<16xi32>
        %mul3A_1685 = arith.muli %iota3A, %mul3A_1684 : vector<16xi32>
        %add3A_1686 = arith.constant 3 : i32
        %add3A_1687 = vector.broadcast %add3A_1686 : i32 to vector<16xi32>
        %add3A_1688 = arith.addi %mul3A_1685, %add3A_1687 : vector<16xi32>
        %mul3A_1689 = arith.mulf %mul3A_1633, %mul3A_1609 : vector<16xf32>
        tpu.vector_store_idx %arg10[%broadcast_in_dim3A_1682, %add3A_1688], %mul3A_1689 : memref<2x256xf32, #tpu.memory_space<vmem>>[vector<16xi32>, vector<16xi32>], vector<16xf32>,
        %add3A_1690 = arith.constant 0 : i32
        %add3A_1691 = vector.broadcast %add3A_1690 : i32 to vector<16xi32>
        %add3A_1692 = arith.addi %sub3A_1392, %add3A_1691 : vector<16xi32>
        %ge3A_1693 = arith.constant 0 : i32
        %ge3A_1694 = vector.broadcast %ge3A_1693 : i32 to vector<16xi32>
        %ge3A_1695 = arith.cmpi sge, %add3A_1692, %ge3A_1694 : vector<16xi32>
        %lt3A_1696 = arith.constant 64 : i32
        %lt3A_1697 = vector.broadcast %lt3A_1696 : i32 to vector<16xi32>
        %lt3A_1698 = arith.cmpi slt, %add3A_1692, %lt3A_1697 : vector<16xi32>
        %and3A_1699 = arith.andi %ge3A_1695, %lt3A_1698 : vector<16xi1>
        %convert_element_type3A_1700 = arith.extui %and3A_1699 : vector<16xi1> to vector<16xi32>
        %convert_element_type3A_1701 = arith.sitofp %convert_element_type3A_1700 : vector<16xi32> to vector<16xf32>
        %max3A_1702 = arith.constant 0 : i32
        %max3A_1703 = vector.broadcast %max3A_1702 : i32 to vector<16xi32>
        %max3A_1704 = arith.maxsi %add3A_1692, %max3A_1703 : vector<16xi32>
        %min3A_1705 = arith.constant 63 : i32
        %min3A_1706 = vector.broadcast %min3A_1705 : i32 to vector<16xi32>
        %min3A_1707 = arith.minsi %max3A_1704, %min3A_1706 : vector<16xi32>
        %mul3A_1708 = arith.constant 64 : i32
        %mul3A_1709 = vector.broadcast %mul3A_1708 : i32 to vector<16xi32>
        %mul3A_1710 = arith.muli %min3A_1707, %mul3A_1709 : vector<16xi32>
        %add3A_1711 = vector.broadcast %select_n3A : i32 to vector<16xi32>
        %add3A_1712 = arith.addi %add3A_1711, %mul3A_1710 : vector<16xi32>
        %mul3A_1713 = arith.mulf %add3A_1503, %convert_element_type3A_1701 : vector<16xf32>
        %add3A_1714 = arith.addi %add3A_1712, %min3A_1551 : vector<16xi32>
        %swap3A_1715 = arith.constant 0 : i32
        %swap3A_1716 = arith.index_cast %swap3A_1715 : i32 to index
        %swap3A_1717 = arith.constant 64 : index
        %swap3A_1718 = tpu.vector_load %arg8[%swap3A_1716, %swap3A_1717] {strides = array<i32>} : memref<4x128xi32, #tpu.memory_space<vmem>>, vector<16xi32>,
        tpu.vector_store %arg8[%swap3A_1716, %swap3A_1717], %add3A_1714 {strides = array<i32>} : memref<4x128xi32, #tpu.memory_space<vmem>>, vector<16xi32>,
        %broadcast_in_dim3A_1719 = arith.constant 0 : i32
        %broadcast_in_dim3A_1720 = vector.broadcast %broadcast_in_dim3A_1719 : i32 to vector<16xi32>
        %mul3A_1721 = arith.constant 16 : i32
        %mul3A_1722 = vector.broadcast %mul3A_1721 : i32 to vector<16xi32>
        %mul3A_1723 = arith.muli %iota3A, %mul3A_1722 : vector<16xi32>
        %add3A_1724 = arith.constant 4 : i32
        %add3A_1725 = vector.broadcast %add3A_1724 : i32 to vector<16xi32>
        %add3A_1726 = arith.addi %mul3A_1723, %add3A_1725 : vector<16xi32>
        %mul3A_1727 = arith.mulf %mul3A_1713, %mul3A_1552 : vector<16xf32>
        tpu.vector_store_idx %arg10[%broadcast_in_dim3A_1720, %add3A_1726], %mul3A_1727 : memref<2x256xf32, #tpu.memory_space<vmem>>[vector<16xi32>, vector<16xi32>], vector<16xf32>,
        %add3A_1728 = arith.addi %add3A_1712, %min3A_1570 : vector<16xi32>
        %swap3A_1729 = arith.constant 0 : i32
        %swap3A_1730 = arith.index_cast %swap3A_1729 : i32 to index
        %swap3A_1731 = arith.constant 80 : index
        %swap3A_1732 = tpu.vector_load %arg8[%swap3A_1730, %swap3A_1731] {strides = array<i32>} : memref<4x128xi32, #tpu.memory_space<vmem>>, vector<16xi32>,
        tpu.vector_store %arg8[%swap3A_1730, %swap3A_1731], %add3A_1728 {strides = array<i32>} : memref<4x128xi32, #tpu.memory_space<vmem>>, vector<16xi32>,
        %broadcast_in_dim3A_1733 = arith.constant 0 : i32
        %broadcast_in_dim3A_1734 = vector.broadcast %broadcast_in_dim3A_1733 : i32 to vector<16xi32>
        %mul3A_1735 = arith.constant 16 : i32
        %mul3A_1736 = vector.broadcast %mul3A_1735 : i32 to vector<16xi32>
        %mul3A_1737 = arith.muli %iota3A, %mul3A_1736 : vector<16xi32>
        %add3A_1738 = arith.constant 5 : i32
        %add3A_1739 = vector.broadcast %add3A_1738 : i32 to vector<16xi32>
        %add3A_1740 = arith.addi %mul3A_1737, %add3A_1739 : vector<16xi32>
        %mul3A_1741 = arith.mulf %mul3A_1713, %mul3A_1571 : vector<16xf32>
        tpu.vector_store_idx %arg10[%broadcast_in_dim3A_1734, %add3A_1740], %mul3A_1741 : memref<2x256xf32, #tpu.memory_space<vmem>>[vector<16xi32>, vector<16xi32>], vector<16xf32>,
        %add3A_1742 = arith.addi %add3A_1712, %min3A_1589 : vector<16xi32>
        %swap3A_1743 = arith.constant 0 : i32
        %swap3A_1744 = arith.index_cast %swap3A_1743 : i32 to index
        %swap3A_1745 = arith.constant 96 : index
        %swap3A_1746 = tpu.vector_load %arg8[%swap3A_1744, %swap3A_1745] {strides = array<i32>} : memref<4x128xi32, #tpu.memory_space<vmem>>, vector<16xi32>,
        tpu.vector_store %arg8[%swap3A_1744, %swap3A_1745], %add3A_1742 {strides = array<i32>} : memref<4x128xi32, #tpu.memory_space<vmem>>, vector<16xi32>,
        %broadcast_in_dim3A_1747 = arith.constant 0 : i32
        %broadcast_in_dim3A_1748 = vector.broadcast %broadcast_in_dim3A_1747 : i32 to vector<16xi32>
        %mul3A_1749 = arith.constant 16 : i32
        %mul3A_1750 = vector.broadcast %mul3A_1749 : i32 to vector<16xi32>
        %mul3A_1751 = arith.muli %iota3A, %mul3A_1750 : vector<16xi32>
        %add3A_1752 = arith.constant 6 : i32
        %add3A_1753 = vector.broadcast %add3A_1752 : i32 to vector<16xi32>
        %add3A_1754 = arith.addi %mul3A_1751, %add3A_1753 : vector<16xi32>
        %mul3A_1755 = arith.mulf %mul3A_1713, %mul3A_1590 : vector<16xf32>
        tpu.vector_store_idx %arg10[%broadcast_in_dim3A_1748, %add3A_1754], %mul3A_1755 : memref<2x256xf32, #tpu.memory_space<vmem>>[vector<16xi32>, vector<16xi32>], vector<16xf32>,
        %add3A_1756 = arith.addi %add3A_1712, %min3A_1608 : vector<16xi32>
        %swap3A_1757 = arith.constant 0 : i32
        %swap3A_1758 = arith.index_cast %swap3A_1757 : i32 to index
        %swap3A_1759 = arith.constant 112 : index
        %swap3A_1760 = tpu.vector_load %arg8[%swap3A_1758, %swap3A_1759] {strides = array<i32>} : memref<4x128xi32, #tpu.memory_space<vmem>>, vector<16xi32>,
        tpu.vector_store %arg8[%swap3A_1758, %swap3A_1759], %add3A_1756 {strides = array<i32>} : memref<4x128xi32, #tpu.memory_space<vmem>>, vector<16xi32>,
        %broadcast_in_dim3A_1761 = arith.constant 0 : i32
        %broadcast_in_dim3A_1762 = vector.broadcast %broadcast_in_dim3A_1761 : i32 to vector<16xi32>
        %mul3A_1763 = arith.constant 16 : i32
        %mul3A_1764 = vector.broadcast %mul3A_1763 : i32 to vector<16xi32>
        %mul3A_1765 = arith.muli %iota3A, %mul3A_1764 : vector<16xi32>
        %add3A_1766 = arith.constant 7 : i32
        %add3A_1767 = vector.broadcast %add3A_1766 : i32 to vector<16xi32>
        %add3A_1768 = arith.addi %mul3A_1765, %add3A_1767 : vector<16xi32>
        %mul3A_1769 = arith.mulf %mul3A_1713, %mul3A_1609 : vector<16xf32>
        tpu.vector_store_idx %arg10[%broadcast_in_dim3A_1762, %add3A_1768], %mul3A_1769 : memref<2x256xf32, #tpu.memory_space<vmem>>[vector<16xi32>, vector<16xi32>], vector<16xf32>,
        %add3A_1770 = arith.constant 1 : i32
        %add3A_1771 = vector.broadcast %add3A_1770 : i32 to vector<16xi32>
        %add3A_1772 = arith.addi %sub3A_1392, %add3A_1771 : vector<16xi32>
        %ge3A_1773 = arith.constant 0 : i32
        %ge3A_1774 = vector.broadcast %ge3A_1773 : i32 to vector<16xi32>
        %ge3A_1775 = arith.cmpi sge, %add3A_1772, %ge3A_1774 : vector<16xi32>
        %lt3A_1776 = arith.constant 64 : i32
        %lt3A_1777 = vector.broadcast %lt3A_1776 : i32 to vector<16xi32>
        %lt3A_1778 = arith.cmpi slt, %add3A_1772, %lt3A_1777 : vector<16xi32>
        %and3A_1779 = arith.andi %ge3A_1775, %lt3A_1778 : vector<16xi1>
        %convert_element_type3A_1780 = arith.extui %and3A_1779 : vector<16xi1> to vector<16xi32>
        %convert_element_type3A_1781 = arith.sitofp %convert_element_type3A_1780 : vector<16xi32> to vector<16xf32>
        %max3A_1782 = arith.constant 0 : i32
        %max3A_1783 = vector.broadcast %max3A_1782 : i32 to vector<16xi32>
        %max3A_1784 = arith.maxsi %add3A_1772, %max3A_1783 : vector<16xi32>
        %min3A_1785 = arith.constant 63 : i32
        %min3A_1786 = vector.broadcast %min3A_1785 : i32 to vector<16xi32>
        %min3A_1787 = arith.minsi %max3A_1784, %min3A_1786 : vector<16xi32>
        %mul3A_1788 = arith.constant 64 : i32
        %mul3A_1789 = vector.broadcast %mul3A_1788 : i32 to vector<16xi32>
        %mul3A_1790 = arith.muli %min3A_1787, %mul3A_1789 : vector<16xi32>
        %add3A_1791 = vector.broadcast %select_n3A : i32 to vector<16xi32>
        %add3A_1792 = arith.addi %add3A_1791, %mul3A_1790 : vector<16xi32>
        %mul3A_1793 = arith.mulf %add3A_1516, %convert_element_type3A_1781 : vector<16xf32>
        %add3A_1794 = arith.addi %add3A_1792, %min3A_1551 : vector<16xi32>
        %swap3A_1795 = arith.constant 1 : i32
        %swap3A_1796 = arith.index_cast %swap3A_1795 : i32 to index
        %swap3A_1797 = arith.constant 0 : index
        %swap3A_1798 = tpu.vector_load %arg8[%swap3A_1796, %swap3A_1797] {strides = array<i32>} : memref<4x128xi32, #tpu.memory_space<vmem>>, vector<16xi32>,
        tpu.vector_store %arg8[%swap3A_1796, %swap3A_1797], %add3A_1794 {strides = array<i32>} : memref<4x128xi32, #tpu.memory_space<vmem>>, vector<16xi32>,
        %broadcast_in_dim3A_1799 = arith.constant 0 : i32
        %broadcast_in_dim3A_1800 = vector.broadcast %broadcast_in_dim3A_1799 : i32 to vector<16xi32>
        %mul3A_1801 = arith.constant 16 : i32
        %mul3A_1802 = vector.broadcast %mul3A_1801 : i32 to vector<16xi32>
        %mul3A_1803 = arith.muli %iota3A, %mul3A_1802 : vector<16xi32>
        %add3A_1804 = arith.constant 8 : i32
        %add3A_1805 = vector.broadcast %add3A_1804 : i32 to vector<16xi32>
        %add3A_1806 = arith.addi %mul3A_1803, %add3A_1805 : vector<16xi32>
        %mul3A_1807 = arith.mulf %mul3A_1793, %mul3A_1552 : vector<16xf32>
        tpu.vector_store_idx %arg10[%broadcast_in_dim3A_1800, %add3A_1806], %mul3A_1807 : memref<2x256xf32, #tpu.memory_space<vmem>>[vector<16xi32>, vector<16xi32>], vector<16xf32>,
        %add3A_1808 = arith.addi %add3A_1792, %min3A_1570 : vector<16xi32>
        %swap3A_1809 = arith.constant 1 : i32
        %swap3A_1810 = arith.index_cast %swap3A_1809 : i32 to index
        %swap3A_1811 = arith.constant 16 : index
        %swap3A_1812 = tpu.vector_load %arg8[%swap3A_1810, %swap3A_1811] {strides = array<i32>} : memref<4x128xi32, #tpu.memory_space<vmem>>, vector<16xi32>,
        tpu.vector_store %arg8[%swap3A_1810, %swap3A_1811], %add3A_1808 {strides = array<i32>} : memref<4x128xi32, #tpu.memory_space<vmem>>, vector<16xi32>,
        %broadcast_in_dim3A_1813 = arith.constant 0 : i32
        %broadcast_in_dim3A_1814 = vector.broadcast %broadcast_in_dim3A_1813 : i32 to vector<16xi32>
        %mul3A_1815 = arith.constant 16 : i32
        %mul3A_1816 = vector.broadcast %mul3A_1815 : i32 to vector<16xi32>
        %mul3A_1817 = arith.muli %iota3A, %mul3A_1816 : vector<16xi32>
        %add3A_1818 = arith.constant 9 : i32
        %add3A_1819 = vector.broadcast %add3A_1818 : i32 to vector<16xi32>
        %add3A_1820 = arith.addi %mul3A_1817, %add3A_1819 : vector<16xi32>
        %mul3A_1821 = arith.mulf %mul3A_1793, %mul3A_1571 : vector<16xf32>
        tpu.vector_store_idx %arg10[%broadcast_in_dim3A_1814, %add3A_1820], %mul3A_1821 : memref<2x256xf32, #tpu.memory_space<vmem>>[vector<16xi32>, vector<16xi32>], vector<16xf32>,
        %add3A_1822 = arith.addi %add3A_1792, %min3A_1589 : vector<16xi32>
        %swap3A_1823 = arith.constant 1 : i32
        %swap3A_1824 = arith.index_cast %swap3A_1823 : i32 to index
        %swap3A_1825 = arith.constant 32 : index
        %swap3A_1826 = tpu.vector_load %arg8[%swap3A_1824, %swap3A_1825] {strides = array<i32>} : memref<4x128xi32, #tpu.memory_space<vmem>>, vector<16xi32>,
        tpu.vector_store %arg8[%swap3A_1824, %swap3A_1825], %add3A_1822 {strides = array<i32>} : memref<4x128xi32, #tpu.memory_space<vmem>>, vector<16xi32>,
        %broadcast_in_dim3A_1827 = arith.constant 0 : i32
        %broadcast_in_dim3A_1828 = vector.broadcast %broadcast_in_dim3A_1827 : i32 to vector<16xi32>
        %mul3A_1829 = arith.constant 16 : i32
        %mul3A_1830 = vector.broadcast %mul3A_1829 : i32 to vector<16xi32>
        %mul3A_1831 = arith.muli %iota3A, %mul3A_1830 : vector<16xi32>
        %add3A_1832 = arith.constant 10 : i32
        %add3A_1833 = vector.broadcast %add3A_1832 : i32 to vector<16xi32>
        %add3A_1834 = arith.addi %mul3A_1831, %add3A_1833 : vector<16xi32>
        %mul3A_1835 = arith.mulf %mul3A_1793, %mul3A_1590 : vector<16xf32>
        tpu.vector_store_idx %arg10[%broadcast_in_dim3A_1828, %add3A_1834], %mul3A_1835 : memref<2x256xf32, #tpu.memory_space<vmem>>[vector<16xi32>, vector<16xi32>], vector<16xf32>,
        %add3A_1836 = arith.addi %add3A_1792, %min3A_1608 : vector<16xi32>
        %swap3A_1837 = arith.constant 1 : i32
        %swap3A_1838 = arith.index_cast %swap3A_1837 : i32 to index
        %swap3A_1839 = arith.constant 48 : index
        %swap3A_1840 = tpu.vector_load %arg8[%swap3A_1838, %swap3A_1839] {strides = array<i32>} : memref<4x128xi32, #tpu.memory_space<vmem>>, vector<16xi32>,
        tpu.vector_store %arg8[%swap3A_1838, %swap3A_1839], %add3A_1836 {strides = array<i32>} : memref<4x128xi32, #tpu.memory_space<vmem>>, vector<16xi32>,
        %broadcast_in_dim3A_1841 = arith.constant 0 : i32
        %broadcast_in_dim3A_1842 = vector.broadcast %broadcast_in_dim3A_1841 : i32 to vector<16xi32>
        %mul3A_1843 = arith.constant 16 : i32
        %mul3A_1844 = vector.broadcast %mul3A_1843 : i32 to vector<16xi32>
        %mul3A_1845 = arith.muli %iota3A, %mul3A_1844 : vector<16xi32>
        %add3A_1846 = arith.constant 11 : i32
        %add3A_1847 = vector.broadcast %add3A_1846 : i32 to vector<16xi32>
        %add3A_1848 = arith.addi %mul3A_1845, %add3A_1847 : vector<16xi32>
        %mul3A_1849 = arith.mulf %mul3A_1793, %mul3A_1609 : vector<16xf32>
        tpu.vector_store_idx %arg10[%broadcast_in_dim3A_1842, %add3A_1848], %mul3A_1849 : memref<2x256xf32, #tpu.memory_space<vmem>>[vector<16xi32>, vector<16xi32>], vector<16xf32>,
        %add3A_1850 = arith.constant 2 : i32
        %add3A_1851 = vector.broadcast %add3A_1850 : i32 to vector<16xi32>
        %add3A_1852 = arith.addi %sub3A_1392, %add3A_1851 : vector<16xi32>
        %ge3A_1853 = arith.constant 0 : i32
        %ge3A_1854 = vector.broadcast %ge3A_1853 : i32 to vector<16xi32>
        %ge3A_1855 = arith.cmpi sge, %add3A_1852, %ge3A_1854 : vector<16xi32>
        %lt3A_1856 = arith.constant 64 : i32
        %lt3A_1857 = vector.broadcast %lt3A_1856 : i32 to vector<16xi32>
        %lt3A_1858 = arith.cmpi slt, %add3A_1852, %lt3A_1857 : vector<16xi32>
        %and3A_1859 = arith.andi %ge3A_1855, %lt3A_1858 : vector<16xi1>
        %convert_element_type3A_1860 = arith.extui %and3A_1859 : vector<16xi1> to vector<16xi32>
        %convert_element_type3A_1861 = arith.sitofp %convert_element_type3A_1860 : vector<16xi32> to vector<16xf32>
        %max3A_1862 = arith.constant 0 : i32
        %max3A_1863 = vector.broadcast %max3A_1862 : i32 to vector<16xi32>
        %max3A_1864 = arith.maxsi %add3A_1852, %max3A_1863 : vector<16xi32>
        %min3A_1865 = arith.constant 63 : i32
        %min3A_1866 = vector.broadcast %min3A_1865 : i32 to vector<16xi32>
        %min3A_1867 = arith.minsi %max3A_1864, %min3A_1866 : vector<16xi32>
        %mul3A_1868 = arith.constant 64 : i32
        %mul3A_1869 = vector.broadcast %mul3A_1868 : i32 to vector<16xi32>
        %mul3A_1870 = arith.muli %min3A_1867, %mul3A_1869 : vector<16xi32>
        %add3A_1871 = vector.broadcast %select_n3A : i32 to vector<16xi32>
        %add3A_1872 = arith.addi %add3A_1871, %mul3A_1870 : vector<16xi32>
        %mul3A_1873 = arith.mulf %sub3A_1533, %convert_element_type3A_1861 : vector<16xf32>
        %add3A_1874 = arith.addi %add3A_1872, %min3A_1551 : vector<16xi32>
        %swap3A_1875 = arith.constant 1 : i32
        %swap3A_1876 = arith.index_cast %swap3A_1875 : i32 to index
        %swap3A_1877 = arith.constant 64 : index
        %swap3A_1878 = tpu.vector_load %arg8[%swap3A_1876, %swap3A_1877] {strides = array<i32>} : memref<4x128xi32, #tpu.memory_space<vmem>>, vector<16xi32>,
        tpu.vector_store %arg8[%swap3A_1876, %swap3A_1877], %add3A_1874 {strides = array<i32>} : memref<4x128xi32, #tpu.memory_space<vmem>>, vector<16xi32>,
        %broadcast_in_dim3A_1879 = arith.constant 0 : i32
        %broadcast_in_dim3A_1880 = vector.broadcast %broadcast_in_dim3A_1879 : i32 to vector<16xi32>
        %mul3A_1881 = arith.constant 16 : i32
        %mul3A_1882 = vector.broadcast %mul3A_1881 : i32 to vector<16xi32>
        %mul3A_1883 = arith.muli %iota3A, %mul3A_1882 : vector<16xi32>
        %add3A_1884 = arith.constant 12 : i32
        %add3A_1885 = vector.broadcast %add3A_1884 : i32 to vector<16xi32>
        %add3A_1886 = arith.addi %mul3A_1883, %add3A_1885 : vector<16xi32>
        %mul3A_1887 = arith.mulf %mul3A_1873, %mul3A_1552 : vector<16xf32>
        tpu.vector_store_idx %arg10[%broadcast_in_dim3A_1880, %add3A_1886], %mul3A_1887 : memref<2x256xf32, #tpu.memory_space<vmem>>[vector<16xi32>, vector<16xi32>], vector<16xf32>,
        %add3A_1888 = arith.addi %add3A_1872, %min3A_1570 : vector<16xi32>
        %swap3A_1889 = arith.constant 1 : i32
        %swap3A_1890 = arith.index_cast %swap3A_1889 : i32 to index
        %swap3A_1891 = arith.constant 80 : index
        %swap3A_1892 = tpu.vector_load %arg8[%swap3A_1890, %swap3A_1891] {strides = array<i32>} : memref<4x128xi32, #tpu.memory_space<vmem>>, vector<16xi32>,
        tpu.vector_store %arg8[%swap3A_1890, %swap3A_1891], %add3A_1888 {strides = array<i32>} : memref<4x128xi32, #tpu.memory_space<vmem>>, vector<16xi32>,
        %broadcast_in_dim3A_1893 = arith.constant 0 : i32
        %broadcast_in_dim3A_1894 = vector.broadcast %broadcast_in_dim3A_1893 : i32 to vector<16xi32>
        %mul3A_1895 = arith.constant 16 : i32
        %mul3A_1896 = vector.broadcast %mul3A_1895 : i32 to vector<16xi32>
        %mul3A_1897 = arith.muli %iota3A, %mul3A_1896 : vector<16xi32>
        %add3A_1898 = arith.constant 13 : i32
        %add3A_1899 = vector.broadcast %add3A_1898 : i32 to vector<16xi32>
        %add3A_1900 = arith.addi %mul3A_1897, %add3A_1899 : vector<16xi32>
        %mul3A_1901 = arith.mulf %mul3A_1873, %mul3A_1571 : vector<16xf32>
        tpu.vector_store_idx %arg10[%broadcast_in_dim3A_1894, %add3A_1900], %mul3A_1901 : memref<2x256xf32, #tpu.memory_space<vmem>>[vector<16xi32>, vector<16xi32>], vector<16xf32>,
        %add3A_1902 = arith.addi %add3A_1872, %min3A_1589 : vector<16xi32>
        %swap3A_1903 = arith.constant 1 : i32
        %swap3A_1904 = arith.index_cast %swap3A_1903 : i32 to index
        %swap3A_1905 = arith.constant 96 : index
        %swap3A_1906 = tpu.vector_load %arg8[%swap3A_1904, %swap3A_1905] {strides = array<i32>} : memref<4x128xi32, #tpu.memory_space<vmem>>, vector<16xi32>,
        tpu.vector_store %arg8[%swap3A_1904, %swap3A_1905], %add3A_1902 {strides = array<i32>} : memref<4x128xi32, #tpu.memory_space<vmem>>, vector<16xi32>,
        %broadcast_in_dim3A_1907 = arith.constant 0 : i32
        %broadcast_in_dim3A_1908 = vector.broadcast %broadcast_in_dim3A_1907 : i32 to vector<16xi32>
        %mul3A_1909 = arith.constant 16 : i32
        %mul3A_1910 = vector.broadcast %mul3A_1909 : i32 to vector<16xi32>
        %mul3A_1911 = arith.muli %iota3A, %mul3A_1910 : vector<16xi32>
        %add3A_1912 = arith.constant 14 : i32
        %add3A_1913 = vector.broadcast %add3A_1912 : i32 to vector<16xi32>
        %add3A_1914 = arith.addi %mul3A_1911, %add3A_1913 : vector<16xi32>
        %mul3A_1915 = arith.mulf %mul3A_1873, %mul3A_1590 : vector<16xf32>
        tpu.vector_store_idx %arg10[%broadcast_in_dim3A_1908, %add3A_1914], %mul3A_1915 : memref<2x256xf32, #tpu.memory_space<vmem>>[vector<16xi32>, vector<16xi32>], vector<16xf32>,
        %add3A_1916 = arith.addi %add3A_1872, %min3A_1608 : vector<16xi32>
        %swap3A_1917 = arith.constant 1 : i32
        %swap3A_1918 = arith.index_cast %swap3A_1917 : i32 to index
        %swap3A_1919 = arith.constant 112 : index
        %swap3A_1920 = tpu.vector_load %arg8[%swap3A_1918, %swap3A_1919] {strides = array<i32>} : memref<4x128xi32, #tpu.memory_space<vmem>>, vector<16xi32>,
        tpu.vector_store %arg8[%swap3A_1918, %swap3A_1919], %add3A_1916 {strides = array<i32>} : memref<4x128xi32, #tpu.memory_space<vmem>>, vector<16xi32>,
        %broadcast_in_dim3A_1921 = arith.constant 0 : i32
        %broadcast_in_dim3A_1922 = vector.broadcast %broadcast_in_dim3A_1921 : i32 to vector<16xi32>
        %mul3A_1923 = arith.constant 16 : i32
        %mul3A_1924 = vector.broadcast %mul3A_1923 : i32 to vector<16xi32>
        %mul3A_1925 = arith.muli %iota3A, %mul3A_1924 : vector<16xi32>
        %add3A_1926 = arith.constant 15 : i32
        %add3A_1927 = vector.broadcast %add3A_1926 : i32 to vector<16xi32>
        %add3A_1928 = arith.addi %mul3A_1925, %add3A_1927 : vector<16xi32>
        %mul3A_1929 = arith.mulf %mul3A_1873, %mul3A_1609 : vector<16xf32>
        tpu.vector_store_idx %arg10[%broadcast_in_dim3A_1922, %add3A_1928], %mul3A_1929 : memref<2x256xf32, #tpu.memory_space<vmem>>[vector<16xi32>, vector<16xi32>], vector<16xf32>,
        %dma_start3A_1930 = arith.constant 0 : i32
        %dma_start3A_1931 = arith.constant 0 : i32
        %dma_start3A_1932 = arith.constant 0 : i32
        %dma_start3A_1933 = arith.constant 0 : i32
        %dma_start3A_1934 = tpu.memref_slice %arg9[%dma_start3A_1931, %dma_start3A_1932, %dma_start3A_1933] : memref<4x128x64xf32, #tpu.memory_space<vmem>> -> memref<1x128x64xf32, #tpu.memory_space<vmem>>
        %dma_start3A_1935 = tpu.memref_squeeze %dma_start3A_1934 : memref<1x128x64xf32, #tpu.memory_space<vmem>> -> memref<128x64xf32, #tpu.memory_space<vmem>>
        %dma_start3A_1936 = arith.constant 0 : i32
        %dma_start3A_1937 = tpu.memref_slice %arg8[%dma_start3A_1930, %dma_start3A_1936] : memref<4x128xi32, #tpu.memory_space<vmem>> -> memref<1x128xi32, #tpu.memory_space<vmem>>
        %dma_start3A_1938 = tpu.memref_squeeze %dma_start3A_1937 : memref<1x128xi32, #tpu.memory_space<vmem>> -> memref<128xi32, #tpu.memory_space<vmem>>
        %dma_start3A_1939 = arith.constant 0 : i32
        %dma_start3A_1940 = arith.constant 0 : i32
        %dma_start3A_1941 = tpu.memref_slice %arg2[%dma_start3A_1939, %dma_start3A_1940] : memref<8192x64xf32, #tpu.memory_space<hbm>> -> memref<8192x64xf32, #tpu.memory_space<hbm>>
        tpu.enqueue_indirect_dma source(%dma_start3A_1941 : memref<8192x64xf32, #tpu.memory_space<hbm>>) target(%dma_start3A_1935 : memref<128x64xf32, #tpu.memory_space<vmem>>) offsets(%dma_start3A_1938 : memref<128xi32, #tpu.memory_space<vmem>>) semaphore(%arg12 : memref<!tpu.dma_semaphore, #tpu.memory_space<semaphore_mem>>)
        %dma_start3A_1942 = arith.constant 1 : i32
        %dma_start3A_1943 = arith.constant 1 : i32
        %dma_start3A_1944 = arith.constant 0 : i32
        %dma_start3A_1945 = arith.constant 0 : i32
        %dma_start3A_1946 = tpu.memref_slice %arg9[%dma_start3A_1943, %dma_start3A_1944, %dma_start3A_1945] : memref<4x128x64xf32, #tpu.memory_space<vmem>> -> memref<1x128x64xf32, #tpu.memory_space<vmem>>
        %dma_start3A_1947 = tpu.memref_squeeze %dma_start3A_1946 : memref<1x128x64xf32, #tpu.memory_space<vmem>> -> memref<128x64xf32, #tpu.memory_space<vmem>>
        %dma_start3A_1948 = arith.constant 0 : i32
        %dma_start3A_1949 = tpu.memref_slice %arg8[%dma_start3A_1942, %dma_start3A_1948] : memref<4x128xi32, #tpu.memory_space<vmem>> -> memref<1x128xi32, #tpu.memory_space<vmem>>
        %dma_start3A_1950 = tpu.memref_squeeze %dma_start3A_1949 : memref<1x128xi32, #tpu.memory_space<vmem>> -> memref<128xi32, #tpu.memory_space<vmem>>
        %dma_start3A_1951 = arith.constant 0 : i32
        %dma_start3A_1952 = arith.constant 0 : i32
        %dma_start3A_1953 = tpu.memref_slice %arg2[%dma_start3A_1951, %dma_start3A_1952] : memref<8192x64xf32, #tpu.memory_space<hbm>> -> memref<8192x64xf32, #tpu.memory_space<hbm>>
        tpu.enqueue_indirect_dma source(%dma_start3A_1953 : memref<8192x64xf32, #tpu.memory_space<hbm>>) target(%dma_start3A_1947 : memref<128x64xf32, #tpu.memory_space<vmem>>) offsets(%dma_start3A_1950 : memref<128xi32, #tpu.memory_space<vmem>>) semaphore(%arg13 : memref<!tpu.dma_semaphore, #tpu.memory_space<semaphore_mem>>)
      } else {
      }
      %dma_wait3A_1290 = arith.constant 2 : i32
      %dma_wait3A_1291 = arith.constant 2 : i32
      %dma_wait3A_1292 = arith.constant 0 : i32
      %dma_wait3A_1293 = arith.constant 0 : i32
      %dma_wait3A_1294 = tpu.memref_slice %arg9[%dma_wait3A_1291, %dma_wait3A_1292, %dma_wait3A_1293] : memref<4x128x64xf32, #tpu.memory_space<vmem>> -> memref<1x128x64xf32, #tpu.memory_space<vmem>>
      %dma_wait3A_1295 = tpu.memref_squeeze %dma_wait3A_1294 : memref<1x128x64xf32, #tpu.memory_space<vmem>> -> memref<128x64xf32, #tpu.memory_space<vmem>>
      %dma_wait3A_1296 = arith.constant 0 : i32
      %dma_wait3A_1297 = tpu.memref_slice %arg8[%dma_wait3A_1290, %dma_wait3A_1296] : memref<4x128xi32, #tpu.memory_space<vmem>> -> memref<1x128xi32, #tpu.memory_space<vmem>>
      %dma_wait3A_1298 = tpu.memref_squeeze %dma_wait3A_1297 : memref<1x128xi32, #tpu.memory_space<vmem>> -> memref<128xi32, #tpu.memory_space<vmem>>
      %dma_wait3A_1299 = arith.constant 0 : i32
      %dma_wait3A_1300 = arith.constant 0 : i32
      %dma_wait3A_1301 = tpu.memref_slice %arg2[%dma_wait3A_1299, %dma_wait3A_1300] : memref<8192x64xf32, #tpu.memory_space<hbm>> -> memref<8192x64xf32, #tpu.memory_space<hbm>>
      tpu.wait_indirect_dma semaphore(%arg14 : memref<!tpu.dma_semaphore, #tpu.memory_space<semaphore_mem>>) src(%dma_wait3A_1301 : memref<8192x64xf32, #tpu.memory_space<hbm>>) dst(%dma_wait3A_1295 : memref<128x64xf32, #tpu.memory_space<vmem>>)
      %dma_wait3A_1302 = arith.constant 3 : i32
      %dma_wait3A_1303 = arith.constant 3 : i32
      %dma_wait3A_1304 = arith.constant 0 : i32
      %dma_wait3A_1305 = arith.constant 0 : i32
      %dma_wait3A_1306 = tpu.memref_slice %arg9[%dma_wait3A_1303, %dma_wait3A_1304, %dma_wait3A_1305] : memref<4x128x64xf32, #tpu.memory_space<vmem>> -> memref<1x128x64xf32, #tpu.memory_space<vmem>>
      %dma_wait3A_1307 = tpu.memref_squeeze %dma_wait3A_1306 : memref<1x128x64xf32, #tpu.memory_space<vmem>> -> memref<128x64xf32, #tpu.memory_space<vmem>>
      %dma_wait3A_1308 = arith.constant 0 : i32
      %dma_wait3A_1309 = tpu.memref_slice %arg8[%dma_wait3A_1302, %dma_wait3A_1308] : memref<4x128xi32, #tpu.memory_space<vmem>> -> memref<1x128xi32, #tpu.memory_space<vmem>>
      %dma_wait3A_1310 = tpu.memref_squeeze %dma_wait3A_1309 : memref<1x128xi32, #tpu.memory_space<vmem>> -> memref<128xi32, #tpu.memory_space<vmem>>
      %dma_wait3A_1311 = arith.constant 0 : i32
      %dma_wait3A_1312 = arith.constant 0 : i32
      %dma_wait3A_1313 = tpu.memref_slice %arg2[%dma_wait3A_1311, %dma_wait3A_1312] : memref<8192x64xf32, #tpu.memory_space<hbm>> -> memref<8192x64xf32, #tpu.memory_space<hbm>>
      tpu.wait_indirect_dma semaphore(%arg15 : memref<!tpu.dma_semaphore, #tpu.memory_space<semaphore_mem>>) src(%dma_wait3A_1313 : memref<8192x64xf32, #tpu.memory_space<hbm>>) dst(%dma_wait3A_1307 : memref<128x64xf32, #tpu.memory_space<vmem>>)
      %add3A_1314 = arith.constant 1 : i32
      %add3A_1315 = arith.addi %mul3A_624, %add3A_1314 : i32
      %mul3A_1316 = arith.constant 16 : i32
      %mul3A_1317 = arith.muli %add3A_1315, %mul3A_1316 : i32
      %scan3A_1318 = arith.constant 0 : i32
      %scan3A_1319 = arith.constant 2 : i32
      %scan3A_1320 = arith.constant 3 : i32
      %scan3A_1321 = arith.constant 0 : i32
      %scan3A_1322 = arith.constant 16 : i32
      %scan3A_1323 = arith.addi %scan3A_1321, %scan3A_1322 : i32
      %scan3A_1324 = arith.constant 1 : i32
      scf.for %scan3A_1326 = %scan3A_1321 to %scan3A_1323 step %scan3A_1324  : i32 {
        %broadcast_in_dim3A_1327 = arith.constant 0.000000e+00 : f32
        %broadcast_in_dim3A_1328 = vector.broadcast %broadcast_in_dim3A_1327 : f32 to vector<16xf32>
        %broadcast_in_dim3A_1329 = arith.constant 0.000000e+00 : f32
        %broadcast_in_dim3A_1330 = vector.broadcast %broadcast_in_dim3A_1329 : f32 to vector<16xf32>
        %broadcast_in_dim3A_1331 = arith.constant 0.000000e+00 : f32
        %broadcast_in_dim3A_1332 = vector.broadcast %broadcast_in_dim3A_1331 : f32 to vector<16xf32>
        %broadcast_in_dim3A_1333 = arith.constant 0.000000e+00 : f32
        %broadcast_in_dim3A_1334 = vector.broadcast %broadcast_in_dim3A_1333 : f32 to vector<16xf32>
        %mul3A_1335 = arith.constant 16 : i32
        %mul3A_1336 = arith.muli %scan3A_1326, %mul3A_1335 : i32
        %get3A_1337 = arith.constant 1 : i32
        %get3A_1338 = arith.index_cast %get3A_1337 : i32 to index
        %get3A_1339 = arith.index_cast %mul3A_1336 : i32 to index
        %get3A_1340 = tpu.vector_load %arg10[%get3A_1338, %get3A_1339] {strides = array<i32>} : memref<2x256xf32, #tpu.memory_space<vmem>>, vector<16xf32>,
        %add3A_1341 = arith.constant 0 : i32
        %add3A_1342 = arith.addi %add3A_1341, %scan3A_1326 : i32
        %slice3A = vector.extract_strided_slice %get3A_1340 {offsets = [0], sizes = [1], strides = [1]} : vector<16xf32> to vector<1xf32>
        %squeeze3A = vector.extract %slice3A[0] : f32 from vector<1xf32>
        %get3A_1343 = arith.constant 0 : i32
        %get3A_1344 = arith.constant 0 : i32
        %get3A_1345 = tpu.memref_slice %arg9[%scan3A_1319, %get3A_1343, %get3A_1344] : memref<4x128x64xf32, #tpu.memory_space<vmem>> -> memref<1x128x64xf32, #tpu.memory_space<vmem>>
        %get3A_1346 = tpu.memref_squeeze %get3A_1345 : memref<1x128x64xf32, #tpu.memory_space<vmem>> -> memref<128x64xf32, #tpu.memory_space<vmem>>
        %get3A_1347 = arith.index_cast %add3A_1342 : i32 to index
        %get3A_1348 = arith.constant 0 : index
        %get3A_1349 = tpu.vector_load %get3A_1346[%get3A_1347, %get3A_1348] {strides = array<i32>} : memref<128x64xf32, #tpu.memory_space<vmem>>, vector<16xf32>,
        %mul3A_1350 = vector.broadcast %squeeze3A : f32 to vector<16xf32>
        %mul3A_1351 = arith.mulf %mul3A_1350, %get3A_1349 : vector<16xf32>
        %add3A_1352 = arith.addf %broadcast_in_dim3A_1328, %mul3A_1351 : vector<16xf32>
        %get3A_1353 = arith.constant 0 : i32
        %get3A_1354 = arith.constant 0 : i32
        %get3A_1355 = tpu.memref_slice %arg9[%scan3A_1319, %get3A_1353, %get3A_1354] : memref<4x128x64xf32, #tpu.memory_space<vmem>> -> memref<1x128x64xf32, #tpu.memory_space<vmem>>
        %get3A_1356 = tpu.memref_squeeze %get3A_1355 : memref<1x128x64xf32, #tpu.memory_space<vmem>> -> memref<128x64xf32, #tpu.memory_space<vmem>>
        %get3A_1357 = arith.index_cast %add3A_1342 : i32 to index
        %get3A_1358 = arith.constant 16 : index
        %get3A_1359 = tpu.vector_load %get3A_1356[%get3A_1357, %get3A_1358] {strides = array<i32>} : memref<128x64xf32, #tpu.memory_space<vmem>>, vector<16xf32>,
        %mul3A_1360 = vector.broadcast %squeeze3A : f32 to vector<16xf32>
        %mul3A_1361 = arith.mulf %mul3A_1360, %get3A_1359 : vector<16xf32>
        %add3A_1362 = arith.addf %broadcast_in_dim3A_1330, %mul3A_1361 : vector<16xf32>
        %get3A_1363 = arith.constant 0 : i32
        %get3A_1364 = arith.constant 0 : i32
        %get3A_1365 = tpu.memref_slice %arg9[%scan3A_1319, %get3A_1363, %get3A_1364] : memref<4x128x64xf32, #tpu.memory_space<vmem>> -> memref<1x128x64xf32, #tpu.memory_space<vmem>>
        %get3A_1366 = tpu.memref_squeeze %get3A_1365 : memref<1x128x64xf32, #tpu.memory_space<vmem>> -> memref<128x64xf32, #tpu.memory_space<vmem>>
        %get3A_1367 = arith.index_cast %add3A_1342 : i32 to index
        %get3A_1368 = arith.constant 32 : index
        %get3A_1369 = tpu.vector_load %get3A_1366[%get3A_1367, %get3A_1368] {strides = array<i32>} : memref<128x64xf32, #tpu.memory_space<vmem>>, vector<16xf32>,
        %mul3A_1370 = vector.broadcast %squeeze3A : f32 to vector<16xf32>
        %mul3A_1371 = arith.mulf %mul3A_1370, %get3A_1369 : vector<16xf32>
        %add3A_1372 = arith.addf %broadcast_in_dim3A_1332, %mul3A_1371 : vector<16xf32>
        %get3A_1373 = arith.constant 0 : i32
        %get3A_1374 = arith.constant 0 : i32
        %get3A_1375 = tpu.memref_slice %arg9[%scan3A_1319, %get3A_1373, %get3A_1374] : memref<4x128x64xf32, #tpu.memory_space<vmem>> -> memref<1x128x64xf32, #tpu.memory_space<vmem>>
        %get3A_1376 = tpu.memref_squeeze %get3A_1375 : memref<1x128x64xf32, #tpu.memory_space<vmem>> -> memref<128x64xf32, #tpu.memory_space<vmem>>
        %get3A_1377 = arith.index_cast %add3A_1342 : i32 to index
        %get3A_1378 = arith.constant 48 : index
        %get3A_1379 = tpu.vector_load %get3A_1376[%get3A_1377, %get3A_1378] {strides = array<i32>} : memref<128x64xf32, #tpu.memory_space<vmem>>, vector<16xf32>,
        %mul3A_1380 = vector.broadcast %squeeze3A : f32 to vector<16xf32>
        %mul3A_1381 = arith.mulf %mul3A_1380, %get3A_1379 : vector<16xf32>
        %add3A_1382 = arith.addf %broadcast_in_dim3A_1334, %mul3A_1381 : vector<16xf32>
        %add3A_1383 = arith.constant 16 : i32
        %add3A_1384 = arith.addi %add3A_1383, %scan3A_1326 : i32
        %slice3A_1385 = vector.extract_strided_slice %get3A_1340 {offsets = [1], sizes = [1], strides = [1]} : vector<16xf32> to vector<1xf32>
        %squeeze3A_1386 = vector.extract %slice3A_1385[0] : f32 from vector<1xf32>
        %get3A_1387 = arith.constant 0 : i32
        %get3A_1388 = arith.constant 0 : i32
        %get3A_1389 = tpu.memref_slice %arg9[%scan3A_1319, %get3A_1387, %get3A_1388] : memref<4x128x64xf32, #tpu.memory_space<vmem>> -> memref<1x128x64xf32, #tpu.memory_space<vmem>>
        %get3A_1390 = tpu.memref_squeeze %get3A_1389 : memref<1x128x64xf32, #tpu.memory_space<vmem>> -> memref<128x64xf32, #tpu.memory_space<vmem>>
        %get3A_1391 = arith.index_cast %add3A_1384 : i32 to index
        %get3A_1392 = arith.constant 0 : index
        %get3A_1393 = tpu.vector_load %get3A_1390[%get3A_1391, %get3A_1392] {strides = array<i32>} : memref<128x64xf32, #tpu.memory_space<vmem>>, vector<16xf32>,
        %mul3A_1394 = vector.broadcast %squeeze3A_1386 : f32 to vector<16xf32>
        %mul3A_1395 = arith.mulf %mul3A_1394, %get3A_1393 : vector<16xf32>
        %add3A_1396 = arith.addf %add3A_1352, %mul3A_1395 : vector<16xf32>
        %get3A_1397 = arith.constant 0 : i32
        %get3A_1398 = arith.constant 0 : i32
        %get3A_1399 = tpu.memref_slice %arg9[%scan3A_1319, %get3A_1397, %get3A_1398] : memref<4x128x64xf32, #tpu.memory_space<vmem>> -> memref<1x128x64xf32, #tpu.memory_space<vmem>>
        %get3A_1400 = tpu.memref_squeeze %get3A_1399 : memref<1x128x64xf32, #tpu.memory_space<vmem>> -> memref<128x64xf32, #tpu.memory_space<vmem>>
        %get3A_1401 = arith.index_cast %add3A_1384 : i32 to index
        %get3A_1402 = arith.constant 16 : index
        %get3A_1403 = tpu.vector_load %get3A_1400[%get3A_1401, %get3A_1402] {strides = array<i32>} : memref<128x64xf32, #tpu.memory_space<vmem>>, vector<16xf32>,
        %mul3A_1404 = vector.broadcast %squeeze3A_1386 : f32 to vector<16xf32>
        %mul3A_1405 = arith.mulf %mul3A_1404, %get3A_1403 : vector<16xf32>
        %add3A_1406 = arith.addf %add3A_1362, %mul3A_1405 : vector<16xf32>
        %get3A_1407 = arith.constant 0 : i32
        %get3A_1408 = arith.constant 0 : i32
        %get3A_1409 = tpu.memref_slice %arg9[%scan3A_1319, %get3A_1407, %get3A_1408] : memref<4x128x64xf32, #tpu.memory_space<vmem>> -> memref<1x128x64xf32, #tpu.memory_space<vmem>>
        %get3A_1410 = tpu.memref_squeeze %get3A_1409 : memref<1x128x64xf32, #tpu.memory_space<vmem>> -> memref<128x64xf32, #tpu.memory_space<vmem>>
        %get3A_1411 = arith.index_cast %add3A_1384 : i32 to index
        %get3A_1412 = arith.constant 32 : index
        %get3A_1413 = tpu.vector_load %get3A_1410[%get3A_1411, %get3A_1412] {strides = array<i32>} : memref<128x64xf32, #tpu.memory_space<vmem>>, vector<16xf32>,
        %mul3A_1414 = vector.broadcast %squeeze3A_1386 : f32 to vector<16xf32>
        %mul3A_1415 = arith.mulf %mul3A_1414, %get3A_1413 : vector<16xf32>
        %add3A_1416 = arith.addf %add3A_1372, %mul3A_1415 : vector<16xf32>
        %get3A_1417 = arith.constant 0 : i32
        %get3A_1418 = arith.constant 0 : i32
        %get3A_1419 = tpu.memref_slice %arg9[%scan3A_1319, %get3A_1417, %get3A_1418] : memref<4x128x64xf32, #tpu.memory_space<vmem>> -> memref<1x128x64xf32, #tpu.memory_space<vmem>>
        %get3A_1420 = tpu.memref_squeeze %get3A_1419 : memref<1x128x64xf32, #tpu.memory_space<vmem>> -> memref<128x64xf32, #tpu.memory_space<vmem>>
        %get3A_1421 = arith.index_cast %add3A_1384 : i32 to index
        %get3A_1422 = arith.constant 48 : index
        %get3A_1423 = tpu.vector_load %get3A_1420[%get3A_1421, %get3A_1422] {strides = array<i32>} : memref<128x64xf32, #tpu.memory_space<vmem>>, vector<16xf32>,
        %mul3A_1424 = vector.broadcast %squeeze3A_1386 : f32 to vector<16xf32>
        %mul3A_1425 = arith.mulf %mul3A_1424, %get3A_1423 : vector<16xf32>
        %add3A_1426 = arith.addf %add3A_1382, %mul3A_1425 : vector<16xf32>
        %add3A_1427 = arith.constant 32 : i32
        %add3A_1428 = arith.addi %add3A_1427, %scan3A_1326 : i32
        %slice3A_1429 = vector.extract_strided_slice %get3A_1340 {offsets = [2], sizes = [1], strides = [1]} : vector<16xf32> to vector<1xf32>
        %squeeze3A_1430 = vector.extract %slice3A_1429[0] : f32 from vector<1xf32>
        %get3A_1431 = arith.constant 0 : i32
        %get3A_1432 = arith.constant 0 : i32
        %get3A_1433 = tpu.memref_slice %arg9[%scan3A_1319, %get3A_1431, %get3A_1432] : memref<4x128x64xf32, #tpu.memory_space<vmem>> -> memref<1x128x64xf32, #tpu.memory_space<vmem>>
        %get3A_1434 = tpu.memref_squeeze %get3A_1433 : memref<1x128x64xf32, #tpu.memory_space<vmem>> -> memref<128x64xf32, #tpu.memory_space<vmem>>
        %get3A_1435 = arith.index_cast %add3A_1428 : i32 to index
        %get3A_1436 = arith.constant 0 : index
        %get3A_1437 = tpu.vector_load %get3A_1434[%get3A_1435, %get3A_1436] {strides = array<i32>} : memref<128x64xf32, #tpu.memory_space<vmem>>, vector<16xf32>,
        %mul3A_1438 = vector.broadcast %squeeze3A_1430 : f32 to vector<16xf32>
        %mul3A_1439 = arith.mulf %mul3A_1438, %get3A_1437 : vector<16xf32>
        %add3A_1440 = arith.addf %add3A_1396, %mul3A_1439 : vector<16xf32>
        %get3A_1441 = arith.constant 0 : i32
        %get3A_1442 = arith.constant 0 : i32
        %get3A_1443 = tpu.memref_slice %arg9[%scan3A_1319, %get3A_1441, %get3A_1442] : memref<4x128x64xf32, #tpu.memory_space<vmem>> -> memref<1x128x64xf32, #tpu.memory_space<vmem>>
        %get3A_1444 = tpu.memref_squeeze %get3A_1443 : memref<1x128x64xf32, #tpu.memory_space<vmem>> -> memref<128x64xf32, #tpu.memory_space<vmem>>
        %get3A_1445 = arith.index_cast %add3A_1428 : i32 to index
        %get3A_1446 = arith.constant 16 : index
        %get3A_1447 = tpu.vector_load %get3A_1444[%get3A_1445, %get3A_1446] {strides = array<i32>} : memref<128x64xf32, #tpu.memory_space<vmem>>, vector<16xf32>,
        %mul3A_1448 = vector.broadcast %squeeze3A_1430 : f32 to vector<16xf32>
        %mul3A_1449 = arith.mulf %mul3A_1448, %get3A_1447 : vector<16xf32>
        %add3A_1450 = arith.addf %add3A_1406, %mul3A_1449 : vector<16xf32>
        %get3A_1451 = arith.constant 0 : i32
        %get3A_1452 = arith.constant 0 : i32
        %get3A_1453 = tpu.memref_slice %arg9[%scan3A_1319, %get3A_1451, %get3A_1452] : memref<4x128x64xf32, #tpu.memory_space<vmem>> -> memref<1x128x64xf32, #tpu.memory_space<vmem>>
        %get3A_1454 = tpu.memref_squeeze %get3A_1453 : memref<1x128x64xf32, #tpu.memory_space<vmem>> -> memref<128x64xf32, #tpu.memory_space<vmem>>
        %get3A_1455 = arith.index_cast %add3A_1428 : i32 to index
        %get3A_1456 = arith.constant 32 : index
        %get3A_1457 = tpu.vector_load %get3A_1454[%get3A_1455, %get3A_1456] {strides = array<i32>} : memref<128x64xf32, #tpu.memory_space<vmem>>, vector<16xf32>,
        %mul3A_1458 = vector.broadcast %squeeze3A_1430 : f32 to vector<16xf32>
        %mul3A_1459 = arith.mulf %mul3A_1458, %get3A_1457 : vector<16xf32>
        %add3A_1460 = arith.addf %add3A_1416, %mul3A_1459 : vector<16xf32>
        %get3A_1461 = arith.constant 0 : i32
        %get3A_1462 = arith.constant 0 : i32
        %get3A_1463 = tpu.memref_slice %arg9[%scan3A_1319, %get3A_1461, %get3A_1462] : memref<4x128x64xf32, #tpu.memory_space<vmem>> -> memref<1x128x64xf32, #tpu.memory_space<vmem>>
        %get3A_1464 = tpu.memref_squeeze %get3A_1463 : memref<1x128x64xf32, #tpu.memory_space<vmem>> -> memref<128x64xf32, #tpu.memory_space<vmem>>
        %get3A_1465 = arith.index_cast %add3A_1428 : i32 to index
        %get3A_1466 = arith.constant 48 : index
        %get3A_1467 = tpu.vector_load %get3A_1464[%get3A_1465, %get3A_1466] {strides = array<i32>} : memref<128x64xf32, #tpu.memory_space<vmem>>, vector<16xf32>,
        %mul3A_1468 = vector.broadcast %squeeze3A_1430 : f32 to vector<16xf32>
        %mul3A_1469 = arith.mulf %mul3A_1468, %get3A_1467 : vector<16xf32>
        %add3A_1470 = arith.addf %add3A_1426, %mul3A_1469 : vector<16xf32>
        %add3A_1471 = arith.constant 48 : i32
        %add3A_1472 = arith.addi %add3A_1471, %scan3A_1326 : i32
        %slice3A_1473 = vector.extract_strided_slice %get3A_1340 {offsets = [3], sizes = [1], strides = [1]} : vector<16xf32> to vector<1xf32>
        %squeeze3A_1474 = vector.extract %slice3A_1473[0] : f32 from vector<1xf32>
        %get3A_1475 = arith.constant 0 : i32
        %get3A_1476 = arith.constant 0 : i32
        %get3A_1477 = tpu.memref_slice %arg9[%scan3A_1319, %get3A_1475, %get3A_1476] : memref<4x128x64xf32, #tpu.memory_space<vmem>> -> memref<1x128x64xf32, #tpu.memory_space<vmem>>
        %get3A_1478 = tpu.memref_squeeze %get3A_1477 : memref<1x128x64xf32, #tpu.memory_space<vmem>> -> memref<128x64xf32, #tpu.memory_space<vmem>>
        %get3A_1479 = arith.index_cast %add3A_1472 : i32 to index
        %get3A_1480 = arith.constant 0 : index
        %get3A_1481 = tpu.vector_load %get3A_1478[%get3A_1479, %get3A_1480] {strides = array<i32>} : memref<128x64xf32, #tpu.memory_space<vmem>>, vector<16xf32>,
        %mul3A_1482 = vector.broadcast %squeeze3A_1474 : f32 to vector<16xf32>
        %mul3A_1483 = arith.mulf %mul3A_1482, %get3A_1481 : vector<16xf32>
        %add3A_1484 = arith.addf %add3A_1440, %mul3A_1483 : vector<16xf32>
        %get3A_1485 = arith.constant 0 : i32
        %get3A_1486 = arith.constant 0 : i32
        %get3A_1487 = tpu.memref_slice %arg9[%scan3A_1319, %get3A_1485, %get3A_1486] : memref<4x128x64xf32, #tpu.memory_space<vmem>> -> memref<1x128x64xf32, #tpu.memory_space<vmem>>
        %get3A_1488 = tpu.memref_squeeze %get3A_1487 : memref<1x128x64xf32, #tpu.memory_space<vmem>> -> memref<128x64xf32, #tpu.memory_space<vmem>>
        %get3A_1489 = arith.index_cast %add3A_1472 : i32 to index
        %get3A_1490 = arith.constant 16 : index
        %get3A_1491 = tpu.vector_load %get3A_1488[%get3A_1489, %get3A_1490] {strides = array<i32>} : memref<128x64xf32, #tpu.memory_space<vmem>>, vector<16xf32>,
        %mul3A_1492 = vector.broadcast %squeeze3A_1474 : f32 to vector<16xf32>
        %mul3A_1493 = arith.mulf %mul3A_1492, %get3A_1491 : vector<16xf32>
        %add3A_1494 = arith.addf %add3A_1450, %mul3A_1493 : vector<16xf32>
        %get3A_1495 = arith.constant 0 : i32
        %get3A_1496 = arith.constant 0 : i32
        %get3A_1497 = tpu.memref_slice %arg9[%scan3A_1319, %get3A_1495, %get3A_1496] : memref<4x128x64xf32, #tpu.memory_space<vmem>> -> memref<1x128x64xf32, #tpu.memory_space<vmem>>
        %get3A_1498 = tpu.memref_squeeze %get3A_1497 : memref<1x128x64xf32, #tpu.memory_space<vmem>> -> memref<128x64xf32, #tpu.memory_space<vmem>>
        %get3A_1499 = arith.index_cast %add3A_1472 : i32 to index
        %get3A_1500 = arith.constant 32 : index
        %get3A_1501 = tpu.vector_load %get3A_1498[%get3A_1499, %get3A_1500] {strides = array<i32>} : memref<128x64xf32, #tpu.memory_space<vmem>>, vector<16xf32>,
        %mul3A_1502 = vector.broadcast %squeeze3A_1474 : f32 to vector<16xf32>
        %mul3A_1503 = arith.mulf %mul3A_1502, %get3A_1501 : vector<16xf32>
        %add3A_1504 = arith.addf %add3A_1460, %mul3A_1503 : vector<16xf32>
        %get3A_1505 = arith.constant 0 : i32
        %get3A_1506 = arith.constant 0 : i32
        %get3A_1507 = tpu.memref_slice %arg9[%scan3A_1319, %get3A_1505, %get3A_1506] : memref<4x128x64xf32, #tpu.memory_space<vmem>> -> memref<1x128x64xf32, #tpu.memory_space<vmem>>
        %get3A_1508 = tpu.memref_squeeze %get3A_1507 : memref<1x128x64xf32, #tpu.memory_space<vmem>> -> memref<128x64xf32, #tpu.memory_space<vmem>>
        %get3A_1509 = arith.index_cast %add3A_1472 : i32 to index
        %get3A_1510 = arith.constant 48 : index
        %get3A_1511 = tpu.vector_load %get3A_1508[%get3A_1509, %get3A_1510] {strides = array<i32>} : memref<128x64xf32, #tpu.memory_space<vmem>>, vector<16xf32>,
        %mul3A_1512 = vector.broadcast %squeeze3A_1474 : f32 to vector<16xf32>
        %mul3A_1513 = arith.mulf %mul3A_1512, %get3A_1511 : vector<16xf32>
        %add3A_1514 = arith.addf %add3A_1470, %mul3A_1513 : vector<16xf32>
        %add3A_1515 = arith.constant 64 : i32
        %add3A_1516 = arith.addi %add3A_1515, %scan3A_1326 : i32
        %slice3A_1517 = vector.extract_strided_slice %get3A_1340 {offsets = [4], sizes = [1], strides = [1]} : vector<16xf32> to vector<1xf32>
        %squeeze3A_1518 = vector.extract %slice3A_1517[0] : f32 from vector<1xf32>
        %get3A_1519 = arith.constant 0 : i32
        %get3A_1520 = arith.constant 0 : i32
        %get3A_1521 = tpu.memref_slice %arg9[%scan3A_1319, %get3A_1519, %get3A_1520] : memref<4x128x64xf32, #tpu.memory_space<vmem>> -> memref<1x128x64xf32, #tpu.memory_space<vmem>>
        %get3A_1522 = tpu.memref_squeeze %get3A_1521 : memref<1x128x64xf32, #tpu.memory_space<vmem>> -> memref<128x64xf32, #tpu.memory_space<vmem>>
        %get3A_1523 = arith.index_cast %add3A_1516 : i32 to index
        %get3A_1524 = arith.constant 0 : index
        %get3A_1525 = tpu.vector_load %get3A_1522[%get3A_1523, %get3A_1524] {strides = array<i32>} : memref<128x64xf32, #tpu.memory_space<vmem>>, vector<16xf32>,
        %mul3A_1526 = vector.broadcast %squeeze3A_1518 : f32 to vector<16xf32>
        %mul3A_1527 = arith.mulf %mul3A_1526, %get3A_1525 : vector<16xf32>
        %add3A_1528 = arith.addf %add3A_1484, %mul3A_1527 : vector<16xf32>
        %get3A_1529 = arith.constant 0 : i32
        %get3A_1530 = arith.constant 0 : i32
        %get3A_1531 = tpu.memref_slice %arg9[%scan3A_1319, %get3A_1529, %get3A_1530] : memref<4x128x64xf32, #tpu.memory_space<vmem>> -> memref<1x128x64xf32, #tpu.memory_space<vmem>>
        %get3A_1532 = tpu.memref_squeeze %get3A_1531 : memref<1x128x64xf32, #tpu.memory_space<vmem>> -> memref<128x64xf32, #tpu.memory_space<vmem>>
        %get3A_1533 = arith.index_cast %add3A_1516 : i32 to index
        %get3A_1534 = arith.constant 16 : index
        %get3A_1535 = tpu.vector_load %get3A_1532[%get3A_1533, %get3A_1534] {strides = array<i32>} : memref<128x64xf32, #tpu.memory_space<vmem>>, vector<16xf32>,
        %mul3A_1536 = vector.broadcast %squeeze3A_1518 : f32 to vector<16xf32>
        %mul3A_1537 = arith.mulf %mul3A_1536, %get3A_1535 : vector<16xf32>
        %add3A_1538 = arith.addf %add3A_1494, %mul3A_1537 : vector<16xf32>
        %get3A_1539 = arith.constant 0 : i32
        %get3A_1540 = arith.constant 0 : i32
        %get3A_1541 = tpu.memref_slice %arg9[%scan3A_1319, %get3A_1539, %get3A_1540] : memref<4x128x64xf32, #tpu.memory_space<vmem>> -> memref<1x128x64xf32, #tpu.memory_space<vmem>>
        %get3A_1542 = tpu.memref_squeeze %get3A_1541 : memref<1x128x64xf32, #tpu.memory_space<vmem>> -> memref<128x64xf32, #tpu.memory_space<vmem>>
        %get3A_1543 = arith.index_cast %add3A_1516 : i32 to index
        %get3A_1544 = arith.constant 32 : index
        %get3A_1545 = tpu.vector_load %get3A_1542[%get3A_1543, %get3A_1544] {strides = array<i32>} : memref<128x64xf32, #tpu.memory_space<vmem>>, vector<16xf32>,
        %mul3A_1546 = vector.broadcast %squeeze3A_1518 : f32 to vector<16xf32>
        %mul3A_1547 = arith.mulf %mul3A_1546, %get3A_1545 : vector<16xf32>
        %add3A_1548 = arith.addf %add3A_1504, %mul3A_1547 : vector<16xf32>
        %get3A_1549 = arith.constant 0 : i32
        %get3A_1550 = arith.constant 0 : i32
        %get3A_1551 = tpu.memref_slice %arg9[%scan3A_1319, %get3A_1549, %get3A_1550] : memref<4x128x64xf32, #tpu.memory_space<vmem>> -> memref<1x128x64xf32, #tpu.memory_space<vmem>>
        %get3A_1552 = tpu.memref_squeeze %get3A_1551 : memref<1x128x64xf32, #tpu.memory_space<vmem>> -> memref<128x64xf32, #tpu.memory_space<vmem>>
        %get3A_1553 = arith.index_cast %add3A_1516 : i32 to index
        %get3A_1554 = arith.constant 48 : index
        %get3A_1555 = tpu.vector_load %get3A_1552[%get3A_1553, %get3A_1554] {strides = array<i32>} : memref<128x64xf32, #tpu.memory_space<vmem>>, vector<16xf32>,
        %mul3A_1556 = vector.broadcast %squeeze3A_1518 : f32 to vector<16xf32>
        %mul3A_1557 = arith.mulf %mul3A_1556, %get3A_1555 : vector<16xf32>
        %add3A_1558 = arith.addf %add3A_1514, %mul3A_1557 : vector<16xf32>
        %add3A_1559 = arith.constant 80 : i32
        %add3A_1560 = arith.addi %add3A_1559, %scan3A_1326 : i32
        %slice3A_1561 = vector.extract_strided_slice %get3A_1340 {offsets = [5], sizes = [1], strides = [1]} : vector<16xf32> to vector<1xf32>
        %squeeze3A_1562 = vector.extract %slice3A_1561[0] : f32 from vector<1xf32>
        %get3A_1563 = arith.constant 0 : i32
        %get3A_1564 = arith.constant 0 : i32
        %get3A_1565 = tpu.memref_slice %arg9[%scan3A_1319, %get3A_1563, %get3A_1564] : memref<4x128x64xf32, #tpu.memory_space<vmem>> -> memref<1x128x64xf32, #tpu.memory_space<vmem>>
        %get3A_1566 = tpu.memref_squeeze %get3A_1565 : memref<1x128x64xf32, #tpu.memory_space<vmem>> -> memref<128x64xf32, #tpu.memory_space<vmem>>
        %get3A_1567 = arith.index_cast %add3A_1560 : i32 to index
        %get3A_1568 = arith.constant 0 : index
        %get3A_1569 = tpu.vector_load %get3A_1566[%get3A_1567, %get3A_1568] {strides = array<i32>} : memref<128x64xf32, #tpu.memory_space<vmem>>, vector<16xf32>,
        %mul3A_1570 = vector.broadcast %squeeze3A_1562 : f32 to vector<16xf32>
        %mul3A_1571 = arith.mulf %mul3A_1570, %get3A_1569 : vector<16xf32>
        %add3A_1572 = arith.addf %add3A_1528, %mul3A_1571 : vector<16xf32>
        %get3A_1573 = arith.constant 0 : i32
        %get3A_1574 = arith.constant 0 : i32
        %get3A_1575 = tpu.memref_slice %arg9[%scan3A_1319, %get3A_1573, %get3A_1574] : memref<4x128x64xf32, #tpu.memory_space<vmem>> -> memref<1x128x64xf32, #tpu.memory_space<vmem>>
        %get3A_1576 = tpu.memref_squeeze %get3A_1575 : memref<1x128x64xf32, #tpu.memory_space<vmem>> -> memref<128x64xf32, #tpu.memory_space<vmem>>
        %get3A_1577 = arith.index_cast %add3A_1560 : i32 to index
        %get3A_1578 = arith.constant 16 : index
        %get3A_1579 = tpu.vector_load %get3A_1576[%get3A_1577, %get3A_1578] {strides = array<i32>} : memref<128x64xf32, #tpu.memory_space<vmem>>, vector<16xf32>,
        %mul3A_1580 = vector.broadcast %squeeze3A_1562 : f32 to vector<16xf32>
        %mul3A_1581 = arith.mulf %mul3A_1580, %get3A_1579 : vector<16xf32>
        %add3A_1582 = arith.addf %add3A_1538, %mul3A_1581 : vector<16xf32>
        %get3A_1583 = arith.constant 0 : i32
        %get3A_1584 = arith.constant 0 : i32
        %get3A_1585 = tpu.memref_slice %arg9[%scan3A_1319, %get3A_1583, %get3A_1584] : memref<4x128x64xf32, #tpu.memory_space<vmem>> -> memref<1x128x64xf32, #tpu.memory_space<vmem>>
        %get3A_1586 = tpu.memref_squeeze %get3A_1585 : memref<1x128x64xf32, #tpu.memory_space<vmem>> -> memref<128x64xf32, #tpu.memory_space<vmem>>
        %get3A_1587 = arith.index_cast %add3A_1560 : i32 to index
        %get3A_1588 = arith.constant 32 : index
        %get3A_1589 = tpu.vector_load %get3A_1586[%get3A_1587, %get3A_1588] {strides = array<i32>} : memref<128x64xf32, #tpu.memory_space<vmem>>, vector<16xf32>,
        %mul3A_1590 = vector.broadcast %squeeze3A_1562 : f32 to vector<16xf32>
        %mul3A_1591 = arith.mulf %mul3A_1590, %get3A_1589 : vector<16xf32>
        %add3A_1592 = arith.addf %add3A_1548, %mul3A_1591 : vector<16xf32>
        %get3A_1593 = arith.constant 0 : i32
        %get3A_1594 = arith.constant 0 : i32
        %get3A_1595 = tpu.memref_slice %arg9[%scan3A_1319, %get3A_1593, %get3A_1594] : memref<4x128x64xf32, #tpu.memory_space<vmem>> -> memref<1x128x64xf32, #tpu.memory_space<vmem>>
        %get3A_1596 = tpu.memref_squeeze %get3A_1595 : memref<1x128x64xf32, #tpu.memory_space<vmem>> -> memref<128x64xf32, #tpu.memory_space<vmem>>
        %get3A_1597 = arith.index_cast %add3A_1560 : i32 to index
        %get3A_1598 = arith.constant 48 : index
        %get3A_1599 = tpu.vector_load %get3A_1596[%get3A_1597, %get3A_1598] {strides = array<i32>} : memref<128x64xf32, #tpu.memory_space<vmem>>, vector<16xf32>,
        %mul3A_1600 = vector.broadcast %squeeze3A_1562 : f32 to vector<16xf32>
        %mul3A_1601 = arith.mulf %mul3A_1600, %get3A_1599 : vector<16xf32>
        %add3A_1602 = arith.addf %add3A_1558, %mul3A_1601 : vector<16xf32>
        %add3A_1603 = arith.constant 96 : i32
        %add3A_1604 = arith.addi %add3A_1603, %scan3A_1326 : i32
        %slice3A_1605 = vector.extract_strided_slice %get3A_1340 {offsets = [6], sizes = [1], strides = [1]} : vector<16xf32> to vector<1xf32>
        %squeeze3A_1606 = vector.extract %slice3A_1605[0] : f32 from vector<1xf32>
        %get3A_1607 = arith.constant 0 : i32
        %get3A_1608 = arith.constant 0 : i32
        %get3A_1609 = tpu.memref_slice %arg9[%scan3A_1319, %get3A_1607, %get3A_1608] : memref<4x128x64xf32, #tpu.memory_space<vmem>> -> memref<1x128x64xf32, #tpu.memory_space<vmem>>
        %get3A_1610 = tpu.memref_squeeze %get3A_1609 : memref<1x128x64xf32, #tpu.memory_space<vmem>> -> memref<128x64xf32, #tpu.memory_space<vmem>>
        %get3A_1611 = arith.index_cast %add3A_1604 : i32 to index
        %get3A_1612 = arith.constant 0 : index
        %get3A_1613 = tpu.vector_load %get3A_1610[%get3A_1611, %get3A_1612] {strides = array<i32>} : memref<128x64xf32, #tpu.memory_space<vmem>>, vector<16xf32>,
        %mul3A_1614 = vector.broadcast %squeeze3A_1606 : f32 to vector<16xf32>
        %mul3A_1615 = arith.mulf %mul3A_1614, %get3A_1613 : vector<16xf32>
        %add3A_1616 = arith.addf %add3A_1572, %mul3A_1615 : vector<16xf32>
        %get3A_1617 = arith.constant 0 : i32
        %get3A_1618 = arith.constant 0 : i32
        %get3A_1619 = tpu.memref_slice %arg9[%scan3A_1319, %get3A_1617, %get3A_1618] : memref<4x128x64xf32, #tpu.memory_space<vmem>> -> memref<1x128x64xf32, #tpu.memory_space<vmem>>
        %get3A_1620 = tpu.memref_squeeze %get3A_1619 : memref<1x128x64xf32, #tpu.memory_space<vmem>> -> memref<128x64xf32, #tpu.memory_space<vmem>>
        %get3A_1621 = arith.index_cast %add3A_1604 : i32 to index
        %get3A_1622 = arith.constant 16 : index
        %get3A_1623 = tpu.vector_load %get3A_1620[%get3A_1621, %get3A_1622] {strides = array<i32>} : memref<128x64xf32, #tpu.memory_space<vmem>>, vector<16xf32>,
        %mul3A_1624 = vector.broadcast %squeeze3A_1606 : f32 to vector<16xf32>
        %mul3A_1625 = arith.mulf %mul3A_1624, %get3A_1623 : vector<16xf32>
        %add3A_1626 = arith.addf %add3A_1582, %mul3A_1625 : vector<16xf32>
        %get3A_1627 = arith.constant 0 : i32
        %get3A_1628 = arith.constant 0 : i32
        %get3A_1629 = tpu.memref_slice %arg9[%scan3A_1319, %get3A_1627, %get3A_1628] : memref<4x128x64xf32, #tpu.memory_space<vmem>> -> memref<1x128x64xf32, #tpu.memory_space<vmem>>
        %get3A_1630 = tpu.memref_squeeze %get3A_1629 : memref<1x128x64xf32, #tpu.memory_space<vmem>> -> memref<128x64xf32, #tpu.memory_space<vmem>>
        %get3A_1631 = arith.index_cast %add3A_1604 : i32 to index
        %get3A_1632 = arith.constant 32 : index
        %get3A_1633 = tpu.vector_load %get3A_1630[%get3A_1631, %get3A_1632] {strides = array<i32>} : memref<128x64xf32, #tpu.memory_space<vmem>>, vector<16xf32>,
        %mul3A_1634 = vector.broadcast %squeeze3A_1606 : f32 to vector<16xf32>
        %mul3A_1635 = arith.mulf %mul3A_1634, %get3A_1633 : vector<16xf32>
        %add3A_1636 = arith.addf %add3A_1592, %mul3A_1635 : vector<16xf32>
        %get3A_1637 = arith.constant 0 : i32
        %get3A_1638 = arith.constant 0 : i32
        %get3A_1639 = tpu.memref_slice %arg9[%scan3A_1319, %get3A_1637, %get3A_1638] : memref<4x128x64xf32, #tpu.memory_space<vmem>> -> memref<1x128x64xf32, #tpu.memory_space<vmem>>
        %get3A_1640 = tpu.memref_squeeze %get3A_1639 : memref<1x128x64xf32, #tpu.memory_space<vmem>> -> memref<128x64xf32, #tpu.memory_space<vmem>>
        %get3A_1641 = arith.index_cast %add3A_1604 : i32 to index
        %get3A_1642 = arith.constant 48 : index
        %get3A_1643 = tpu.vector_load %get3A_1640[%get3A_1641, %get3A_1642] {strides = array<i32>} : memref<128x64xf32, #tpu.memory_space<vmem>>, vector<16xf32>,
        %mul3A_1644 = vector.broadcast %squeeze3A_1606 : f32 to vector<16xf32>
        %mul3A_1645 = arith.mulf %mul3A_1644, %get3A_1643 : vector<16xf32>
        %add3A_1646 = arith.addf %add3A_1602, %mul3A_1645 : vector<16xf32>
        %add3A_1647 = arith.constant 112 : i32
        %add3A_1648 = arith.addi %add3A_1647, %scan3A_1326 : i32
        %slice3A_1649 = vector.extract_strided_slice %get3A_1340 {offsets = [7], sizes = [1], strides = [1]} : vector<16xf32> to vector<1xf32>
        %squeeze3A_1650 = vector.extract %slice3A_1649[0] : f32 from vector<1xf32>
        %get3A_1651 = arith.constant 0 : i32
        %get3A_1652 = arith.constant 0 : i32
        %get3A_1653 = tpu.memref_slice %arg9[%scan3A_1319, %get3A_1651, %get3A_1652] : memref<4x128x64xf32, #tpu.memory_space<vmem>> -> memref<1x128x64xf32, #tpu.memory_space<vmem>>
        %get3A_1654 = tpu.memref_squeeze %get3A_1653 : memref<1x128x64xf32, #tpu.memory_space<vmem>> -> memref<128x64xf32, #tpu.memory_space<vmem>>
        %get3A_1655 = arith.index_cast %add3A_1648 : i32 to index
        %get3A_1656 = arith.constant 0 : index
        %get3A_1657 = tpu.vector_load %get3A_1654[%get3A_1655, %get3A_1656] {strides = array<i32>} : memref<128x64xf32, #tpu.memory_space<vmem>>, vector<16xf32>,
        %mul3A_1658 = vector.broadcast %squeeze3A_1650 : f32 to vector<16xf32>
        %mul3A_1659 = arith.mulf %mul3A_1658, %get3A_1657 : vector<16xf32>
        %add3A_1660 = arith.addf %add3A_1616, %mul3A_1659 : vector<16xf32>
        %get3A_1661 = arith.constant 0 : i32
        %get3A_1662 = arith.constant 0 : i32
        %get3A_1663 = tpu.memref_slice %arg9[%scan3A_1319, %get3A_1661, %get3A_1662] : memref<4x128x64xf32, #tpu.memory_space<vmem>> -> memref<1x128x64xf32, #tpu.memory_space<vmem>>
        %get3A_1664 = tpu.memref_squeeze %get3A_1663 : memref<1x128x64xf32, #tpu.memory_space<vmem>> -> memref<128x64xf32, #tpu.memory_space<vmem>>
        %get3A_1665 = arith.index_cast %add3A_1648 : i32 to index
        %get3A_1666 = arith.constant 16 : index
        %get3A_1667 = tpu.vector_load %get3A_1664[%get3A_1665, %get3A_1666] {strides = array<i32>} : memref<128x64xf32, #tpu.memory_space<vmem>>, vector<16xf32>,
        %mul3A_1668 = vector.broadcast %squeeze3A_1650 : f32 to vector<16xf32>
        %mul3A_1669 = arith.mulf %mul3A_1668, %get3A_1667 : vector<16xf32>
        %add3A_1670 = arith.addf %add3A_1626, %mul3A_1669 : vector<16xf32>
        %get3A_1671 = arith.constant 0 : i32
        %get3A_1672 = arith.constant 0 : i32
        %get3A_1673 = tpu.memref_slice %arg9[%scan3A_1319, %get3A_1671, %get3A_1672] : memref<4x128x64xf32, #tpu.memory_space<vmem>> -> memref<1x128x64xf32, #tpu.memory_space<vmem>>
        %get3A_1674 = tpu.memref_squeeze %get3A_1673 : memref<1x128x64xf32, #tpu.memory_space<vmem>> -> memref<128x64xf32, #tpu.memory_space<vmem>>
        %get3A_1675 = arith.index_cast %add3A_1648 : i32 to index
        %get3A_1676 = arith.constant 32 : index
        %get3A_1677 = tpu.vector_load %get3A_1674[%get3A_1675, %get3A_1676] {strides = array<i32>} : memref<128x64xf32, #tpu.memory_space<vmem>>, vector<16xf32>,
        %mul3A_1678 = vector.broadcast %squeeze3A_1650 : f32 to vector<16xf32>
        %mul3A_1679 = arith.mulf %mul3A_1678, %get3A_1677 : vector<16xf32>
        %add3A_1680 = arith.addf %add3A_1636, %mul3A_1679 : vector<16xf32>
        %get3A_1681 = arith.constant 0 : i32
        %get3A_1682 = arith.constant 0 : i32
        %get3A_1683 = tpu.memref_slice %arg9[%scan3A_1319, %get3A_1681, %get3A_1682] : memref<4x128x64xf32, #tpu.memory_space<vmem>> -> memref<1x128x64xf32, #tpu.memory_space<vmem>>
        %get3A_1684 = tpu.memref_squeeze %get3A_1683 : memref<1x128x64xf32, #tpu.memory_space<vmem>> -> memref<128x64xf32, #tpu.memory_space<vmem>>
        %get3A_1685 = arith.index_cast %add3A_1648 : i32 to index
        %get3A_1686 = arith.constant 48 : index
        %get3A_1687 = tpu.vector_load %get3A_1684[%get3A_1685, %get3A_1686] {strides = array<i32>} : memref<128x64xf32, #tpu.memory_space<vmem>>, vector<16xf32>,
        %mul3A_1688 = vector.broadcast %squeeze3A_1650 : f32 to vector<16xf32>
        %mul3A_1689 = arith.mulf %mul3A_1688, %get3A_1687 : vector<16xf32>
        %add3A_1690 = arith.addf %add3A_1646, %mul3A_1689 : vector<16xf32>
        %add3A_1691 = arith.constant 0 : i32
        %add3A_1692 = arith.addi %add3A_1691, %scan3A_1326 : i32
        %slice3A_1693 = vector.extract_strided_slice %get3A_1340 {offsets = [8], sizes = [1], strides = [1]} : vector<16xf32> to vector<1xf32>
        %squeeze3A_1694 = vector.extract %slice3A_1693[0] : f32 from vector<1xf32>
        %get3A_1695 = arith.constant 0 : i32
        %get3A_1696 = arith.constant 0 : i32
        %get3A_1697 = tpu.memref_slice %arg9[%scan3A_1320, %get3A_1695, %get3A_1696] : memref<4x128x64xf32, #tpu.memory_space<vmem>> -> memref<1x128x64xf32, #tpu.memory_space<vmem>>
        %get3A_1698 = tpu.memref_squeeze %get3A_1697 : memref<1x128x64xf32, #tpu.memory_space<vmem>> -> memref<128x64xf32, #tpu.memory_space<vmem>>
        %get3A_1699 = arith.index_cast %add3A_1692 : i32 to index
        %get3A_1700 = arith.constant 0 : index
        %get3A_1701 = tpu.vector_load %get3A_1698[%get3A_1699, %get3A_1700] {strides = array<i32>} : memref<128x64xf32, #tpu.memory_space<vmem>>, vector<16xf32>,
        %mul3A_1702 = vector.broadcast %squeeze3A_1694 : f32 to vector<16xf32>
        %mul3A_1703 = arith.mulf %mul3A_1702, %get3A_1701 : vector<16xf32>
        %add3A_1704 = arith.addf %add3A_1660, %mul3A_1703 : vector<16xf32>
        %get3A_1705 = arith.constant 0 : i32
        %get3A_1706 = arith.constant 0 : i32
        %get3A_1707 = tpu.memref_slice %arg9[%scan3A_1320, %get3A_1705, %get3A_1706] : memref<4x128x64xf32, #tpu.memory_space<vmem>> -> memref<1x128x64xf32, #tpu.memory_space<vmem>>
        %get3A_1708 = tpu.memref_squeeze %get3A_1707 : memref<1x128x64xf32, #tpu.memory_space<vmem>> -> memref<128x64xf32, #tpu.memory_space<vmem>>
        %get3A_1709 = arith.index_cast %add3A_1692 : i32 to index
        %get3A_1710 = arith.constant 16 : index
        %get3A_1711 = tpu.vector_load %get3A_1708[%get3A_1709, %get3A_1710] {strides = array<i32>} : memref<128x64xf32, #tpu.memory_space<vmem>>, vector<16xf32>,
        %mul3A_1712 = vector.broadcast %squeeze3A_1694 : f32 to vector<16xf32>
        %mul3A_1713 = arith.mulf %mul3A_1712, %get3A_1711 : vector<16xf32>
        %add3A_1714 = arith.addf %add3A_1670, %mul3A_1713 : vector<16xf32>
        %get3A_1715 = arith.constant 0 : i32
        %get3A_1716 = arith.constant 0 : i32
        %get3A_1717 = tpu.memref_slice %arg9[%scan3A_1320, %get3A_1715, %get3A_1716] : memref<4x128x64xf32, #tpu.memory_space<vmem>> -> memref<1x128x64xf32, #tpu.memory_space<vmem>>
        %get3A_1718 = tpu.memref_squeeze %get3A_1717 : memref<1x128x64xf32, #tpu.memory_space<vmem>> -> memref<128x64xf32, #tpu.memory_space<vmem>>
        %get3A_1719 = arith.index_cast %add3A_1692 : i32 to index
        %get3A_1720 = arith.constant 32 : index
        %get3A_1721 = tpu.vector_load %get3A_1718[%get3A_1719, %get3A_1720] {strides = array<i32>} : memref<128x64xf32, #tpu.memory_space<vmem>>, vector<16xf32>,
        %mul3A_1722 = vector.broadcast %squeeze3A_1694 : f32 to vector<16xf32>
        %mul3A_1723 = arith.mulf %mul3A_1722, %get3A_1721 : vector<16xf32>
        %add3A_1724 = arith.addf %add3A_1680, %mul3A_1723 : vector<16xf32>
        %get3A_1725 = arith.constant 0 : i32
        %get3A_1726 = arith.constant 0 : i32
        %get3A_1727 = tpu.memref_slice %arg9[%scan3A_1320, %get3A_1725, %get3A_1726] : memref<4x128x64xf32, #tpu.memory_space<vmem>> -> memref<1x128x64xf32, #tpu.memory_space<vmem>>
        %get3A_1728 = tpu.memref_squeeze %get3A_1727 : memref<1x128x64xf32, #tpu.memory_space<vmem>> -> memref<128x64xf32, #tpu.memory_space<vmem>>
        %get3A_1729 = arith.index_cast %add3A_1692 : i32 to index
        %get3A_1730 = arith.constant 48 : index
        %get3A_1731 = tpu.vector_load %get3A_1728[%get3A_1729, %get3A_1730] {strides = array<i32>} : memref<128x64xf32, #tpu.memory_space<vmem>>, vector<16xf32>,
        %mul3A_1732 = vector.broadcast %squeeze3A_1694 : f32 to vector<16xf32>
        %mul3A_1733 = arith.mulf %mul3A_1732, %get3A_1731 : vector<16xf32>
        %add3A_1734 = arith.addf %add3A_1690, %mul3A_1733 : vector<16xf32>
        %add3A_1735 = arith.constant 16 : i32
        %add3A_1736 = arith.addi %add3A_1735, %scan3A_1326 : i32
        %slice3A_1737 = vector.extract_strided_slice %get3A_1340 {offsets = [9], sizes = [1], strides = [1]} : vector<16xf32> to vector<1xf32>
        %squeeze3A_1738 = vector.extract %slice3A_1737[0] : f32 from vector<1xf32>
        %get3A_1739 = arith.constant 0 : i32
        %get3A_1740 = arith.constant 0 : i32
        %get3A_1741 = tpu.memref_slice %arg9[%scan3A_1320, %get3A_1739, %get3A_1740] : memref<4x128x64xf32, #tpu.memory_space<vmem>> -> memref<1x128x64xf32, #tpu.memory_space<vmem>>
        %get3A_1742 = tpu.memref_squeeze %get3A_1741 : memref<1x128x64xf32, #tpu.memory_space<vmem>> -> memref<128x64xf32, #tpu.memory_space<vmem>>
        %get3A_1743 = arith.index_cast %add3A_1736 : i32 to index
        %get3A_1744 = arith.constant 0 : index
        %get3A_1745 = tpu.vector_load %get3A_1742[%get3A_1743, %get3A_1744] {strides = array<i32>} : memref<128x64xf32, #tpu.memory_space<vmem>>, vector<16xf32>,
        %mul3A_1746 = vector.broadcast %squeeze3A_1738 : f32 to vector<16xf32>
        %mul3A_1747 = arith.mulf %mul3A_1746, %get3A_1745 : vector<16xf32>
        %add3A_1748 = arith.addf %add3A_1704, %mul3A_1747 : vector<16xf32>
        %get3A_1749 = arith.constant 0 : i32
        %get3A_1750 = arith.constant 0 : i32
        %get3A_1751 = tpu.memref_slice %arg9[%scan3A_1320, %get3A_1749, %get3A_1750] : memref<4x128x64xf32, #tpu.memory_space<vmem>> -> memref<1x128x64xf32, #tpu.memory_space<vmem>>
        %get3A_1752 = tpu.memref_squeeze %get3A_1751 : memref<1x128x64xf32, #tpu.memory_space<vmem>> -> memref<128x64xf32, #tpu.memory_space<vmem>>
        %get3A_1753 = arith.index_cast %add3A_1736 : i32 to index
        %get3A_1754 = arith.constant 16 : index
        %get3A_1755 = tpu.vector_load %get3A_1752[%get3A_1753, %get3A_1754] {strides = array<i32>} : memref<128x64xf32, #tpu.memory_space<vmem>>, vector<16xf32>,
        %mul3A_1756 = vector.broadcast %squeeze3A_1738 : f32 to vector<16xf32>
        %mul3A_1757 = arith.mulf %mul3A_1756, %get3A_1755 : vector<16xf32>
        %add3A_1758 = arith.addf %add3A_1714, %mul3A_1757 : vector<16xf32>
        %get3A_1759 = arith.constant 0 : i32
        %get3A_1760 = arith.constant 0 : i32
        %get3A_1761 = tpu.memref_slice %arg9[%scan3A_1320, %get3A_1759, %get3A_1760] : memref<4x128x64xf32, #tpu.memory_space<vmem>> -> memref<1x128x64xf32, #tpu.memory_space<vmem>>
        %get3A_1762 = tpu.memref_squeeze %get3A_1761 : memref<1x128x64xf32, #tpu.memory_space<vmem>> -> memref<128x64xf32, #tpu.memory_space<vmem>>
        %get3A_1763 = arith.index_cast %add3A_1736 : i32 to index
        %get3A_1764 = arith.constant 32 : index
        %get3A_1765 = tpu.vector_load %get3A_1762[%get3A_1763, %get3A_1764] {strides = array<i32>} : memref<128x64xf32, #tpu.memory_space<vmem>>, vector<16xf32>,
        %mul3A_1766 = vector.broadcast %squeeze3A_1738 : f32 to vector<16xf32>
        %mul3A_1767 = arith.mulf %mul3A_1766, %get3A_1765 : vector<16xf32>
        %add3A_1768 = arith.addf %add3A_1724, %mul3A_1767 : vector<16xf32>
        %get3A_1769 = arith.constant 0 : i32
        %get3A_1770 = arith.constant 0 : i32
        %get3A_1771 = tpu.memref_slice %arg9[%scan3A_1320, %get3A_1769, %get3A_1770] : memref<4x128x64xf32, #tpu.memory_space<vmem>> -> memref<1x128x64xf32, #tpu.memory_space<vmem>>
        %get3A_1772 = tpu.memref_squeeze %get3A_1771 : memref<1x128x64xf32, #tpu.memory_space<vmem>> -> memref<128x64xf32, #tpu.memory_space<vmem>>
        %get3A_1773 = arith.index_cast %add3A_1736 : i32 to index
        %get3A_1774 = arith.constant 48 : index
        %get3A_1775 = tpu.vector_load %get3A_1772[%get3A_1773, %get3A_1774] {strides = array<i32>} : memref<128x64xf32, #tpu.memory_space<vmem>>, vector<16xf32>,
        %mul3A_1776 = vector.broadcast %squeeze3A_1738 : f32 to vector<16xf32>
        %mul3A_1777 = arith.mulf %mul3A_1776, %get3A_1775 : vector<16xf32>
        %add3A_1778 = arith.addf %add3A_1734, %mul3A_1777 : vector<16xf32>
        %add3A_1779 = arith.constant 32 : i32
        %add3A_1780 = arith.addi %add3A_1779, %scan3A_1326 : i32
        %slice3A_1781 = vector.extract_strided_slice %get3A_1340 {offsets = [10], sizes = [1], strides = [1]} : vector<16xf32> to vector<1xf32>
        %squeeze3A_1782 = vector.extract %slice3A_1781[0] : f32 from vector<1xf32>
        %get3A_1783 = arith.constant 0 : i32
        %get3A_1784 = arith.constant 0 : i32
        %get3A_1785 = tpu.memref_slice %arg9[%scan3A_1320, %get3A_1783, %get3A_1784] : memref<4x128x64xf32, #tpu.memory_space<vmem>> -> memref<1x128x64xf32, #tpu.memory_space<vmem>>
        %get3A_1786 = tpu.memref_squeeze %get3A_1785 : memref<1x128x64xf32, #tpu.memory_space<vmem>> -> memref<128x64xf32, #tpu.memory_space<vmem>>
        %get3A_1787 = arith.index_cast %add3A_1780 : i32 to index
        %get3A_1788 = arith.constant 0 : index
        %get3A_1789 = tpu.vector_load %get3A_1786[%get3A_1787, %get3A_1788] {strides = array<i32>} : memref<128x64xf32, #tpu.memory_space<vmem>>, vector<16xf32>,
        %mul3A_1790 = vector.broadcast %squeeze3A_1782 : f32 to vector<16xf32>
        %mul3A_1791 = arith.mulf %mul3A_1790, %get3A_1789 : vector<16xf32>
        %add3A_1792 = arith.addf %add3A_1748, %mul3A_1791 : vector<16xf32>
        %get3A_1793 = arith.constant 0 : i32
        %get3A_1794 = arith.constant 0 : i32
        %get3A_1795 = tpu.memref_slice %arg9[%scan3A_1320, %get3A_1793, %get3A_1794] : memref<4x128x64xf32, #tpu.memory_space<vmem>> -> memref<1x128x64xf32, #tpu.memory_space<vmem>>
        %get3A_1796 = tpu.memref_squeeze %get3A_1795 : memref<1x128x64xf32, #tpu.memory_space<vmem>> -> memref<128x64xf32, #tpu.memory_space<vmem>>
        %get3A_1797 = arith.index_cast %add3A_1780 : i32 to index
        %get3A_1798 = arith.constant 16 : index
        %get3A_1799 = tpu.vector_load %get3A_1796[%get3A_1797, %get3A_1798] {strides = array<i32>} : memref<128x64xf32, #tpu.memory_space<vmem>>, vector<16xf32>,
        %mul3A_1800 = vector.broadcast %squeeze3A_1782 : f32 to vector<16xf32>
        %mul3A_1801 = arith.mulf %mul3A_1800, %get3A_1799 : vector<16xf32>
        %add3A_1802 = arith.addf %add3A_1758, %mul3A_1801 : vector<16xf32>
        %get3A_1803 = arith.constant 0 : i32
        %get3A_1804 = arith.constant 0 : i32
        %get3A_1805 = tpu.memref_slice %arg9[%scan3A_1320, %get3A_1803, %get3A_1804] : memref<4x128x64xf32, #tpu.memory_space<vmem>> -> memref<1x128x64xf32, #tpu.memory_space<vmem>>
        %get3A_1806 = tpu.memref_squeeze %get3A_1805 : memref<1x128x64xf32, #tpu.memory_space<vmem>> -> memref<128x64xf32, #tpu.memory_space<vmem>>
        %get3A_1807 = arith.index_cast %add3A_1780 : i32 to index
        %get3A_1808 = arith.constant 32 : index
        %get3A_1809 = tpu.vector_load %get3A_1806[%get3A_1807, %get3A_1808] {strides = array<i32>} : memref<128x64xf32, #tpu.memory_space<vmem>>, vector<16xf32>,
        %mul3A_1810 = vector.broadcast %squeeze3A_1782 : f32 to vector<16xf32>
        %mul3A_1811 = arith.mulf %mul3A_1810, %get3A_1809 : vector<16xf32>
        %add3A_1812 = arith.addf %add3A_1768, %mul3A_1811 : vector<16xf32>
        %get3A_1813 = arith.constant 0 : i32
        %get3A_1814 = arith.constant 0 : i32
        %get3A_1815 = tpu.memref_slice %arg9[%scan3A_1320, %get3A_1813, %get3A_1814] : memref<4x128x64xf32, #tpu.memory_space<vmem>> -> memref<1x128x64xf32, #tpu.memory_space<vmem>>
        %get3A_1816 = tpu.memref_squeeze %get3A_1815 : memref<1x128x64xf32, #tpu.memory_space<vmem>> -> memref<128x64xf32, #tpu.memory_space<vmem>>
        %get3A_1817 = arith.index_cast %add3A_1780 : i32 to index
        %get3A_1818 = arith.constant 48 : index
        %get3A_1819 = tpu.vector_load %get3A_1816[%get3A_1817, %get3A_1818] {strides = array<i32>} : memref<128x64xf32, #tpu.memory_space<vmem>>, vector<16xf32>,
        %mul3A_1820 = vector.broadcast %squeeze3A_1782 : f32 to vector<16xf32>
        %mul3A_1821 = arith.mulf %mul3A_1820, %get3A_1819 : vector<16xf32>
        %add3A_1822 = arith.addf %add3A_1778, %mul3A_1821 : vector<16xf32>
        %add3A_1823 = arith.constant 48 : i32
        %add3A_1824 = arith.addi %add3A_1823, %scan3A_1326 : i32
        %slice3A_1825 = vector.extract_strided_slice %get3A_1340 {offsets = [11], sizes = [1], strides = [1]} : vector<16xf32> to vector<1xf32>
        %squeeze3A_1826 = vector.extract %slice3A_1825[0] : f32 from vector<1xf32>
        %get3A_1827 = arith.constant 0 : i32
        %get3A_1828 = arith.constant 0 : i32
        %get3A_1829 = tpu.memref_slice %arg9[%scan3A_1320, %get3A_1827, %get3A_1828] : memref<4x128x64xf32, #tpu.memory_space<vmem>> -> memref<1x128x64xf32, #tpu.memory_space<vmem>>
        %get3A_1830 = tpu.memref_squeeze %get3A_1829 : memref<1x128x64xf32, #tpu.memory_space<vmem>> -> memref<128x64xf32, #tpu.memory_space<vmem>>
        %get3A_1831 = arith.index_cast %add3A_1824 : i32 to index
        %get3A_1832 = arith.constant 0 : index
        %get3A_1833 = tpu.vector_load %get3A_1830[%get3A_1831, %get3A_1832] {strides = array<i32>} : memref<128x64xf32, #tpu.memory_space<vmem>>, vector<16xf32>,
        %mul3A_1834 = vector.broadcast %squeeze3A_1826 : f32 to vector<16xf32>
        %mul3A_1835 = arith.mulf %mul3A_1834, %get3A_1833 : vector<16xf32>
        %add3A_1836 = arith.addf %add3A_1792, %mul3A_1835 : vector<16xf32>
        %get3A_1837 = arith.constant 0 : i32
        %get3A_1838 = arith.constant 0 : i32
        %get3A_1839 = tpu.memref_slice %arg9[%scan3A_1320, %get3A_1837, %get3A_1838] : memref<4x128x64xf32, #tpu.memory_space<vmem>> -> memref<1x128x64xf32, #tpu.memory_space<vmem>>
        %get3A_1840 = tpu.memref_squeeze %get3A_1839 : memref<1x128x64xf32, #tpu.memory_space<vmem>> -> memref<128x64xf32, #tpu.memory_space<vmem>>
        %get3A_1841 = arith.index_cast %add3A_1824 : i32 to index
        %get3A_1842 = arith.constant 16 : index
        %get3A_1843 = tpu.vector_load %get3A_1840[%get3A_1841, %get3A_1842] {strides = array<i32>} : memref<128x64xf32, #tpu.memory_space<vmem>>, vector<16xf32>,
        %mul3A_1844 = vector.broadcast %squeeze3A_1826 : f32 to vector<16xf32>
        %mul3A_1845 = arith.mulf %mul3A_1844, %get3A_1843 : vector<16xf32>
        %add3A_1846 = arith.addf %add3A_1802, %mul3A_1845 : vector<16xf32>
        %get3A_1847 = arith.constant 0 : i32
        %get3A_1848 = arith.constant 0 : i32
        %get3A_1849 = tpu.memref_slice %arg9[%scan3A_1320, %get3A_1847, %get3A_1848] : memref<4x128x64xf32, #tpu.memory_space<vmem>> -> memref<1x128x64xf32, #tpu.memory_space<vmem>>
        %get3A_1850 = tpu.memref_squeeze %get3A_1849 : memref<1x128x64xf32, #tpu.memory_space<vmem>> -> memref<128x64xf32, #tpu.memory_space<vmem>>
        %get3A_1851 = arith.index_cast %add3A_1824 : i32 to index
        %get3A_1852 = arith.constant 32 : index
        %get3A_1853 = tpu.vector_load %get3A_1850[%get3A_1851, %get3A_1852] {strides = array<i32>} : memref<128x64xf32, #tpu.memory_space<vmem>>, vector<16xf32>,
        %mul3A_1854 = vector.broadcast %squeeze3A_1826 : f32 to vector<16xf32>
        %mul3A_1855 = arith.mulf %mul3A_1854, %get3A_1853 : vector<16xf32>
        %add3A_1856 = arith.addf %add3A_1812, %mul3A_1855 : vector<16xf32>
        %get3A_1857 = arith.constant 0 : i32
        %get3A_1858 = arith.constant 0 : i32
        %get3A_1859 = tpu.memref_slice %arg9[%scan3A_1320, %get3A_1857, %get3A_1858] : memref<4x128x64xf32, #tpu.memory_space<vmem>> -> memref<1x128x64xf32, #tpu.memory_space<vmem>>
        %get3A_1860 = tpu.memref_squeeze %get3A_1859 : memref<1x128x64xf32, #tpu.memory_space<vmem>> -> memref<128x64xf32, #tpu.memory_space<vmem>>
        %get3A_1861 = arith.index_cast %add3A_1824 : i32 to index
        %get3A_1862 = arith.constant 48 : index
        %get3A_1863 = tpu.vector_load %get3A_1860[%get3A_1861, %get3A_1862] {strides = array<i32>} : memref<128x64xf32, #tpu.memory_space<vmem>>, vector<16xf32>,
        %mul3A_1864 = vector.broadcast %squeeze3A_1826 : f32 to vector<16xf32>
        %mul3A_1865 = arith.mulf %mul3A_1864, %get3A_1863 : vector<16xf32>
        %add3A_1866 = arith.addf %add3A_1822, %mul3A_1865 : vector<16xf32>
        %add3A_1867 = arith.constant 64 : i32
        %add3A_1868 = arith.addi %add3A_1867, %scan3A_1326 : i32
        %slice3A_1869 = vector.extract_strided_slice %get3A_1340 {offsets = [12], sizes = [1], strides = [1]} : vector<16xf32> to vector<1xf32>
        %squeeze3A_1870 = vector.extract %slice3A_1869[0] : f32 from vector<1xf32>
        %get3A_1871 = arith.constant 0 : i32
        %get3A_1872 = arith.constant 0 : i32
        %get3A_1873 = tpu.memref_slice %arg9[%scan3A_1320, %get3A_1871, %get3A_1872] : memref<4x128x64xf32, #tpu.memory_space<vmem>> -> memref<1x128x64xf32, #tpu.memory_space<vmem>>
        %get3A_1874 = tpu.memref_squeeze %get3A_1873 : memref<1x128x64xf32, #tpu.memory_space<vmem>> -> memref<128x64xf32, #tpu.memory_space<vmem>>
        %get3A_1875 = arith.index_cast %add3A_1868 : i32 to index
        %get3A_1876 = arith.constant 0 : index
        %get3A_1877 = tpu.vector_load %get3A_1874[%get3A_1875, %get3A_1876] {strides = array<i32>} : memref<128x64xf32, #tpu.memory_space<vmem>>, vector<16xf32>,
        %mul3A_1878 = vector.broadcast %squeeze3A_1870 : f32 to vector<16xf32>
        %mul3A_1879 = arith.mulf %mul3A_1878, %get3A_1877 : vector<16xf32>
        %add3A_1880 = arith.addf %add3A_1836, %mul3A_1879 : vector<16xf32>
        %get3A_1881 = arith.constant 0 : i32
        %get3A_1882 = arith.constant 0 : i32
        %get3A_1883 = tpu.memref_slice %arg9[%scan3A_1320, %get3A_1881, %get3A_1882] : memref<4x128x64xf32, #tpu.memory_space<vmem>> -> memref<1x128x64xf32, #tpu.memory_space<vmem>>
        %get3A_1884 = tpu.memref_squeeze %get3A_1883 : memref<1x128x64xf32, #tpu.memory_space<vmem>> -> memref<128x64xf32, #tpu.memory_space<vmem>>
        %get3A_1885 = arith.index_cast %add3A_1868 : i32 to index
        %get3A_1886 = arith.constant 16 : index
        %get3A_1887 = tpu.vector_load %get3A_1884[%get3A_1885, %get3A_1886] {strides = array<i32>} : memref<128x64xf32, #tpu.memory_space<vmem>>, vector<16xf32>,
        %mul3A_1888 = vector.broadcast %squeeze3A_1870 : f32 to vector<16xf32>
        %mul3A_1889 = arith.mulf %mul3A_1888, %get3A_1887 : vector<16xf32>
        %add3A_1890 = arith.addf %add3A_1846, %mul3A_1889 : vector<16xf32>
        %get3A_1891 = arith.constant 0 : i32
        %get3A_1892 = arith.constant 0 : i32
        %get3A_1893 = tpu.memref_slice %arg9[%scan3A_1320, %get3A_1891, %get3A_1892] : memref<4x128x64xf32, #tpu.memory_space<vmem>> -> memref<1x128x64xf32, #tpu.memory_space<vmem>>
        %get3A_1894 = tpu.memref_squeeze %get3A_1893 : memref<1x128x64xf32, #tpu.memory_space<vmem>> -> memref<128x64xf32, #tpu.memory_space<vmem>>
        %get3A_1895 = arith.index_cast %add3A_1868 : i32 to index
        %get3A_1896 = arith.constant 32 : index
        %get3A_1897 = tpu.vector_load %get3A_1894[%get3A_1895, %get3A_1896] {strides = array<i32>} : memref<128x64xf32, #tpu.memory_space<vmem>>, vector<16xf32>,
        %mul3A_1898 = vector.broadcast %squeeze3A_1870 : f32 to vector<16xf32>
        %mul3A_1899 = arith.mulf %mul3A_1898, %get3A_1897 : vector<16xf32>
        %add3A_1900 = arith.addf %add3A_1856, %mul3A_1899 : vector<16xf32>
        %get3A_1901 = arith.constant 0 : i32
        %get3A_1902 = arith.constant 0 : i32
        %get3A_1903 = tpu.memref_slice %arg9[%scan3A_1320, %get3A_1901, %get3A_1902] : memref<4x128x64xf32, #tpu.memory_space<vmem>> -> memref<1x128x64xf32, #tpu.memory_space<vmem>>
        %get3A_1904 = tpu.memref_squeeze %get3A_1903 : memref<1x128x64xf32, #tpu.memory_space<vmem>> -> memref<128x64xf32, #tpu.memory_space<vmem>>
        %get3A_1905 = arith.index_cast %add3A_1868 : i32 to index
        %get3A_1906 = arith.constant 48 : index
        %get3A_1907 = tpu.vector_load %get3A_1904[%get3A_1905, %get3A_1906] {strides = array<i32>} : memref<128x64xf32, #tpu.memory_space<vmem>>, vector<16xf32>,
        %mul3A_1908 = vector.broadcast %squeeze3A_1870 : f32 to vector<16xf32>
        %mul3A_1909 = arith.mulf %mul3A_1908, %get3A_1907 : vector<16xf32>
        %add3A_1910 = arith.addf %add3A_1866, %mul3A_1909 : vector<16xf32>
        %add3A_1911 = arith.constant 80 : i32
        %add3A_1912 = arith.addi %add3A_1911, %scan3A_1326 : i32
        %slice3A_1913 = vector.extract_strided_slice %get3A_1340 {offsets = [13], sizes = [1], strides = [1]} : vector<16xf32> to vector<1xf32>
        %squeeze3A_1914 = vector.extract %slice3A_1913[0] : f32 from vector<1xf32>
        %get3A_1915 = arith.constant 0 : i32
        %get3A_1916 = arith.constant 0 : i32
        %get3A_1917 = tpu.memref_slice %arg9[%scan3A_1320, %get3A_1915, %get3A_1916] : memref<4x128x64xf32, #tpu.memory_space<vmem>> -> memref<1x128x64xf32, #tpu.memory_space<vmem>>
        %get3A_1918 = tpu.memref_squeeze %get3A_1917 : memref<1x128x64xf32, #tpu.memory_space<vmem>> -> memref<128x64xf32, #tpu.memory_space<vmem>>
        %get3A_1919 = arith.index_cast %add3A_1912 : i32 to index
        %get3A_1920 = arith.constant 0 : index
        %get3A_1921 = tpu.vector_load %get3A_1918[%get3A_1919, %get3A_1920] {strides = array<i32>} : memref<128x64xf32, #tpu.memory_space<vmem>>, vector<16xf32>,
        %mul3A_1922 = vector.broadcast %squeeze3A_1914 : f32 to vector<16xf32>
        %mul3A_1923 = arith.mulf %mul3A_1922, %get3A_1921 : vector<16xf32>
        %add3A_1924 = arith.addf %add3A_1880, %mul3A_1923 : vector<16xf32>
        %get3A_1925 = arith.constant 0 : i32
        %get3A_1926 = arith.constant 0 : i32
        %get3A_1927 = tpu.memref_slice %arg9[%scan3A_1320, %get3A_1925, %get3A_1926] : memref<4x128x64xf32, #tpu.memory_space<vmem>> -> memref<1x128x64xf32, #tpu.memory_space<vmem>>
        %get3A_1928 = tpu.memref_squeeze %get3A_1927 : memref<1x128x64xf32, #tpu.memory_space<vmem>> -> memref<128x64xf32, #tpu.memory_space<vmem>>
        %get3A_1929 = arith.index_cast %add3A_1912 : i32 to index
        %get3A_1930 = arith.constant 16 : index
        %get3A_1931 = tpu.vector_load %get3A_1928[%get3A_1929, %get3A_1930] {strides = array<i32>} : memref<128x64xf32, #tpu.memory_space<vmem>>, vector<16xf32>,
        %mul3A_1932 = vector.broadcast %squeeze3A_1914 : f32 to vector<16xf32>
        %mul3A_1933 = arith.mulf %mul3A_1932, %get3A_1931 : vector<16xf32>
        %add3A_1934 = arith.addf %add3A_1890, %mul3A_1933 : vector<16xf32>
        %get3A_1935 = arith.constant 0 : i32
        %get3A_1936 = arith.constant 0 : i32
        %get3A_1937 = tpu.memref_slice %arg9[%scan3A_1320, %get3A_1935, %get3A_1936] : memref<4x128x64xf32, #tpu.memory_space<vmem>> -> memref<1x128x64xf32, #tpu.memory_space<vmem>>
        %get3A_1938 = tpu.memref_squeeze %get3A_1937 : memref<1x128x64xf32, #tpu.memory_space<vmem>> -> memref<128x64xf32, #tpu.memory_space<vmem>>
        %get3A_1939 = arith.index_cast %add3A_1912 : i32 to index
        %get3A_1940 = arith.constant 32 : index
        %get3A_1941 = tpu.vector_load %get3A_1938[%get3A_1939, %get3A_1940] {strides = array<i32>} : memref<128x64xf32, #tpu.memory_space<vmem>>, vector<16xf32>,
        %mul3A_1942 = vector.broadcast %squeeze3A_1914 : f32 to vector<16xf32>
        %mul3A_1943 = arith.mulf %mul3A_1942, %get3A_1941 : vector<16xf32>
        %add3A_1944 = arith.addf %add3A_1900, %mul3A_1943 : vector<16xf32>
        %get3A_1945 = arith.constant 0 : i32
        %get3A_1946 = arith.constant 0 : i32
        %get3A_1947 = tpu.memref_slice %arg9[%scan3A_1320, %get3A_1945, %get3A_1946] : memref<4x128x64xf32, #tpu.memory_space<vmem>> -> memref<1x128x64xf32, #tpu.memory_space<vmem>>
        %get3A_1948 = tpu.memref_squeeze %get3A_1947 : memref<1x128x64xf32, #tpu.memory_space<vmem>> -> memref<128x64xf32, #tpu.memory_space<vmem>>
        %get3A_1949 = arith.index_cast %add3A_1912 : i32 to index
        %get3A_1950 = arith.constant 48 : index
        %get3A_1951 = tpu.vector_load %get3A_1948[%get3A_1949, %get3A_1950] {strides = array<i32>} : memref<128x64xf32, #tpu.memory_space<vmem>>, vector<16xf32>,
        %mul3A_1952 = vector.broadcast %squeeze3A_1914 : f32 to vector<16xf32>
        %mul3A_1953 = arith.mulf %mul3A_1952, %get3A_1951 : vector<16xf32>
        %add3A_1954 = arith.addf %add3A_1910, %mul3A_1953 : vector<16xf32>
        %add3A_1955 = arith.constant 96 : i32
        %add3A_1956 = arith.addi %add3A_1955, %scan3A_1326 : i32
        %slice3A_1957 = vector.extract_strided_slice %get3A_1340 {offsets = [14], sizes = [1], strides = [1]} : vector<16xf32> to vector<1xf32>
        %squeeze3A_1958 = vector.extract %slice3A_1957[0] : f32 from vector<1xf32>
        %get3A_1959 = arith.constant 0 : i32
        %get3A_1960 = arith.constant 0 : i32
        %get3A_1961 = tpu.memref_slice %arg9[%scan3A_1320, %get3A_1959, %get3A_1960] : memref<4x128x64xf32, #tpu.memory_space<vmem>> -> memref<1x128x64xf32, #tpu.memory_space<vmem>>
        %get3A_1962 = tpu.memref_squeeze %get3A_1961 : memref<1x128x64xf32, #tpu.memory_space<vmem>> -> memref<128x64xf32, #tpu.memory_space<vmem>>
        %get3A_1963 = arith.index_cast %add3A_1956 : i32 to index
        %get3A_1964 = arith.constant 0 : index
        %get3A_1965 = tpu.vector_load %get3A_1962[%get3A_1963, %get3A_1964] {strides = array<i32>} : memref<128x64xf32, #tpu.memory_space<vmem>>, vector<16xf32>,
        %mul3A_1966 = vector.broadcast %squeeze3A_1958 : f32 to vector<16xf32>
        %mul3A_1967 = arith.mulf %mul3A_1966, %get3A_1965 : vector<16xf32>
        %add3A_1968 = arith.addf %add3A_1924, %mul3A_1967 : vector<16xf32>
        %get3A_1969 = arith.constant 0 : i32
        %get3A_1970 = arith.constant 0 : i32
        %get3A_1971 = tpu.memref_slice %arg9[%scan3A_1320, %get3A_1969, %get3A_1970] : memref<4x128x64xf32, #tpu.memory_space<vmem>> -> memref<1x128x64xf32, #tpu.memory_space<vmem>>
        %get3A_1972 = tpu.memref_squeeze %get3A_1971 : memref<1x128x64xf32, #tpu.memory_space<vmem>> -> memref<128x64xf32, #tpu.memory_space<vmem>>
        %get3A_1973 = arith.index_cast %add3A_1956 : i32 to index
        %get3A_1974 = arith.constant 16 : index
        %get3A_1975 = tpu.vector_load %get3A_1972[%get3A_1973, %get3A_1974] {strides = array<i32>} : memref<128x64xf32, #tpu.memory_space<vmem>>, vector<16xf32>,
        %mul3A_1976 = vector.broadcast %squeeze3A_1958 : f32 to vector<16xf32>
        %mul3A_1977 = arith.mulf %mul3A_1976, %get3A_1975 : vector<16xf32>
        %add3A_1978 = arith.addf %add3A_1934, %mul3A_1977 : vector<16xf32>
        %get3A_1979 = arith.constant 0 : i32
        %get3A_1980 = arith.constant 0 : i32
        %get3A_1981 = tpu.memref_slice %arg9[%scan3A_1320, %get3A_1979, %get3A_1980] : memref<4x128x64xf32, #tpu.memory_space<vmem>> -> memref<1x128x64xf32, #tpu.memory_space<vmem>>
        %get3A_1982 = tpu.memref_squeeze %get3A_1981 : memref<1x128x64xf32, #tpu.memory_space<vmem>> -> memref<128x64xf32, #tpu.memory_space<vmem>>
        %get3A_1983 = arith.index_cast %add3A_1956 : i32 to index
        %get3A_1984 = arith.constant 32 : index
        %get3A_1985 = tpu.vector_load %get3A_1982[%get3A_1983, %get3A_1984] {strides = array<i32>} : memref<128x64xf32, #tpu.memory_space<vmem>>, vector<16xf32>,
        %mul3A_1986 = vector.broadcast %squeeze3A_1958 : f32 to vector<16xf32>
        %mul3A_1987 = arith.mulf %mul3A_1986, %get3A_1985 : vector<16xf32>
        %add3A_1988 = arith.addf %add3A_1944, %mul3A_1987 : vector<16xf32>
        %get3A_1989 = arith.constant 0 : i32
        %get3A_1990 = arith.constant 0 : i32
        %get3A_1991 = tpu.memref_slice %arg9[%scan3A_1320, %get3A_1989, %get3A_1990] : memref<4x128x64xf32, #tpu.memory_space<vmem>> -> memref<1x128x64xf32, #tpu.memory_space<vmem>>
        %get3A_1992 = tpu.memref_squeeze %get3A_1991 : memref<1x128x64xf32, #tpu.memory_space<vmem>> -> memref<128x64xf32, #tpu.memory_space<vmem>>
        %get3A_1993 = arith.index_cast %add3A_1956 : i32 to index
        %get3A_1994 = arith.constant 48 : index
        %get3A_1995 = tpu.vector_load %get3A_1992[%get3A_1993, %get3A_1994] {strides = array<i32>} : memref<128x64xf32, #tpu.memory_space<vmem>>, vector<16xf32>,
        %mul3A_1996 = vector.broadcast %squeeze3A_1958 : f32 to vector<16xf32>
        %mul3A_1997 = arith.mulf %mul3A_1996, %get3A_1995 : vector<16xf32>
        %add3A_1998 = arith.addf %add3A_1954, %mul3A_1997 : vector<16xf32>
        %add3A_1999 = arith.constant 112 : i32
        %add3A_2000 = arith.addi %add3A_1999, %scan3A_1326 : i32
        %slice3A_2001 = vector.extract_strided_slice %get3A_1340 {offsets = [15], sizes = [1], strides = [1]} : vector<16xf32> to vector<1xf32>
        %squeeze3A_2002 = vector.extract %slice3A_2001[0] : f32 from vector<1xf32>
        %get3A_2003 = arith.constant 0 : i32
        %get3A_2004 = arith.constant 0 : i32
        %get3A_2005 = tpu.memref_slice %arg9[%scan3A_1320, %get3A_2003, %get3A_2004] : memref<4x128x64xf32, #tpu.memory_space<vmem>> -> memref<1x128x64xf32, #tpu.memory_space<vmem>>
        %get3A_2006 = tpu.memref_squeeze %get3A_2005 : memref<1x128x64xf32, #tpu.memory_space<vmem>> -> memref<128x64xf32, #tpu.memory_space<vmem>>
        %get3A_2007 = arith.index_cast %add3A_2000 : i32 to index
        %get3A_2008 = arith.constant 0 : index
        %get3A_2009 = tpu.vector_load %get3A_2006[%get3A_2007, %get3A_2008] {strides = array<i32>} : memref<128x64xf32, #tpu.memory_space<vmem>>, vector<16xf32>,
        %mul3A_2010 = vector.broadcast %squeeze3A_2002 : f32 to vector<16xf32>
        %mul3A_2011 = arith.mulf %mul3A_2010, %get3A_2009 : vector<16xf32>
        %add3A_2012 = arith.addf %add3A_1968, %mul3A_2011 : vector<16xf32>
        %get3A_2013 = arith.constant 0 : i32
        %get3A_2014 = arith.constant 0 : i32
        %get3A_2015 = tpu.memref_slice %arg9[%scan3A_1320, %get3A_2013, %get3A_2014] : memref<4x128x64xf32, #tpu.memory_space<vmem>> -> memref<1x128x64xf32, #tpu.memory_space<vmem>>
        %get3A_2016 = tpu.memref_squeeze %get3A_2015 : memref<1x128x64xf32, #tpu.memory_space<vmem>> -> memref<128x64xf32, #tpu.memory_space<vmem>>
        %get3A_2017 = arith.index_cast %add3A_2000 : i32 to index
        %get3A_2018 = arith.constant 16 : index
        %get3A_2019 = tpu.vector_load %get3A_2016[%get3A_2017, %get3A_2018] {strides = array<i32>} : memref<128x64xf32, #tpu.memory_space<vmem>>, vector<16xf32>,
        %mul3A_2020 = vector.broadcast %squeeze3A_2002 : f32 to vector<16xf32>
        %mul3A_2021 = arith.mulf %mul3A_2020, %get3A_2019 : vector<16xf32>
        %add3A_2022 = arith.addf %add3A_1978, %mul3A_2021 : vector<16xf32>
        %get3A_2023 = arith.constant 0 : i32
        %get3A_2024 = arith.constant 0 : i32
        %get3A_2025 = tpu.memref_slice %arg9[%scan3A_1320, %get3A_2023, %get3A_2024] : memref<4x128x64xf32, #tpu.memory_space<vmem>> -> memref<1x128x64xf32, #tpu.memory_space<vmem>>
        %get3A_2026 = tpu.memref_squeeze %get3A_2025 : memref<1x128x64xf32, #tpu.memory_space<vmem>> -> memref<128x64xf32, #tpu.memory_space<vmem>>
        %get3A_2027 = arith.index_cast %add3A_2000 : i32 to index
        %get3A_2028 = arith.constant 32 : index
        %get3A_2029 = tpu.vector_load %get3A_2026[%get3A_2027, %get3A_2028] {strides = array<i32>} : memref<128x64xf32, #tpu.memory_space<vmem>>, vector<16xf32>,
        %mul3A_2030 = vector.broadcast %squeeze3A_2002 : f32 to vector<16xf32>
        %mul3A_2031 = arith.mulf %mul3A_2030, %get3A_2029 : vector<16xf32>
        %add3A_2032 = arith.addf %add3A_1988, %mul3A_2031 : vector<16xf32>
        %get3A_2033 = arith.constant 0 : i32
        %get3A_2034 = arith.constant 0 : i32
        %get3A_2035 = tpu.memref_slice %arg9[%scan3A_1320, %get3A_2033, %get3A_2034] : memref<4x128x64xf32, #tpu.memory_space<vmem>> -> memref<1x128x64xf32, #tpu.memory_space<vmem>>
        %get3A_2036 = tpu.memref_squeeze %get3A_2035 : memref<1x128x64xf32, #tpu.memory_space<vmem>> -> memref<128x64xf32, #tpu.memory_space<vmem>>
        %get3A_2037 = arith.index_cast %add3A_2000 : i32 to index
        %get3A_2038 = arith.constant 48 : index
        %get3A_2039 = tpu.vector_load %get3A_2036[%get3A_2037, %get3A_2038] {strides = array<i32>} : memref<128x64xf32, #tpu.memory_space<vmem>>, vector<16xf32>,
        %mul3A_2040 = vector.broadcast %squeeze3A_2002 : f32 to vector<16xf32>
        %mul3A_2041 = arith.mulf %mul3A_2040, %get3A_2039 : vector<16xf32>
        %add3A_2042 = arith.addf %add3A_1998, %mul3A_2041 : vector<16xf32>
        %add3A_2043 = arith.addi %mul3A_1317, %scan3A_1326 : i32
        %swap3A_2044 = arith.index_cast %add3A_2043 : i32 to index
        %swap3A_2045 = arith.constant 0 : index
        %swap3A_2046 = tpu.vector_load %arg11[%swap3A_2044, %swap3A_2045] {strides = array<i32>} : memref<512x64xf32, #tpu.memory_space<vmem>>, vector<16xf32>,
        tpu.vector_store %arg11[%swap3A_2044, %swap3A_2045], %add3A_2012 {strides = array<i32>} : memref<512x64xf32, #tpu.memory_space<vmem>>, vector<16xf32>,
        %add3A_2047 = arith.addi %mul3A_1317, %scan3A_1326 : i32
        %swap3A_2048 = arith.index_cast %add3A_2047 : i32 to index
        %swap3A_2049 = arith.constant 16 : index
        %swap3A_2050 = tpu.vector_load %arg11[%swap3A_2048, %swap3A_2049] {strides = array<i32>} : memref<512x64xf32, #tpu.memory_space<vmem>>, vector<16xf32>,
        tpu.vector_store %arg11[%swap3A_2048, %swap3A_2049], %add3A_2022 {strides = array<i32>} : memref<512x64xf32, #tpu.memory_space<vmem>>, vector<16xf32>,
        %add3A_2051 = arith.addi %mul3A_1317, %scan3A_1326 : i32
        %swap3A_2052 = arith.index_cast %add3A_2051 : i32 to index
        %swap3A_2053 = arith.constant 32 : index
        %swap3A_2054 = tpu.vector_load %arg11[%swap3A_2052, %swap3A_2053] {strides = array<i32>} : memref<512x64xf32, #tpu.memory_space<vmem>>, vector<16xf32>,
        tpu.vector_store %arg11[%swap3A_2052, %swap3A_2053], %add3A_2032 {strides = array<i32>} : memref<512x64xf32, #tpu.memory_space<vmem>>, vector<16xf32>,
        %add3A_2055 = arith.addi %mul3A_1317, %scan3A_1326 : i32
        %swap3A_2056 = arith.index_cast %add3A_2055 : i32 to index
        %swap3A_2057 = arith.constant 48 : index
        %swap3A_2058 = tpu.vector_load %arg11[%swap3A_2056, %swap3A_2057] {strides = array<i32>} : memref<512x64xf32, #tpu.memory_space<vmem>>, vector<16xf32>,
        tpu.vector_store %arg11[%swap3A_2056, %swap3A_2057], %add3A_2042 {strides = array<i32>} : memref<512x64xf32, #tpu.memory_space<vmem>>, vector<16xf32>,
      }
      %scan3A_1325 = arith.constant 16 : i32
    }
    %scan3A_621 = arith.constant 16 : i32
    "tpu.region"() ({
      %run_scoped3A = tpu.sem_alloc : memref<!tpu.dma_semaphore, #tpu.memory_space<semaphore_mem>>
      %dma_start3A_622 = arith.constant 0 : i32
      %dma_start3A_623 = arith.constant 0 : i32
      %dma_start3A_624 = tpu.memref_slice %arg5[%add3A, %dma_start3A_622, %dma_start3A_623] : memref<32x512x64xf32, #tpu.memory_space<hbm>> -> memref<1x512x64xf32, #tpu.memory_space<hbm>>
      %dma_start3A_625 = tpu.memref_squeeze %dma_start3A_624 : memref<1x512x64xf32, #tpu.memory_space<hbm>> -> memref<512x64xf32, #tpu.memory_space<hbm>>
      %dma_start3A_626 = arith.constant 0 : i32
      %dma_start3A_627 = arith.constant 0 : i32
      %dma_start3A_628 = tpu.memref_slice %arg5[%add3A, %dma_start3A_626, %dma_start3A_627] : memref<32x512x64xf32, #tpu.memory_space<hbm>> -> memref<1x512x64xf32, #tpu.memory_space<hbm>>
      %dma_start3A_629 = tpu.memref_squeeze %dma_start3A_628 : memref<1x512x64xf32, #tpu.memory_space<hbm>> -> memref<512x64xf32, #tpu.memory_space<hbm>>
      tpu.enqueue_dma source(%arg11 : memref<512x64xf32, #tpu.memory_space<vmem>>) target(%dma_start3A_629 : memref<512x64xf32, #tpu.memory_space<hbm>>) target_semaphore(%run_scoped3A : memref<!tpu.dma_semaphore, #tpu.memory_space<semaphore_mem>>)
      %dma_wait3A = arith.constant 0 : i32
      %dma_wait3A_630 = arith.constant 0 : i32
      %dma_wait3A_631 = tpu.memref_slice %arg5[%add3A, %dma_wait3A, %dma_wait3A_630] : memref<32x512x64xf32, #tpu.memory_space<hbm>> -> memref<1x512x64xf32, #tpu.memory_space<hbm>>
      %dma_wait3A_632 = tpu.memref_squeeze %dma_wait3A_631 : memref<1x512x64xf32, #tpu.memory_space<hbm>> -> memref<512x64xf32, #tpu.memory_space<hbm>>
      %dma_wait3A_633 = arith.constant 0 : i32
      %dma_wait3A_634 = arith.constant 0 : i32
      %dma_wait3A_635 = tpu.memref_slice %arg5[%add3A, %dma_wait3A_633, %dma_wait3A_634] : memref<32x512x64xf32, #tpu.memory_space<hbm>> -> memref<1x512x64xf32, #tpu.memory_space<hbm>>
      %dma_wait3A_636 = tpu.memref_squeeze %dma_wait3A_635 : memref<1x512x64xf32, #tpu.memory_space<hbm>> -> memref<512x64xf32, #tpu.memory_space<hbm>>
      tpu.wait_dma2 semaphore(%run_scoped3A : memref<!tpu.dma_semaphore, #tpu.memory_space<semaphore_mem>>) src(%arg11 : memref<512x64xf32, #tpu.memory_space<vmem>>) dst(%dma_wait3A_636 : memref<512x64xf32, #tpu.memory_space<hbm>>)
      tpu.yield
    }) : () -> ()
    return
  }
}

module attributes {stable_mosaic.version = 14 : i64} {
  func.func @_tc_body(%arg0: i32, %arg1: i32, %arg2: memref<8192x64xf32, #tpu.memory_space<vmem>>, %arg3: memref<8192x64xf32, #tpu.memory_space<vmem>>, %arg4: memref<2048xf32, #tpu.memory_space<vmem>>, %arg5: memref<2048xi32, #tpu.memory_space<vmem>>, %arg6: memref<2048xi32, #tpu.memory_space<vmem>>, %arg7: memref<8192xf32, #tpu.memory_space<vmem>>, %arg8: memref<8192xi32, #tpu.memory_space<vmem>>, %arg9: memref<2048xf32, #tpu.memory_space<vmem>>, %arg10: memref<2048xi32, #tpu.memory_space<vmem>>, %arg11: memref<64x8192xf32, #tpu.memory_space<vmem>>, %arg12: memref<64x8192xf32, #tpu.memory_space<vmem>>) attributes {dimension_semantics = [#tpu.dimension_semantics<arbitrary>, #tpu.dimension_semantics<arbitrary>], iteration_bounds = array<i64: 4, 4>, scalar_prefetch = 0 : i64, scratch_operands = 6 : i64, tpu.core_type = #tpu.core_type<tc>, window_params = [{pipeline_mode = #tpu.pipeline_mode<synchronous>, transform_indices = @transform_0, window_bounds = array<i64: 8192, 64>}, {pipeline_mode = #tpu.pipeline_mode<synchronous>, transform_indices = @transform_1, window_bounds = array<i64: 8192, 64>}, {transform_indices = @transform_2, window_bounds = array<i64: 2048>}, {transform_indices = @transform_3, window_bounds = array<i64: 2048>}, {transform_indices = @transform_4, window_bounds = array<i64: 2048>}]} {
    %mul3A = arith.constant 2048 : i32
    %mul3A_0 = arith.muli %arg1, %mul3A : i32
    %mul3A_1 = arith.constant 2048 : i32
    %mul3A_2 = arith.muli %arg0, %mul3A_1 : i32
    %eq3A = arith.constant 0 : i32
    %eq3A_3 = arith.cmpi eq, %arg0, %eq3A : i32
    %convert_element_type3A = arith.extui %eq3A_3 : i1 to i32
    %cond3A = arith.constant 0 : i32
    %cond3A_4 = arith.cmpi ne, %convert_element_type3A, %cond3A : i32
    scf.if %cond3A_4 {
      %get3A_58 = arith.index_cast %mul3A_0 : i32 to index
      %get3A_59 = arith.constant 0 : index
      %get3A_60 = vector.load %arg2[%get3A_58, %get3A_59] : memref<8192x64xf32, #tpu.memory_space<vmem>>, vector<2048x64xf32>
      %transpose3A = tpu.transpose %get3A_60, [1, 0] : vector<2048x64xf32> -> vector<64x2048xf32>
      %mul3A_61 = arith.mulf %transpose3A, %transpose3A : vector<64x2048xf32>
      %reduce_sum3A = arith.constant dense<0.000000e+00> : vector<2048xf32>
      %reduce_sum3A_62 = vector.multi_reduction <add>, %mul3A_61, %reduce_sum3A [0] : vector<64x2048xf32> to vector<2048xf32>
      %broadcast_in_dim3A = vector.shape_cast %reduce_sum3A_62 : vector<2048xf32> to vector<1x2048xf32>
      %sqrt3A = math.sqrt %broadcast_in_dim3A : vector<1x2048xf32>
      %max3A = arith.constant 9.99999996E-13 : f32
      %max3A_63 = vector.broadcast %max3A : f32 to vector<1x2048xf32>
      %max3A_64 = arith.maximumf %sqrt3A, %max3A_63 : vector<1x2048xf32>
      %div3A = vector.broadcast %max3A_64 : vector<1x2048xf32> to vector<64x2048xf32>
      %div3A_65 = arith.divf %transpose3A, %div3A : vector<64x2048xf32>
      %swap3A = arith.constant 0 : index
      %swap3A_66 = arith.index_cast %mul3A_0 : i32 to index
      %swap3A_67 = vector.load %arg11[%swap3A, %swap3A_66] : memref<64x8192xf32, #tpu.memory_space<vmem>>, vector<64x2048xf32>
      tpu.vector_store %arg11[%swap3A, %swap3A_66], %div3A_65 {strides = array<i32>} : memref<64x8192xf32, #tpu.memory_space<vmem>>, vector<64x2048xf32>,
    } else {
    }
    %eq3A_5 = arith.constant 0 : i32
    %eq3A_6 = arith.cmpi eq, %arg1, %eq3A_5 : i32
    %convert_element_type3A_7 = arith.extui %eq3A_6 : i1 to i32
    %cond3A_8 = arith.constant 0 : i32
    %cond3A_9 = arith.cmpi ne, %convert_element_type3A_7, %cond3A_8 : i32
    scf.if %cond3A_9 {
      %get3A_58 = arith.index_cast %mul3A_2 : i32 to index
      %get3A_59 = arith.constant 0 : index
      %get3A_60 = vector.load %arg3[%get3A_58, %get3A_59] : memref<8192x64xf32, #tpu.memory_space<vmem>>, vector<2048x64xf32>
      %transpose3A = tpu.transpose %get3A_60, [1, 0] : vector<2048x64xf32> -> vector<64x2048xf32>
      %mul3A_61 = arith.mulf %transpose3A, %transpose3A : vector<64x2048xf32>
      %reduce_sum3A = arith.constant dense<0.000000e+00> : vector<2048xf32>
      %reduce_sum3A_62 = vector.multi_reduction <add>, %mul3A_61, %reduce_sum3A [0] : vector<64x2048xf32> to vector<2048xf32>
      %broadcast_in_dim3A = vector.shape_cast %reduce_sum3A_62 : vector<2048xf32> to vector<1x2048xf32>
      %sqrt3A = math.sqrt %broadcast_in_dim3A : vector<1x2048xf32>
      %max3A = arith.constant 9.99999996E-13 : f32
      %max3A_63 = vector.broadcast %max3A : f32 to vector<1x2048xf32>
      %max3A_64 = arith.maximumf %sqrt3A, %max3A_63 : vector<1x2048xf32>
      %div3A = vector.broadcast %max3A_64 : vector<1x2048xf32> to vector<64x2048xf32>
      %div3A_65 = arith.divf %transpose3A, %div3A : vector<64x2048xf32>
      %swap3A = arith.constant 0 : index
      %swap3A_66 = arith.index_cast %mul3A_2 : i32 to index
      %swap3A_67 = vector.load %arg12[%swap3A, %swap3A_66] : memref<64x8192xf32, #tpu.memory_space<vmem>>, vector<64x2048xf32>
      tpu.vector_store %arg12[%swap3A, %swap3A_66], %div3A_65 {strides = array<i32>} : memref<64x8192xf32, #tpu.memory_space<vmem>>, vector<64x2048xf32>,
    } else {
    }
    %get3A = arith.constant 0 : index
    %get3A_10 = arith.index_cast %mul3A_0 : i32 to index
    %get3A_11 = vector.load %arg11[%get3A, %get3A_10] : memref<64x8192xf32, #tpu.memory_space<vmem>>, vector<64x2048xf32>
    %get3A_12 = arith.constant 0 : index
    %get3A_13 = arith.index_cast %mul3A_2 : i32 to index
    %get3A_14 = vector.load %arg12[%get3A_12, %get3A_13] : memref<64x8192xf32, #tpu.memory_space<vmem>>, vector<64x2048xf32>
    %dot_general3A = arith.constant dense<0.000000e+00> : vector<2048x2048xf32>
    %dot_general3A_15 = tpu.matmul %get3A_11, %get3A_14, %dot_general3A {dimension_numbers = #tpu.dot_dimension_numbers<[0], [0], [1], [1], [0, 1, 1, 1], [], []>, transpose_lhs_hint = false} : vector<64x2048xf32>, vector<64x2048xf32>, vector<2048x2048xf32> -> vector<2048x2048xf32>
    %reduce_max3A = arith.constant dense<0xFF800000> : vector<2048xf32>
    %reduce_max3A_16 = vector.multi_reduction <maximumf>, %dot_general3A_15, %reduce_max3A [1] : vector<2048x2048xf32> to vector<2048xf32>
    %argmax3A = tpu.reduce_index %dot_general3A_15 {axis = 1 : i32, kind = #tpu.reduction_kind<arg_max>} : vector<2048x2048xf32> -> vector<2048xi32>
    %mul3A_17 = arith.constant 2048 : i32
    %mul3A_18 = arith.muli %arg0, %mul3A_17 : i32
    %add3A = vector.broadcast %mul3A_18 : i32 to vector<2048xi32>
    %add3A_19 = arith.addi %argmax3A, %add3A : vector<2048xi32>
    %reduce_max3A_20 = arith.constant dense<0xFF800000> : vector<2048xf32>
    %reduce_max3A_21 = vector.multi_reduction <maximumf>, %dot_general3A_15, %reduce_max3A_20 [0] : vector<2048x2048xf32> to vector<2048xf32>
    %argmax3A_22 = tpu.reduce_index %dot_general3A_15 {axis = 0 : i32, kind = #tpu.reduction_kind<arg_max>} : vector<2048x2048xf32> -> vector<2048xi32>
    %mul3A_23 = arith.constant 2048 : i32
    %mul3A_24 = arith.muli %arg1, %mul3A_23 : i32
    %add3A_25 = vector.broadcast %mul3A_24 : i32 to vector<2048xi32>
    %add3A_26 = arith.addi %argmax3A_22, %add3A_25 : vector<2048xi32>
    %mul3A_27 = arith.constant 2048 : i32
    %mul3A_28 = arith.muli %arg1, %mul3A_27 : i32
    %eq3A_29 = arith.constant 0 : i32
    %eq3A_30 = arith.cmpi eq, %arg0, %eq3A_29 : i32
    %convert_element_type3A_31 = arith.extui %eq3A_30 : i1 to i32
    %cond3A_32 = arith.constant 0 : i32
    %cond3A_33 = arith.cmpi ne, %convert_element_type3A_31, %cond3A_32 : i32
    scf.if %cond3A_33 {
      %swap3A = arith.index_cast %mul3A_28 : i32 to index
      %swap3A_58 = vector.load %arg7[%swap3A] : memref<8192xf32, #tpu.memory_space<vmem>>, vector<2048xf32>
      tpu.vector_store %arg7[%swap3A], %reduce_max3A_16 {strides = array<i32>} : memref<8192xf32, #tpu.memory_space<vmem>>, vector<2048xf32>,
      %swap3A_59 = arith.index_cast %mul3A_28 : i32 to index
      %swap3A_60 = vector.load %arg8[%swap3A_59] : memref<8192xi32, #tpu.memory_space<vmem>>, vector<2048xi32>
      tpu.vector_store %arg8[%swap3A_59], %add3A_19 {strides = array<i32>} : memref<8192xi32, #tpu.memory_space<vmem>>, vector<2048xi32>,
    } else {
    }
    %ne3A = arith.constant 0 : i32
    %ne3A_34 = arith.cmpi ne, %arg0, %ne3A : i32
    %convert_element_type3A_35 = arith.extui %ne3A_34 : i1 to i32
    %cond3A_36 = arith.constant 0 : i32
    %cond3A_37 = arith.cmpi ne, %convert_element_type3A_35, %cond3A_36 : i32
    scf.if %cond3A_37 {
      %get3A_58 = arith.index_cast %mul3A_28 : i32 to index
      %get3A_59 = vector.load %arg7[%get3A_58] : memref<8192xf32, #tpu.memory_space<vmem>>, vector<2048xf32>
      %gt3A = arith.cmpf ogt, %reduce_max3A_16, %get3A_59 : vector<2048xf32>
      %get3A_60 = arith.index_cast %mul3A_28 : i32 to index
      %get3A_61 = vector.load %arg8[%get3A_60] : memref<8192xi32, #tpu.memory_space<vmem>>, vector<2048xi32>
      %select_n3A = arith.select %gt3A, %add3A_19, %get3A_61 : vector<2048xi1>, vector<2048xi32>
      %swap3A = arith.index_cast %mul3A_28 : i32 to index
      %swap3A_62 = vector.load %arg8[%swap3A] : memref<8192xi32, #tpu.memory_space<vmem>>, vector<2048xi32>
      tpu.vector_store %arg8[%swap3A], %select_n3A {strides = array<i32>} : memref<8192xi32, #tpu.memory_space<vmem>>, vector<2048xi32>,
      %select_n3A_63 = arith.select %gt3A, %reduce_max3A_16, %get3A_59 : vector<2048xi1>, vector<2048xf32>
      %swap3A_64 = arith.index_cast %mul3A_28 : i32 to index
      %swap3A_65 = vector.load %arg7[%swap3A_64] : memref<8192xf32, #tpu.memory_space<vmem>>, vector<2048xf32>
      tpu.vector_store %arg7[%swap3A_64], %select_n3A_63 {strides = array<i32>} : memref<8192xf32, #tpu.memory_space<vmem>>, vector<2048xf32>,
    } else {
    }
    %eq3A_38 = arith.constant 0 : i32
    %eq3A_39 = arith.cmpi eq, %arg1, %eq3A_38 : i32
    %convert_element_type3A_40 = arith.extui %eq3A_39 : i1 to i32
    %cond3A_41 = arith.constant 0 : i32
    %cond3A_42 = arith.cmpi ne, %convert_element_type3A_40, %cond3A_41 : i32
    scf.if %cond3A_42 {
      %swap3A = arith.constant 0 : index
      %swap3A_58 = vector.load %arg9[%swap3A] : memref<2048xf32, #tpu.memory_space<vmem>>, vector<2048xf32>
      tpu.vector_store %arg9[%swap3A], %reduce_max3A_21 {strides = array<i32>} : memref<2048xf32, #tpu.memory_space<vmem>>, vector<2048xf32>,
      %swap3A_59 = arith.constant 0 : index
      %swap3A_60 = vector.load %arg10[%swap3A_59] : memref<2048xi32, #tpu.memory_space<vmem>>, vector<2048xi32>
      tpu.vector_store %arg10[%swap3A_59], %add3A_26 {strides = array<i32>} : memref<2048xi32, #tpu.memory_space<vmem>>, vector<2048xi32>,
    } else {
    }
    %ne3A_43 = arith.constant 0 : i32
    %ne3A_44 = arith.cmpi ne, %arg1, %ne3A_43 : i32
    %convert_element_type3A_45 = arith.extui %ne3A_44 : i1 to i32
    %cond3A_46 = arith.constant 0 : i32
    %cond3A_47 = arith.cmpi ne, %convert_element_type3A_45, %cond3A_46 : i32
    scf.if %cond3A_47 {
      %get3A_58 = arith.constant 0 : index
      %get3A_59 = vector.load %arg9[%get3A_58] : memref<2048xf32, #tpu.memory_space<vmem>>, vector<2048xf32>
      %gt3A = arith.cmpf ogt, %reduce_max3A_21, %get3A_59 : vector<2048xf32>
      %get3A_60 = arith.constant 0 : index
      %get3A_61 = vector.load %arg10[%get3A_60] : memref<2048xi32, #tpu.memory_space<vmem>>, vector<2048xi32>
      %select_n3A = arith.select %gt3A, %add3A_26, %get3A_61 : vector<2048xi1>, vector<2048xi32>
      %swap3A = arith.constant 0 : index
      %swap3A_62 = vector.load %arg10[%swap3A] : memref<2048xi32, #tpu.memory_space<vmem>>, vector<2048xi32>
      tpu.vector_store %arg10[%swap3A], %select_n3A {strides = array<i32>} : memref<2048xi32, #tpu.memory_space<vmem>>, vector<2048xi32>,
      %select_n3A_63 = arith.select %gt3A, %reduce_max3A_21, %get3A_59 : vector<2048xi1>, vector<2048xf32>
      %swap3A_64 = arith.constant 0 : index
      %swap3A_65 = vector.load %arg9[%swap3A_64] : memref<2048xf32, #tpu.memory_space<vmem>>, vector<2048xf32>
      tpu.vector_store %arg9[%swap3A_64], %select_n3A_63 {strides = array<i32>} : memref<2048xf32, #tpu.memory_space<vmem>>, vector<2048xf32>,
    } else {
    }
    %eq3A_48 = arith.constant 3 : i32
    %eq3A_49 = arith.cmpi eq, %arg1, %eq3A_48 : i32
    %convert_element_type3A_50 = arith.extui %eq3A_49 : i1 to i32
    %cond3A_51 = arith.constant 0 : i32
    %cond3A_52 = arith.cmpi ne, %convert_element_type3A_50, %cond3A_51 : i32
    scf.if %cond3A_52 {
      %get3A_58 = arith.constant 0 : index
      %get3A_59 = vector.load %arg10[%get3A_58] : memref<2048xi32, #tpu.memory_space<vmem>>, vector<2048xi32>
      %swap3A = arith.constant 0 : index
      %swap3A_60 = vector.load %arg6[%swap3A] : memref<2048xi32, #tpu.memory_space<vmem>>, vector<2048xi32>
      tpu.vector_store %arg6[%swap3A], %get3A_59 {strides = array<i32>} : memref<2048xi32, #tpu.memory_space<vmem>>, vector<2048xi32>,
    } else {
    }
    %eq3A_53 = arith.constant 3 : i32
    %eq3A_54 = arith.cmpi eq, %arg0, %eq3A_53 : i32
    %convert_element_type3A_55 = arith.extui %eq3A_54 : i1 to i32
    %cond3A_56 = arith.constant 0 : i32
    %cond3A_57 = arith.cmpi ne, %convert_element_type3A_55, %cond3A_56 : i32
    scf.if %cond3A_57 {
      %get3A_58 = arith.index_cast %mul3A_28 : i32 to index
      %get3A_59 = vector.load %arg7[%get3A_58] : memref<8192xf32, #tpu.memory_space<vmem>>, vector<2048xf32>
      %swap3A = arith.constant 0 : index
      %swap3A_60 = vector.load %arg4[%swap3A] : memref<2048xf32, #tpu.memory_space<vmem>>, vector<2048xf32>
      tpu.vector_store %arg4[%swap3A], %get3A_59 {strides = array<i32>} : memref<2048xf32, #tpu.memory_space<vmem>>, vector<2048xf32>,
      %get3A_61 = arith.index_cast %mul3A_28 : i32 to index
      %get3A_62 = vector.load %arg8[%get3A_61] : memref<8192xi32, #tpu.memory_space<vmem>>, vector<2048xi32>
      %swap3A_63 = arith.constant 0 : index
      %swap3A_64 = vector.load %arg5[%swap3A_63] : memref<2048xi32, #tpu.memory_space<vmem>>, vector<2048xi32>
      tpu.vector_store %arg5[%swap3A_63], %get3A_62 {strides = array<i32>} : memref<2048xi32, #tpu.memory_space<vmem>>, vector<2048xi32>,
    } else {
    }
    return
  }
  func.func @transform_0(%arg0: i32, %arg1: i32) -> (i32, i32) {
    %c0_i32 = arith.constant 0 : i32
    %c0_i32_0 = arith.constant 0 : i32
    %c0_i32_1 = arith.constant 0 : i32
    return %c0_i32, %c0_i32_0 : i32, i32
  }
  func.func @transform_1(%arg0: i32, %arg1: i32) -> (i32, i32) {
    %c0_i32 = arith.constant 0 : i32
    %c0_i32_0 = arith.constant 0 : i32
    %c0_i32_1 = arith.constant 0 : i32
    return %c0_i32, %c0_i32_0 : i32, i32
  }
  func.func @transform_2(%arg0: i32, %arg1: i32) -> i32 {
    %c0_i32 = arith.constant 0 : i32
    return %arg1 : i32
  }
  func.func @transform_3(%arg0: i32, %arg1: i32) -> i32 {
    %c0_i32 = arith.constant 0 : i32
    return %arg1 : i32
  }
  func.func @transform_4(%arg0: i32, %arg1: i32) -> i32 {
    %c0_i32 = arith.constant 0 : i32
    return %arg0 : i32
  }
}

</mosaic_0001>

<sc_bundles>
// kernel: kernel.5.cloned.1.call-start
scs
__scs_entry_jumppad:
0x0: {  	(pc) =	sbr.rel $0x88, $3  }
0x1: {  	(tag) =	ssettag $0x0;
	lr =	simm.s32 $0x1  }
0x2: {  	[smem:$0x3F9D] =	sst lr;
	_ =	strace $0xD0000000  }
0x3: {  	_ = 	snop  }
0x4: {  	_ = 	snop  }
0x5: {  	_ = 	snop  }
0x6: {  	_ = 	snop  }
0x7: {  	_ = 	snop  }
__scs_overlays_trampoline_lowered:
0x8: {  	[smem:$0x3FAC] =	sst s0  }
0x9: {  	[smem:$0x3FAD] =	sst s1  }
0xa: {  	[smem:$0x3FAE] =	sst s2  }
0xb: {  	[smem:$0x3FAF] =	sst s3  }
0xc: {  	[smem:$0x3FB0] =	sst s4  }
0xd: {  	[smem:$0x3FB1] =	sst s5  }
0xe: {  	[smem:$0x3FB2] =	sst s6  }
0xf: {  	[smem:$0x3FB3] =	sst s7  }
0x10: {  	[smem:$0x3FB4] =	sst s8  }
0x11: {  	[smem:$0x3FB5] =	sst s9;
	s0 =	simm.s32 @!p0 $0x0  }
0x12: {  	s1 =	sld [smem:$0x3F9B];
	s0 =	simm.s32 @p0 $0x1  }
0x13: {  	[smem:$0x3FB6] =	sst s0;
	s0 =	simm.s32 @!p1 $0x0  }
0x14: {  	s2 =	sld [smem:$0x3F9A];
	s0 =	simm.s32 @p1 $0x1  }
0x15: {  	[smem:$0x3FB7] =	sst s0;
	s0 =	simm.s32 @!p2 $0x0  }
0x16: {  	s3 =	sld [smem:$0x3FDB];
	s0 =	simm.s32 @p2 $0x1  }
0x17: {  	s4 =	simm.s32 $0x1BF5;
	[smem:$0x3FB9] =	sst s0  }
0x18: {  	s0 =	sld [smem:$0x3F9C];
	_ =	swait.ge [sflag:s4], $0x0  }
0x19: {  	s7 =	sld [smem:$0x3F9D]  }
0x1a: {  	s8 =	sadd.s32 $0xFFFFE003, lr  }
0x1b: {  	s9 =	sadd.s32 $0xFFFFFEF7, lr;
	s5 =	simm.s32 $0xFFFFFFFF;
	p2 =	slt.u32 s8, $0xFFFFF086  }
0x1c: {  	p1 =	slt.u32 s9, $0xF7A;
	s5 =	simm.s32 @!p2 $0x0  }
0x1d: {  	s5 =	simm.s32 @p1 $0x1;
	p0 =	seq.s32 s7, s2  }
0x1e: {  	s7 =	smul.u32 @!p0 $0xF7A, s2;
	p2 =	seq.s32 @!p0 s5, $0x0  }
0x1f: {  	s9 =	smul.u32 $0xF7A, s1;
	s8 =	simm.s32 @!p0 $0x1BF5;
	p2 =	por !p2, p0  }
0x20: {  	[sflag:s8] =	ssyncset.s32 @!p0 $0xFFFFF086;
	s6 =	sadd.s32 @!p0 s3, s7;
	s7 =	simm.s32 @!p0 $0x108  }
0x21: {  	s3 =	sadd.s32 s3, s9;
	s6 =	sadd.s32 @!p0 $0x88, s6;
	s7 =	simm.s32 @p2 $0x1082  }
0x22: {  	[simem:s7], [sflag:s8] =	dma.local @!p0 [hbm:s6], $0xF7A  }
0x23: {  	s9 =	sor.u32 $0xD0000000, s2;
	s6 =	simm.s32 $0x108;
	_ =	swait.ge @!p0 [sflag:s8], $0x0  }
0x24: {  	s3 =	sadd.s32 $0x88, s3;
	s6 =	simm.s32 @!p1 $0x1082;
	[sflag:s4] =	ssyncset.s32 $0xFFFFF086  }
0x25: {  	[simem:s6], [sflag:s4] =	dma.local [hbm:s3], $0xF7A  }
0x26: {  	[smem:$0x3F9D] =	sst s1;
	(tag) =	ssettag s2;
	_ =	strace s9  }
0x27: {  	s1 =	sld [smem:$0x3FAD]  }
0x28: {  	s2 =	sld [smem:$0x3FAE]  }
0x29: {  	s4 =	sld [smem:$0x3FB0]  }
0x2a: {  	p0 =	seq.s32 s5, $0x0;
	s5 =	sld [smem:$0x3FB1]  }
0x2b: {  	s6 =	sld [smem:$0x3FB2]  }
0x2c: {  	s7 =	sld [smem:$0x3FB3]  }
0x2d: {  	s3 =	simm.s32 $0x108;
	s8 =	sld [smem:$0x3FB4]  }
0x2e: {  	s3 =	simm.s32 @!p0 $0x1082;
	s9 =	sld [smem:$0x3FB5]  }
0x2f: {  	lr =	sadd.s32 s0, s3;
	s0 =	sld [smem:$0x3FAC]  }
0x30: {  	s3 =	sld [smem:$0x3FAF]  }
0x31: {  	[smem:$0x3FB8] =	sst s10  }
0x32: {  	s10 =	sld [smem:$0x3FB6];
	_ =	sdelay $0x3  }
0x33: {  	p0 =	seq.s32 s10, $0x1;
	s10 =	sld [smem:$0x3FB8];
	_ =	sdelay $0x3  }
0x34: {  	[smem:$0x3FB8] =	sst s10  }
0x35: {  	s10 =	sld [smem:$0x3FB7];
	_ =	sdelay $0x3  }
0x36: {  	p1 =	seq.s32 s10, $0x1;
	s10 =	sld [smem:$0x3FB8];
	_ =	sdelay $0x3  }
0x37: {  	[smem:$0x3FB8] =	sst s10  }
0x38: {  	s10 =	sld [smem:$0x3FB9]  }
0x39: {  	_ = 	snop;
	(pc) =	sbr.ind lr, $3  }
0x3a: {  	_ = 	snop  }
0x3b: {  	_ = 	snop  }
0x3c: {  	p2 =	seq.s32 s10, $0x1;
	s10 =	sld [smem:$0x3FB8]  }
0x3d: {  	_ =	shalt  }
0x3e: {  	_ =	shalt  }
0x3f: {  	_ =	shalt  }
0x40: {  	_ =	shalt  }
0x41: {  	_ =	shalt  }
0x42: {  	_ =	shalt  }
0x43: {  	_ =	shalt  }
0x44: {  	_ =	shalt  }
0x45: {  	_ =	shalt  }
0x46: {  	_ =	shalt  }
0x47: {  	_ =	shalt  }
0x48: {  	_ =	shalt  }
0x49: {  	_ =	shalt  }
0x4a: {  	_ =	shalt  }
0x4b: {  	_ =	shalt  }
0x4c: {  	_ =	shalt  }
0x4d: {  	_ =	shalt  }
0x4e: {  	_ =	shalt  }
0x4f: {  	_ =	shalt  }
0x50: {  	_ =	shalt  }
0x51: {  	_ =	shalt  }
0x52: {  	_ =	shalt  }
0x53: {  	_ =	shalt  }
0x54: {  	_ =	shalt  }
0x55: {  	_ =	shalt  }
0x56: {  	_ =	shalt  }
0x57: {  	_ =	shalt  }
0x58: {  	_ =	shalt  }
0x59: {  	_ =	shalt  }
0x5a: {  	_ =	shalt  }
0x5b: {  	_ =	shalt  }
0x5c: {  	_ =	shalt  }
0x5d: {  	_ =	shalt  }
0x5e: {  	_ =	shalt  }
0x5f: {  	_ =	shalt  }
0x60: {  	_ =	shalt  }
0x61: {  	_ =	shalt  }
0x62: {  	_ =	shalt  }
0x63: {  	_ =	shalt  }
0x64: {  	_ =	shalt  }
0x65: {  	_ =	shalt  }
0x66: {  	_ =	shalt  }
0x67: {  	_ =	shalt  }
0x68: {  	_ =	shalt  }
0x69: {  	_ =	shalt  }
0x6a: {  	_ =	shalt  }
0x6b: {  	_ =	shalt  }
0x6c: {  	_ =	shalt  }
0x6d: {  	_ =	shalt  }
0x6e: {  	_ =	shalt  }
0x6f: {  	_ =	shalt  }
0x70: {  	_ =	shalt  }
0x71: {  	_ =	shalt  }
0x72: {  	_ =	shalt  }
0x73: {  	_ =	shalt  }
0x74: {  	_ =	shalt  }
0x75: {  	_ =	shalt  }
0x76: {  	_ =	shalt  }
0x77: {  	_ =	shalt  }
0x78: {  	_ =	shalt  }
0x79: {  	_ =	shalt  }
0x7a: {  	_ =	shalt  }
0x7b: {  	_ =	shalt  }
0x7c: {  	_ =	shalt  }
0x7d: {  	_ =	shalt  }
0x7e: {  	_ =	shalt  }
0x7f: {  	_ =	shalt  }
0x80: {  	_ =	shalt  }
0x81: {  	_ =	shalt  }
0x82: {  	_ =	shalt  }
0x83: {  	_ =	shalt  }
0x84: {  	_ =	shalt  }
0x85: {  	_ =	shalt  }
0x86: {  	_ =	shalt  }
0x87: {  	_ =	shalt  }
.Lfunc_end0:
.L_simem_size_0:
called_computation_lowered:
.L_overlay_start_0:
0x88: {  	s2 =	sld [smem:$0x3FD9]  }
0x89: {  	s3 =	sld [smem:$0x3FFE];
	_ =	sdelay $0x1  }
0x8a: {  	s1 =	srdreg.scid  }
0x8b: {  	s0 =	sand.u32 $0x1, s1  }
0x8c: {  	s16 =	sshll.u32 s0, $0xA;
	s2 =	sadd.s32 s3, s2  }
0x8d: {  	s2 =	sadd.s32 s2, s16  }
0x8e: {  	[smem:$0x3FC4] =	sst s2  }
0x8f: {  	_ = 	snop  }
0x90: {  	(tm) =	ssettm $0x1  }
0x91: {  	s17 =	sld [smem:$0x3FFB];
	_ =	sdelay $0x3  }
0x92: {  	_ =	strace s17  }
0x93: {  	s2 =	sld [smem:$0x3FFC];
	_ =	sdelay $0x3  }
0x94: {  	_ =	strace s2  }
0x95: {  	s2 =	sld [smem:$0x3FFD];
	_ =	sdelay $0x3  }
0x96: {  	_ =	strace s2  }
0x97: {  	_ =	strace $0x8FFFFFFF  }
0x98: {  	s18 =	sld [smem:$0x3FDB];
	_ =	sdelay $0x1  }
0x99: {  	s19 =	simm.s32 $_scs_section_size  }
0x9a: {  	s4 =	simm.s32 $_size__tile_overlayer_lowered;
	s5 =	simm.s32 $_tile_overlayer_lowered  }
0x9b: {  	s22 =	simm.s32 $0x1BFF;
	s21 =	sshll.u32 s5, $0x1;
	s2 =	sadd.s32 s19, s18  }
0x9c: {  	s6 =	simm.s32 $0x0;
	s20 =	sshll.u32 s4, $0x1;
	s4 =	sadd.s32 s21, s2  }
0x9d: {  	[timem:s6], [sflag:s22] =	dma.local [hbm:s4], s20  }
0x9e: {  	_ =	swait.ge [sflag:s22], s20  }
0x9f: {  	s3 =	ssub.s32 $0x0, s20;
	[sflag:s22] =	ssyncset.done $0x0  }
0xa0: {  	[sflag:s22] =	ssyncadd.s32 s3;
	_ =	sdelay $0x1  }
0xa1: {  	s23 =	simm.s32 $0x1B8B  }
0xa2: {  	_ =	swait.ge [sflag:s23], $0x1  }
0xa3: {  	[sflag:s23] =	ssyncset.done $0x0  }
0xa4: {  	s25 =	simm.s32 $0x1B8E;
	s24 =	sld [smem:$0x3FFE];
	[sflag:s23] =	ssyncadd.s32 $0xFFFFFFFF  }
0xa5: {  	s26 =	simm.s32 $execute0_lowered;
	[smem:$0x3FD2] =	sst s25  }
0xa6: {  	s4 =	sshll.u32 s26, $0x1;
	_ =	strace $0x80000046;
	[dreg:$0x1] =	wrdreg $0xFFFFFFFF  }
0xa7: {  	s28 =	simm.s32 $_size_execute0_lowered;
	s2 =	sadd.s32 s2, s4;
	[dreg:$0x0] =	wrdreg $0x0  }
0xa8: {  	s4 =	sshll.u32 s28, $0x1;
	[dreg:$0x2] =	wrdreg s2  }
0xa9: {  	[dreg:$0x3] =	wrdreg s4  }
0xaa: {  	[dreg:$0x4] =	wrdreg $0xC0  }
0xab: {  	_ =	task [dreg:s6], $0x5FFFF  }
0xac: {  	[dreg:$0x1] =	wrdreg $0xFFFFFFFF  }
0xad: {  	[dreg:$0x0] =	wrdreg $0x60  }
0xae: {  	[dreg:$0x2] =	wrdreg s24  }
0xaf: {  	[dreg:$0x3] =	wrdreg $0x9  }
0xb0: {  	_ =	task.clear_ibuf [dreg:s6], $0x4FFFF;
	_ =	strace $0x90000046  }
0xb1: {  	s29 =	simm.s32 $0x9;
	_ =	strace $0x80000048  }
0xb2: {  	_ =	swait.ge [sflag:s29], $0x1  }
0xb3: {  	[sflag:s29] =	ssyncadd.s32 $0xFFFFFFFF  }
0xb4: {  	_ =	strace $0x90000048  }
0xb5: {  	_ =	sfence  }
0xb6: {  	s30 =	sld [smem:$0x0];
	_ =	sdelay $0x2  }
0xb7: {  	s31 =	sshll.u32 s1, $0xD;
	s1 =	sshrl.u32 s1, $0x2  }
0xb8: {  	s3 =	sand.u32 $0x4000, s31;
	s1 =	sadd.s32 s1, s30  }
0xb9: {  	s0 =	sor.u32 s3, s0;
	s1 =	sshll.u32 s1, $0x11  }
0xba: {  	s0 =	sor.u32 s1, s0  }
0xbb: {  	s0 =	sadd.s32 $0x8F2B, s0  }
0xbc: {  	[sflag:s0] =	ssyncadd.remote.s32 $0x1  }
0xbd: {  	_ =	sfence.sel $0xFFFF  }
0xbe: {  	[dreg:$0x0] =	wrdreg $0xFFFFFFFF;
	(pc) =	sbr.abs _section_cstart, $3  }
0xbf: {  	[dreg:$0x1] =	wrdreg $0xFFFFFFFF  }
0xc0: {  	_ =	task.clear_ibuf [dreg:s6], $0x2FFFF;
	_ =	strace $0x9FFFFFFF  }
0xc1: {  	(tm) =	ssettm $0x7FFFFFFF  }
tec
execute0_lowered:
.L_overlay_start_1:
0x0: {  	(tag) =	ssettag $0x1  }
0x1: {  	s2 =	simm.s32 $0x0  }
0x2: {  	[smem:$0x7FF] =	sst s2  }
0x3: {  	s0 =	rddreg [dreg:$0x0];
	s4 =	stileid.u32;
	v0 =	vimm.f32 $8.000000000e+00;
	_ =	strace $0x80000047  }
0x4: {  	v1 =	vlaneseq.u32;
	s3 =	sshll.u32 s4, $0x9;
	(erf) = vrcp.f32 v0;
	v0 =	vimm.f32 $6.300000000e+01  }
0x5: {  	s1 =	srdreg.scid;
	v2 =	vimm.f32 $2.000000000e+00;
	s3 =	sand.u32 $0x1000, s3;
	(erf) = vrcp.f32 v0;
	v0 =	vmul.u32 $0x10, v1  }
0x6: {  	s8 =	simm.s32 $0x5;
	s9 =	simm.s32 $0x200;
	s10 =	simm.s32 $0x8600;
	v1 =	vmov s3;
	(erf) = vrcp.f32 v2  }
0x7: {  	s11 =	simm.s32 $0x80;
	s12 =	simm.s32 $0x400;
	s13 =	simm.s32 $0x600;
	v2 =	vimm.s32 $0x0;
	v3 =	vor.u32 $0x1, v0;
	v4 =	vor.u32 $0x2, v0  }
0x8: {  	s14 =	simm.s32 $0x480;
	s15 =	simm.s32 $0x2600;
	s16 =	simm.s32 $0x500;
	v5 =	vor.u32 $0x3, v0;
	v6 =	vor.u32 $0x4, v0;
	v7 =	vor.u32 $0x5, v0  }
0x9: {  	s17 =	simm.s32 $0x4600;
	s18 =	simm.s32 $0x580;
	s19 =	simm.s32 $0x6600;
	v8 =	vor.u32 $0x6, v0;
	v9 =	vor.u32 $0x7, v0;
	v10 =	vor.u32 $0x8, v0  }
0xa: {  	s20 =	simm.s32 $0x1;
	s21 =	simm.s32 $0x2;
	s22 =	simm.s32 $0x3;
	v11 =	vor.u32 $0x9, v0;
	v12 =	vor.u32 $0xA, v0;
	v13 =	vor.u32 $0xB, v0  }
0xb: {  	s23 =	simm.s32 $0x4;
	s1 =	sand.u32 $0x1, s1;
	s4 =	sshll.u32 s4, $0x1;
	v14 =	vor.u32 $0xC, v0;
	v15 =	vor.u32 $0xD, v0;
	v16 =	vor.u32 $0xE, v0  }
0xc: {  	s24 =	simm.s32 $0x8800;
	s25 =	simm.s32 $0x0;
	s4 =	sor.u32 s1, s4;
	v17 =	vor.u32 $0xF, v0;
	v18 =	vor.u32 $0x100, v0;
	v19 =	vor.u32 $0x101, v0  }
0xd: {  	s1 =	ssub.s32 $0x2, s1;
	s5 =	sshll.u32 s4, $0x6;
	s4 =	sshll.u32 s4, $0xC;
	v20 =	vor.u32 $0x102, v0;
	v21 =	vor.u32 $0x103, v0;
	v22 =	vor.u32 $0x104, v0  }
0xe: {  	s6 =	sshrl.u32 s1, $0x1;
	s3 =	sadd.s32 $0x1A00, s0;
	s5 =	sadd.s32 s5, s0;
	v24 =	vor.u32 $0x105, v0;
	v25 =	vor.u32 $0x106, v0;
	v26 =	vor.u32 $0x107, v0;
	v23 =	vpop (erf)  }
0xf: {  	s0 =	sadd.s32 s4, s0;
	s1 =	ssub.s32 s1, s6;
	s4 =	sadd.s32 $0x12200, s5;
	v28 =	vor.u32 $0x108, v0;
	v29 =	vor.u32 $0x109, v0;
	v30 =	vor.u32 $0x10A, v0;
	v27 =	vpop (erf)  }
0x10: {  	s5 =	sadd.s32 $0x11A00, s5;
	s6 =	sadd.s32 $0x12A00, s0;
	s7 =	smax.u32 s1, $0x1;
	v32 =	vor.u32 $0x10B, v0;
	v33 =	vor.u32 $0x10C, v0;
	v34 =	vor.u32 $0x10D, v0;
	[tilespmem:$0x1FFF0] =	vst v3;
	v31 =	vpop (erf)  }
.LBB2_1:
0x11: {  	[tilespmem:s2], [sflag:$0x5] =	stream.linear.gather [hbm4b:s4+s2], $0x200, $0x38;
	[tilespmem:$0x10800] =	vst v63  }
0x12: {  	_ =	swait.ge [sflag:s8], $0x200  }
0x13: {  	[sflag:s8] =	ssyncset.done $0x0  }
0x14: {  	[sflag:s8] =	ssyncadd.s32 $0xFFFFFE00  }
0x15: {  	[tilespmem:s9], [sflag:$0x5] =	stream.linear.gather [hbm4b:s5+s2], $0x200, $0x38;
	[tilespmem:$0x10800] =	vst v63  }
0x16: {  	_ =	swait.ge [sflag:s8], $0x200  }
0x17: {  	[sflag:s8] =	ssyncset.done $0x0  }
0x18: {  	[sflag:s8] =	ssyncadd.s32 $0xFFFFFE00  }
0x19: {  	v35 =	vld [tilespmem:$0x0];
	_ =	sdelay $0x4  }
0x1a: {  	v36 =	vld [tilespmem:$0x200];
	v35 =	vmul.f32 v35, v23;
	_ =	sdelay $0x1  }
0x1b: {  	v35 =	vmul.f32 v35, v27;
	_ =	sdelay $0x1  }
0x1c: {  	v35 =	vadd.f32 v35, v35  }
0x1d: {  	v36 =	vmul.f32 v36, v23  }
0x1e: {  	v35 =	vadd.f32 $-1.000000000e+00, v35  }
0x1f: {  	v36 =	vmul.f32 v36, v27  }
0x20: {  	v35 =	vadd.f32 $1.000000000e+00, v35  }
0x21: {  	v36 =	vadd.f32 v36, v36  }
0x22: {  	v35 =	vmul.f32 $6.400000000e+01, v35  }
0x23: {  	v36 =	vadd.f32 $-1.000000000e+00, v36  }
0x24: {  	v35 =	vadd.f32 $-1.000000000e+00, v35  }
0x25: {  	v36 =	vadd.f32 $1.000000000e+00, v36  }
0x26: {  	v35 =	vmul.f32 v35, v31  }
0x27: {  	v36 =	vmul.f32 $6.400000000e+01, v36  }
0x28: {  	v37 =	vtrunc.f32 v35  }
0x29: {  	v36 =	vadd.f32 $-1.000000000e+00, v36;
	v38 =	vcvt.f32.s32 v37;
	vm0 =	vlt.f32 v35, v37  }
0x2a: {  	v37 =	vsel vm0, $0xFFFFFFFF, v2  }
0x2b: {  	v36 =	vmul.f32 v36, v31;
	v37 =	vadd.s32 v38, v37  }
0x2c: {  	v38 =	vcvt.s32.f32 v37  }
0x2d: {  	v55 =	vtrunc.f32 v36  }
0x2e: {  	v40 =	vcvt.f32.s32 v55;
	v38 =	vsub.f32 v35, v38  }
0x2f: {  	vm12 =	vlt.f32 v36, v55;
	v54 =	vadd.s32 $0xFFFFFFFF, v37;
	vm14 =	vlt.u32 v37, $0x40  }
0x30: {  	vm15 =	vgt.s32 v37, $0x0;
	v35 =	vsel vm12, $0xFFFFFFFF, v2;
	v39 =	vadd.f32 $1.000000000e+00, v38  }
0x31: {  	v35 =	vadd.s32 v40, v35;
	v43 =	vsub.f32 $1.000000000e+00, v38;
	v44 =	vmul.f32 v38, v38  }
0x32: {  	v42 =	vcvt.s32.f32 v35;
	v45 =	vsub.f32 $2.000000000e+00, v38;
	v41 =	vmul.f32 v39, v39  }
0x33: {  	vm13 =	vgt.s32 v54, $0x0;
	v38 =	vmul.f32 v44, v38;
	v57 =	vmul.f32 v43, v43  }
0x34: {  	vm1 =	vlt.u32 v54, $0x40;
	v58 =	vmul.f32 v45, v45;
	v59 =	vmul.f32 $2.250000000e+00, v44  }
0x35: {  	v55 =	vsel vm1, $0x3F800000, v2;
	v63 =	vmul.f32 $6.000000000e+00, v45;
	v56 =	vmul.f32 v41, v39  }
0x36: {  	v36 =	vsub.f32 v36, v42;
	v41 =	vmul.f32 $3.750000000e+00, v41;
	v39 =	vmul.f32 $6.000000000e+00, v39  }
0x37: {  	vm10 =	vgt.s32 v35, $0x0;
	v38 =	vmul.f32 $1.250000000e+00, v38;
	v43 =	vmul.f32 v57, v43  }
0x38: {  	v46 =	vadd.f32 $1.000000000e+00, v36;
	v60 =	vmul.f32 v58, v45;
	v61 =	vmul.f32 $2.250000000e+00, v57  }
0x39: {  	vm11 =	vlt.u32 v35, $0x40;
	v48 =	vmul.f32 v36, v36;
	v40 =	vmul.f32 $-7.500000000e-01, v56  }
0x3a: {  	v52 =	vsub.f32 $1.000000000e+00, v36;
	v43 =	vmul.f32 $1.250000000e+00, v43;
	v47 =	vmul.f32 v46, v46  }
0x3b: {  	v44 =	vmul.f32 $-7.500000000e-01, v60;
	v38 =	vsub.f32 v38, v59;
	v50 =	vmul.f32 v48, v36  }
0x3c: {  	v51 =	vmul.f32 $6.000000000e+00, v46;
	v45 =	vmul.f32 $2.250000000e+00, v48;
	v36 =	vsub.f32 $2.000000000e+00, v36  }
0x3d: {  	v56 =	vsel vm14, $0x3F800000, v2;
	v48 =	vnsel vm15, $0x0, v37;
	v40 =	vadd.f32 v41, v40  }
0x3e: {  	v48 =	vmin.u32 v48, $0x3F;
	v41 =	vmul.f32 $3.750000000e+00, v58;
	v62 =	vmul.f32 v47, v46  }
0x3f: {  	v49 =	vmul.f32 $3.750000000e+00, v47;
	v38 =	vadd.f32 $1.000000000e+00, v38;
	v39 =	vsub.f32 v40, v39  }
0x40: {  	v41 =	vadd.f32 v41, v44;
	v40 =	vsub.f32 v43, v61;
	v42 =	vmul.f32 $-7.500000000e-01, v62  }
0x41: {  	v44 =	vmul.f32 $1.250000000e+00, v50;
	v50 =	vadd.s32 $0xFFFFFFFF, v35;
	v38 =	vmul.f32 v56, v38  }
0x42: {  	vm5 =	vgt.s32 v50, $0x0;
	v39 =	vadd.f32 $3.000000000e+00, v39;
	v41 =	vsub.f32 v41, v63  }
0x43: {  	vm7 =	vlt.u32 v50, $0x40;
	v40 =	vadd.f32 $1.000000000e+00, v40;
	v42 =	vadd.f32 v49, v42  }
0x44: {  	v53 =	vsub.f32 v44, v45;
	v45 =	vmul.f32 v52, v52;
	v44 =	vnsel vm13, $0x0, v54  }
0x45: {  	v49 =	vadd.s32 $0x1, v37;
	v37 =	vadd.s32 $0x2, v37;
	v44 =	vmin.u32 v44, $0x3F  }
0x46: {  	vm4 =	vlt.u32 v49, $0x40;
	vm6 =	vgt.s32 v49, $0x0;
	v42 =	vsub.f32 v42, v51  }
0x47: {  	vm8 =	vlt.u32 v37, $0x40;
	vm9 =	vgt.s32 v37, $0x0;
	v41 =	vadd.f32 $3.000000000e+00, v41  }
0x48: {  	v3 =	vld [tilespmem:$0x1FFF0];
	v43 =	vadd.f32 $1.000000000e+00, v53;
	v51 =	vnsel vm5, $0x0, v50;
	v42 =	vadd.f32 $3.000000000e+00, v42  }
0x49: {  	v46 =	vmul.f32 v45, v52;
	v50 =	vsel vm7, $0x3F800000, v2;
	v51 =	vmin.u32 v51, $0x3F  }
0x4a: {  	v39 =	vmul.f32 v55, v39;
	v51 =	vshll.u32 v51, $0x6;
	v42 =	vmul.f32 v50, v42  }
0x4b: {  	v57 =	vsel vm4, $0x3F800000, v2;
	v49 =	vnsel vm6, $0x0, v49;
	v58 =	vor.u32 v1, v51  }
0x4c: {  	v52 =	vsel vm8, $0x3F800000, v2;
	v59 =	vor.u32 v44, v58;
	v60 =	vmul.f32 v42, v39  }
0x4d: {  	v37 =	vnsel vm9, $0x0, v37;
	v45 =	vmul.f32 $2.250000000e+00, v45;
	v40 =	vmul.f32 v57, v40;
	[tilespmem:$0x400] =	vst v59  }
0x4e: {  	v55 =	vadd.s32 $0x1, v35;
	v61 =	vor.u32 v48, v58;
	v62 =	vmul.f32 v42, v38;
	[tilespmem:v0+s10+$0x0] =	vst.idx.msk $0xffff, v60  }
0x4f: {  	v49 =	vmin.u32 v49, $0x3F;
	v37 =	vmin.u32 v37, $0x3F;
	v41 =	vmul.f32 v52, v41;
	[tilespmem:$0x410] =	vst v61  }
0x50: {  	v57 =	vnsel vm10, $0x0, v35;
	v63 =	vor.u32 v49, v58;
	v56 =	vmul.f32 v42, v40;
	[tilespmem:v3+s10+$0x0] =	vst.idx.msk $0xffff, v62  }
0x51: {  	v52 =	vmin.u32 v57, $0x3F;
	v47 =	vor.u32 v37, v58;
	v58 =	vsel vm11, $0x3F800000, v2;
	[tilespmem:$0x420] =	vst v63  }
0x52: {  	v59 =	vshll.u32 v52, $0x6;
	v43 =	vmul.f32 v58, v43;
	v42 =	vmul.f32 v42, v41;
	[tilespmem:v4+s10+$0x0] =	vst.idx.msk $0xffff, v56  }
0x53: {  	vm12 =	vlt.u32 v55, $0x40;
	v46 =	vmul.f32 $1.250000000e+00, v46;
	v60 =	vor.u32 v1, v59;
	[tilespmem:$0x430] =	vst v47  }
0x54: {  	vm13 =	vgt.s32 v55, $0x0;
	v50 =	vmul.f32 v39, v43;
	v61 =	vor.u32 v44, v60;
	[tilespmem:v5+s10+$0x0] =	vst.idx.msk $0xffff, v42  }
0x55: {  	v51 =	vnsel vm13, $0x0, v55;
	v45 =	vsub.f32 v46, v45;
	v54 =	vmul.f32 v43, v38;
	[tilespmem:$0x440] =	vst v61  }
0x56: {  	v51 =	vmin.u32 v51, $0x3F;
	v62 =	vmul.f32 v36, v36;
	v63 =	vor.u32 v48, v60;
	[tilespmem:v6+s10+$0x0] =	vst.idx.msk $0xffff, v50  }
0x57: {  	v59 =	vmul.f32 v40, v43;
	v43 =	vmul.f32 v41, v43;
	v58 =	vor.u32 v49, v60;
	[tilespmem:$0x450] =	vst v63  }
0x58: {  	v45 =	vadd.f32 $1.000000000e+00, v45;
	v60 =	vor.u32 v37, v60;
	v57 =	vmul.f32 v62, v36;
	[tilespmem:v7+s10+$0x0] =	vst.idx.msk $0xffff, v54  }
0x59: {  	v56 =	vsel vm12, $0x3F800000, v2;
	v46 =	vmul.f32 $3.750000000e+00, v62;
	v61 =	vshll.u32 v51, $0x6;
	[tilespmem:$0x460] =	vst v58  }
0x5a: {  	v42 =	vmul.f32 v56, v45;
	v50 =	vmul.f32 $-7.500000000e-01, v57;
	v62 =	vor.u32 v1, v61;
	[tilespmem:v8+s10+$0x0] =	vst.idx.msk $0xffff, v59  }
0x5b: {  	v63 =	vor.u32 v44, v62;
	[tilespmem:$0x470] =	vst v60  }
0x5c: {  	v36 =	vmul.f32 $6.000000000e+00, v36;
	v46 =	vadd.f32 v46, v50;
	v50 =	vmul.f32 v39, v42;
	[tilespmem:v9+s10+$0x0] =	vst.idx.msk $0xffff, v43  }
0x5d: {  	v35 =	vadd.s32 $0x2, v35;
	v52 =	vmul.f32 v42, v38;
	[tilespmem:$0x480] =	vst v63  }
0x5e: {  	vm14 =	vgt.s32 v35, $0x0;
	v51 =	vor.u32 v48, v62;
	v36 =	vsub.f32 v46, v36;
	[tilespmem:v10+s10+$0x0] =	vst.idx.msk $0xffff, v50  }
0x5f: {  	vm15 =	vlt.u32 v35, $0x40;
	v55 =	vnsel vm14, $0x0, v35;
	[tilespmem:$0x490] =	vst v51  }
0x60: {  	v53 =	vor.u32 v49, v62;
	v54 =	vmul.f32 v42, v40;
	v36 =	vadd.f32 $3.000000000e+00, v36;
	[tilespmem:v11+s10+$0x0] =	vst.idx.msk $0xffff, v52  }
0x61: {  	v57 =	vsel vm15, $0x3F800000, v2;
	v56 =	vor.u32 v37, v62;
	v58 =	vmin.u32 v55, $0x3F;
	[tilespmem:$0x4A0] =	vst v53  }
0x62: {  	v42 =	vmul.f32 v41, v42;
	v45 =	vshll.u32 v58, $0x6;
	v36 =	vmul.f32 v57, v36;
	[tilespmem:v12+s10+$0x0] =	vst.idx.msk $0xffff, v54  }
0x63: {  	v59 =	vor.u32 v1, v45;
	[tilespmem:$0x4B0] =	vst v56  }
0x64: {  	v60 =	vor.u32 v44, v59;
	v39 =	vmul.f32 v36, v39;
	[tilespmem:v13+s10+$0x0] =	vst.idx.msk $0xffff, v42  }
0x65: {  	[tilespmem:$0x4C0] =	vst v60  }
0x66: {  	v61 =	vor.u32 v48, v59;
	v38 =	vmul.f32 v36, v38;
	[tilespmem:v14+s10+$0x0] =	vst.idx.msk $0xffff, v39  }
0x67: {  	[tilespmem:$0x4D0] =	vst v61  }
0x68: {  	v62 =	vor.u32 v49, v59;
	v63 =	vmul.f32 v36, v40;
	[tilespmem:v15+s10+$0x0] =	vst.idx.msk $0xffff, v38  }
0x69: {  	[tilespmem:$0x4E0] =	vst v62  }
0x6a: {  	v35 =	vor.u32 v37, v59;
	v36 =	vmul.f32 v36, v41;
	[tilespmem:v16+s10+$0x0] =	vst.idx.msk $0xffff, v63  }
0x6b: {  	[tilespmem:$0x4F0] =	vst v35  }
0x6c: {  	[tilespmem:v17+s10+$0x0] =	vst.idx.msk $0xffff, v36  }
0x6d: {  	[tilespmem:s13], [sflag:$0x1] =	stream.indirect.gather [hbm4b:s3+s11], $0x40, s12, s11, $0xb8;
	[tilespmem:$0x10800] =	vst v63  }
0x6e: {  	s26 =	simm.s32 $0x8830;
	s28 =	simm.s32 $0x8C00;
	s29 =	simm.s32 $0x0  }
0x6f: {  	[tilespmem:s15], [sflag:$0x2] =	stream.indirect.gather [hbm4b:s3+s11], $0x40, s14, s11, $0xb8;
	[tilespmem:$0x10800] =	vst v63  }
.LBB2_2:
0x70: {  	s30 =	sshll.u32 s29, $0x5  }
0x71: {  	v35 =	vld [tilespmem:s30+$0x10];
	_ =	sdelay $0x4  }
0x72: {  	v36 =	vld [tilespmem:s30+$0x210];
	v35 =	vmul.f32 v35, v23;
	_ =	sdelay $0x1  }
0x73: {  	v35 =	vmul.f32 v35, v27;
	_ =	sdelay $0x1  }
0x74: {  	v35 =	vadd.f32 v35, v35  }
0x75: {  	v36 =	vmul.f32 v36, v23  }
0x76: {  	v35 =	vadd.f32 $-1.000000000e+00, v35  }
0x77: {  	v36 =	vmul.f32 v36, v27  }
0x78: {  	v35 =	vadd.f32 $1.000000000e+00, v35  }
0x79: {  	v36 =	vadd.f32 v36, v36  }
0x7a: {  	v35 =	vmul.f32 $6.400000000e+01, v35  }
0x7b: {  	v36 =	vadd.f32 $-1.000000000e+00, v36  }
0x7c: {  	v35 =	vadd.f32 $-1.000000000e+00, v35  }
0x7d: {  	v36 =	vadd.f32 $1.000000000e+00, v36  }
0x7e: {  	v35 =	vmul.f32 v35, v31  }
0x7f: {  	v36 =	vmul.f32 $6.400000000e+01, v36  }
0x80: {  	v37 =	vtrunc.f32 v35  }
0x81: {  	v36 =	vadd.f32 $-1.000000000e+00, v36;
	v38 =	vcvt.f32.s32 v37;
	vm0 =	vlt.f32 v35, v37  }
0x82: {  	v37 =	vsel vm0, $0xFFFFFFFF, v2  }
0x83: {  	v36 =	vmul.f32 v36, v31;
	v37 =	vadd.s32 v38, v37  }
0x84: {  	v38 =	vcvt.s32.f32 v37  }
0x85: {  	v53 =	vtrunc.f32 v36  }
0x86: {  	v40 =	vcvt.f32.s32 v53;
	v38 =	vsub.f32 v35, v38  }
0x87: {  	vm12 =	vlt.f32 v36, v53;
	v52 =	vadd.s32 $0xFFFFFFFF, v37;
	vm14 =	vlt.u32 v37, $0x40  }
0x88: {  	vm15 =	vgt.s32 v37, $0x0;
	v35 =	vsel vm12, $0xFFFFFFFF, v2;
	v39 =	vadd.f32 $1.000000000e+00, v38  }
0x89: {  	v35 =	vadd.s32 v40, v35;
	v43 =	vsub.f32 $1.000000000e+00, v38;
	v44 =	vmul.f32 v38, v38  }
0x8a: {  	v42 =	vcvt.s32.f32 v35;
	v45 =	vsub.f32 $2.000000000e+00, v38;
	v41 =	vmul.f32 v39, v39  }
0x8b: {  	vm13 =	vgt.s32 v52, $0x0;
	v38 =	vmul.f32 v44, v38;
	v55 =	vmul.f32 v43, v43  }
0x8c: {  	vm1 =	vlt.u32 v52, $0x40;
	v56 =	vmul.f32 v45, v45;
	v57 =	vmul.f32 $2.250000000e+00, v44  }
0x8d: {  	v53 =	vsel vm1, $0x3F800000, v2;
	v61 =	vmul.f32 $6.000000000e+00, v45;
	v54 =	vmul.f32 v41, v39  }
0x8e: {  	v36 =	vsub.f32 v36, v42;
	v41 =	vmul.f32 $3.750000000e+00, v41;
	v39 =	vmul.f32 $6.000000000e+00, v39  }
0x8f: {  	vm10 =	vgt.s32 v35, $0x0;
	v38 =	vmul.f32 $1.250000000e+00, v38;
	v43 =	vmul.f32 v55, v43  }
0x90: {  	v46 =	vadd.f32 $1.000000000e+00, v36;
	v58 =	vmul.f32 v56, v45;
	v59 =	vmul.f32 $2.250000000e+00, v55  }
0x91: {  	vm11 =	vlt.u32 v35, $0x40;
	v62 =	vmul.f32 v36, v36;
	v40 =	vmul.f32 $-7.500000000e-01, v54  }
0x92: {  	v50 =	vsub.f32 $1.000000000e+00, v36;
	v43 =	vmul.f32 $1.250000000e+00, v43;
	v47 =	vmul.f32 v46, v46  }
0x93: {  	v44 =	vmul.f32 $-7.500000000e-01, v58;
	v38 =	vsub.f32 v38, v57;
	v48 =	vmul.f32 v62, v36  }
0x94: {  	v49 =	vmul.f32 $6.000000000e+00, v46;
	v45 =	vmul.f32 $2.250000000e+00, v62;
	v40 =	vadd.f32 v41, v40  }
0x95: {  	v54 =	vsel vm14, $0x3F800000, v2;
	v41 =	vmul.f32 $3.750000000e+00, v56;
	v60 =	vmul.f32 v47, v46  }
0x96: {  	v63 =	vmul.f32 $3.750000000e+00, v47;
	v38 =	vadd.f32 $1.000000000e+00, v38;
	v39 =	vsub.f32 v40, v39  }
0x97: {  	v41 =	vadd.f32 v41, v44;
	v40 =	vsub.f32 v43, v59;
	v42 =	vmul.f32 $-7.500000000e-01, v60  }
0x98: {  	v44 =	vmul.f32 $1.250000000e+00, v48;
	v48 =	vnsel vm15, $0x0, v37;
	v39 =	vadd.f32 $3.000000000e+00, v39  }
0x99: {  	v38 =	vmul.f32 v54, v38;
	v41 =	vsub.f32 v41, v61;
	v40 =	vadd.f32 $1.000000000e+00, v40  }
0x9a: {  	v48 =	vmin.u32 v48, $0x3F;
	v42 =	vadd.f32 v63, v42;
	v51 =	vsub.f32 v44, v45  }
0x9b: {  	v45 =	vmul.f32 v50, v50;
	v44 =	vnsel vm13, $0x0, v52;
	v63 =	vnsel vm10, $0x0, v35  }
0x9c: {  	v44 =	vmin.u32 v44, $0x3F;
	v41 =	vadd.f32 $3.000000000e+00, v41;
	v42 =	vsub.f32 v42, v49  }
0x9d: {  	v43 =	vadd.f32 $1.000000000e+00, v51;
	v46 =	vmul.f32 v45, v50;
	v39 =	vmul.f32 v53, v39  }
0x9e: {  	v49 =	vadd.s32 $0x1, v37;
	v50 =	vadd.s32 $0xFFFFFFFF, v35;
	v37 =	vadd.s32 $0x2, v37  }
0x9f: {  	v45 =	vmul.f32 $2.250000000e+00, v45;
	vm4 =	vlt.u32 v49, $0x40;
	vm5 =	vgt.s32 v50, $0x0  }
0xa0: {  	vm7 =	vlt.u32 v50, $0x40;
	v42 =	vadd.f32 $3.000000000e+00, v42;
	v51 =	vnsel vm5, $0x0, v50  }
0xa1: {  	vm6 =	vgt.s32 v49, $0x0;
	v50 =	vsel vm7, $0x3F800000, v2;
	v51 =	vmin.u32 v51, $0x3F  }
0xa2: {  	vm8 =	vlt.u32 v37, $0x40;
	v51 =	vshll.u32 v51, $0x6;
	v42 =	vmul.f32 v50, v42  }
0xa3: {  	vm9 =	vgt.s32 v37, $0x0;
	v55 =	vsel vm4, $0x3F800000, v2;
	v56 =	vor.u32 v1, v51  }
0xa4: {  	v49 =	vnsel vm6, $0x0, v49;
	v57 =	vor.u32 v44, v56;
	v58 =	vmul.f32 v42, v39  }
0xa5: {  	s31 =	simm.s32 $0x8600;
	v52 =	vsel vm8, $0x3F800000, v2;
	v37 =	vnsel vm9, $0x0, v37;
	v40 =	vmul.f32 v55, v40;
	[tilespmem:$0x500] =	vst v57  }
0xa6: {  	v49 =	vmin.u32 v49, $0x3F;
	v59 =	vor.u32 v48, v56;
	v60 =	vmul.f32 v42, v38;
	[tilespmem:v18+s31+$0x0] =	vst.idx.msk $0xffff, v58  }
0xa7: {  	v37 =	vmin.u32 v37, $0x3F;
	v41 =	vmul.f32 v52, v41;
	v61 =	vor.u32 v49, v56;
	[tilespmem:$0x510] =	vst v59  }
0xa8: {  	v62 =	vmul.f32 v42, v40;
	v47 =	vor.u32 v37, v56;
	v56 =	vsel vm11, $0x3F800000, v2;
	[tilespmem:v19+s31+$0x0] =	vst.idx.msk $0xffff, v60  }
0xa9: {  	v46 =	vmul.f32 $1.250000000e+00, v46;
	v52 =	vmin.u32 v63, $0x3F;
	v43 =	vmul.f32 v56, v43;
	[tilespmem:$0x520] =	vst v61  }
0xaa: {  	v36 =	vsub.f32 $2.000000000e+00, v36;
	v42 =	vmul.f32 v42, v41;
	v57 =	vshll.u32 v52, $0x6;
	[tilespmem:v20+s31+$0x0] =	vst.idx.msk $0xffff, v62  }
0xab: {  	v45 =	vsub.f32 v46, v45;
	v50 =	vmul.f32 v39, v43;
	[tilespmem:$0x530] =	vst v47;
	v47 =	vor.u32 v1, v57  }
0xac: {  	v59 =	vmul.f32 v36, v36;
	[tilespmem:v21+s31+$0x0] =	vst.idx.msk $0xffff, v42;
	v58 =	vor.u32 v44, v47  }
0xad: {  	v45 =	vadd.f32 $1.000000000e+00, v45;
	v61 =	vmul.f32 v43, v38;
	v62 =	vadd.s32 $0x1, v35;
	[tilespmem:$0x540] =	vst v58  }
0xae: {  	v56 =	vmul.f32 v59, v36;
	vm12 =	vlt.u32 v62, $0x40;
	v60 =	vor.u32 v48, v47;
	[tilespmem:v22+s31+$0x0] =	vst.idx.msk $0xffff, v50  }
0xaf: {  	v46 =	vmul.f32 $3.750000000e+00, v59;
	vm13 =	vgt.s32 v62, $0x0;
	v63 =	vsel vm12, $0x3F800000, v2;
	[tilespmem:$0x550] =	vst v60  }
0xb0: {  	v51 =	vnsel vm13, $0x0, v62;
	v57 =	vor.u32 v49, v47;
	v58 =	vmul.f32 v40, v43;
	[tilespmem:v24+s31+$0x0] =	vst.idx.msk $0xffff, v61  }
0xb1: {  	v59 =	vor.u32 v37, v47;
	v42 =	vmul.f32 v63, v45;
	v51 =	vmin.u32 v51, $0x3F;
	[tilespmem:$0x560] =	vst v57  }
0xb2: {  	v43 =	vmul.f32 v41, v43;
	v50 =	vmul.f32 $-7.500000000e-01, v56;
	v60 =	vshll.u32 v51, $0x6;
	[tilespmem:v25+s31+$0x0] =	vst.idx.msk $0xffff, v58  }
0xb3: {  	v63 =	vmul.f32 v39, v42;
	v61 =	vor.u32 v1, v60;
	[tilespmem:$0x570] =	vst v59  }
0xb4: {  	v36 =	vmul.f32 $6.000000000e+00, v36;
	v46 =	vadd.f32 v46, v50;
	v62 =	vor.u32 v44, v61;
	[tilespmem:v26+s31+$0x0] =	vst.idx.msk $0xffff, v43  }
0xb5: {  	v35 =	vadd.s32 $0x2, v35;
	v51 =	vmul.f32 v42, v38;
	[tilespmem:$0x580] =	vst v62  }
0xb6: {  	vm14 =	vgt.s32 v35, $0x0;
	v50 =	vor.u32 v48, v61;
	v36 =	vsub.f32 v46, v36;
	[tilespmem:v28+s31+$0x0] =	vst.idx.msk $0xffff, v63  }
0xb7: {  	vm15 =	vlt.u32 v35, $0x40;
	v54 =	vnsel vm14, $0x0, v35;
	[tilespmem:$0x590] =	vst v50  }
0xb8: {  	v53 =	vmul.f32 v42, v40;
	v52 =	vor.u32 v49, v61;
	v36 =	vadd.f32 $3.000000000e+00, v36;
	[tilespmem:v29+s31+$0x0] =	vst.idx.msk $0xffff, v51  }
0xb9: {  	v56 =	vsel vm15, $0x3F800000, v2;
	v42 =	vmul.f32 v41, v42;
	v57 =	vmin.u32 v54, $0x3F;
	[tilespmem:$0x5A0] =	vst v52  }
0xba: {  	v55 =	vor.u32 v37, v61;
	v45 =	vshll.u32 v57, $0x6;
	v36 =	vmul.f32 v56, v36;
	[tilespmem:v30+s31+$0x0] =	vst.idx.msk $0xffff, v53  }
0xbb: {  	v58 =	vor.u32 v1, v45;
	[tilespmem:$0x5B0] =	vst v55  }
0xbc: {  	v59 =	vor.u32 v44, v58;
	v39 =	vmul.f32 v36, v39;
	[tilespmem:v32+s31+$0x0] =	vst.idx.msk $0xffff, v42  }
0xbd: {  	v60 =	vor.u32 $0x10E, v0;
	[tilespmem:$0x5C0] =	vst v59  }
0xbe: {  	v61 =	vor.u32 v48, v58;
	v38 =	vmul.f32 v36, v38;
	[tilespmem:v33+s31+$0x0] =	vst.idx.msk $0xffff, v39  }
0xbf: {  	v62 =	vor.u32 $0x10F, v0;
	[tilespmem:$0x5D0] =	vst v61  }
0xc0: {  	v63 =	vor.u32 v49, v58;
	v40 =	vmul.f32 v36, v40;
	[tilespmem:v34+s31+$0x0] =	vst.idx.msk $0xffff, v38  }
0xc1: {  	[tilespmem:$0x5E0] =	vst v63  }
0xc2: {  	v35 =	vor.u32 v37, v58;
	v36 =	vmul.f32 v36, v41;
	[tilespmem:v60+s31+$0x0] =	vst.idx.msk $0xffff, v40  }
0xc3: {  	[tilespmem:$0x5F0] =	vst v35  }
0xc4: {  	[tilespmem:v62+s31+$0x0] =	vst.idx.msk $0xffff, v36  }
0xc5: {  	[tilespmem:s17], [sflag:$0x3] =	stream.indirect.gather [hbm4b:s3+s11], $0x40, s16, s11, $0xb8;
	[tilespmem:$0x10800] =	vst v63  }
0xc6: {  	_ = 	snop  }
0xc7: {  	[tilespmem:s19], [sflag:$0x4] =	stream.indirect.gather [hbm4b:s3+s11], $0x40, s18, s11, $0xb8;
	[tilespmem:$0x10800] =	vst v63  }
0xc8: {  	_ =	swait.ge [sflag:s20], $0x2000  }
0xc9: {  	[sflag:s20] =	ssyncset.done $0x0  }
0xca: {  	[sflag:s20] =	ssyncadd.s32 $0xFFFFE000  }
0xcb: {  	_ =	swait.ge [sflag:s21], $0x2000  }
0xcc: {  	[sflag:s21] =	ssyncset.done $0x0  }
0xcd: {  	s0 =	simm.s32 $0x0;
	v35 =	vmov s26;
	[sflag:s21] =	ssyncadd.s32 $0xFFFFE000  }
.LBB2_3:
0xce: {  	v36 =	vld [tilespmem:s31+$0x0];
	s1 =	sshra.s32 s0, $0x2  }
0xcf: {  	v37 =	vld [tilespmem:s1+$0x600]  }
0xd0: {  	v38 =	vld [tilespmem:s1+$0x610]  }
0xd1: {  	v39 =	vld [tilespmem:s1+$0x620]  }
0xd2: {  	v40 =	vld [tilespmem:s1+$0x630]  }
0xd3: {  	v41 =	vld [tilespmem:s1+$0xA00]  }
0xd4: {  	v42 =	vld [tilespmem:s1+$0xA10]  }
0xd5: {  	v43 =	vld [tilespmem:s1+$0xA20]  }
0xd6: {  	v44 =	vld [tilespmem:s1+$0xA30]  }
0xd7: {  	v45 =	vld [tilespmem:s1+$0xE00]  }
0xd8: {  	v46 =	vld [tilespmem:s1+$0xE10]  }
0xd9: {  	v47 =	vld [tilespmem:s1+$0xE20]  }
0xda: {  	v48 =	vld [tilespmem:s1+$0xE30]  }
0xdb: {  	v49 =	vld [tilespmem:s1+$0x1200]  }
0xdc: {  	v50 =	vld [tilespmem:s1+$0x1210]  }
0xdd: {  	v51 =	vld [tilespmem:s1+$0x1220]  }
0xde: {  	v52 =	vld [tilespmem:s1+$0x1230]  }
0xdf: {  	v53 =	vld [tilespmem:s1+$0x1600]  }
0xe0: {  	v54 =	vld [tilespmem:s1+$0x1610]  }
0xe1: {  	v55 =	vld [tilespmem:s1+$0x1620]  }
0xe2: {  	v57 =	vld [tilespmem:s1+$0x1630];
	v56 =	vbroadcast v36, $0x0  }
0xe3: {  	v58 =	vld [tilespmem:s1+$0x1A00];
	v60 =	vbroadcast v36, $0x1;
	v63 =	vbroadcast v36, $0x2  }
0xe4: {  	v59 =	vld [tilespmem:s1+$0x1A10];
	v37 =	vmul.f32 v37, v56;
	v38 =	vmul.f32 v38, v56  }
0xe5: {  	v61 =	vld [tilespmem:s1+$0x1A20];
	v39 =	vmul.f32 v39, v56;
	v40 =	vmul.f32 v40, v56  }
0xe6: {  	v62 =	vld [tilespmem:s1+$0x1E00];
	v41 =	vmul.f32 v41, v60;
	v37 =	vadd.f32 $0.0e+00, v37;
	v38 =	vadd.f32 $0.0e+00, v38  }
0xe7: {  	v3 =	vld [tilespmem:s1+$0x1E10];
	v42 =	vmul.f32 v42, v60;
	v39 =	vadd.f32 $0.0e+00, v39;
	v40 =	vadd.f32 $0.0e+00, v40  }
0xe8: {  	v56 =	vld [tilespmem:s1+$0x1A30];
	v37 =	vadd.f32 v41, v37;
	v41 =	vmul.f32 v43, v60;
	v43 =	vmul.f32 v44, v60  }
0xe9: {  	v44 =	vld [tilespmem:s1+$0x1E20];
	v38 =	vadd.f32 v42, v38;
	v42 =	vmul.f32 v45, v63;
	v45 =	vmul.f32 v46, v63  }
0xea: {  	v46 =	vld [tilespmem:s1+$0x1E30];
	v39 =	vadd.f32 v41, v39;
	v41 =	vmul.f32 v47, v63;
	v47 =	vbroadcast v36, $0x3  }
0xeb: {  	v48 =	vmul.f32 v48, v63;
	v60 =	vld [tilespmem:s1+$0x2200];
	v40 =	vadd.f32 v43, v40  }
0xec: {  	v37 =	vadd.f32 v42, v37;
	v43 =	vld [tilespmem:s1+$0x2210];
	v38 =	vadd.f32 v45, v38;
	v63 =	vmul.f32 v49, v47  }
0xed: {  	v45 =	vld [tilespmem:s1+$0x2220];
	v40 =	vadd.f32 v48, v40;
	v42 =	vmul.f32 v50, v47;
	v48 =	vbroadcast v36, $0x4  }
0xee: {  	v39 =	vadd.f32 v41, v39;
	v49 =	vld [tilespmem:s1+$0x2230];
	v37 =	vadd.f32 v63, v37;
	v63 =	vmul.f32 v51, v47  }
0xef: {  	v50 =	vld [tilespmem:s1+$0x2600];
	v47 =	vmul.f32 v52, v47;
	v38 =	vadd.f32 v42, v38;
	v42 =	vmul.f32 v53, v48  }
0xf0: {  	v41 =	vld [tilespmem:s1+$0x2E20];
	v51 =	vmul.f32 v54, v48;
	v53 =	vbroadcast v36, $0x5  }
0xf1: {  	v52 =	vld [tilespmem:s1+$0x2610];
	v57 =	vmul.f32 v57, v48;
	v39 =	vadd.f32 v63, v39;
	v63 =	vmul.f32 v55, v48  }
0xf2: {  	v54 =	vld [tilespmem:s1+$0x2620];
	v40 =	vadd.f32 v47, v40;
	v37 =	vadd.f32 v42, v37;
	v58 =	vmul.f32 v58, v53  }
0xf3: {  	v47 =	vld [tilespmem:s1+$0x2630];
	v38 =	vadd.f32 v51, v38;
	v42 =	vmul.f32 v59, v53;
	v51 =	vbroadcast v36, $0x6  }
0xf4: {  	v48 =	vld [tilespmem:s1+$0x2A00];
	v39 =	vadd.f32 v63, v39;
	v40 =	vadd.f32 v57, v40;
	v63 =	vmul.f32 v61, v53  }
0xf5: {  	v55 =	vld [tilespmem:s1+$0x2A10];
	v37 =	vadd.f32 v58, v37;
	v53 =	vmul.f32 v56, v53;
	v61 =	vmul.f32 v62, v51  }
0xf6: {  	v56 =	vld [tilespmem:s1+$0x2A20];
	v38 =	vadd.f32 v42, v38;
	v3 =	vmul.f32 v3, v51;
	v62 =	vmul.f32 v44, v51  }
0xf7: {  	v57 =	vld [tilespmem:s1+$0x2A30];
	v39 =	vadd.f32 v63, v39;
	v63 =	vbroadcast v36, $0x7;
	v40 =	vadd.f32 v53, v40  }
0xf8: {  	v58 =	vld [tilespmem:s1+$0x2E00];
	v37 =	vadd.f32 v61, v37;
	v53 =	vmul.f32 v46, v51;
	v3 =	vadd.f32 v3, v38  }
0xf9: {  	v46 =	vld [tilespmem:s1+$0x2E10];
	v61 =	vbroadcast v36, $0x8;
	v38 =	vadd.f32 v62, v39;
	v59 =	vmul.f32 v60, v63  }
0xfa: {  	v51 =	vld [tilespmem:s1+$0x2E30];
	v40 =	vadd.f32 v53, v40;
	v60 =	vmul.f32 v43, v63;
	v62 =	vmul.f32 v45, v63  }
0xfb: {  	v44 =	vmul.f32 v49, v63;
	v45 =	vld [tilespmem:s1+$0x3200];
	v63 =	vmul.f32 v50, v61;
	v37 =	vadd.f32 v59, v37  }
0xfc: {  	v50 =	vld [tilespmem:s1+$0x3210];
	v3 =	vadd.f32 v60, v3;
	v59 =	vmul.f32 v52, v61;
	v38 =	vadd.f32 v62, v38  }
0xfd: {  	v53 =	vld [tilespmem:s1+$0x3220];
	v60 =	vmul.f32 v54, v61;
	v52 =	vbroadcast v36, $0x9;
	v40 =	vadd.f32 v44, v40  }
0xfe: {  	v43 =	vld [tilespmem:s1+$0x3230];
	v61 =	vmul.f32 v47, v61;
	v37 =	vadd.f32 v63, v37;
	v3 =	vadd.f32 v59, v3  }
0xff: {  	v49 =	vld [tilespmem:s1+$0x3A30];
	v38 =	vadd.f32 v60, v38;
	v62 =	vmul.f32 v48, v52;
	v63 =	vmul.f32 v55, v52  }
0x100: {  	v44 =	vld [tilespmem:s1+$0x3600];
	v40 =	vadd.f32 v61, v40;
	v59 =	vbroadcast v36, $0xA;
	v60 =	vmul.f32 v56, v52  }
0x101: {  	v54 =	vld [tilespmem:s1+$0x3630];
	v61 =	vmul.f32 v57, v52;
	v57 =	vbroadcast v36, $0xB;
	v37 =	vadd.f32 v62, v37  }
0x102: {  	v48 =	vld [tilespmem:s1+$0x3610];
	v3 =	vadd.f32 v63, v3;
	v62 =	vmul.f32 v58, v59;
	v46 =	vmul.f32 v46, v59  }
0x103: {  	v52 =	vld [tilespmem:s1+$0x3620];
	v38 =	vadd.f32 v60, v38;
	v63 =	vmul.f32 v41, v59;
	v58 =	vmul.f32 v51, v59  }
0x104: {  	v47 =	vld [tilespmem:s1+$0x3A10];
	v40 =	vadd.f32 v61, v40;
	v59 =	vmul.f32 v45, v57;
	v60 =	vmul.f32 v50, v57  }
0x105: {  	v55 =	vld [tilespmem:s1+$0x3A00];
	v61 =	vbroadcast v36, $0xC;
	v41 =	vmul.f32 v43, v57;
	v37 =	vadd.f32 v62, v37  }
0x106: {  	v45 =	vld [tilespmem:s1+$0x3A20];
	v3 =	vadd.f32 v46, v3;
	v38 =	vadd.f32 v63, v38;
	v62 =	vmul.f32 v53, v57  }
0x107: {  	v42 =	vld [tilespmem:s1+$0x3E30];
	v40 =	vadd.f32 v58, v40;
	v63 =	vmul.f32 v44, v61;
	v58 =	vbroadcast v36, $0xD  }
0x108: {  	v43 =	vld [tilespmem:s1+$0x3E00];
	v56 =	vmul.f32 v48, v61;
	v57 =	vmul.f32 v52, v61  }
0x109: {  	v51 =	vld [tilespmem:s1+$0x3E20];
	v37 =	vadd.f32 v59, v37;
	v3 =	vadd.f32 v60, v3;
	v59 =	vmul.f32 v54, v61  }
0x10a: {  	v48 =	vld [tilespmem:s1+$0x3E10];
	v38 =	vadd.f32 v62, v38;
	v60 =	vmul.f32 v55, v58;
	v62 =	vmul.f32 v47, v58  }
0x10b: {  	v40 =	vadd.f32 v41, v40;
	v61 =	vld [tilespmem:s1+$0x4200];
	v54 =	vmul.f32 v49, v58;
	v53 =	vmul.f32 v45, v58  }
0x10c: {  	v52 =	vld [tilespmem:s1+$0x4210];
	v37 =	vadd.f32 v63, v37;
	v3 =	vadd.f32 v56, v3;
	v63 =	vbroadcast v36, $0xE  }
0x10d: {  	v55 =	vld [tilespmem:s1+$0x4220];
	v38 =	vadd.f32 v57, v38;
	v40 =	vadd.f32 v59, v40;
	v36 =	vbroadcast v36, $0xF  }
0x10e: {  	v57 =	vld [tilespmem:s1+$0x4230];
	v37 =	vadd.f32 v60, v37;
	v3 =	vadd.f32 v62, v3;
	v56 =	vmul.f32 v43, v63  }
0x10f: {  	v38 =	vadd.f32 v53, v38;
	v58 =	vadd.f32 v54, v40;
	v59 =	vmul.f32 v48, v63  }
0x110: {  	v60 =	vmul.f32 v51, v63;
	v44 =	vmul.f32 v61, v36;
	v37 =	vadd.f32 v56, v37  }
0x111: {  	v62 =	vmul.f32 v52, v36;
	v61 =	vmul.f32 v42, v63;
	v3 =	vadd.f32 v59, v3  }
0x112: {  	p0 =	sne.s32 s0, $0xF00;
	v63 =	vmul.f32 v55, v36;
	v38 =	vadd.f32 v60, v38;
	v37 =	vadd.f32 v44, v37  }
.Ltmp0:
0x113: {  	v39 =	vadd.f32 v61, v58;
	v36 =	vmul.f32 v57, v36;
	v3 =	vadd.f32 v62, v3;
	(pc) =	sbr.rel @p0 .LBB2_3-.Ltmp0, $4  }
0x114: {  	v38 =	vadd.f32 v63, v38;
	[tilespmem:v35+s1+$0xFFFFFFD0 ss:$0x1] =	vst.idx.msk $0xffff, v37  }
0x115: {  	v36 =	vadd.f32 v36, v39;
	[tilespmem:v35+s1+$0xFFFFFFE0 ss:$0x1] =	vst.idx.msk $0xffff, v3  }
0x116: {  	[tilespmem:v35+s1+$0xFFFFFFF0 ss:$0x1] =	vst.idx.msk $0xffff, v38  }
0x117: {  	s31 =	sadd.s32 $0x10, s31;
	s0 =	sadd.s32 $0x100, s0;
	[tilespmem:v35+s1+$0x0 ss:$0x1] =	vst.idx.msk $0xffff, v36  }
0x118: {  	p0 =	seq.s32 s29, $0xF  }
.Ltmp1:
0x119: {  	_ = 	snop;
	(pc) =	sbr.rel @p0 .LBB2_6-.Ltmp1, $1  }
0x11a: {  	_ =	sdelay $0x3  }
0x11b: {  	v3 =	vld [tilespmem:s30+$0x20]  }
0x11c: {  	v35 =	vld [tilespmem:s30+$0x220];
	_ =	sdelay $0x3  }
0x11d: {  	v3 =	vmul.f32 v3, v23  }
0x11e: {  	v35 =	vmul.f32 v35, v23  }
0x11f: {  	v3 =	vmul.f32 v3, v27  }
0x120: {  	v35 =	vmul.f32 v35, v27  }
0x121: {  	v3 =	vadd.f32 v3, v3  }
0x122: {  	v35 =	vadd.f32 v35, v35  }
0x123: {  	v3 =	vadd.f32 $-1.000000000e+00, v3  }
0x124: {  	v35 =	vadd.f32 $-1.000000000e+00, v35  }
0x125: {  	v3 =	vadd.f32 $1.000000000e+00, v3  }
0x126: {  	v35 =	vadd.f32 $1.000000000e+00, v35  }
0x127: {  	v3 =	vmul.f32 $6.400000000e+01, v3  }
0x128: {  	v35 =	vmul.f32 $6.400000000e+01, v35  }
0x129: {  	v3 =	vadd.f32 $-1.000000000e+00, v3  }
0x12a: {  	v35 =	vadd.f32 $-1.000000000e+00, v35  }
0x12b: {  	v3 =	vmul.f32 v3, v31  }
0x12c: {  	v58 =	vmul.f32 v35, v31  }
0x12d: {  	v36 =	vtrunc.f32 v3  }
0x12e: {  	v35 =	vtrunc.f32 v58;
	v37 =	vcvt.f32.s32 v36;
	vm0 =	vlt.f32 v3, v36  }
0x12f: {  	v39 =	vcvt.f32.s32 v35;
	vm12 =	vlt.f32 v58, v35;
	v36 =	vsel vm0, $0xFFFFFFFF, v2  }
0x130: {  	v35 =	vsel vm12, $0xFFFFFFFF, v2;
	v36 =	vadd.s32 v37, v36  }
0x131: {  	v35 =	vadd.s32 v39, v35;
	v37 =	vcvt.s32.f32 v36  }
0x132: {  	v41 =	vcvt.s32.f32 v35  }
0x133: {  	v3 =	vsub.f32 v3, v37  }
0x134: {  	v57 =	vadd.s32 $0xFFFFFFFF, v36;
	v37 =	vsub.f32 v58, v41  }
0x135: {  	vm14 =	vlt.u32 v36, $0x40;
	v38 =	vadd.f32 $1.000000000e+00, v3;
	v43 =	vmul.f32 v3, v3  }
0x136: {  	v42 =	vsub.f32 $1.000000000e+00, v3;
	v44 =	vsub.f32 $2.000000000e+00, v3;
	v51 =	vmul.f32 v37, v37  }
0x137: {  	v45 =	vadd.f32 $1.000000000e+00, v37;
	v40 =	vmul.f32 v38, v38;
	v3 =	vmul.f32 v43, v3  }
0x138: {  	vm15 =	vgt.s32 v36, $0x0;
	v60 =	vmul.f32 v42, v42;
	v61 =	vmul.f32 v44, v44  }
0x139: {  	vm10 =	vgt.s32 v35, $0x0;
	v62 =	vmul.f32 $2.250000000e+00, v43;
	v46 =	vmul.f32 v45, v45  }
0x13a: {  	vm11 =	vlt.u32 v35, $0x40;
	v50 =	vmul.f32 $6.000000000e+00, v44;
	v53 =	vmul.f32 v51, v37  }
0x13b: {  	vm13 =	vgt.s32 v57, $0x0;
	v54 =	vmul.f32 $6.000000000e+00, v45;
	v59 =	vmul.f32 v40, v38  }
0x13c: {  	vm1 =	vlt.u32 v57, $0x40;
	v40 =	vmul.f32 $3.750000000e+00, v40;
	v38 =	vmul.f32 $6.000000000e+00, v38  }
0x13d: {  	v47 =	vnsel vm15, $0x0, v36;
	v3 =	vmul.f32 $1.250000000e+00, v3;
	v42 =	vmul.f32 v60, v42  }
0x13e: {  	v58 =	vsel vm1, $0x3F800000, v2;
	v63 =	vmul.f32 v61, v44;
	v48 =	vmul.f32 $2.250000000e+00, v60  }
0x13f: {  	v47 =	vmin.u32 v47, $0x3F;
	v49 =	vmul.f32 v46, v45;
	v52 =	vmul.f32 $3.750000000e+00, v46  }
0x140: {  	v55 =	vsub.f32 $1.000000000e+00, v37;
	v44 =	vmul.f32 $2.250000000e+00, v51;
	v39 =	vmul.f32 $-7.500000000e-01, v59  }
0x141: {  	v37 =	vsub.f32 $2.000000000e+00, v37;
	v42 =	vmul.f32 $1.250000000e+00, v42;
	v43 =	vmul.f32 $-7.500000000e-01, v63  }
0x142: {  	v3 =	vsub.f32 v3, v62;
	v41 =	vmul.f32 $-7.500000000e-01, v49;
	v59 =	vsel vm14, $0x3F800000, v2  }
0x143: {  	v49 =	vadd.s32 $0xFFFFFFFF, v35;
	v39 =	vadd.f32 v40, v39;
	v40 =	vmul.f32 $3.750000000e+00, v61  }
0x144: {  	vm5 =	vgt.s32 v49, $0x0;
	v3 =	vadd.f32 $1.000000000e+00, v3;
	v41 =	vadd.f32 v52, v41  }
0x145: {  	vm7 =	vlt.u32 v49, $0x40;
	v38 =	vsub.f32 v39, v38;
	v40 =	vadd.f32 v40, v43  }
0x146: {  	v39 =	vsub.f32 v42, v48;
	v43 =	vmul.f32 $1.250000000e+00, v53;
	v41 =	vsub.f32 v41, v54  }
0x147: {  	v48 =	vadd.s32 $0x1, v36;
	v3 =	vmul.f32 v59, v3;
	v36 =	vadd.s32 $0x2, v36  }
0x148: {  	v59 =	vsel vm11, $0x3F800000, v2;
	vm4 =	vlt.u32 v48, $0x40;
	vm6 =	vgt.s32 v48, $0x0  }
0x149: {  	vm8 =	vlt.u32 v36, $0x40;
	v38 =	vadd.f32 $3.000000000e+00, v38;
	v40 =	vsub.f32 v40, v50  }
0x14a: {  	vm9 =	vgt.s32 v36, $0x0;
	v39 =	vadd.f32 $1.000000000e+00, v39;
	v56 =	vsub.f32 v43, v44  }
0x14b: {  	v41 =	vadd.f32 $3.000000000e+00, v41;
	v44 =	vmul.f32 v55, v55;
	v43 =	vnsel vm13, $0x0, v57  }
0x14c: {  	v60 =	vsel vm4, $0x3F800000, v2;
	v50 =	vnsel vm5, $0x0, v49;
	v42 =	vadd.f32 $1.000000000e+00, v56;
	v56 =	vld [tilespmem:$0x1FFF0]  }
0x14d: {  	v48 =	vnsel vm6, $0x0, v48;
	v49 =	vsel vm7, $0x3F800000, v2;
	v50 =	vmin.u32 v50, $0x3F  }
0x14e: {  	v38 =	vmul.f32 v58, v38;
	v50 =	vshll.u32 v50, $0x6;
	v41 =	vmul.f32 v49, v41  }
0x14f: {  	v51 =	vsel vm8, $0x3F800000, v2;
	v43 =	vmin.u32 v43, $0x3F;
	v61 =	vor.u32 v1, v50  }
0x150: {  	v36 =	vnsel vm9, $0x0, v36;
	v62 =	vor.u32 v43, v61;
	v63 =	vmul.f32 v41, v38  }
0x151: {  	v48 =	vmin.u32 v48, $0x3F;
	v40 =	vadd.f32 $3.000000000e+00, v40;
	v39 =	vmul.f32 v60, v39;
	[tilespmem:$0x400] =	vst v62  }
0x152: {  	v36 =	vmin.u32 v36, $0x3F;
	v53 =	vor.u32 v47, v61;
	v54 =	vmul.f32 v41, v3;
	[tilespmem:v0+s10+$0x0] =	vst.idx.msk $0xffff, v63  }
0x153: {  	v45 =	vmul.f32 v44, v55;
	v58 =	vnsel vm10, $0x0, v35;
	v40 =	vmul.f32 v51, v40;
	[tilespmem:$0x410] =	vst v53  }
0x154: {  	v44 =	vmul.f32 $2.250000000e+00, v44;
	v55 =	vor.u32 v48, v61;
	v57 =	vmul.f32 v41, v39;
	[tilespmem:v56+s10+$0x0] =	vst.idx.msk $0xffff, v54  }
0x155: {  	v51 =	vmin.u32 v58, $0x3F;
	v42 =	vmul.f32 v59, v42;
	v45 =	vmul.f32 $1.250000000e+00, v45;
	[tilespmem:$0x420] =	vst v55  }
0x156: {  	v46 =	vor.u32 v36, v61;
	v60 =	vshll.u32 v51, $0x6;
	v41 =	vmul.f32 v41, v40;
	[tilespmem:v4+s10+$0x0] =	vst.idx.msk $0xffff, v57  }
0x157: {  	v61 =	vor.u32 v1, v60;
	v49 =	vmul.f32 v38, v42;
	v44 =	vsub.f32 v45, v44;
	[tilespmem:$0x430] =	vst v46  }
0x158: {  	v63 =	vmul.f32 v37, v37;
	v62 =	vor.u32 v43, v61;
	[tilespmem:v5+s10+$0x0] =	vst.idx.msk $0xffff, v41  }
0x159: {  	v60 =	vmul.f32 v39, v42;
	v59 =	vor.u32 v48, v61;
	v44 =	vadd.f32 $1.000000000e+00, v44;
	[tilespmem:$0x440] =	vst v62  }
0x15a: {  	v54 =	vor.u32 v47, v61;
	v56 =	vadd.s32 $0x1, v35;
	v55 =	vmul.f32 v42, v3;
	[tilespmem:v6+s10+$0x0] =	vst.idx.msk $0xffff, v49  }
0x15b: {  	v58 =	vmul.f32 v63, v37;
	vm12 =	vlt.u32 v56, $0x40;
	vm13 =	vgt.s32 v56, $0x0;
	[tilespmem:$0x450] =	vst v54  }
0x15c: {  	v45 =	vmul.f32 $3.750000000e+00, v63;
	v57 =	vsel vm12, $0x3F800000, v2;
	v50 =	vnsel vm13, $0x0, v56;
	[tilespmem:v7+s10+$0x0] =	vst.idx.msk $0xffff, v55  }
0x15d: {  	v61 =	vor.u32 v36, v61;
	v50 =	vmin.u32 v50, $0x3F;
	v41 =	vmul.f32 v57, v44;
	[tilespmem:$0x460] =	vst v59  }
0x15e: {  	v42 =	vmul.f32 v40, v42;
	v62 =	vshll.u32 v50, $0x6;
	v49 =	vmul.f32 $-7.500000000e-01, v58;
	[tilespmem:v8+s10+$0x0] =	vst.idx.msk $0xffff, v60  }
0x15f: {  	v63 =	vor.u32 v1, v62;
	v50 =	vmul.f32 v38, v41;
	[tilespmem:$0x470] =	vst v61  }
0x160: {  	v37 =	vmul.f32 $6.000000000e+00, v37;
	v45 =	vadd.f32 v45, v49;
	v49 =	vor.u32 v43, v63;
	[tilespmem:v9+s10+$0x0] =	vst.idx.msk $0xffff, v42  }
0x161: {  	v52 =	vmul.f32 v41, v3;
	[tilespmem:$0x480] =	vst v49  }
0x162: {  	v35 =	vadd.s32 $0x2, v35;
	v51 =	vor.u32 v47, v63;
	v37 =	vsub.f32 v45, v37;
	[tilespmem:v10+s10+$0x0] =	vst.idx.msk $0xffff, v50  }
0x163: {  	vm14 =	vgt.s32 v35, $0x0;
	vm15 =	vlt.u32 v35, $0x40;
	v53 =	vor.u32 v48, v63;
	[tilespmem:$0x490] =	vst v51  }
0x164: {  	v54 =	vmul.f32 v41, v39;
	v55 =	vnsel vm14, $0x0, v35;
	v37 =	vadd.f32 $3.000000000e+00, v37;
	[tilespmem:v11+s10+$0x0] =	vst.idx.msk $0xffff, v52  }
0x165: {  	v57 =	vsel vm15, $0x3F800000, v2;
	v56 =	vor.u32 v36, v63;
	v58 =	vmin.u32 v55, $0x3F;
	[tilespmem:$0x4A0] =	vst v53  }
0x166: {  	v41 =	vmul.f32 v40, v41;
	v44 =	vshll.u32 v58, $0x6;
	v37 =	vmul.f32 v57, v37;
	[tilespmem:v12+s10+$0x0] =	vst.idx.msk $0xffff, v54  }
0x167: {  	v59 =	vor.u32 v1, v44;
	[tilespmem:$0x4B0] =	vst v56  }
0x168: {  	v60 =	vor.u32 v43, v59;
	v38 =	vmul.f32 v37, v38;
	[tilespmem:v13+s10+$0x0] =	vst.idx.msk $0xffff, v41  }
0x169: {  	[tilespmem:$0x4C0] =	vst v60  }
0x16a: {  	v61 =	vor.u32 v47, v59;
	v3 =	vmul.f32 v37, v3;
	[tilespmem:v14+s10+$0x0] =	vst.idx.msk $0xffff, v38  }
0x16b: {  	[tilespmem:$0x4D0] =	vst v61  }
0x16c: {  	v62 =	vmul.f32 v37, v39;
	[tilespmem:v15+s10+$0x0] =	vst.idx.msk $0xffff, v3;
	v3 =	vor.u32 v48, v59  }
0x16d: {  	[tilespmem:$0x4E0] =	vst v3  }
0x16e: {  	v63 =	vmul.f32 v37, v40;
	v3 =	vor.u32 v36, v59;
	[tilespmem:v16+s10+$0x0] =	vst.idx.msk $0xffff, v62  }
0x16f: {  	[tilespmem:$0x4F0] =	vst v3  }
0x170: {  	[tilespmem:v17+s10+$0x0] =	vst.idx.msk $0xffff, v63  }
0x171: {  	[tilespmem:s13], [sflag:$0x1] =	stream.indirect.gather [hbm4b:s3+s11], $0x40, s12, s11, $0xb8;
	[tilespmem:$0x10800] =	vst v63  }
0x172: {  	_ = 	snop  }
0x173: {  	[tilespmem:s15], [sflag:$0x2] =	stream.indirect.gather [hbm4b:s3+s11], $0x40, s14, s11, $0xb8;
	[tilespmem:$0x10800] =	vst v63  }
.LBB2_6:
0x174: {  	_ =	swait.ge [sflag:s22], $0x2000  }
0x175: {  	[sflag:s22] =	ssyncset.done $0x0  }
0x176: {  	[sflag:s22] =	ssyncadd.s32 $0xFFFFE000  }
0x177: {  	_ =	swait.ge [sflag:s23], $0x2000  }
0x178: {  	[sflag:s23] =	ssyncset.done $0x0  }
0x179: {  	s30 =	simm.s32 $0x0;
	s0 =	simm.s32 $0x8700;
	v35 =	vmov s28;
	[sflag:s23] =	ssyncadd.s32 $0xFFFFE000  }
.LBB2_7:
0x17a: {  	v36 =	vld [tilespmem:s0+$0x0];
	s1 =	sshra.s32 s30, $0x2  }
0x17b: {  	v3 =	vld [tilespmem:s1+$0x4600]  }
0x17c: {  	v37 =	vld [tilespmem:s1+$0x4610]  }
0x17d: {  	v38 =	vld [tilespmem:s1+$0x4620]  }
0x17e: {  	v39 =	vld [tilespmem:s1+$0x4630]  }
0x17f: {  	v40 =	vld [tilespmem:s1+$0x4A00]  }
0x180: {  	v41 =	vld [tilespmem:s1+$0x4A10]  }
0x181: {  	v42 =	vld [tilespmem:s1+$0x4A20]  }
0x182: {  	v43 =	vld [tilespmem:s1+$0x4A30]  }
0x183: {  	v44 =	vld [tilespmem:s1+$0x4E00]  }
0x184: {  	v45 =	vld [tilespmem:s1+$0x4E10]  }
0x185: {  	v46 =	vld [tilespmem:s1+$0x4E20]  }
0x186: {  	v47 =	vld [tilespmem:s1+$0x4E30]  }
0x187: {  	v48 =	vld [tilespmem:s1+$0x5200]  }
0x188: {  	v49 =	vld [tilespmem:s1+$0x5210]  }
0x189: {  	v50 =	vld [tilespmem:s1+$0x5220]  }
0x18a: {  	v51 =	vld [tilespmem:s1+$0x5230]  }
0x18b: {  	v52 =	vld [tilespmem:s1+$0x5600]  }
0x18c: {  	v53 =	vld [tilespmem:s1+$0x5610]  }
0x18d: {  	v54 =	vld [tilespmem:s1+$0x5620]  }
0x18e: {  	v56 =	vld [tilespmem:s1+$0x5630]  }
0x18f: {  	v57 =	vld [tilespmem:s1+$0x5A00];
	v55 =	vbroadcast v36, $0x0  }
0x190: {  	v58 =	vld [tilespmem:s1+$0x5A10];
	v59 =	vbroadcast v36, $0x1;
	v62 =	vbroadcast v36, $0x2  }
0x191: {  	v60 =	vld [tilespmem:s1+$0x5A20];
	v3 =	vmul.f32 v3, v55;
	v37 =	vmul.f32 v37, v55  }
0x192: {  	v61 =	vld [tilespmem:s1+$0x5E00];
	v38 =	vmul.f32 v38, v55;
	v39 =	vmul.f32 v39, v55  }
0x193: {  	v63 =	vld [tilespmem:s1+$0x5E10];
	v40 =	vmul.f32 v40, v59;
	v3 =	vadd.f32 $0.0e+00, v3;
	v37 =	vadd.f32 $0.0e+00, v37  }
0x194: {  	v55 =	vld [tilespmem:s1+$0x5A30];
	v41 =	vmul.f32 v41, v59;
	v38 =	vadd.f32 $0.0e+00, v38;
	v39 =	vadd.f32 $0.0e+00, v39  }
0x195: {  	v3 =	vadd.f32 v40, v3;
	v40 =	vmul.f32 v42, v59;
	v42 =	vmul.f32 v43, v59;
	v43 =	vld [tilespmem:s1+$0x5E20]  }
0x196: {  	v37 =	vadd.f32 v41, v37;
	v41 =	vmul.f32 v44, v62;
	v44 =	vmul.f32 v45, v62;
	v45 =	vld [tilespmem:s1+$0x5E30]  }
0x197: {  	v59 =	vld [tilespmem:s1+$0x6200];
	v38 =	vadd.f32 v40, v38;
	v40 =	vmul.f32 v46, v62;
	v46 =	vbroadcast v36, $0x3  }
0x198: {  	v39 =	vadd.f32 v42, v39;
	v3 =	vadd.f32 v41, v3;
	v41 =	vmul.f32 v47, v62;
	v42 =	vld [tilespmem:s1+$0x6210]  }
0x199: {  	v37 =	vadd.f32 v44, v37;
	v44 =	vld [tilespmem:s1+$0x6220];
	v47 =	vbroadcast v36, $0x4;
	v62 =	vmul.f32 v48, v46  }
0x19a: {  	v38 =	vadd.f32 v40, v38;
	v39 =	vadd.f32 v41, v39;
	v41 =	vmul.f32 v49, v46;
	v48 =	vld [tilespmem:s1+$0x6230]  }
0x19b: {  	v49 =	vld [tilespmem:s1+$0x6600];
	v40 =	vmul.f32 v54, v47;
	v3 =	vadd.f32 v62, v3;
	v62 =	vmul.f32 v50, v46  }
0x19c: {  	v54 =	vld [tilespmem:s1+$0x6A10];
	v46 =	vmul.f32 v51, v46;
	v37 =	vadd.f32 v41, v37;
	v41 =	vmul.f32 v52, v47  }
0x19d: {  	v50 =	vmul.f32 v53, v47;
	v51 =	vld [tilespmem:s1+$0x6610];
	v38 =	vadd.f32 v62, v38;
	v62 =	vbroadcast v36, $0x5  }
0x19e: {  	v56 =	vmul.f32 v56, v47;
	v53 =	vld [tilespmem:s1+$0x6620];
	v39 =	vadd.f32 v46, v39;
	v3 =	vadd.f32 v41, v3  }
0x19f: {  	v47 =	vld [tilespmem:s1+$0x6A00];
	v37 =	vadd.f32 v50, v37;
	v50 =	vbroadcast v36, $0x6;
	v57 =	vmul.f32 v57, v62  }
0x1a0: {  	v46 =	vld [tilespmem:s1+$0x6630];
	v38 =	vadd.f32 v40, v38;
	v58 =	vmul.f32 v58, v62;
	v60 =	vmul.f32 v60, v62  }
0x1a1: {  	v39 =	vadd.f32 v56, v39;
	v52 =	vmul.f32 v55, v62;
	v55 =	vld [tilespmem:s1+$0x6A20];
	v61 =	vmul.f32 v61, v50  }
0x1a2: {  	v62 =	vmul.f32 v63, v50;
	v63 =	vmul.f32 v43, v50;
	v3 =	vadd.f32 v57, v3;
	v57 =	vld [tilespmem:s1+$0x6A30]  }
0x1a3: {  	v37 =	vadd.f32 v58, v37;
	v38 =	vadd.f32 v60, v38;
	v60 =	vbroadcast v36, $0x7;
	v58 =	vld [tilespmem:s1+$0x6E00]  }
0x1a4: {  	v56 =	vbroadcast v36, $0x8;
	v39 =	vadd.f32 v52, v39;
	v52 =	vld [tilespmem:s1+$0x6E30];
	v3 =	vadd.f32 v61, v3  }
0x1a5: {  	v61 =	vmul.f32 v45, v50;
	v45 =	vld [tilespmem:s1+$0x6E10];
	v37 =	vadd.f32 v62, v37;
	v62 =	vmul.f32 v59, v60  }
0x1a6: {  	v38 =	vadd.f32 v63, v38;
	v50 =	vld [tilespmem:s1+$0x6E20];
	v63 =	vmul.f32 v42, v60;
	v59 =	vmul.f32 v44, v60  }
0x1a7: {  	v43 =	vmul.f32 v48, v60;
	v44 =	vld [tilespmem:s1+$0x7200];
	v60 =	vmul.f32 v49, v56;
	v39 =	vadd.f32 v61, v39  }
0x1a8: {  	v49 =	vld [tilespmem:s1+$0x7210];
	v3 =	vadd.f32 v62, v3;
	v37 =	vadd.f32 v63, v37;
	v61 =	vmul.f32 v51, v56  }
0x1a9: {  	v42 =	vld [tilespmem:s1+$0x7230];
	v38 =	vadd.f32 v59, v38;
	v62 =	vmul.f32 v53, v56;
	v63 =	vbroadcast v36, $0x9  }
0x1aa: {  	v48 =	vld [tilespmem:s1+$0x7A30];
	v56 =	vmul.f32 v46, v56;
	v39 =	vadd.f32 v43, v39;
	v3 =	vadd.f32 v60, v3  }
0x1ab: {  	v53 =	vld [tilespmem:s1+$0x7220];
	v37 =	vadd.f32 v61, v37;
	v59 =	vmul.f32 v47, v63;
	v60 =	vmul.f32 v54, v63  }
0x1ac: {  	v51 =	vld [tilespmem:s1+$0x7620];
	v38 =	vadd.f32 v62, v38;
	v61 =	vbroadcast v36, $0xA;
	v62 =	vmul.f32 v55, v63  }
0x1ad: {  	v46 =	vld [tilespmem:s1+$0x7A10];
	v63 =	vmul.f32 v57, v63;
	v39 =	vadd.f32 v56, v39;
	v3 =	vadd.f32 v59, v3  }
0x1ae: {  	v43 =	vld [tilespmem:s1+$0x7600];
	v37 =	vadd.f32 v60, v37;
	v57 =	vmul.f32 v58, v61;
	v45 =	vmul.f32 v45, v61  }
0x1af: {  	v47 =	vld [tilespmem:s1+$0x7610];
	v38 =	vadd.f32 v62, v38;
	v58 =	vmul.f32 v50, v61;
	v59 =	vbroadcast v36, $0xB  }
0x1b0: {  	v54 =	vld [tilespmem:s1+$0x7630];
	v60 =	vmul.f32 v52, v61;
	v52 =	vbroadcast v36, $0xE;
	v39 =	vadd.f32 v63, v39  }
0x1b1: {  	v55 =	vld [tilespmem:s1+$0x7A00];
	v3 =	vadd.f32 v57, v3;
	v61 =	vmul.f32 v44, v59;
	v62 =	vmul.f32 v49, v59  }
0x1b2: {  	v37 =	vadd.f32 v45, v37;
	v44 =	vld [tilespmem:s1+$0x7A20];
	v63 =	vbroadcast v36, $0xC;
	v53 =	vmul.f32 v53, v59  }
0x1b3: {  	v38 =	vadd.f32 v58, v38;
	v42 =	vmul.f32 v42, v59;
	v49 =	vld [tilespmem:s1+$0x7E00];
	v59 =	vbroadcast v36, $0xD  }
0x1b4: {  	v36 =	vbroadcast v36, $0xF;
	v39 =	vadd.f32 v60, v39;
	v57 =	vmul.f32 v47, v63;
	v47 =	vld [tilespmem:s1+$0x7E10]  }
0x1b5: {  	v3 =	vadd.f32 v61, v3;
	v37 =	vadd.f32 v62, v37;
	v58 =	vmul.f32 v51, v63;
	v51 =	vld [tilespmem:s1+$0x7E20]  }
0x1b6: {  	v56 =	vmul.f32 v43, v63;
	v38 =	vadd.f32 v53, v38;
	v60 =	vmul.f32 v54, v63;
	v62 =	vld [tilespmem:s1+$0x8200]  }
0x1b7: {  	v61 =	vmul.f32 v55, v59;
	v63 =	vmul.f32 v46, v59;
	v53 =	vld [tilespmem:s1+$0x8210];
	v39 =	vadd.f32 v42, v39  }
0x1b8: {  	v55 =	vmul.f32 v48, v59;
	v3 =	vadd.f32 v56, v3;
	v42 =	vld [tilespmem:s1+$0x7E30];
	v37 =	vadd.f32 v57, v37  }
0x1b9: {  	v38 =	vadd.f32 v58, v38;
	v56 =	vld [tilespmem:s1+$0x8220];
	v54 =	vmul.f32 v44, v59;
	v39 =	vadd.f32 v60, v39  }
0x1ba: {  	v58 =	vld [tilespmem:s1+$0x8230];
	v57 =	vmul.f32 v49, v52;
	v3 =	vadd.f32 v61, v3;
	v37 =	vadd.f32 v63, v37  }
0x1bb: {  	v38 =	vadd.f32 v54, v38;
	v59 =	vmul.f32 v47, v52;
	v60 =	vmul.f32 v51, v52  }
0x1bc: {  	v43 =	vmul.f32 v62, v36;
	v62 =	vmul.f32 v53, v36;
	v3 =	vadd.f32 v57, v3  }
0x1bd: {  	v39 =	vadd.f32 v55, v39;
	v37 =	vadd.f32 v59, v37;
	v61 =	vmul.f32 v42, v52  }
0x1be: {  	p0 =	sne.s32 s30, $0xF00;
	v38 =	vadd.f32 v60, v38;
	v63 =	vmul.f32 v56, v36;
	v3 =	vadd.f32 v43, v3  }
.Ltmp2:
0x1bf: {  	v36 =	vmul.f32 v58, v36;
	v39 =	vadd.f32 v61, v39;
	v37 =	vadd.f32 v62, v37;
	(pc) =	sbr.rel @p0 .LBB2_7-.Ltmp2, $4  }
0x1c0: {  	v38 =	vadd.f32 v63, v38;
	[tilespmem:v35+s1+$0x0 ss:$0x1] =	vst.idx.msk $0xffff, v3  }
0x1c1: {  	v3 =	vadd.f32 v36, v39;
	[tilespmem:v35+s1+$0x10 ss:$0x1] =	vst.idx.msk $0xffff, v37  }
0x1c2: {  	[tilespmem:v35+s1+$0x20 ss:$0x1] =	vst.idx.msk $0xffff, v38  }
0x1c3: {  	s0 =	sadd.s32 $0x10, s0;
	s30 =	sadd.s32 $0x100, s30;
	[tilespmem:v35+s1+$0x30 ss:$0x1] =	vst.idx.msk $0xffff, v3  }
0x1c4: {  	s29 =	sadd.s32 $0x1, s29  }
0x1c5: {  	p0 =	sne.s32 s29, $0x10  }
.Ltmp3:
0x1c6: {  	_ = 	snop;
	(pc) =	sbr.rel @p0 .LBB2_2-.Ltmp3, $2  }
0x1c7: {  	_ =	sdelay $0x2  }
0x1c8: {  	s26 =	sadd.s32 $0x800, s26;
	s28 =	sadd.s32 $0x800, s28  }
0x1c9: {  	s25 =	sadd.s32 $0x1, s25  }
0x1ca: {  	p0 =	sne.s32 s25, s7  }
.Ltmp4:
0x1cb: {  	_ = 	snop;
	(pc) =	sbr.rel @p0 .LBB2_1-.Ltmp4, $4  }
0x1cc: {  	[hbm4b:s6+s2] =	stream.linear.scatter [tilespmem:s24], [sflag:$0x5], $0x8000, $0x38;
	[tilespmem:$0x10800] =	vst v63  }
0x1cd: {  	_ =	swait.ge [sflag:s8], $0x8000  }
0x1ce: {  	[sflag:s8] =	ssyncset.done $0x0  }
0x1cf: {  	[sflag:s8] =	ssyncadd.s32 $0xFFFF8000  }
0x1d0: {  	_ =	sfence.sel $0x180000  }
0x1d1: {  	[bflag:$0x0] =	sbarrier.arrive $0xFFFF  }
0x1d2: {  	_ =	strace $0x90000047  }
0x1d3: {  	s0 =	stileid.u32;
	[bflag:$0x2] =	sbarrier.arrive $0xFFFF  }
0x1d4: {  	p0 =	sne.s32 s0, $0x0;
	s0 =	rddreg [dreg:$0x1]  }
0x1d5: {  	s0 =	sadd.s32 @!p0 $0x100000, s0  }
0x1d6: {  	[sflag:s0] =	ssyncadd.tile.s32 @!p0 $0x1;
	_ =	shalt  }
.Lfunc_end2:
_tile_overlayer_lowered:
.L_overlay_start_2:
0x1d7: {  	(tag) =	ssettag $0x2  }
0x1d8: {  	s0 =	rddreg [dreg:$0x0];
	s2 =	stileid.u32  }
0x1d9: {  	s1 =	rddreg [dreg:$0x1];
	p0 =	sne.s32 s2, $0x0  }
0x1da: {  	s3 =	rddreg [dreg:$0x2];
	[bflag:$0x3] =	sbarrier.arrive $0xFFFF;
	s2 =	simm.s32 @!p0 $0x1C05  }
0x1db: {  	[timem:s3], [sflag:s2] =	dma.local @!p0 [hbm:s0], s1  }
0x1dc: {  	s0 =	simm.s32 @!p0 $0x5  }
0x1dd: {  	_ =	swait.ge @!p0 [sflag:s0], s1  }
0x1de: {  	s1 =	ssub.s32 @!p0 $0x0, s1;
	[sflag:s0] =	ssyncset.done @!p0 $0x0  }
0x1df: {  	[sflag:s0] =	ssyncadd.s32 @!p0 s1  }
0x1e0: {  	[bflag:$0x3] =	sbarrier.arrive $0xFFFF  }
0x1e1: {  	_ =	shalt  }

// kernel: kernel.8.cloned.1.call-start
scs
__scs_entry_jumppad:
0x0: {  	(pc) =	sbr.rel $0x88, $3  }
0x1: {  	(tag) =	ssettag $0x0;
	lr =	simm.s32 $0x1  }
0x2: {  	[smem:$0x3F9D] =	sst lr;
	_ =	strace $0xD0000000  }
0x3: {  	_ = 	snop  }
0x4: {  	_ = 	snop  }
0x5: {  	_ = 	snop  }
0x6: {  	_ = 	snop  }
0x7: {  	_ = 	snop  }
__scs_overlays_trampoline_lowered:
0x8: {  	[smem:$0x3FAC] =	sst s0  }
0x9: {  	[smem:$0x3FAD] =	sst s1  }
0xa: {  	[smem:$0x3FAE] =	sst s2  }
0xb: {  	[smem:$0x3FAF] =	sst s3  }
0xc: {  	[smem:$0x3FB0] =	sst s4  }
0xd: {  	[smem:$0x3FB1] =	sst s5  }
0xe: {  	[smem:$0x3FB2] =	sst s6  }
0xf: {  	[smem:$0x3FB3] =	sst s7  }
0x10: {  	[smem:$0x3FB4] =	sst s8  }
0x11: {  	[smem:$0x3FB5] =	sst s9;
	s0 =	simm.s32 @!p0 $0x0  }
0x12: {  	s1 =	sld [smem:$0x3F9B];
	s0 =	simm.s32 @p0 $0x1  }
0x13: {  	[smem:$0x3FB6] =	sst s0;
	s0 =	simm.s32 @!p1 $0x0  }
0x14: {  	s2 =	sld [smem:$0x3F9A];
	s0 =	simm.s32 @p1 $0x1  }
0x15: {  	[smem:$0x3FB7] =	sst s0;
	s0 =	simm.s32 @!p2 $0x0  }
0x16: {  	s3 =	sld [smem:$0x3FDB];
	s0 =	simm.s32 @p2 $0x1  }
0x17: {  	s4 =	simm.s32 $0x1BF5;
	[smem:$0x3FB9] =	sst s0  }
0x18: {  	s0 =	sld [smem:$0x3F9C];
	_ =	swait.ge [sflag:s4], $0x0  }
0x19: {  	s7 =	sld [smem:$0x3F9D]  }
0x1a: {  	s8 =	sadd.s32 $0xFFFFE003, lr  }
0x1b: {  	s9 =	sadd.s32 $0xFFFFFEF7, lr;
	s5 =	simm.s32 $0xFFFFFFFF;
	p2 =	slt.u32 s8, $0xFFFFF086  }
0x1c: {  	p1 =	slt.u32 s9, $0xF7A;
	s5 =	simm.s32 @!p2 $0x0  }
0x1d: {  	s5 =	simm.s32 @p1 $0x1;
	p0 =	seq.s32 s7, s2  }
0x1e: {  	s7 =	smul.u32 @!p0 $0xF7A, s2;
	p2 =	seq.s32 @!p0 s5, $0x0  }
0x1f: {  	s9 =	smul.u32 $0xF7A, s1;
	s8 =	simm.s32 @!p0 $0x1BF5;
	p2 =	por !p2, p0  }
0x20: {  	[sflag:s8] =	ssyncset.s32 @!p0 $0xFFFFF086;
	s6 =	sadd.s32 @!p0 s3, s7;
	s7 =	simm.s32 @!p0 $0x108  }
0x21: {  	s3 =	sadd.s32 s3, s9;
	s6 =	sadd.s32 @!p0 $0x88, s6;
	s7 =	simm.s32 @p2 $0x1082  }
0x22: {  	[simem:s7], [sflag:s8] =	dma.local @!p0 [hbm:s6], $0xF7A  }
0x23: {  	s9 =	sor.u32 $0xD0000000, s2;
	s6 =	simm.s32 $0x108;
	_ =	swait.ge @!p0 [sflag:s8], $0x0  }
0x24: {  	s3 =	sadd.s32 $0x88, s3;
	s6 =	simm.s32 @!p1 $0x1082;
	[sflag:s4] =	ssyncset.s32 $0xFFFFF086  }
0x25: {  	[simem:s6], [sflag:s4] =	dma.local [hbm:s3], $0xF7A  }
0x26: {  	[smem:$0x3F9D] =	sst s1;
	(tag) =	ssettag s2;
	_ =	strace s9  }
0x27: {  	s1 =	sld [smem:$0x3FAD]  }
0x28: {  	s2 =	sld [smem:$0x3FAE]  }
0x29: {  	s4 =	sld [smem:$0x3FB0]  }
0x2a: {  	p0 =	seq.s32 s5, $0x0;
	s5 =	sld [smem:$0x3FB1]  }
0x2b: {  	s6 =	sld [smem:$0x3FB2]  }
0x2c: {  	s7 =	sld [smem:$0x3FB3]  }
0x2d: {  	s3 =	simm.s32 $0x108;
	s8 =	sld [smem:$0x3FB4]  }
0x2e: {  	s3 =	simm.s32 @!p0 $0x1082;
	s9 =	sld [smem:$0x3FB5]  }
0x2f: {  	lr =	sadd.s32 s0, s3;
	s0 =	sld [smem:$0x3FAC]  }
0x30: {  	s3 =	sld [smem:$0x3FAF]  }
0x31: {  	[smem:$0x3FB8] =	sst s10  }
0x32: {  	s10 =	sld [smem:$0x3FB6];
	_ =	sdelay $0x3  }
0x33: {  	p0 =	seq.s32 s10, $0x1;
	s10 =	sld [smem:$0x3FB8];
	_ =	sdelay $0x3  }
0x34: {  	[smem:$0x3FB8] =	sst s10  }
0x35: {  	s10 =	sld [smem:$0x3FB7];
	_ =	sdelay $0x3  }
0x36: {  	p1 =	seq.s32 s10, $0x1;
	s10 =	sld [smem:$0x3FB8];
	_ =	sdelay $0x3  }
0x37: {  	[smem:$0x3FB8] =	sst s10  }
0x38: {  	s10 =	sld [smem:$0x3FB9]  }
0x39: {  	_ = 	snop;
	(pc) =	sbr.ind lr, $3  }
0x3a: {  	_ = 	snop  }
0x3b: {  	_ = 	snop  }
0x3c: {  	p2 =	seq.s32 s10, $0x1;
	s10 =	sld [smem:$0x3FB8]  }
0x3d: {  	_ =	shalt  }
0x3e: {  	_ =	shalt  }
0x3f: {  	_ =	shalt  }
0x40: {  	_ =	shalt  }
0x41: {  	_ =	shalt  }
0x42: {  	_ =	shalt  }
0x43: {  	_ =	shalt  }
0x44: {  	_ =	shalt  }
0x45: {  	_ =	shalt  }
0x46: {  	_ =	shalt  }
0x47: {  	_ =	shalt  }
0x48: {  	_ =	shalt  }
0x49: {  	_ =	shalt  }
0x4a: {  	_ =	shalt  }
0x4b: {  	_ =	shalt  }
0x4c: {  	_ =	shalt  }
0x4d: {  	_ =	shalt  }
0x4e: {  	_ =	shalt  }
0x4f: {  	_ =	shalt  }
0x50: {  	_ =	shalt  }
0x51: {  	_ =	shalt  }
0x52: {  	_ =	shalt  }
0x53: {  	_ =	shalt  }
0x54: {  	_ =	shalt  }
0x55: {  	_ =	shalt  }
0x56: {  	_ =	shalt  }
0x57: {  	_ =	shalt  }
0x58: {  	_ =	shalt  }
0x59: {  	_ =	shalt  }
0x5a: {  	_ =	shalt  }
0x5b: {  	_ =	shalt  }
0x5c: {  	_ =	shalt  }
0x5d: {  	_ =	shalt  }
0x5e: {  	_ =	shalt  }
0x5f: {  	_ =	shalt  }
0x60: {  	_ =	shalt  }
0x61: {  	_ =	shalt  }
0x62: {  	_ =	shalt  }
0x63: {  	_ =	shalt  }
0x64: {  	_ =	shalt  }
0x65: {  	_ =	shalt  }
0x66: {  	_ =	shalt  }
0x67: {  	_ =	shalt  }
0x68: {  	_ =	shalt  }
0x69: {  	_ =	shalt  }
0x6a: {  	_ =	shalt  }
0x6b: {  	_ =	shalt  }
0x6c: {  	_ =	shalt  }
0x6d: {  	_ =	shalt  }
0x6e: {  	_ =	shalt  }
0x6f: {  	_ =	shalt  }
0x70: {  	_ =	shalt  }
0x71: {  	_ =	shalt  }
0x72: {  	_ =	shalt  }
0x73: {  	_ =	shalt  }
0x74: {  	_ =	shalt  }
0x75: {  	_ =	shalt  }
0x76: {  	_ =	shalt  }
0x77: {  	_ =	shalt  }
0x78: {  	_ =	shalt  }
0x79: {  	_ =	shalt  }
0x7a: {  	_ =	shalt  }
0x7b: {  	_ =	shalt  }
0x7c: {  	_ =	shalt  }
0x7d: {  	_ =	shalt  }
0x7e: {  	_ =	shalt  }
0x7f: {  	_ =	shalt  }
0x80: {  	_ =	shalt  }
0x81: {  	_ =	shalt  }
0x82: {  	_ =	shalt  }
0x83: {  	_ =	shalt  }
0x84: {  	_ =	shalt  }
0x85: {  	_ =	shalt  }
0x86: {  	_ =	shalt  }
0x87: {  	_ =	shalt  }
.Lfunc_end0:
.L_simem_size_0:
called_computation.1_lowered:
.L_overlay_start_0:
0x88: {  	s2 =	sld [smem:$0x3FD9]  }
0x89: {  	s3 =	sld [smem:$0x3FFE];
	_ =	sdelay $0x1  }
0x8a: {  	s1 =	srdreg.scid  }
0x8b: {  	s0 =	sand.u32 $0x1, s1  }
0x8c: {  	s14 =	sshll.u32 s0, $0xA;
	s2 =	sadd.s32 s3, s2  }
0x8d: {  	s2 =	sadd.s32 s2, s14  }
0x8e: {  	[smem:$0x3FC4] =	sst s2  }
0x8f: {  	_ = 	snop  }
0x90: {  	s2 =	sld [smem:$0x3FD0];
	_ =	sdelay $0x2  }
0x91: {  	s15 =	simm.s32 $0xA;
	s4 =	simm.s32 $0x10  }
0x92: {  	[smem:s4], [sflag:s15] =	dma.local [hbm:s2], $0x1  }
0x93: {  	_ =	swait.eq [sflag:s15], $0x1  }
0x94: {  	[sflag:s15] =	ssyncset.done $0x0  }
0x95: {  	s16 =	sld [smem:$0x10];
	[sflag:s15] =	ssyncadd.s32 $0xFFFFFFFF  }
0x96: {  	s17 =	sld [smem:$0x11];
	(tm) =	ssettm $0x1  }
0x97: {  	s18 =	sld [smem:$0x3FFB];
	_ =	sdelay $0x3  }
0x98: {  	_ =	strace s18  }
0x99: {  	s4 =	sld [smem:$0x3FFC];
	_ =	sdelay $0x3  }
0x9a: {  	_ =	strace s4  }
0x9b: {  	s4 =	sld [smem:$0x3FFD];
	_ =	sdelay $0x3  }
0x9c: {  	_ =	strace s4  }
0x9d: {  	_ =	strace $0x8FFFFFFF  }
0x9e: {  	s19 =	sld [smem:$0x3FDB];
	_ =	sdelay $0x1  }
0x9f: {  	s5 =	simm.s32 $_scs_section_size  }
0xa0: {  	s6 =	simm.s32 $_size__tile_overlayer_lowered;
	s7 =	simm.s32 $_tile_overlayer_lowered  }
0xa1: {  	s22 =	simm.s32 $0x1BFF;
	s21 =	sshll.u32 s7, $0x1;
	s4 =	sadd.s32 s5, s19  }
0xa2: {  	s8 =	simm.s32 $0x0;
	s20 =	sshll.u32 s6, $0x1;
	s6 =	sadd.s32 s21, s4  }
0xa3: {  	[timem:s8], [sflag:s22] =	dma.local [hbm:s6], s20  }
0xa4: {  	_ =	swait.ge [sflag:s22], s20  }
0xa5: {  	s5 =	ssub.s32 $0x0, s20;
	[sflag:s22] =	ssyncset.done $0x0  }
0xa6: {  	[sflag:s22] =	ssyncadd.s32 s5;
	_ =	sdelay $0x1  }
0xa7: {  	s23 =	simm.s32 $0x1B8B  }
0xa8: {  	_ =	swait.ge [sflag:s23], $0x1  }
0xa9: {  	[sflag:s23] =	ssyncset.done $0x0  }
0xaa: {  	s25 =	simm.s32 $0x1B8E;
	s24 =	sld [smem:$0x3FFE];
	[sflag:s23] =	ssyncadd.s32 $0xFFFFFFFF  }
0xab: {  	s26 =	simm.s32 $execute0_lowered;
	[smem:$0x3FD2] =	sst s25  }
0xac: {  	s6 =	sshll.u32 s26, $0x1;
	_ =	strace $0x80000049;
	[dreg:$0x1] =	wrdreg $0xFFFFFFFF  }
0xad: {  	s28 =	simm.s32 $_size_execute0_lowered;
	s4 =	sadd.s32 s4, s6;
	[dreg:$0x0] =	wrdreg $0x0  }
0xae: {  	s6 =	sshll.u32 s28, $0x1;
	[dreg:$0x2] =	wrdreg s4  }
0xaf: {  	[dreg:$0x3] =	wrdreg s6  }
0xb0: {  	[dreg:$0x4] =	wrdreg $0xC0  }
0xb1: {  	_ =	task [dreg:s8], $0x5FFFF  }
0xb2: {  	[dreg:$0x1] =	wrdreg $0xFFFFFFFF  }
0xb3: {  	[dreg:$0x0] =	wrdreg $0x60  }
0xb4: {  	[dreg:$0x2] =	wrdreg s24  }
0xb5: {  	[dreg:$0x3] =	wrdreg s17  }
0xb6: {  	[dreg:$0x4] =	wrdreg s16  }
0xb7: {  	[dreg:$0x5] =	wrdreg $0x9  }
0xb8: {  	_ =	task.clear_ibuf [dreg:s8], $0x6FFFF;
	_ =	strace $0x90000049  }
0xb9: {  	s29 =	simm.s32 $0x9;
	_ =	strace $0x8000004B  }
0xba: {  	_ =	swait.ge [sflag:s29], $0x1  }
0xbb: {  	[sflag:s29] =	ssyncadd.s32 $0xFFFFFFFF  }
0xbc: {  	_ =	strace $0x9000004B  }
0xbd: {  	_ =	sfence  }
0xbe: {  	s30 =	sld [smem:$0x0];
	_ =	sdelay $0x2  }
0xbf: {  	s31 =	sshll.u32 s1, $0xD;
	s1 =	sshrl.u32 s1, $0x2  }
0xc0: {  	s3 =	sand.u32 $0x4000, s31;
	s1 =	sadd.s32 s1, s30  }
0xc1: {  	s0 =	sor.u32 s3, s0;
	s1 =	sshll.u32 s1, $0x11  }
0xc2: {  	s0 =	sor.u32 s1, s0  }
0xc3: {  	s0 =	sadd.s32 $0x8F2B, s0  }
0xc4: {  	[sflag:s0] =	ssyncadd.remote.s32 $0x1  }
0xc5: {  	_ =	sfence.sel $0xFFFF  }
0xc6: {  	[dreg:$0x0] =	wrdreg $0xFFFFFFFF;
	(pc) =	sbr.abs _section_cstart, $3  }
0xc7: {  	[dreg:$0x1] =	wrdreg $0xFFFFFFFF  }
0xc8: {  	_ =	task.clear_ibuf [dreg:s8], $0x2FFFF;
	_ =	strace $0x9FFFFFFF  }
0xc9: {  	(tm) =	ssettm $0x7FFFFFFF  }
tec
execute0_lowered:
.L_overlay_start_1:
0x0: {  	(tag) =	ssettag $0x1  }
0x1: {  	s5 =	rddreg [dreg:$0x0]  }
0x2: {  	s6 =	rddreg [dreg:$0x1]  }
0x3: {  	s7 =	rddreg [dreg:$0x2];
	s2 =	srdreg.scid  }
0x4: {  	s0 =	rddreg [dreg:$0x3];
	s1 =	stileid.u32  }
0x5: {  	s11 =	simm.s32 $0x2000;
	s12 =	simm.s32 $0x2100;
	s13 =	simm.s32 $0x2200  }
0x6: {  	s14 =	simm.s32 $0x2300;
	s15 =	simm.s32 $0x0;
	s4 =	sand.u32 $0x1, s2  }
0x7: {  	s2 =	simm.s32 $0x0;
	s3 =	sshll.u32 s1, $0x9;
	s8 =	sshll.u32 s4, $0x8  }
0x8: {  	[smem:$0x7FF] =	sst s2;
	s9 =	ssub.s32 $0x2, s4;
	s3 =	sor.u32 s8, s3  }
0x9: {  	s4 =	sadd.s32 $0x1E00, s5;
	s31 =	sshrl.u32 s9, $0x1;
	s8 =	sshrl.u32 s3, $0x3  }
0xa: {  	_ =	strace $0x8000004A;
	s9 =	ssub.s32 s9, s31;
	s10 =	sadd.s32 s8, s5  }
0xb: {  	s5 =	sadd.s32 s6, s8;
	s7 =	sadd.s32 s7, s8;
	s9 =	smax.u32 s9, $0x1  }
0xc: {  	v0 =	vlaneseq.u32;
	v1 =	vimm.s32 $0x0;
	s6 =	sadd.s32 $0x1A00, s10;
	s8 =	sadd.s32 $0x2200, s10;
	s10 =	simm.s32 $0x1  }
.LBB2_1:
0xd: {  	[tilespmem:s2], [sflag:$0x1] =	stream.linear.gather [hbm4b:s4+s2], $0x2000, $0x38;
	[tilespmem:$0x2400] =	vst v63  }
0xe: {  	_ =	swait.ge [sflag:s10], $0x2000  }
0xf: {  	[sflag:s10] =	ssyncset.done $0x0  }
0x10: {  	[sflag:s10] =	ssyncadd.s32 $0xFFFFE000  }
0x11: {  	[tilespmem:s11], [sflag:$0x1] =	stream.linear.gather [hbm4b:s5+s2], $0x100, $0x38;
	[tilespmem:$0x2400] =	vst v63  }
0x12: {  	_ =	swait.ge [sflag:s10], $0x100  }
0x13: {  	[sflag:s10] =	ssyncset.done $0x0  }
0x14: {  	[sflag:s10] =	ssyncadd.s32 $0xFFFFFF00  }
0x15: {  	[tilespmem:s12], [sflag:$0x1] =	stream.linear.gather [hbm4b:s6+s2], $0x100, $0x38;
	[tilespmem:$0x2400] =	vst v63  }
0x16: {  	_ =	swait.ge [sflag:s10], $0x100  }
0x17: {  	[sflag:s10] =	ssyncset.done $0x0  }
0x18: {  	s17 =	simm.s32 $0x0;
	[sflag:s10] =	ssyncadd.s32 $0xFFFFFF00  }
0x19: {  	v2 =	vld [tilespmem:s17+$0x2000];
	_ =	sdelay $0x6  }
0x1a: {  	v3 =	vld [tilespmem:s17+$0x2100]  }
0x1b: {  	v2 =	vld.idx.msk [tilespmem:v2+s2+$0x0], $0xffff  }
0x1c: {  	s16 =	simm.s32 $0x10  }
0x1d: {  	v4 =	vld [tilespmem:s16+$0x2000];
	_ =	sdelay $0x1  }
0x1e: {  	v5 =	vor.u32 s3, v0  }
0x1f: {  	vm1 =	vgt.f32 v3, $3.000000120e-01;
	vm0 =	veq.s32 v2, v5  }
0x20: {  	vm0 =	vmand vm0, vm1  }
0x21: {  	v2 =	vnsel vm0, $0x0, v3  }
0x22: {  	v3 =	vsel vm0, $0x1, v1;
	[tilespmem:s17+$0x2200] =	vst v2  }
0x23: {  	[tilespmem:s17+$0x2300] =	vst v3  }
0x24: {  	v3 =	vld.idx.msk [tilespmem:v4+s2+$0x0], $0xffff  }
0x25: {  	v2 =	vld [tilespmem:s16+$0x2100]  }
0x26: {  	s19 =	simm.s32 $0xC0;
	s18 =	smov.u32 s3;
	s17 =	simm.s32 $0x20  }
.LBB2_2:
0x27: {  	p0 =	sne.s32 s19, $0x3C0;
	v4 =	vld [tilespmem:s17+$0x2000]  }
0x28: {  	s18 =	sadd.s32 $0x10, s18  }
0x29: {  	v5 =	vor.u32 s18, v0  }
0x2a: {  	vm0 =	veq.s32 v3, v5;
	vm1 =	vgt.f32 v2, $3.000000120e-01  }
0x2b: {  	vm0 =	vmand vm0, vm1  }
0x2c: {  	v2 =	vnsel vm0, $0x0, v2;
	v3 =	vsel vm0, $0x1, v1  }
.Ltmp0:
0x2d: {  	[tilespmem:s16+$0x2200] =	vst v2;
	(pc) =	sbr.rel @p0 .LBB2_2-.Ltmp0, $4  }
0x2e: {  	[tilespmem:s16+$0x2300] =	vst v3;
	s16 =	smov.u32 s17  }
0x2f: {  	v3 =	vld.idx.msk [tilespmem:v4+s2+$0x0], $0xffff  }
0x30: {  	v2 =	vld [tilespmem:s16+$0x2100]  }
0x31: {  	s17 =	sshra.s32 s19, $0x2;
	s19 =	sadd.s32 $0x40, s19  }
0x32: {  	_ = 	snop  }
0x33: {  	v4 =	vld [tilespmem:s17+$0x2000];
	s18 =	sadd.s32 $0x10, s18  }
0x34: {  	v5 =	vor.u32 s18, v0  }
0x35: {  	vm0 =	veq.s32 v3, v5;
	vm1 =	vgt.f32 v2, $3.000000120e-01  }
0x36: {  	vm0 =	vmand vm0, vm1  }
0x37: {  	v2 =	vnsel vm0, $0x0, v2  }
0x38: {  	v3 =	vsel vm0, $0x1, v1;
	[tilespmem:s16+$0x2200] =	vst v2  }
0x39: {  	[tilespmem:s16+$0x2300] =	vst v3  }
0x3a: {  	v3 =	vld [tilespmem:s17+$0x2100]  }
0x3b: {  	v2 =	vld.idx.msk [tilespmem:v4+s2+$0x0], $0xffff;
	_ =	sdelay $0x2  }
0x3c: {  	s31 =	sadd.s32 $0x10, s18  }
0x3d: {  	v63 =	vor.u32 s31, v0  }
0x3e: {  	vm15 =	vgt.f32 v3, $3.000000120e-01;
	vm14 =	veq.s32 v2, v63  }
0x3f: {  	vm0 =	vmand vm14, vm15  }
0x40: {  	v2 =	vnsel vm0, $0x0, v3  }
0x41: {  	v3 =	vsel vm0, $0x1, v1;
	[tilespmem:s17+$0x2200] =	vst v2  }
0x42: {  	[tilespmem:s17+$0x2300] =	vst v3  }
0x43: {  	[hbm4b:s7+s2] =	stream.linear.scatter [tilespmem:s13], [sflag:$0x1], $0x100, $0x38;
	[tilespmem:$0x2400] =	vst v63  }
0x44: {  	s15 =	sadd.s32 $0x1, s15;
	_ =	swait.ge [sflag:s10], $0x100  }
0x45: {  	p0 =	sne.s32 s15, s9;
	[sflag:s10] =	ssyncset.done $0x0  }
.Ltmp1:
0x46: {  	[sflag:s10] =	ssyncadd.s32 $0xFFFFFF00;
	(pc) =	sbr.rel @p0 .LBB2_1-.Ltmp1, $4  }
0x47: {  	[hbm4b:s8+s2] =	stream.linear.scatter [tilespmem:s14], [sflag:$0x1], $0x100, $0x38;
	[tilespmem:$0x2400] =	vst v63  }
0x48: {  	_ =	swait.ge [sflag:s10], $0x100  }
0x49: {  	[sflag:s10] =	ssyncset.done $0x0  }
0x4a: {  	[sflag:s10] =	ssyncadd.s32 $0xFFFFFF00  }
0x4b: {  	_ =	sfence.sel $0x180000  }
0x4c: {  	[bflag:$0x0] =	sbarrier.arrive $0xFFFF  }
0x4d: {  	p0 =	sne.s32 s1, $0x0;
	_ =	strace $0x9000004A  }
0x4e: {  	s0 =	sadd.s32 @!p0 $0x100000, s0;
	[bflag:$0x2] =	sbarrier.arrive $0xFFFF  }
0x4f: {  	[sflag:s0] =	ssyncadd.tile.s32 @!p0 $0x1;
	_ =	shalt  }
.Lfunc_end2:
_tile_overlayer_lowered:
.L_overlay_start_2:
0x50: {  	(tag) =	ssettag $0x2  }
0x51: {  	s0 =	rddreg [dreg:$0x0];
	s2 =	stileid.u32  }
0x52: {  	s1 =	rddreg [dreg:$0x1];
	p0 =	sne.s32 s2, $0x0  }
0x53: {  	s3 =	rddreg [dreg:$0x2];
	[bflag:$0x3] =	sbarrier.arrive $0xFFFF;
	s2 =	simm.s32 @!p0 $0x1C01  }
0x54: {  	[timem:s3], [sflag:s2] =	dma.local @!p0 [hbm:s0], s1  }
0x55: {  	s0 =	simm.s32 @!p0 $0x1  }
0x56: {  	_ =	swait.ge @!p0 [sflag:s0], s1  }
0x57: {  	s1 =	ssub.s32 @!p0 $0x0, s1;
	[sflag:s0] =	ssyncset.done @!p0 $0x0  }
0x58: {  	[sflag:s0] =	ssyncadd.s32 @!p0 s1  }
0x59: {  	[bflag:$0x3] =	sbarrier.arrive $0xFFFF  }
0x5a: {  	_ =	shalt  }

</sc_bundles>
